<compile_context>
chip_gen: v7x
topology: tpu7x:2x2x1
jax: 0.10.2.dev20260603
libtpu: 0.0.44.dev20260713+nightly
codegen_flags: <defaults>
</compile_context>

<pallas_src>
import jax
import jax.numpy as jnp
from jax import lax
from jax.experimental import pallas as pl
from jax.experimental.pallas import tpu as pltpu
from jax.experimental.pallas import tpu_sc as plsc

N = 10000
D = 256
T = 160000
MARGIN = 1.0

NC = 2
NS = 16
NW = NC * NS
TPW = T // NW
CHUNK = 40
NCHUNK = TPW // CHUNK
NBUF = 4
PRE = NBUF - 1
NMAIN = (NCHUNK - PRE) // NBUF
NTAIL = NCHUNK - NBUF * NMAIN
NLANE = 16
NSEG = D // (2 * NLANE)


def _sc_kernel(h1, h2, h3, trt, out,
               idx_v,
               av0, pv0, nv0, av1, pv1, nv1, av2, pv2, nv2, av3, pv3, nv3,
               acc_v, sem0, sem1, sem2, sem3):
    cid = lax.axis_index("c")
    sid = lax.axis_index("s")
    wid = sid * NC + cid
    base = wid * TPW

    pltpu.sync_copy(trt.at[pl.ds(base, TPW)], idx_v.at[pl.ds(0, TPW)])
    pltpu.sync_copy(trt.at[pl.ds(T + base, TPW)], idx_v.at[pl.ds(TPW, TPW)])
    pltpu.sync_copy(trt.at[pl.ds(2 * T + base, TPW)], idx_v.at[pl.ds(2 * TPW, TPW)])

    rings = (
        ((av0, pv0, nv0), sem0),
        ((av1, pv1, nv1), sem1),
        ((av2, pv2, nv2), sem2),
        ((av3, pv3, nv3), sem3),
    )

    def copies(g, bufs, sem):
        off = g * CHUNK
        ba, bp, bn = bufs
        return (
            pltpu.make_async_copy(h1.at[idx_v.at[pl.ds(off, CHUNK)]], ba, sem),
            pltpu.make_async_copy(h2.at[idx_v.at[pl.ds(TPW + off, CHUNK)]], bp, sem),
            pltpu.make_async_copy(h3.at[idx_v.at[pl.ds(2 * TPW + off, CHUNK)]], bn, sem),
        )

    def start(g, bufs, sem):
        for cp in copies(g, bufs, sem):
            cp.start()

    def wait(g, bufs, sem):
        for cp in copies(g, bufs, sem):
            cp.wait()

    def compute(bufs, acc):
        ba, bp, bn = bufs

        mask_hi = jnp.full((NLANE,), -65536, jnp.int32)
        shift16 = jnp.full((NLANE,), 16, jnp.int32)

        def one_triplet(t):
            part = jnp.zeros((NLANE,), jnp.float32)
            for j in range(NSEG):
                sl = pl.ds(j * NLANE, NLANE)
                a = plsc.bitcast(ba[t, sl], jnp.bfloat16)
                p = plsc.bitcast(bp[t, sl], jnp.bfloat16)
                q = plsc.bitcast(bn[t, sl], jnp.bfloat16)
                d1 = a - p
                d2 = a - q
                s = d1 - d2
                w = d1 + d2
                si = plsc.bitcast(s, jnp.int32)
                s_lo = plsc.bitcast(lax.shift_left(si, shift16), jnp.float32)
                s_hi = plsc.bitcast(lax.bitwise_and(si, mask_hi), jnp.float32)
                w_lo, w_hi = plsc.unpack(w, format=plsc.PackFormat.INTERLEAVED)
                part = part + s_lo * w_lo
                part = part + s_hi * w_hi
            c = jnp.sum(part)
            return jnp.maximum(c + MARGIN, 0.0)

        def t_body(t, acc2):
            return acc2 + one_triplet(t)

        return lax.fori_loop(0, CHUNK, t_body, acc)

    for b in range(PRE):
        start(b, *rings[b])

    def ring_body(i, acc):
        g0 = NBUF * i
        for b in range(NBUF):
            g = g0 + b
            bufs, sem = rings[b]
            wait(g, bufs, sem)
            start(g + PRE, *rings[(b + PRE) % NBUF])
            acc = compute(bufs, acc)
        return acc

    acc = lax.fori_loop(0, NMAIN, ring_body, jnp.float32(0.0))
    for k in range(NTAIL):
        g = NBUF * NMAIN + k
        bufs, sem = rings[g % NBUF]
        wait(g, bufs, sem)
        if g + PRE < NCHUNK:
            start(g + PRE, *rings[(g + PRE) % NBUF])
        acc = compute(bufs, acc)
    total = acc

    acc_v[...] = jnp.full((NLANE,), total, jnp.float32)
    pltpu.sync_copy(acc_v, out.at[wid])


@jax.jit
def kernel(h_c1, h_c2, h_c3, triplets):
    trt = triplets.astype(jnp.int32).T.reshape(3 * T)

    mesh = plsc.VectorSubcoreMesh(core_axis_name="c", subcore_axis_name="s",
                                  num_cores=NC, num_subcores=NS)
    run = pl.kernel(
        _sc_kernel,
        out_type=jax.ShapeDtypeStruct((NW, NLANE), jnp.float32),
        mesh=mesh,
        compiler_params=pltpu.CompilerParams(needs_layout_passes=False),
        scratch_types=[
            pltpu.VMEM((3 * TPW,), jnp.int32),
            pltpu.VMEM((CHUNK, D // 2), jnp.int32),
            pltpu.VMEM((CHUNK, D // 2), jnp.int32),
            pltpu.VMEM((CHUNK, D // 2), jnp.int32),
            pltpu.VMEM((CHUNK, D // 2), jnp.int32),
            pltpu.VMEM((CHUNK, D // 2), jnp.int32),
            pltpu.VMEM((CHUNK, D // 2), jnp.int32),
            pltpu.VMEM((CHUNK, D // 2), jnp.int32),
            pltpu.VMEM((CHUNK, D // 2), jnp.int32),
            pltpu.VMEM((CHUNK, D // 2), jnp.int32),
            pltpu.VMEM((CHUNK, D // 2), jnp.int32),
            pltpu.VMEM((CHUNK, D // 2), jnp.int32),
            pltpu.VMEM((CHUNK, D // 2), jnp.int32),
            pltpu.VMEM((NLANE,), jnp.float32),
            pltpu.SemaphoreType.DMA,
            pltpu.SemaphoreType.DMA,
            pltpu.SemaphoreType.DMA,
            pltpu.SemaphoreType.DMA,
        ],
    )

    def to_i32(h):
        u = lax.bitcast_convert_type(h.astype(jnp.bfloat16), jnp.uint16)
        lo = u[:, : D // 2].astype(jnp.uint32)
        hi = u[:, D // 2:].astype(jnp.uint32)
        return lax.bitcast_convert_type(lo | (hi << 16), jnp.int32)

    partials = run(to_i32(h_c1), to_i32(h_c2), to_i32(h_c3), trt)
    total = jnp.sum(partials) / NLANE
    return total / T + 1e-16

# --- scband reference (transcript-rebuilt; emitter-appended) ---
"""Pipeline reference for scband-triplet-loss-13151189860379 (READ-ONLY COPY).

The authoritative reference and input builder live on the scoring server;
editing this copy changes nothing except your own understanding.
"""

import jax, jax.numpy as jnp
import numpy as np

N = 10000
D = 256
T = 160000
MARGIN = 1.0

def setup_inputs(seed: int = 0) -> dict:
    key = jax.random.key(seed)
    k1, k2, k3, k4 = jax.random.split(key, 4)
    h_c1 = jax.random.normal(k1, (N, D), dtype=jnp.float32)
    h_c2 = jax.random.normal(k2, (N, D), dtype=jnp.float32)
    h_c3 = jax.random.normal(k3, (N, D), dtype=jnp.float32)
    triplets = jax.random.randint(k4, (T, 3), 0, N, dtype=jnp.int64)
    return {"h_c1": h_c1, "h_c2": h_c2, "h_c3": h_c3, "triplets": triplets}

def reference(h_c1, h_c2, h_c3, triplets):
    a = jnp.take(h_c1, triplets[:, 0], axis=0)
    p = jnp.take(h_c2, triplets[:, 1], axis=0)
    n = jnp.take(h_c3, triplets[:, 2], axis=0)
    sq_ap = jnp.sum((a - p) ** 2, axis=1)
    sq_an = jnp.sum((a - n) ** 2, axis=1)
    losses = jax.nn.relu(MARGIN + sq_ap - sq_an)
    triplet_loss = jnp.mean(losses) + 1e-16
    return triplet_loss

if __name__ == "__main__":
    import jax
    _d = setup_inputs()
    print(jax.jit(kernel)(*tuple(_d.values())))

</pallas_src>

<mosaic_0001>
#map = affine_map<(d0, d1) -> (0, 0)>
#map1 = affine_map<(d0, d1) -> (0)>
module attributes {stable_mosaic.version = 14 : i64} {
  func.func @_sc_kernel(%arg0: i32, %arg1: i32, %arg2: memref<10000x128xi32, #tpu.memory_space<hbm>>, %arg3: memref<10000x128xi32, #tpu.memory_space<hbm>>, %arg4: memref<10000x128xi32, #tpu.memory_space<hbm>>, %arg5: memref<480000xi32, #tpu.memory_space<hbm>>, %arg6: memref<32x16xf32, #tpu.memory_space<hbm>>, %arg7: memref<15000xi32, #tpu.memory_space<vmem>>, %arg8: memref<40x128xi32, #tpu.memory_space<vmem>>, %arg9: memref<40x128xi32, #tpu.memory_space<vmem>>, %arg10: memref<40x128xi32, #tpu.memory_space<vmem>>, %arg11: memref<40x128xi32, #tpu.memory_space<vmem>>, %arg12: memref<40x128xi32, #tpu.memory_space<vmem>>, %arg13: memref<40x128xi32, #tpu.memory_space<vmem>>, %arg14: memref<40x128xi32, #tpu.memory_space<vmem>>, %arg15: memref<40x128xi32, #tpu.memory_space<vmem>>, %arg16: memref<40x128xi32, #tpu.memory_space<vmem>>, %arg17: memref<40x128xi32, #tpu.memory_space<vmem>>, %arg18: memref<40x128xi32, #tpu.memory_space<vmem>>, %arg19: memref<40x128xi32, #tpu.memory_space<vmem>>, %arg20: memref<16xf32, #tpu.memory_space<vmem>>, %arg21: memref<!tpu.dma_semaphore, #tpu.memory_space<semaphore_mem>>, %arg22: memref<!tpu.dma_semaphore, #tpu.memory_space<semaphore_mem>>, %arg23: memref<!tpu.dma_semaphore, #tpu.memory_space<semaphore_mem>>, %arg24: memref<!tpu.dma_semaphore, #tpu.memory_space<semaphore_mem>>) attributes {dimension_semantics = [#tpu.dimension_semantics<core_parallel>, #tpu.dimension_semantics<subcore_parallel>], iteration_bounds = array<i64: 2, 16>, scalar_prefetch = 0 : i64, scratch_operands = 18 : i64, tpu.core_type = #tpu.core_type<sc_vector_subcore>, window_params = [{transform_indices = #map}, {transform_indices = #map}, {transform_indices = #map}, {transform_indices = #map1}, {transform_indices = #map}]} {
    %mul3A = arith.constant 2 : i32
    %mul3A_0 = arith.muli %arg1, %mul3A : i32
    %add3A = arith.addi %mul3A_0, %arg0 : i32
    %mul3A_1 = arith.constant 5000 : i32
    %mul3A_2 = arith.muli %add3A, %mul3A_1 : i32
    "tpu.region"() ({
      %run_scoped3A = tpu.sem_alloc : memref<!tpu.dma_semaphore, #tpu.memory_space<semaphore_mem>>
      %dma_start3A_212 = arith.constant 0 : i32
      %dma_start3A_213 = tpu.memref_slice %arg7[%dma_start3A_212] : memref<15000xi32, #tpu.memory_space<vmem>> -> memref<5000xi32, #tpu.memory_space<vmem>>
      %dma_start3A_214 = tpu.memref_slice %arg5[%mul3A_2] : memref<480000xi32, #tpu.memory_space<hbm>> -> memref<5000xi32, #tpu.memory_space<hbm>>
      %dma_start3A_215 = arith.constant 0 : i32
      %dma_start3A_216 = tpu.memref_slice %arg7[%dma_start3A_215] : memref<15000xi32, #tpu.memory_space<vmem>> -> memref<5000xi32, #tpu.memory_space<vmem>>
      %dma_start3A_217 = tpu.memref_slice %arg5[%mul3A_2] : memref<480000xi32, #tpu.memory_space<hbm>> -> memref<5000xi32, #tpu.memory_space<hbm>>
      tpu.enqueue_dma source(%dma_start3A_217 : memref<5000xi32, #tpu.memory_space<hbm>>) target(%dma_start3A_216 : memref<5000xi32, #tpu.memory_space<vmem>>) target_semaphore(%run_scoped3A : memref<!tpu.dma_semaphore, #tpu.memory_space<semaphore_mem>>)
      %dma_wait3A_218 = arith.constant 0 : i32
      %dma_wait3A_219 = tpu.memref_slice %arg7[%dma_wait3A_218] : memref<15000xi32, #tpu.memory_space<vmem>> -> memref<5000xi32, #tpu.memory_space<vmem>>
      %dma_wait3A_220 = tpu.memref_slice %arg5[%mul3A_2] : memref<480000xi32, #tpu.memory_space<hbm>> -> memref<5000xi32, #tpu.memory_space<hbm>>
      %dma_wait3A_221 = arith.constant 0 : i32
      %dma_wait3A_222 = tpu.memref_slice %arg7[%dma_wait3A_221] : memref<15000xi32, #tpu.memory_space<vmem>> -> memref<5000xi32, #tpu.memory_space<vmem>>
      %dma_wait3A_223 = tpu.memref_slice %arg5[%mul3A_2] : memref<480000xi32, #tpu.memory_space<hbm>> -> memref<5000xi32, #tpu.memory_space<hbm>>
      tpu.wait_dma2 semaphore(%run_scoped3A : memref<!tpu.dma_semaphore, #tpu.memory_space<semaphore_mem>>) src(%dma_wait3A_223 : memref<5000xi32, #tpu.memory_space<hbm>>) dst(%dma_wait3A_222 : memref<5000xi32, #tpu.memory_space<vmem>>)
      tpu.yield
    }) : () -> ()
    %add3A_3 = arith.constant 160000 : i32
    %add3A_4 = arith.addi %add3A_3, %mul3A_2 : i32
    "tpu.region"() ({
      %run_scoped3A = tpu.sem_alloc : memref<!tpu.dma_semaphore, #tpu.memory_space<semaphore_mem>>
      %dma_start3A_212 = arith.constant 5000 : i32
      %dma_start3A_213 = tpu.memref_slice %arg7[%dma_start3A_212] : memref<15000xi32, #tpu.memory_space<vmem>> -> memref<5000xi32, #tpu.memory_space<vmem>>
      %dma_start3A_214 = tpu.memref_slice %arg5[%add3A_4] : memref<480000xi32, #tpu.memory_space<hbm>> -> memref<5000xi32, #tpu.memory_space<hbm>>
      %dma_start3A_215 = arith.constant 5000 : i32
      %dma_start3A_216 = tpu.memref_slice %arg7[%dma_start3A_215] : memref<15000xi32, #tpu.memory_space<vmem>> -> memref<5000xi32, #tpu.memory_space<vmem>>
      %dma_start3A_217 = tpu.memref_slice %arg5[%add3A_4] : memref<480000xi32, #tpu.memory_space<hbm>> -> memref<5000xi32, #tpu.memory_space<hbm>>
      tpu.enqueue_dma source(%dma_start3A_217 : memref<5000xi32, #tpu.memory_space<hbm>>) target(%dma_start3A_216 : memref<5000xi32, #tpu.memory_space<vmem>>) target_semaphore(%run_scoped3A : memref<!tpu.dma_semaphore, #tpu.memory_space<semaphore_mem>>)
      %dma_wait3A_218 = arith.constant 5000 : i32
      %dma_wait3A_219 = tpu.memref_slice %arg7[%dma_wait3A_218] : memref<15000xi32, #tpu.memory_space<vmem>> -> memref<5000xi32, #tpu.memory_space<vmem>>
      %dma_wait3A_220 = tpu.memref_slice %arg5[%add3A_4] : memref<480000xi32, #tpu.memory_space<hbm>> -> memref<5000xi32, #tpu.memory_space<hbm>>
      %dma_wait3A_221 = arith.constant 5000 : i32
      %dma_wait3A_222 = tpu.memref_slice %arg7[%dma_wait3A_221] : memref<15000xi32, #tpu.memory_space<vmem>> -> memref<5000xi32, #tpu.memory_space<vmem>>
      %dma_wait3A_223 = tpu.memref_slice %arg5[%add3A_4] : memref<480000xi32, #tpu.memory_space<hbm>> -> memref<5000xi32, #tpu.memory_space<hbm>>
      tpu.wait_dma2 semaphore(%run_scoped3A : memref<!tpu.dma_semaphore, #tpu.memory_space<semaphore_mem>>) src(%dma_wait3A_223 : memref<5000xi32, #tpu.memory_space<hbm>>) dst(%dma_wait3A_222 : memref<5000xi32, #tpu.memory_space<vmem>>)
      tpu.yield
    }) : () -> ()
    %add3A_5 = arith.constant 320000 : i32
    %add3A_6 = arith.addi %add3A_5, %mul3A_2 : i32
    "tpu.region"() ({
      %run_scoped3A = tpu.sem_alloc : memref<!tpu.dma_semaphore, #tpu.memory_space<semaphore_mem>>
      %dma_start3A_212 = arith.constant 10000 : i32
      %dma_start3A_213 = tpu.memref_slice %arg7[%dma_start3A_212] : memref<15000xi32, #tpu.memory_space<vmem>> -> memref<5000xi32, #tpu.memory_space<vmem>>
      %dma_start3A_214 = tpu.memref_slice %arg5[%add3A_6] : memref<480000xi32, #tpu.memory_space<hbm>> -> memref<5000xi32, #tpu.memory_space<hbm>>
      %dma_start3A_215 = arith.constant 10000 : i32
      %dma_start3A_216 = tpu.memref_slice %arg7[%dma_start3A_215] : memref<15000xi32, #tpu.memory_space<vmem>> -> memref<5000xi32, #tpu.memory_space<vmem>>
      %dma_start3A_217 = tpu.memref_slice %arg5[%add3A_6] : memref<480000xi32, #tpu.memory_space<hbm>> -> memref<5000xi32, #tpu.memory_space<hbm>>
      tpu.enqueue_dma source(%dma_start3A_217 : memref<5000xi32, #tpu.memory_space<hbm>>) target(%dma_start3A_216 : memref<5000xi32, #tpu.memory_space<vmem>>) target_semaphore(%run_scoped3A : memref<!tpu.dma_semaphore, #tpu.memory_space<semaphore_mem>>)
      %dma_wait3A_218 = arith.constant 10000 : i32
      %dma_wait3A_219 = tpu.memref_slice %arg7[%dma_wait3A_218] : memref<15000xi32, #tpu.memory_space<vmem>> -> memref<5000xi32, #tpu.memory_space<vmem>>
      %dma_wait3A_220 = tpu.memref_slice %arg5[%add3A_6] : memref<480000xi32, #tpu.memory_space<hbm>> -> memref<5000xi32, #tpu.memory_space<hbm>>
      %dma_wait3A_221 = arith.constant 10000 : i32
      %dma_wait3A_222 = tpu.memref_slice %arg7[%dma_wait3A_221] : memref<15000xi32, #tpu.memory_space<vmem>> -> memref<5000xi32, #tpu.memory_space<vmem>>
      %dma_wait3A_223 = tpu.memref_slice %arg5[%add3A_6] : memref<480000xi32, #tpu.memory_space<hbm>> -> memref<5000xi32, #tpu.memory_space<hbm>>
      tpu.wait_dma2 semaphore(%run_scoped3A : memref<!tpu.dma_semaphore, #tpu.memory_space<semaphore_mem>>) src(%dma_wait3A_223 : memref<5000xi32, #tpu.memory_space<hbm>>) dst(%dma_wait3A_222 : memref<5000xi32, #tpu.memory_space<vmem>>)
      tpu.yield
    }) : () -> ()
    %dma_start3A = arith.constant 0 : i32
    %dma_start3A_7 = tpu.memref_slice %arg7[%dma_start3A] : memref<15000xi32, #tpu.memory_space<vmem>> -> memref<40xi32, #tpu.memory_space<vmem>>
    %dma_start3A_8 = arith.constant 0 : i32
    %dma_start3A_9 = arith.constant 0 : i32
    %dma_start3A_10 = tpu.memref_slice %arg2[%dma_start3A_8, %dma_start3A_9] : memref<10000x128xi32, #tpu.memory_space<hbm>> -> memref<10000x128xi32, #tpu.memory_space<hbm>>
    tpu.enqueue_indirect_dma source(%dma_start3A_10 : memref<10000x128xi32, #tpu.memory_space<hbm>>) target(%arg8 : memref<40x128xi32, #tpu.memory_space<vmem>>) offsets(%dma_start3A_7 : memref<40xi32, #tpu.memory_space<vmem>>) semaphore(%arg21 : memref<!tpu.dma_semaphore, #tpu.memory_space<semaphore_mem>>)
    %dma_start3A_11 = arith.constant 5000 : i32
    %dma_start3A_12 = tpu.memref_slice %arg7[%dma_start3A_11] : memref<15000xi32, #tpu.memory_space<vmem>> -> memref<40xi32, #tpu.memory_space<vmem>>
    %dma_start3A_13 = arith.constant 0 : i32
    %dma_start3A_14 = arith.constant 0 : i32
    %dma_start3A_15 = tpu.memref_slice %arg3[%dma_start3A_13, %dma_start3A_14] : memref<10000x128xi32, #tpu.memory_space<hbm>> -> memref<10000x128xi32, #tpu.memory_space<hbm>>
    tpu.enqueue_indirect_dma source(%dma_start3A_15 : memref<10000x128xi32, #tpu.memory_space<hbm>>) target(%arg9 : memref<40x128xi32, #tpu.memory_space<vmem>>) offsets(%dma_start3A_12 : memref<40xi32, #tpu.memory_space<vmem>>) semaphore(%arg21 : memref<!tpu.dma_semaphore, #tpu.memory_space<semaphore_mem>>)
    %dma_start3A_16 = arith.constant 10000 : i32
    %dma_start3A_17 = tpu.memref_slice %arg7[%dma_start3A_16] : memref<15000xi32, #tpu.memory_space<vmem>> -> memref<40xi32, #tpu.memory_space<vmem>>
    %dma_start3A_18 = arith.constant 0 : i32
    %dma_start3A_19 = arith.constant 0 : i32
    %dma_start3A_20 = tpu.memref_slice %arg4[%dma_start3A_18, %dma_start3A_19] : memref<10000x128xi32, #tpu.memory_space<hbm>> -> memref<10000x128xi32, #tpu.memory_space<hbm>>
    tpu.enqueue_indirect_dma source(%dma_start3A_20 : memref<10000x128xi32, #tpu.memory_space<hbm>>) target(%arg10 : memref<40x128xi32, #tpu.memory_space<vmem>>) offsets(%dma_start3A_17 : memref<40xi32, #tpu.memory_space<vmem>>) semaphore(%arg21 : memref<!tpu.dma_semaphore, #tpu.memory_space<semaphore_mem>>)
    %dma_start3A_21 = arith.constant 40 : i32
    %dma_start3A_22 = tpu.memref_slice %arg7[%dma_start3A_21] : memref<15000xi32, #tpu.memory_space<vmem>> -> memref<40xi32, #tpu.memory_space<vmem>>
    %dma_start3A_23 = arith.constant 0 : i32
    %dma_start3A_24 = arith.constant 0 : i32
    %dma_start3A_25 = tpu.memref_slice %arg2[%dma_start3A_23, %dma_start3A_24] : memref<10000x128xi32, #tpu.memory_space<hbm>> -> memref<10000x128xi32, #tpu.memory_space<hbm>>
    tpu.enqueue_indirect_dma source(%dma_start3A_25 : memref<10000x128xi32, #tpu.memory_space<hbm>>) target(%arg11 : memref<40x128xi32, #tpu.memory_space<vmem>>) offsets(%dma_start3A_22 : memref<40xi32, #tpu.memory_space<vmem>>) semaphore(%arg22 : memref<!tpu.dma_semaphore, #tpu.memory_space<semaphore_mem>>)
    %dma_start3A_26 = arith.constant 5040 : i32
    %dma_start3A_27 = tpu.memref_slice %arg7[%dma_start3A_26] : memref<15000xi32, #tpu.memory_space<vmem>> -> memref<40xi32, #tpu.memory_space<vmem>>
    %dma_start3A_28 = arith.constant 0 : i32
    %dma_start3A_29 = arith.constant 0 : i32
    %dma_start3A_30 = tpu.memref_slice %arg3[%dma_start3A_28, %dma_start3A_29] : memref<10000x128xi32, #tpu.memory_space<hbm>> -> memref<10000x128xi32, #tpu.memory_space<hbm>>
    tpu.enqueue_indirect_dma source(%dma_start3A_30 : memref<10000x128xi32, #tpu.memory_space<hbm>>) target(%arg12 : memref<40x128xi32, #tpu.memory_space<vmem>>) offsets(%dma_start3A_27 : memref<40xi32, #tpu.memory_space<vmem>>) semaphore(%arg22 : memref<!tpu.dma_semaphore, #tpu.memory_space<semaphore_mem>>)
    %dma_start3A_31 = arith.constant 10040 : i32
    %dma_start3A_32 = tpu.memref_slice %arg7[%dma_start3A_31] : memref<15000xi32, #tpu.memory_space<vmem>> -> memref<40xi32, #tpu.memory_space<vmem>>
    %dma_start3A_33 = arith.constant 0 : i32
    %dma_start3A_34 = arith.constant 0 : i32
    %dma_start3A_35 = tpu.memref_slice %arg4[%dma_start3A_33, %dma_start3A_34] : memref<10000x128xi32, #tpu.memory_space<hbm>> -> memref<10000x128xi32, #tpu.memory_space<hbm>>
    tpu.enqueue_indirect_dma source(%dma_start3A_35 : memref<10000x128xi32, #tpu.memory_space<hbm>>) target(%arg13 : memref<40x128xi32, #tpu.memory_space<vmem>>) offsets(%dma_start3A_32 : memref<40xi32, #tpu.memory_space<vmem>>) semaphore(%arg22 : memref<!tpu.dma_semaphore, #tpu.memory_space<semaphore_mem>>)
    %dma_start3A_36 = arith.constant 80 : i32
    %dma_start3A_37 = tpu.memref_slice %arg7[%dma_start3A_36] : memref<15000xi32, #tpu.memory_space<vmem>> -> memref<40xi32, #tpu.memory_space<vmem>>
    %dma_start3A_38 = arith.constant 0 : i32
    %dma_start3A_39 = arith.constant 0 : i32
    %dma_start3A_40 = tpu.memref_slice %arg2[%dma_start3A_38, %dma_start3A_39] : memref<10000x128xi32, #tpu.memory_space<hbm>> -> memref<10000x128xi32, #tpu.memory_space<hbm>>
    tpu.enqueue_indirect_dma source(%dma_start3A_40 : memref<10000x128xi32, #tpu.memory_space<hbm>>) target(%arg14 : memref<40x128xi32, #tpu.memory_space<vmem>>) offsets(%dma_start3A_37 : memref<40xi32, #tpu.memory_space<vmem>>) semaphore(%arg23 : memref<!tpu.dma_semaphore, #tpu.memory_space<semaphore_mem>>)
    %dma_start3A_41 = arith.constant 5080 : i32
    %dma_start3A_42 = tpu.memref_slice %arg7[%dma_start3A_41] : memref<15000xi32, #tpu.memory_space<vmem>> -> memref<40xi32, #tpu.memory_space<vmem>>
    %dma_start3A_43 = arith.constant 0 : i32
    %dma_start3A_44 = arith.constant 0 : i32
    %dma_start3A_45 = tpu.memref_slice %arg3[%dma_start3A_43, %dma_start3A_44] : memref<10000x128xi32, #tpu.memory_space<hbm>> -> memref<10000x128xi32, #tpu.memory_space<hbm>>
    tpu.enqueue_indirect_dma source(%dma_start3A_45 : memref<10000x128xi32, #tpu.memory_space<hbm>>) target(%arg15 : memref<40x128xi32, #tpu.memory_space<vmem>>) offsets(%dma_start3A_42 : memref<40xi32, #tpu.memory_space<vmem>>) semaphore(%arg23 : memref<!tpu.dma_semaphore, #tpu.memory_space<semaphore_mem>>)
    %dma_start3A_46 = arith.constant 10080 : i32
    %dma_start3A_47 = tpu.memref_slice %arg7[%dma_start3A_46] : memref<15000xi32, #tpu.memory_space<vmem>> -> memref<40xi32, #tpu.memory_space<vmem>>
    %dma_start3A_48 = arith.constant 0 : i32
    %dma_start3A_49 = arith.constant 0 : i32
    %dma_start3A_50 = tpu.memref_slice %arg4[%dma_start3A_48, %dma_start3A_49] : memref<10000x128xi32, #tpu.memory_space<hbm>> -> memref<10000x128xi32, #tpu.memory_space<hbm>>
    tpu.enqueue_indirect_dma source(%dma_start3A_50 : memref<10000x128xi32, #tpu.memory_space<hbm>>) target(%arg16 : memref<40x128xi32, #tpu.memory_space<vmem>>) offsets(%dma_start3A_47 : memref<40xi32, #tpu.memory_space<vmem>>) semaphore(%arg23 : memref<!tpu.dma_semaphore, #tpu.memory_space<semaphore_mem>>)
    %scan3A = arith.constant 0.000000e+00 : f32
    %scan3A_51 = arith.constant 0 : i32
    %scan3A_52 = arith.constant 30 : i32
    %scan3A_53 = arith.addi %scan3A_51, %scan3A_52 : i32
    %scan3A_54 = arith.constant 1 : i32
    %scan3A_55 = scf.for %scan3A_212 = %scan3A_51 to %scan3A_53 step %scan3A_54 iter_args(%scan3A_213 = %scan3A) -> (f32)  : i32 {
      %mul3A_214 = arith.constant 4 : i32
      %mul3A_215 = arith.muli %mul3A_214, %scan3A_212 : i32
      %add3A_216 = arith.constant 0 : i32
      %add3A_217 = arith.addi %mul3A_215, %add3A_216 : i32
      %mul3A_218 = arith.constant 40 : i32
      %mul3A_219 = arith.muli %add3A_217, %mul3A_218 : i32
      %add3A_220 = arith.constant 5000 : i32
      %add3A_221 = arith.addi %add3A_220, %mul3A_219 : i32
      %add3A_222 = arith.constant 10000 : i32
      %add3A_223 = arith.addi %add3A_222, %mul3A_219 : i32
      %dma_wait3A_224 = tpu.memref_slice %arg7[%mul3A_219] : memref<15000xi32, #tpu.memory_space<vmem>> -> memref<40xi32, #tpu.memory_space<vmem>>
      %dma_wait3A_225 = arith.constant 0 : i32
      %dma_wait3A_226 = arith.constant 0 : i32
      %dma_wait3A_227 = tpu.memref_slice %arg2[%dma_wait3A_225, %dma_wait3A_226] : memref<10000x128xi32, #tpu.memory_space<hbm>> -> memref<10000x128xi32, #tpu.memory_space<hbm>>
      tpu.wait_indirect_dma semaphore(%arg21 : memref<!tpu.dma_semaphore, #tpu.memory_space<semaphore_mem>>) src(%dma_wait3A_227 : memref<10000x128xi32, #tpu.memory_space<hbm>>) dst(%arg8 : memref<40x128xi32, #tpu.memory_space<vmem>>)
      %dma_wait3A_228 = tpu.memref_slice %arg7[%add3A_221] : memref<15000xi32, #tpu.memory_space<vmem>> -> memref<40xi32, #tpu.memory_space<vmem>>
      %dma_wait3A_229 = arith.constant 0 : i32
      %dma_wait3A_230 = arith.constant 0 : i32
      %dma_wait3A_231 = tpu.memref_slice %arg3[%dma_wait3A_229, %dma_wait3A_230] : memref<10000x128xi32, #tpu.memory_space<hbm>> -> memref<10000x128xi32, #tpu.memory_space<hbm>>
      tpu.wait_indirect_dma semaphore(%arg21 : memref<!tpu.dma_semaphore, #tpu.memory_space<semaphore_mem>>) src(%dma_wait3A_231 : memref<10000x128xi32, #tpu.memory_space<hbm>>) dst(%arg9 : memref<40x128xi32, #tpu.memory_space<vmem>>)
      %dma_wait3A_232 = tpu.memref_slice %arg7[%add3A_223] : memref<15000xi32, #tpu.memory_space<vmem>> -> memref<40xi32, #tpu.memory_space<vmem>>
      %dma_wait3A_233 = arith.constant 0 : i32
      %dma_wait3A_234 = arith.constant 0 : i32
      %dma_wait3A_235 = tpu.memref_slice %arg4[%dma_wait3A_233, %dma_wait3A_234] : memref<10000x128xi32, #tpu.memory_space<hbm>> -> memref<10000x128xi32, #tpu.memory_space<hbm>>
      tpu.wait_indirect_dma semaphore(%arg21 : memref<!tpu.dma_semaphore, #tpu.memory_space<semaphore_mem>>) src(%dma_wait3A_235 : memref<10000x128xi32, #tpu.memory_space<hbm>>) dst(%arg10 : memref<40x128xi32, #tpu.memory_space<vmem>>)
      %add3A_236 = arith.constant 3 : i32
      %add3A_237 = arith.addi %add3A_217, %add3A_236 : i32
      %mul3A_238 = arith.constant 40 : i32
      %mul3A_239 = arith.muli %add3A_237, %mul3A_238 : i32
      %add3A_240 = arith.constant 5000 : i32
      %add3A_241 = arith.addi %add3A_240, %mul3A_239 : i32
      %add3A_242 = arith.constant 10000 : i32
      %add3A_243 = arith.addi %add3A_242, %mul3A_239 : i32
      %dma_start3A_244 = tpu.memref_slice %arg7[%mul3A_239] : memref<15000xi32, #tpu.memory_space<vmem>> -> memref<40xi32, #tpu.memory_space<vmem>>
      %dma_start3A_245 = arith.constant 0 : i32
      %dma_start3A_246 = arith.constant 0 : i32
      %dma_start3A_247 = tpu.memref_slice %arg2[%dma_start3A_245, %dma_start3A_246] : memref<10000x128xi32, #tpu.memory_space<hbm>> -> memref<10000x128xi32, #tpu.memory_space<hbm>>
      tpu.enqueue_indirect_dma source(%dma_start3A_247 : memref<10000x128xi32, #tpu.memory_space<hbm>>) target(%arg17 : memref<40x128xi32, #tpu.memory_space<vmem>>) offsets(%dma_start3A_244 : memref<40xi32, #tpu.memory_space<vmem>>) semaphore(%arg24 : memref<!tpu.dma_semaphore, #tpu.memory_space<semaphore_mem>>)
      %dma_start3A_248 = tpu.memref_slice %arg7[%add3A_241] : memref<15000xi32, #tpu.memory_space<vmem>> -> memref<40xi32, #tpu.memory_space<vmem>>
      %dma_start3A_249 = arith.constant 0 : i32
      %dma_start3A_250 = arith.constant 0 : i32
      %dma_start3A_251 = tpu.memref_slice %arg3[%dma_start3A_249, %dma_start3A_250] : memref<10000x128xi32, #tpu.memory_space<hbm>> -> memref<10000x128xi32, #tpu.memory_space<hbm>>
      tpu.enqueue_indirect_dma source(%dma_start3A_251 : memref<10000x128xi32, #tpu.memory_space<hbm>>) target(%arg18 : memref<40x128xi32, #tpu.memory_space<vmem>>) offsets(%dma_start3A_248 : memref<40xi32, #tpu.memory_space<vmem>>) semaphore(%arg24 : memref<!tpu.dma_semaphore, #tpu.memory_space<semaphore_mem>>)
      %dma_start3A_252 = tpu.memref_slice %arg7[%add3A_243] : memref<15000xi32, #tpu.memory_space<vmem>> -> memref<40xi32, #tpu.memory_space<vmem>>
      %dma_start3A_253 = arith.constant 0 : i32
      %dma_start3A_254 = arith.constant 0 : i32
      %dma_start3A_255 = tpu.memref_slice %arg4[%dma_start3A_253, %dma_start3A_254] : memref<10000x128xi32, #tpu.memory_space<hbm>> -> memref<10000x128xi32, #tpu.memory_space<hbm>>
      tpu.enqueue_indirect_dma source(%dma_start3A_255 : memref<10000x128xi32, #tpu.memory_space<hbm>>) target(%arg19 : memref<40x128xi32, #tpu.memory_space<vmem>>) offsets(%dma_start3A_252 : memref<40xi32, #tpu.memory_space<vmem>>) semaphore(%arg24 : memref<!tpu.dma_semaphore, #tpu.memory_space<semaphore_mem>>)
      %broadcast_in_dim3A_256 = arith.constant -65536 : i32
      %broadcast_in_dim3A_257 = vector.broadcast %broadcast_in_dim3A_256 : i32 to vector<16xi32>
      %broadcast_in_dim3A_258 = arith.constant 16 : i32
      %broadcast_in_dim3A_259 = vector.broadcast %broadcast_in_dim3A_258 : i32 to vector<16xi32>
      %scan3A_260 = arith.constant 0 : i32
      %scan3A_261 = arith.constant 40 : i32
      %scan3A_262 = arith.addi %scan3A_260, %scan3A_261 : i32
      %scan3A_263 = arith.constant 1 : i32
      %scan3A_264 = scf.for %scan3A_416 = %scan3A_260 to %scan3A_262 step %scan3A_263 iter_args(%scan3A_417 = %scan3A_213) -> (f32)  : i32 {
        %broadcast_in_dim3A_418 = arith.constant 0.000000e+00 : f32
        %broadcast_in_dim3A_419 = vector.broadcast %broadcast_in_dim3A_418 : f32 to vector<16xf32>
        %get3A = arith.index_cast %scan3A_416 : i32 to index
        %get3A_420 = arith.constant 0 : index
        %get3A_421 = tpu.vector_load %arg8[%get3A, %get3A_420] {strides = array<i32>} : memref<40x128xi32, #tpu.memory_space<vmem>>, vector<16xi32>,
        %bitcast3A = vector.bitcast %get3A_421 : vector<16xi32> to vector<32xbf16>
        %get3A_422 = arith.index_cast %scan3A_416 : i32 to index
        %get3A_423 = arith.constant 0 : index
        %get3A_424 = tpu.vector_load %arg9[%get3A_422, %get3A_423] {strides = array<i32>} : memref<40x128xi32, #tpu.memory_space<vmem>>, vector<16xi32>,
        %bitcast3A_425 = vector.bitcast %get3A_424 : vector<16xi32> to vector<32xbf16>
        %get3A_426 = arith.index_cast %scan3A_416 : i32 to index
        %get3A_427 = arith.constant 0 : index
        %get3A_428 = tpu.vector_load %arg10[%get3A_426, %get3A_427] {strides = array<i32>} : memref<40x128xi32, #tpu.memory_space<vmem>>, vector<16xi32>,
        %bitcast3A_429 = vector.bitcast %get3A_428 : vector<16xi32> to vector<32xbf16>
        %sub3A = arith.subf %bitcast3A, %bitcast3A_425 : vector<32xbf16>
        %sub3A_430 = arith.subf %bitcast3A, %bitcast3A_429 : vector<32xbf16>
        %sub3A_431 = arith.subf %sub3A, %sub3A_430 : vector<32xbf16>
        %add3A_432 = arith.addf %sub3A, %sub3A_430 : vector<32xbf16>
        %bitcast3A_433 = vector.bitcast %sub3A_431 : vector<32xbf16> to vector<16xi32>
        %shift_left3A = arith.shli %bitcast3A_433, %broadcast_in_dim3A_259 : vector<16xi32>
        %bitcast3A_434 = vector.bitcast %shift_left3A : vector<16xi32> to vector<16xf32>
        %and3A = arith.andi %bitcast3A_433, %broadcast_in_dim3A_257 : vector<16xi32>
        %bitcast3A_435 = vector.bitcast %and3A : vector<16xi32> to vector<16xf32>
        %unpack3A = tpu.unpack_subelements %add3A_432, 0 {pack_format = #tpu.pack_format<interleaved>} : vector<32xbf16> -> vector<16xf32>
        %unpack3A_436 = tpu.unpack_subelements %add3A_432, 1 {pack_format = #tpu.pack_format<interleaved>} : vector<32xbf16> -> vector<16xf32>
        %mul3A_437 = arith.mulf %bitcast3A_434, %unpack3A : vector<16xf32>
        %add3A_438 = arith.addf %broadcast_in_dim3A_419, %mul3A_437 : vector<16xf32>
        %mul3A_439 = arith.mulf %bitcast3A_435, %unpack3A_436 : vector<16xf32>
        %add3A_440 = arith.addf %add3A_438, %mul3A_439 : vector<16xf32>
        %get3A_441 = arith.index_cast %scan3A_416 : i32 to index
        %get3A_442 = arith.constant 16 : index
        %get3A_443 = tpu.vector_load %arg8[%get3A_441, %get3A_442] {strides = array<i32>} : memref<40x128xi32, #tpu.memory_space<vmem>>, vector<16xi32>,
        %bitcast3A_444 = vector.bitcast %get3A_443 : vector<16xi32> to vector<32xbf16>
        %get3A_445 = arith.index_cast %scan3A_416 : i32 to index
        %get3A_446 = arith.constant 16 : index
        %get3A_447 = tpu.vector_load %arg9[%get3A_445, %get3A_446] {strides = array<i32>} : memref<40x128xi32, #tpu.memory_space<vmem>>, vector<16xi32>,
        %bitcast3A_448 = vector.bitcast %get3A_447 : vector<16xi32> to vector<32xbf16>
        %get3A_449 = arith.index_cast %scan3A_416 : i32 to index
        %get3A_450 = arith.constant 16 : index
        %get3A_451 = tpu.vector_load %arg10[%get3A_449, %get3A_450] {strides = array<i32>} : memref<40x128xi32, #tpu.memory_space<vmem>>, vector<16xi32>,
        %bitcast3A_452 = vector.bitcast %get3A_451 : vector<16xi32> to vector<32xbf16>
        %sub3A_453 = arith.subf %bitcast3A_444, %bitcast3A_448 : vector<32xbf16>
        %sub3A_454 = arith.subf %bitcast3A_444, %bitcast3A_452 : vector<32xbf16>
        %sub3A_455 = arith.subf %sub3A_453, %sub3A_454 : vector<32xbf16>
        %add3A_456 = arith.addf %sub3A_453, %sub3A_454 : vector<32xbf16>
        %bitcast3A_457 = vector.bitcast %sub3A_455 : vector<32xbf16> to vector<16xi32>
        %shift_left3A_458 = arith.shli %bitcast3A_457, %broadcast_in_dim3A_259 : vector<16xi32>
        %bitcast3A_459 = vector.bitcast %shift_left3A_458 : vector<16xi32> to vector<16xf32>
        %and3A_460 = arith.andi %bitcast3A_457, %broadcast_in_dim3A_257 : vector<16xi32>
        %bitcast3A_461 = vector.bitcast %and3A_460 : vector<16xi32> to vector<16xf32>
        %unpack3A_462 = tpu.unpack_subelements %add3A_456, 0 {pack_format = #tpu.pack_format<interleaved>} : vector<32xbf16> -> vector<16xf32>
        %unpack3A_463 = tpu.unpack_subelements %add3A_456, 1 {pack_format = #tpu.pack_format<interleaved>} : vector<32xbf16> -> vector<16xf32>
        %mul3A_464 = arith.mulf %bitcast3A_459, %unpack3A_462 : vector<16xf32>
        %add3A_465 = arith.addf %add3A_440, %mul3A_464 : vector<16xf32>
        %mul3A_466 = arith.mulf %bitcast3A_461, %unpack3A_463 : vector<16xf32>
        %add3A_467 = arith.addf %add3A_465, %mul3A_466 : vector<16xf32>
        %get3A_468 = arith.index_cast %scan3A_416 : i32 to index
        %get3A_469 = arith.constant 32 : index
        %get3A_470 = tpu.vector_load %arg8[%get3A_468, %get3A_469] {strides = array<i32>} : memref<40x128xi32, #tpu.memory_space<vmem>>, vector<16xi32>,
        %bitcast3A_471 = vector.bitcast %get3A_470 : vector<16xi32> to vector<32xbf16>
        %get3A_472 = arith.index_cast %scan3A_416 : i32 to index
        %get3A_473 = arith.constant 32 : index
        %get3A_474 = tpu.vector_load %arg9[%get3A_472, %get3A_473] {strides = array<i32>} : memref<40x128xi32, #tpu.memory_space<vmem>>, vector<16xi32>,
        %bitcast3A_475 = vector.bitcast %get3A_474 : vector<16xi32> to vector<32xbf16>
        %get3A_476 = arith.index_cast %scan3A_416 : i32 to index
        %get3A_477 = arith.constant 32 : index
        %get3A_478 = tpu.vector_load %arg10[%get3A_476, %get3A_477] {strides = array<i32>} : memref<40x128xi32, #tpu.memory_space<vmem>>, vector<16xi32>,
        %bitcast3A_479 = vector.bitcast %get3A_478 : vector<16xi32> to vector<32xbf16>
        %sub3A_480 = arith.subf %bitcast3A_471, %bitcast3A_475 : vector<32xbf16>
        %sub3A_481 = arith.subf %bitcast3A_471, %bitcast3A_479 : vector<32xbf16>
        %sub3A_482 = arith.subf %sub3A_480, %sub3A_481 : vector<32xbf16>
        %add3A_483 = arith.addf %sub3A_480, %sub3A_481 : vector<32xbf16>
        %bitcast3A_484 = vector.bitcast %sub3A_482 : vector<32xbf16> to vector<16xi32>
        %shift_left3A_485 = arith.shli %bitcast3A_484, %broadcast_in_dim3A_259 : vector<16xi32>
        %bitcast3A_486 = vector.bitcast %shift_left3A_485 : vector<16xi32> to vector<16xf32>
        %and3A_487 = arith.andi %bitcast3A_484, %broadcast_in_dim3A_257 : vector<16xi32>
        %bitcast3A_488 = vector.bitcast %and3A_487 : vector<16xi32> to vector<16xf32>
        %unpack3A_489 = tpu.unpack_subelements %add3A_483, 0 {pack_format = #tpu.pack_format<interleaved>} : vector<32xbf16> -> vector<16xf32>
        %unpack3A_490 = tpu.unpack_subelements %add3A_483, 1 {pack_format = #tpu.pack_format<interleaved>} : vector<32xbf16> -> vector<16xf32>
        %mul3A_491 = arith.mulf %bitcast3A_486, %unpack3A_489 : vector<16xf32>
        %add3A_492 = arith.addf %add3A_467, %mul3A_491 : vector<16xf32>
        %mul3A_493 = arith.mulf %bitcast3A_488, %unpack3A_490 : vector<16xf32>
        %add3A_494 = arith.addf %add3A_492, %mul3A_493 : vector<16xf32>
        %get3A_495 = arith.index_cast %scan3A_416 : i32 to index
        %get3A_496 = arith.constant 48 : index
        %get3A_497 = tpu.vector_load %arg8[%get3A_495, %get3A_496] {strides = array<i32>} : memref<40x128xi32, #tpu.memory_space<vmem>>, vector<16xi32>,
        %bitcast3A_498 = vector.bitcast %get3A_497 : vector<16xi32> to vector<32xbf16>
        %get3A_499 = arith.index_cast %scan3A_416 : i32 to index
        %get3A_500 = arith.constant 48 : index
        %get3A_501 = tpu.vector_load %arg9[%get3A_499, %get3A_500] {strides = array<i32>} : memref<40x128xi32, #tpu.memory_space<vmem>>, vector<16xi32>,
        %bitcast3A_502 = vector.bitcast %get3A_501 : vector<16xi32> to vector<32xbf16>
        %get3A_503 = arith.index_cast %scan3A_416 : i32 to index
        %get3A_504 = arith.constant 48 : index
        %get3A_505 = tpu.vector_load %arg10[%get3A_503, %get3A_504] {strides = array<i32>} : memref<40x128xi32, #tpu.memory_space<vmem>>, vector<16xi32>,
        %bitcast3A_506 = vector.bitcast %get3A_505 : vector<16xi32> to vector<32xbf16>
        %sub3A_507 = arith.subf %bitcast3A_498, %bitcast3A_502 : vector<32xbf16>
        %sub3A_508 = arith.subf %bitcast3A_498, %bitcast3A_506 : vector<32xbf16>
        %sub3A_509 = arith.subf %sub3A_507, %sub3A_508 : vector<32xbf16>
        %add3A_510 = arith.addf %sub3A_507, %sub3A_508 : vector<32xbf16>
        %bitcast3A_511 = vector.bitcast %sub3A_509 : vector<32xbf16> to vector<16xi32>
        %shift_left3A_512 = arith.shli %bitcast3A_511, %broadcast_in_dim3A_259 : vector<16xi32>
        %bitcast3A_513 = vector.bitcast %shift_left3A_512 : vector<16xi32> to vector<16xf32>
        %and3A_514 = arith.andi %bitcast3A_511, %broadcast_in_dim3A_257 : vector<16xi32>
        %bitcast3A_515 = vector.bitcast %and3A_514 : vector<16xi32> to vector<16xf32>
        %unpack3A_516 = tpu.unpack_subelements %add3A_510, 0 {pack_format = #tpu.pack_format<interleaved>} : vector<32xbf16> -> vector<16xf32>
        %unpack3A_517 = tpu.unpack_subelements %add3A_510, 1 {pack_format = #tpu.pack_format<interleaved>} : vector<32xbf16> -> vector<16xf32>
        %mul3A_518 = arith.mulf %bitcast3A_513, %unpack3A_516 : vector<16xf32>
        %add3A_519 = arith.addf %add3A_494, %mul3A_518 : vector<16xf32>
        %mul3A_520 = arith.mulf %bitcast3A_515, %unpack3A_517 : vector<16xf32>
        %add3A_521 = arith.addf %add3A_519, %mul3A_520 : vector<16xf32>
        %get3A_522 = arith.index_cast %scan3A_416 : i32 to index
        %get3A_523 = arith.constant 64 : index
        %get3A_524 = tpu.vector_load %arg8[%get3A_522, %get3A_523] {strides = array<i32>} : memref<40x128xi32, #tpu.memory_space<vmem>>, vector<16xi32>,
        %bitcast3A_525 = vector.bitcast %get3A_524 : vector<16xi32> to vector<32xbf16>
        %get3A_526 = arith.index_cast %scan3A_416 : i32 to index
        %get3A_527 = arith.constant 64 : index
        %get3A_528 = tpu.vector_load %arg9[%get3A_526, %get3A_527] {strides = array<i32>} : memref<40x128xi32, #tpu.memory_space<vmem>>, vector<16xi32>,
        %bitcast3A_529 = vector.bitcast %get3A_528 : vector<16xi32> to vector<32xbf16>
        %get3A_530 = arith.index_cast %scan3A_416 : i32 to index
        %get3A_531 = arith.constant 64 : index
        %get3A_532 = tpu.vector_load %arg10[%get3A_530, %get3A_531] {strides = array<i32>} : memref<40x128xi32, #tpu.memory_space<vmem>>, vector<16xi32>,
        %bitcast3A_533 = vector.bitcast %get3A_532 : vector<16xi32> to vector<32xbf16>
        %sub3A_534 = arith.subf %bitcast3A_525, %bitcast3A_529 : vector<32xbf16>
        %sub3A_535 = arith.subf %bitcast3A_525, %bitcast3A_533 : vector<32xbf16>
        %sub3A_536 = arith.subf %sub3A_534, %sub3A_535 : vector<32xbf16>
        %add3A_537 = arith.addf %sub3A_534, %sub3A_535 : vector<32xbf16>
        %bitcast3A_538 = vector.bitcast %sub3A_536 : vector<32xbf16> to vector<16xi32>
        %shift_left3A_539 = arith.shli %bitcast3A_538, %broadcast_in_dim3A_259 : vector<16xi32>
        %bitcast3A_540 = vector.bitcast %shift_left3A_539 : vector<16xi32> to vector<16xf32>
        %and3A_541 = arith.andi %bitcast3A_538, %broadcast_in_dim3A_257 : vector<16xi32>
        %bitcast3A_542 = vector.bitcast %and3A_541 : vector<16xi32> to vector<16xf32>
        %unpack3A_543 = tpu.unpack_subelements %add3A_537, 0 {pack_format = #tpu.pack_format<interleaved>} : vector<32xbf16> -> vector<16xf32>
        %unpack3A_544 = tpu.unpack_subelements %add3A_537, 1 {pack_format = #tpu.pack_format<interleaved>} : vector<32xbf16> -> vector<16xf32>
        %mul3A_545 = arith.mulf %bitcast3A_540, %unpack3A_543 : vector<16xf32>
        %add3A_546 = arith.addf %add3A_521, %mul3A_545 : vector<16xf32>
        %mul3A_547 = arith.mulf %bitcast3A_542, %unpack3A_544 : vector<16xf32>
        %add3A_548 = arith.addf %add3A_546, %mul3A_547 : vector<16xf32>
        %get3A_549 = arith.index_cast %scan3A_416 : i32 to index
        %get3A_550 = arith.constant 80 : index
        %get3A_551 = tpu.vector_load %arg8[%get3A_549, %get3A_550] {strides = array<i32>} : memref<40x128xi32, #tpu.memory_space<vmem>>, vector<16xi32>,
        %bitcast3A_552 = vector.bitcast %get3A_551 : vector<16xi32> to vector<32xbf16>
        %get3A_553 = arith.index_cast %scan3A_416 : i32 to index
        %get3A_554 = arith.constant 80 : index
        %get3A_555 = tpu.vector_load %arg9[%get3A_553, %get3A_554] {strides = array<i32>} : memref<40x128xi32, #tpu.memory_space<vmem>>, vector<16xi32>,
        %bitcast3A_556 = vector.bitcast %get3A_555 : vector<16xi32> to vector<32xbf16>
        %get3A_557 = arith.index_cast %scan3A_416 : i32 to index
        %get3A_558 = arith.constant 80 : index
        %get3A_559 = tpu.vector_load %arg10[%get3A_557, %get3A_558] {strides = array<i32>} : memref<40x128xi32, #tpu.memory_space<vmem>>, vector<16xi32>,
        %bitcast3A_560 = vector.bitcast %get3A_559 : vector<16xi32> to vector<32xbf16>
        %sub3A_561 = arith.subf %bitcast3A_552, %bitcast3A_556 : vector<32xbf16>
        %sub3A_562 = arith.subf %bitcast3A_552, %bitcast3A_560 : vector<32xbf16>
        %sub3A_563 = arith.subf %sub3A_561, %sub3A_562 : vector<32xbf16>
        %add3A_564 = arith.addf %sub3A_561, %sub3A_562 : vector<32xbf16>
        %bitcast3A_565 = vector.bitcast %sub3A_563 : vector<32xbf16> to vector<16xi32>
        %shift_left3A_566 = arith.shli %bitcast3A_565, %broadcast_in_dim3A_259 : vector<16xi32>
        %bitcast3A_567 = vector.bitcast %shift_left3A_566 : vector<16xi32> to vector<16xf32>
        %and3A_568 = arith.andi %bitcast3A_565, %broadcast_in_dim3A_257 : vector<16xi32>
        %bitcast3A_569 = vector.bitcast %and3A_568 : vector<16xi32> to vector<16xf32>
        %unpack3A_570 = tpu.unpack_subelements %add3A_564, 0 {pack_format = #tpu.pack_format<interleaved>} : vector<32xbf16> -> vector<16xf32>
        %unpack3A_571 = tpu.unpack_subelements %add3A_564, 1 {pack_format = #tpu.pack_format<interleaved>} : vector<32xbf16> -> vector<16xf32>
        %mul3A_572 = arith.mulf %bitcast3A_567, %unpack3A_570 : vector<16xf32>
        %add3A_573 = arith.addf %add3A_548, %mul3A_572 : vector<16xf32>
        %mul3A_574 = arith.mulf %bitcast3A_569, %unpack3A_571 : vector<16xf32>
        %add3A_575 = arith.addf %add3A_573, %mul3A_574 : vector<16xf32>
        %get3A_576 = arith.index_cast %scan3A_416 : i32 to index
        %get3A_577 = arith.constant 96 : index
        %get3A_578 = tpu.vector_load %arg8[%get3A_576, %get3A_577] {strides = array<i32>} : memref<40x128xi32, #tpu.memory_space<vmem>>, vector<16xi32>,
        %bitcast3A_579 = vector.bitcast %get3A_578 : vector<16xi32> to vector<32xbf16>
        %get3A_580 = arith.index_cast %scan3A_416 : i32 to index
        %get3A_581 = arith.constant 96 : index
        %get3A_582 = tpu.vector_load %arg9[%get3A_580, %get3A_581] {strides = array<i32>} : memref<40x128xi32, #tpu.memory_space<vmem>>, vector<16xi32>,
        %bitcast3A_583 = vector.bitcast %get3A_582 : vector<16xi32> to vector<32xbf16>
        %get3A_584 = arith.index_cast %scan3A_416 : i32 to index
        %get3A_585 = arith.constant 96 : index
        %get3A_586 = tpu.vector_load %arg10[%get3A_584, %get3A_585] {strides = array<i32>} : memref<40x128xi32, #tpu.memory_space<vmem>>, vector<16xi32>,
        %bitcast3A_587 = vector.bitcast %get3A_586 : vector<16xi32> to vector<32xbf16>
        %sub3A_588 = arith.subf %bitcast3A_579, %bitcast3A_583 : vector<32xbf16>
        %sub3A_589 = arith.subf %bitcast3A_579, %bitcast3A_587 : vector<32xbf16>
        %sub3A_590 = arith.subf %sub3A_588, %sub3A_589 : vector<32xbf16>
        %add3A_591 = arith.addf %sub3A_588, %sub3A_589 : vector<32xbf16>
        %bitcast3A_592 = vector.bitcast %sub3A_590 : vector<32xbf16> to vector<16xi32>
        %shift_left3A_593 = arith.shli %bitcast3A_592, %broadcast_in_dim3A_259 : vector<16xi32>
        %bitcast3A_594 = vector.bitcast %shift_left3A_593 : vector<16xi32> to vector<16xf32>
        %and3A_595 = arith.andi %bitcast3A_592, %broadcast_in_dim3A_257 : vector<16xi32>
        %bitcast3A_596 = vector.bitcast %and3A_595 : vector<16xi32> to vector<16xf32>
        %unpack3A_597 = tpu.unpack_subelements %add3A_591, 0 {pack_format = #tpu.pack_format<interleaved>} : vector<32xbf16> -> vector<16xf32>
        %unpack3A_598 = tpu.unpack_subelements %add3A_591, 1 {pack_format = #tpu.pack_format<interleaved>} : vector<32xbf16> -> vector<16xf32>
        %mul3A_599 = arith.mulf %bitcast3A_594, %unpack3A_597 : vector<16xf32>
        %add3A_600 = arith.addf %add3A_575, %mul3A_599 : vector<16xf32>
        %mul3A_601 = arith.mulf %bitcast3A_596, %unpack3A_598 : vector<16xf32>
        %add3A_602 = arith.addf %add3A_600, %mul3A_601 : vector<16xf32>
        %get3A_603 = arith.index_cast %scan3A_416 : i32 to index
        %get3A_604 = arith.constant 112 : index
        %get3A_605 = tpu.vector_load %arg8[%get3A_603, %get3A_604] {strides = array<i32>} : memref<40x128xi32, #tpu.memory_space<vmem>>, vector<16xi32>,
        %bitcast3A_606 = vector.bitcast %get3A_605 : vector<16xi32> to vector<32xbf16>
        %get3A_607 = arith.index_cast %scan3A_416 : i32 to index
        %get3A_608 = arith.constant 112 : index
        %get3A_609 = tpu.vector_load %arg9[%get3A_607, %get3A_608] {strides = array<i32>} : memref<40x128xi32, #tpu.memory_space<vmem>>, vector<16xi32>,
        %bitcast3A_610 = vector.bitcast %get3A_609 : vector<16xi32> to vector<32xbf16>
        %get3A_611 = arith.index_cast %scan3A_416 : i32 to index
        %get3A_612 = arith.constant 112 : index
        %get3A_613 = tpu.vector_load %arg10[%get3A_611, %get3A_612] {strides = array<i32>} : memref<40x128xi32, #tpu.memory_space<vmem>>, vector<16xi32>,
        %bitcast3A_614 = vector.bitcast %get3A_613 : vector<16xi32> to vector<32xbf16>
        %sub3A_615 = arith.subf %bitcast3A_606, %bitcast3A_610 : vector<32xbf16>
        %sub3A_616 = arith.subf %bitcast3A_606, %bitcast3A_614 : vector<32xbf16>
        %sub3A_617 = arith.subf %sub3A_615, %sub3A_616 : vector<32xbf16>
        %add3A_618 = arith.addf %sub3A_615, %sub3A_616 : vector<32xbf16>
        %bitcast3A_619 = vector.bitcast %sub3A_617 : vector<32xbf16> to vector<16xi32>
        %shift_left3A_620 = arith.shli %bitcast3A_619, %broadcast_in_dim3A_259 : vector<16xi32>
        %bitcast3A_621 = vector.bitcast %shift_left3A_620 : vector<16xi32> to vector<16xf32>
        %and3A_622 = arith.andi %bitcast3A_619, %broadcast_in_dim3A_257 : vector<16xi32>
        %bitcast3A_623 = vector.bitcast %and3A_622 : vector<16xi32> to vector<16xf32>
        %unpack3A_624 = tpu.unpack_subelements %add3A_618, 0 {pack_format = #tpu.pack_format<interleaved>} : vector<32xbf16> -> vector<16xf32>
        %unpack3A_625 = tpu.unpack_subelements %add3A_618, 1 {pack_format = #tpu.pack_format<interleaved>} : vector<32xbf16> -> vector<16xf32>
        %mul3A_626 = arith.mulf %bitcast3A_621, %unpack3A_624 : vector<16xf32>
        %add3A_627 = arith.addf %add3A_602, %mul3A_626 : vector<16xf32>
        %mul3A_628 = arith.mulf %bitcast3A_623, %unpack3A_625 : vector<16xf32>
        %add3A_629 = arith.addf %add3A_627, %mul3A_628 : vector<16xf32>
        %reduce_sum3A = arith.constant true
        %reduce_sum3A_630 = vector.broadcast %reduce_sum3A : i1 to vector<16xi1>
        %reduce_sum3A_631 = tpu.scan <sum>, %add3A_629 masked %reduce_sum3A_630 : vector<16xf32>, vector<16xi1> -> vector<16xf32>
        %reduce_sum3A_632 = vector.extract %reduce_sum3A_631[15] : f32 from vector<16xf32>
        %add3A_633 = arith.constant 1.000000e+00 : f32
        %add3A_634 = arith.addf %reduce_sum3A_632, %add3A_633 : f32
        %max3A = arith.constant 0.000000e+00 : f32
        %max3A_635 = arith.maximumf %add3A_634, %max3A : f32
        %add3A_636 = arith.addf %scan3A_417, %max3A_635 : f32
        scf.yield %add3A_636 : f32
      }
      %scan3A_265 = arith.constant 40 : i32
      %add3A_266 = arith.constant 1 : i32
      %add3A_267 = arith.addi %mul3A_215, %add3A_266 : i32
      %mul3A_268 = arith.constant 40 : i32
      %mul3A_269 = arith.muli %add3A_267, %mul3A_268 : i32
      %add3A_270 = arith.constant 5000 : i32
      %add3A_271 = arith.addi %add3A_270, %mul3A_269 : i32
      %add3A_272 = arith.constant 10000 : i32
      %add3A_273 = arith.addi %add3A_272, %mul3A_269 : i32
      %dma_wait3A_274 = tpu.memref_slice %arg7[%mul3A_269] : memref<15000xi32, #tpu.memory_space<vmem>> -> memref<40xi32, #tpu.memory_space<vmem>>
      %dma_wait3A_275 = arith.constant 0 : i32
      %dma_wait3A_276 = arith.constant 0 : i32
      %dma_wait3A_277 = tpu.memref_slice %arg2[%dma_wait3A_275, %dma_wait3A_276] : memref<10000x128xi32, #tpu.memory_space<hbm>> -> memref<10000x128xi32, #tpu.memory_space<hbm>>
      tpu.wait_indirect_dma semaphore(%arg22 : memref<!tpu.dma_semaphore, #tpu.memory_space<semaphore_mem>>) src(%dma_wait3A_277 : memref<10000x128xi32, #tpu.memory_space<hbm>>) dst(%arg11 : memref<40x128xi32, #tpu.memory_space<vmem>>)
      %dma_wait3A_278 = tpu.memref_slice %arg7[%add3A_271] : memref<15000xi32, #tpu.memory_space<vmem>> -> memref<40xi32, #tpu.memory_space<vmem>>
      %dma_wait3A_279 = arith.constant 0 : i32
      %dma_wait3A_280 = arith.constant 0 : i32
      %dma_wait3A_281 = tpu.memref_slice %arg3[%dma_wait3A_279, %dma_wait3A_280] : memref<10000x128xi32, #tpu.memory_space<hbm>> -> memref<10000x128xi32, #tpu.memory_space<hbm>>
      tpu.wait_indirect_dma semaphore(%arg22 : memref<!tpu.dma_semaphore, #tpu.memory_space<semaphore_mem>>) src(%dma_wait3A_281 : memref<10000x128xi32, #tpu.memory_space<hbm>>) dst(%arg12 : memref<40x128xi32, #tpu.memory_space<vmem>>)
      %dma_wait3A_282 = tpu.memref_slice %arg7[%add3A_273] : memref<15000xi32, #tpu.memory_space<vmem>> -> memref<40xi32, #tpu.memory_space<vmem>>
      %dma_wait3A_283 = arith.constant 0 : i32
      %dma_wait3A_284 = arith.constant 0 : i32
      %dma_wait3A_285 = tpu.memref_slice %arg4[%dma_wait3A_283, %dma_wait3A_284] : memref<10000x128xi32, #tpu.memory_space<hbm>> -> memref<10000x128xi32, #tpu.memory_space<hbm>>
      tpu.wait_indirect_dma semaphore(%arg22 : memref<!tpu.dma_semaphore, #tpu.memory_space<semaphore_mem>>) src(%dma_wait3A_285 : memref<10000x128xi32, #tpu.memory_space<hbm>>) dst(%arg13 : memref<40x128xi32, #tpu.memory_space<vmem>>)
      %add3A_286 = arith.constant 3 : i32
      %add3A_287 = arith.addi %add3A_267, %add3A_286 : i32
      %mul3A_288 = arith.constant 40 : i32
      %mul3A_289 = arith.muli %add3A_287, %mul3A_288 : i32
      %add3A_290 = arith.constant 5000 : i32
      %add3A_291 = arith.addi %add3A_290, %mul3A_289 : i32
      %add3A_292 = arith.constant 10000 : i32
      %add3A_293 = arith.addi %add3A_292, %mul3A_289 : i32
      %dma_start3A_294 = tpu.memref_slice %arg7[%mul3A_289] : memref<15000xi32, #tpu.memory_space<vmem>> -> memref<40xi32, #tpu.memory_space<vmem>>
      %dma_start3A_295 = arith.constant 0 : i32
      %dma_start3A_296 = arith.constant 0 : i32
      %dma_start3A_297 = tpu.memref_slice %arg2[%dma_start3A_295, %dma_start3A_296] : memref<10000x128xi32, #tpu.memory_space<hbm>> -> memref<10000x128xi32, #tpu.memory_space<hbm>>
      tpu.enqueue_indirect_dma source(%dma_start3A_297 : memref<10000x128xi32, #tpu.memory_space<hbm>>) target(%arg8 : memref<40x128xi32, #tpu.memory_space<vmem>>) offsets(%dma_start3A_294 : memref<40xi32, #tpu.memory_space<vmem>>) semaphore(%arg21 : memref<!tpu.dma_semaphore, #tpu.memory_space<semaphore_mem>>)
      %dma_start3A_298 = tpu.memref_slice %arg7[%add3A_291] : memref<15000xi32, #tpu.memory_space<vmem>> -> memref<40xi32, #tpu.memory_space<vmem>>
      %dma_start3A_299 = arith.constant 0 : i32
      %dma_start3A_300 = arith.constant 0 : i32
      %dma_start3A_301 = tpu.memref_slice %arg3[%dma_start3A_299, %dma_start3A_300] : memref<10000x128xi32, #tpu.memory_space<hbm>> -> memref<10000x128xi32, #tpu.memory_space<hbm>>
      tpu.enqueue_indirect_dma source(%dma_start3A_301 : memref<10000x128xi32, #tpu.memory_space<hbm>>) target(%arg9 : memref<40x128xi32, #tpu.memory_space<vmem>>) offsets(%dma_start3A_298 : memref<40xi32, #tpu.memory_space<vmem>>) semaphore(%arg21 : memref<!tpu.dma_semaphore, #tpu.memory_space<semaphore_mem>>)
      %dma_start3A_302 = tpu.memref_slice %arg7[%add3A_293] : memref<15000xi32, #tpu.memory_space<vmem>> -> memref<40xi32, #tpu.memory_space<vmem>>
      %dma_start3A_303 = arith.constant 0 : i32
      %dma_start3A_304 = arith.constant 0 : i32
      %dma_start3A_305 = tpu.memref_slice %arg4[%dma_start3A_303, %dma_start3A_304] : memref<10000x128xi32, #tpu.memory_space<hbm>> -> memref<10000x128xi32, #tpu.memory_space<hbm>>
      tpu.enqueue_indirect_dma source(%dma_start3A_305 : memref<10000x128xi32, #tpu.memory_space<hbm>>) target(%arg10 : memref<40x128xi32, #tpu.memory_space<vmem>>) offsets(%dma_start3A_302 : memref<40xi32, #tpu.memory_space<vmem>>) semaphore(%arg21 : memref<!tpu.dma_semaphore, #tpu.memory_space<semaphore_mem>>)
      %broadcast_in_dim3A_306 = arith.constant -65536 : i32
      %broadcast_in_dim3A_307 = vector.broadcast %broadcast_in_dim3A_306 : i32 to vector<16xi32>
      %broadcast_in_dim3A_308 = arith.constant 16 : i32
      %broadcast_in_dim3A_309 = vector.broadcast %broadcast_in_dim3A_308 : i32 to vector<16xi32>
      %scan3A_310 = arith.constant 0 : i32
      %scan3A_311 = arith.constant 40 : i32
      %scan3A_312 = arith.addi %scan3A_310, %scan3A_311 : i32
      %scan3A_313 = arith.constant 1 : i32
      %scan3A_314 = scf.for %scan3A_416 = %scan3A_310 to %scan3A_312 step %scan3A_313 iter_args(%scan3A_417 = %scan3A_264) -> (f32)  : i32 {
        %broadcast_in_dim3A_418 = arith.constant 0.000000e+00 : f32
        %broadcast_in_dim3A_419 = vector.broadcast %broadcast_in_dim3A_418 : f32 to vector<16xf32>
        %get3A = arith.index_cast %scan3A_416 : i32 to index
        %get3A_420 = arith.constant 0 : index
        %get3A_421 = tpu.vector_load %arg11[%get3A, %get3A_420] {strides = array<i32>} : memref<40x128xi32, #tpu.memory_space<vmem>>, vector<16xi32>,
        %bitcast3A = vector.bitcast %get3A_421 : vector<16xi32> to vector<32xbf16>
        %get3A_422 = arith.index_cast %scan3A_416 : i32 to index
        %get3A_423 = arith.constant 0 : index
        %get3A_424 = tpu.vector_load %arg12[%get3A_422, %get3A_423] {strides = array<i32>} : memref<40x128xi32, #tpu.memory_space<vmem>>, vector<16xi32>,
        %bitcast3A_425 = vector.bitcast %get3A_424 : vector<16xi32> to vector<32xbf16>
        %get3A_426 = arith.index_cast %scan3A_416 : i32 to index
        %get3A_427 = arith.constant 0 : index
        %get3A_428 = tpu.vector_load %arg13[%get3A_426, %get3A_427] {strides = array<i32>} : memref<40x128xi32, #tpu.memory_space<vmem>>, vector<16xi32>,
        %bitcast3A_429 = vector.bitcast %get3A_428 : vector<16xi32> to vector<32xbf16>
        %sub3A = arith.subf %bitcast3A, %bitcast3A_425 : vector<32xbf16>
        %sub3A_430 = arith.subf %bitcast3A, %bitcast3A_429 : vector<32xbf16>
        %sub3A_431 = arith.subf %sub3A, %sub3A_430 : vector<32xbf16>
        %add3A_432 = arith.addf %sub3A, %sub3A_430 : vector<32xbf16>
        %bitcast3A_433 = vector.bitcast %sub3A_431 : vector<32xbf16> to vector<16xi32>
        %shift_left3A = arith.shli %bitcast3A_433, %broadcast_in_dim3A_309 : vector<16xi32>
        %bitcast3A_434 = vector.bitcast %shift_left3A : vector<16xi32> to vector<16xf32>
        %and3A = arith.andi %bitcast3A_433, %broadcast_in_dim3A_307 : vector<16xi32>
        %bitcast3A_435 = vector.bitcast %and3A : vector<16xi32> to vector<16xf32>
        %unpack3A = tpu.unpack_subelements %add3A_432, 0 {pack_format = #tpu.pack_format<interleaved>} : vector<32xbf16> -> vector<16xf32>
        %unpack3A_436 = tpu.unpack_subelements %add3A_432, 1 {pack_format = #tpu.pack_format<interleaved>} : vector<32xbf16> -> vector<16xf32>
        %mul3A_437 = arith.mulf %bitcast3A_434, %unpack3A : vector<16xf32>
        %add3A_438 = arith.addf %broadcast_in_dim3A_419, %mul3A_437 : vector<16xf32>
        %mul3A_439 = arith.mulf %bitcast3A_435, %unpack3A_436 : vector<16xf32>
        %add3A_440 = arith.addf %add3A_438, %mul3A_439 : vector<16xf32>
        %get3A_441 = arith.index_cast %scan3A_416 : i32 to index
        %get3A_442 = arith.constant 16 : index
        %get3A_443 = tpu.vector_load %arg11[%get3A_441, %get3A_442] {strides = array<i32>} : memref<40x128xi32, #tpu.memory_space<vmem>>, vector<16xi32>,
        %bitcast3A_444 = vector.bitcast %get3A_443 : vector<16xi32> to vector<32xbf16>
        %get3A_445 = arith.index_cast %scan3A_416 : i32 to index
        %get3A_446 = arith.constant 16 : index
        %get3A_447 = tpu.vector_load %arg12[%get3A_445, %get3A_446] {strides = array<i32>} : memref<40x128xi32, #tpu.memory_space<vmem>>, vector<16xi32>,
        %bitcast3A_448 = vector.bitcast %get3A_447 : vector<16xi32> to vector<32xbf16>
        %get3A_449 = arith.index_cast %scan3A_416 : i32 to index
        %get3A_450 = arith.constant 16 : index
        %get3A_451 = tpu.vector_load %arg13[%get3A_449, %get3A_450] {strides = array<i32>} : memref<40x128xi32, #tpu.memory_space<vmem>>, vector<16xi32>,
        %bitcast3A_452 = vector.bitcast %get3A_451 : vector<16xi32> to vector<32xbf16>
        %sub3A_453 = arith.subf %bitcast3A_444, %bitcast3A_448 : vector<32xbf16>
        %sub3A_454 = arith.subf %bitcast3A_444, %bitcast3A_452 : vector<32xbf16>
        %sub3A_455 = arith.subf %sub3A_453, %sub3A_454 : vector<32xbf16>
        %add3A_456 = arith.addf %sub3A_453, %sub3A_454 : vector<32xbf16>
        %bitcast3A_457 = vector.bitcast %sub3A_455 : vector<32xbf16> to vector<16xi32>
        %shift_left3A_458 = arith.shli %bitcast3A_457, %broadcast_in_dim3A_309 : vector<16xi32>
        %bitcast3A_459 = vector.bitcast %shift_left3A_458 : vector<16xi32> to vector<16xf32>
        %and3A_460 = arith.andi %bitcast3A_457, %broadcast_in_dim3A_307 : vector<16xi32>
        %bitcast3A_461 = vector.bitcast %and3A_460 : vector<16xi32> to vector<16xf32>
        %unpack3A_462 = tpu.unpack_subelements %add3A_456, 0 {pack_format = #tpu.pack_format<interleaved>} : vector<32xbf16> -> vector<16xf32>
        %unpack3A_463 = tpu.unpack_subelements %add3A_456, 1 {pack_format = #tpu.pack_format<interleaved>} : vector<32xbf16> -> vector<16xf32>
        %mul3A_464 = arith.mulf %bitcast3A_459, %unpack3A_462 : vector<16xf32>
        %add3A_465 = arith.addf %add3A_440, %mul3A_464 : vector<16xf32>
        %mul3A_466 = arith.mulf %bitcast3A_461, %unpack3A_463 : vector<16xf32>
        %add3A_467 = arith.addf %add3A_465, %mul3A_466 : vector<16xf32>
        %get3A_468 = arith.index_cast %scan3A_416 : i32 to index
        %get3A_469 = arith.constant 32 : index
        %get3A_470 = tpu.vector_load %arg11[%get3A_468, %get3A_469] {strides = array<i32>} : memref<40x128xi32, #tpu.memory_space<vmem>>, vector<16xi32>,
        %bitcast3A_471 = vector.bitcast %get3A_470 : vector<16xi32> to vector<32xbf16>
        %get3A_472 = arith.index_cast %scan3A_416 : i32 to index
        %get3A_473 = arith.constant 32 : index
        %get3A_474 = tpu.vector_load %arg12[%get3A_472, %get3A_473] {strides = array<i32>} : memref<40x128xi32, #tpu.memory_space<vmem>>, vector<16xi32>,
        %bitcast3A_475 = vector.bitcast %get3A_474 : vector<16xi32> to vector<32xbf16>
        %get3A_476 = arith.index_cast %scan3A_416 : i32 to index
        %get3A_477 = arith.constant 32 : index
        %get3A_478 = tpu.vector_load %arg13[%get3A_476, %get3A_477] {strides = array<i32>} : memref<40x128xi32, #tpu.memory_space<vmem>>, vector<16xi32>,
        %bitcast3A_479 = vector.bitcast %get3A_478 : vector<16xi32> to vector<32xbf16>
        %sub3A_480 = arith.subf %bitcast3A_471, %bitcast3A_475 : vector<32xbf16>
        %sub3A_481 = arith.subf %bitcast3A_471, %bitcast3A_479 : vector<32xbf16>
        %sub3A_482 = arith.subf %sub3A_480, %sub3A_481 : vector<32xbf16>
        %add3A_483 = arith.addf %sub3A_480, %sub3A_481 : vector<32xbf16>
        %bitcast3A_484 = vector.bitcast %sub3A_482 : vector<32xbf16> to vector<16xi32>
        %shift_left3A_485 = arith.shli %bitcast3A_484, %broadcast_in_dim3A_309 : vector<16xi32>
        %bitcast3A_486 = vector.bitcast %shift_left3A_485 : vector<16xi32> to vector<16xf32>
        %and3A_487 = arith.andi %bitcast3A_484, %broadcast_in_dim3A_307 : vector<16xi32>
        %bitcast3A_488 = vector.bitcast %and3A_487 : vector<16xi32> to vector<16xf32>
        %unpack3A_489 = tpu.unpack_subelements %add3A_483, 0 {pack_format = #tpu.pack_format<interleaved>} : vector<32xbf16> -> vector<16xf32>
        %unpack3A_490 = tpu.unpack_subelements %add3A_483, 1 {pack_format = #tpu.pack_format<interleaved>} : vector<32xbf16> -> vector<16xf32>
        %mul3A_491 = arith.mulf %bitcast3A_486, %unpack3A_489 : vector<16xf32>
        %add3A_492 = arith.addf %add3A_467, %mul3A_491 : vector<16xf32>
        %mul3A_493 = arith.mulf %bitcast3A_488, %unpack3A_490 : vector<16xf32>
        %add3A_494 = arith.addf %add3A_492, %mul3A_493 : vector<16xf32>
        %get3A_495 = arith.index_cast %scan3A_416 : i32 to index
        %get3A_496 = arith.constant 48 : index
        %get3A_497 = tpu.vector_load %arg11[%get3A_495, %get3A_496] {strides = array<i32>} : memref<40x128xi32, #tpu.memory_space<vmem>>, vector<16xi32>,
        %bitcast3A_498 = vector.bitcast %get3A_497 : vector<16xi32> to vector<32xbf16>
        %get3A_499 = arith.index_cast %scan3A_416 : i32 to index
        %get3A_500 = arith.constant 48 : index
        %get3A_501 = tpu.vector_load %arg12[%get3A_499, %get3A_500] {strides = array<i32>} : memref<40x128xi32, #tpu.memory_space<vmem>>, vector<16xi32>,
        %bitcast3A_502 = vector.bitcast %get3A_501 : vector<16xi32> to vector<32xbf16>
        %get3A_503 = arith.index_cast %scan3A_416 : i32 to index
        %get3A_504 = arith.constant 48 : index
        %get3A_505 = tpu.vector_load %arg13[%get3A_503, %get3A_504] {strides = array<i32>} : memref<40x128xi32, #tpu.memory_space<vmem>>, vector<16xi32>,
        %bitcast3A_506 = vector.bitcast %get3A_505 : vector<16xi32> to vector<32xbf16>
        %sub3A_507 = arith.subf %bitcast3A_498, %bitcast3A_502 : vector<32xbf16>
        %sub3A_508 = arith.subf %bitcast3A_498, %bitcast3A_506 : vector<32xbf16>
        %sub3A_509 = arith.subf %sub3A_507, %sub3A_508 : vector<32xbf16>
        %add3A_510 = arith.addf %sub3A_507, %sub3A_508 : vector<32xbf16>
        %bitcast3A_511 = vector.bitcast %sub3A_509 : vector<32xbf16> to vector<16xi32>
        %shift_left3A_512 = arith.shli %bitcast3A_511, %broadcast_in_dim3A_309 : vector<16xi32>
        %bitcast3A_513 = vector.bitcast %shift_left3A_512 : vector<16xi32> to vector<16xf32>
        %and3A_514 = arith.andi %bitcast3A_511, %broadcast_in_dim3A_307 : vector<16xi32>
        %bitcast3A_515 = vector.bitcast %and3A_514 : vector<16xi32> to vector<16xf32>
        %unpack3A_516 = tpu.unpack_subelements %add3A_510, 0 {pack_format = #tpu.pack_format<interleaved>} : vector<32xbf16> -> vector<16xf32>
        %unpack3A_517 = tpu.unpack_subelements %add3A_510, 1 {pack_format = #tpu.pack_format<interleaved>} : vector<32xbf16> -> vector<16xf32>
        %mul3A_518 = arith.mulf %bitcast3A_513, %unpack3A_516 : vector<16xf32>
        %add3A_519 = arith.addf %add3A_494, %mul3A_518 : vector<16xf32>
        %mul3A_520 = arith.mulf %bitcast3A_515, %unpack3A_517 : vector<16xf32>
        %add3A_521 = arith.addf %add3A_519, %mul3A_520 : vector<16xf32>
        %get3A_522 = arith.index_cast %scan3A_416 : i32 to index
        %get3A_523 = arith.constant 64 : index
        %get3A_524 = tpu.vector_load %arg11[%get3A_522, %get3A_523] {strides = array<i32>} : memref<40x128xi32, #tpu.memory_space<vmem>>, vector<16xi32>,
        %bitcast3A_525 = vector.bitcast %get3A_524 : vector<16xi32> to vector<32xbf16>
        %get3A_526 = arith.index_cast %scan3A_416 : i32 to index
        %get3A_527 = arith.constant 64 : index
        %get3A_528 = tpu.vector_load %arg12[%get3A_526, %get3A_527] {strides = array<i32>} : memref<40x128xi32, #tpu.memory_space<vmem>>, vector<16xi32>,
        %bitcast3A_529 = vector.bitcast %get3A_528 : vector<16xi32> to vector<32xbf16>
        %get3A_530 = arith.index_cast %scan3A_416 : i32 to index
        %get3A_531 = arith.constant 64 : index
        %get3A_532 = tpu.vector_load %arg13[%get3A_530, %get3A_531] {strides = array<i32>} : memref<40x128xi32, #tpu.memory_space<vmem>>, vector<16xi32>,
        %bitcast3A_533 = vector.bitcast %get3A_532 : vector<16xi32> to vector<32xbf16>
        %sub3A_534 = arith.subf %bitcast3A_525, %bitcast3A_529 : vector<32xbf16>
        %sub3A_535 = arith.subf %bitcast3A_525, %bitcast3A_533 : vector<32xbf16>
        %sub3A_536 = arith.subf %sub3A_534, %sub3A_535 : vector<32xbf16>
        %add3A_537 = arith.addf %sub3A_534, %sub3A_535 : vector<32xbf16>
        %bitcast3A_538 = vector.bitcast %sub3A_536 : vector<32xbf16> to vector<16xi32>
        %shift_left3A_539 = arith.shli %bitcast3A_538, %broadcast_in_dim3A_309 : vector<16xi32>
        %bitcast3A_540 = vector.bitcast %shift_left3A_539 : vector<16xi32> to vector<16xf32>
        %and3A_541 = arith.andi %bitcast3A_538, %broadcast_in_dim3A_307 : vector<16xi32>
        %bitcast3A_542 = vector.bitcast %and3A_541 : vector<16xi32> to vector<16xf32>
        %unpack3A_543 = tpu.unpack_subelements %add3A_537, 0 {pack_format = #tpu.pack_format<interleaved>} : vector<32xbf16> -> vector<16xf32>
        %unpack3A_544 = tpu.unpack_subelements %add3A_537, 1 {pack_format = #tpu.pack_format<interleaved>} : vector<32xbf16> -> vector<16xf32>
        %mul3A_545 = arith.mulf %bitcast3A_540, %unpack3A_543 : vector<16xf32>
        %add3A_546 = arith.addf %add3A_521, %mul3A_545 : vector<16xf32>
        %mul3A_547 = arith.mulf %bitcast3A_542, %unpack3A_544 : vector<16xf32>
        %add3A_548 = arith.addf %add3A_546, %mul3A_547 : vector<16xf32>
        %get3A_549 = arith.index_cast %scan3A_416 : i32 to index
        %get3A_550 = arith.constant 80 : index
        %get3A_551 = tpu.vector_load %arg11[%get3A_549, %get3A_550] {strides = array<i32>} : memref<40x128xi32, #tpu.memory_space<vmem>>, vector<16xi32>,
        %bitcast3A_552 = vector.bitcast %get3A_551 : vector<16xi32> to vector<32xbf16>
        %get3A_553 = arith.index_cast %scan3A_416 : i32 to index
        %get3A_554 = arith.constant 80 : index
        %get3A_555 = tpu.vector_load %arg12[%get3A_553, %get3A_554] {strides = array<i32>} : memref<40x128xi32, #tpu.memory_space<vmem>>, vector<16xi32>,
        %bitcast3A_556 = vector.bitcast %get3A_555 : vector<16xi32> to vector<32xbf16>
        %get3A_557 = arith.index_cast %scan3A_416 : i32 to index
        %get3A_558 = arith.constant 80 : index
        %get3A_559 = tpu.vector_load %arg13[%get3A_557, %get3A_558] {strides = array<i32>} : memref<40x128xi32, #tpu.memory_space<vmem>>, vector<16xi32>,
        %bitcast3A_560 = vector.bitcast %get3A_559 : vector<16xi32> to vector<32xbf16>
        %sub3A_561 = arith.subf %bitcast3A_552, %bitcast3A_556 : vector<32xbf16>
        %sub3A_562 = arith.subf %bitcast3A_552, %bitcast3A_560 : vector<32xbf16>
        %sub3A_563 = arith.subf %sub3A_561, %sub3A_562 : vector<32xbf16>
        %add3A_564 = arith.addf %sub3A_561, %sub3A_562 : vector<32xbf16>
        %bitcast3A_565 = vector.bitcast %sub3A_563 : vector<32xbf16> to vector<16xi32>
        %shift_left3A_566 = arith.shli %bitcast3A_565, %broadcast_in_dim3A_309 : vector<16xi32>
        %bitcast3A_567 = vector.bitcast %shift_left3A_566 : vector<16xi32> to vector<16xf32>
        %and3A_568 = arith.andi %bitcast3A_565, %broadcast_in_dim3A_307 : vector<16xi32>
        %bitcast3A_569 = vector.bitcast %and3A_568 : vector<16xi32> to vector<16xf32>
        %unpack3A_570 = tpu.unpack_subelements %add3A_564, 0 {pack_format = #tpu.pack_format<interleaved>} : vector<32xbf16> -> vector<16xf32>
        %unpack3A_571 = tpu.unpack_subelements %add3A_564, 1 {pack_format = #tpu.pack_format<interleaved>} : vector<32xbf16> -> vector<16xf32>
        %mul3A_572 = arith.mulf %bitcast3A_567, %unpack3A_570 : vector<16xf32>
        %add3A_573 = arith.addf %add3A_548, %mul3A_572 : vector<16xf32>
        %mul3A_574 = arith.mulf %bitcast3A_569, %unpack3A_571 : vector<16xf32>
        %add3A_575 = arith.addf %add3A_573, %mul3A_574 : vector<16xf32>
        %get3A_576 = arith.index_cast %scan3A_416 : i32 to index
        %get3A_577 = arith.constant 96 : index
        %get3A_578 = tpu.vector_load %arg11[%get3A_576, %get3A_577] {strides = array<i32>} : memref<40x128xi32, #tpu.memory_space<vmem>>, vector<16xi32>,
        %bitcast3A_579 = vector.bitcast %get3A_578 : vector<16xi32> to vector<32xbf16>
        %get3A_580 = arith.index_cast %scan3A_416 : i32 to index
        %get3A_581 = arith.constant 96 : index
        %get3A_582 = tpu.vector_load %arg12[%get3A_580, %get3A_581] {strides = array<i32>} : memref<40x128xi32, #tpu.memory_space<vmem>>, vector<16xi32>,
        %bitcast3A_583 = vector.bitcast %get3A_582 : vector<16xi32> to vector<32xbf16>
        %get3A_584 = arith.index_cast %scan3A_416 : i32 to index
        %get3A_585 = arith.constant 96 : index
        %get3A_586 = tpu.vector_load %arg13[%get3A_584, %get3A_585] {strides = array<i32>} : memref<40x128xi32, #tpu.memory_space<vmem>>, vector<16xi32>,
        %bitcast3A_587 = vector.bitcast %get3A_586 : vector<16xi32> to vector<32xbf16>
        %sub3A_588 = arith.subf %bitcast3A_579, %bitcast3A_583 : vector<32xbf16>
        %sub3A_589 = arith.subf %bitcast3A_579, %bitcast3A_587 : vector<32xbf16>
        %sub3A_590 = arith.subf %sub3A_588, %sub3A_589 : vector<32xbf16>
        %add3A_591 = arith.addf %sub3A_588, %sub3A_589 : vector<32xbf16>
        %bitcast3A_592 = vector.bitcast %sub3A_590 : vector<32xbf16> to vector<16xi32>
        %shift_left3A_593 = arith.shli %bitcast3A_592, %broadcast_in_dim3A_309 : vector<16xi32>
        %bitcast3A_594 = vector.bitcast %shift_left3A_593 : vector<16xi32> to vector<16xf32>
        %and3A_595 = arith.andi %bitcast3A_592, %broadcast_in_dim3A_307 : vector<16xi32>
        %bitcast3A_596 = vector.bitcast %and3A_595 : vector<16xi32> to vector<16xf32>
        %unpack3A_597 = tpu.unpack_subelements %add3A_591, 0 {pack_format = #tpu.pack_format<interleaved>} : vector<32xbf16> -> vector<16xf32>
        %unpack3A_598 = tpu.unpack_subelements %add3A_591, 1 {pack_format = #tpu.pack_format<interleaved>} : vector<32xbf16> -> vector<16xf32>
        %mul3A_599 = arith.mulf %bitcast3A_594, %unpack3A_597 : vector<16xf32>
        %add3A_600 = arith.addf %add3A_575, %mul3A_599 : vector<16xf32>
        %mul3A_601 = arith.mulf %bitcast3A_596, %unpack3A_598 : vector<16xf32>
        %add3A_602 = arith.addf %add3A_600, %mul3A_601 : vector<16xf32>
        %get3A_603 = arith.index_cast %scan3A_416 : i32 to index
        %get3A_604 = arith.constant 112 : index
        %get3A_605 = tpu.vector_load %arg11[%get3A_603, %get3A_604] {strides = array<i32>} : memref<40x128xi32, #tpu.memory_space<vmem>>, vector<16xi32>,
        %bitcast3A_606 = vector.bitcast %get3A_605 : vector<16xi32> to vector<32xbf16>
        %get3A_607 = arith.index_cast %scan3A_416 : i32 to index
        %get3A_608 = arith.constant 112 : index
        %get3A_609 = tpu.vector_load %arg12[%get3A_607, %get3A_608] {strides = array<i32>} : memref<40x128xi32, #tpu.memory_space<vmem>>, vector<16xi32>,
        %bitcast3A_610 = vector.bitcast %get3A_609 : vector<16xi32> to vector<32xbf16>
        %get3A_611 = arith.index_cast %scan3A_416 : i32 to index
        %get3A_612 = arith.constant 112 : index
        %get3A_613 = tpu.vector_load %arg13[%get3A_611, %get3A_612] {strides = array<i32>} : memref<40x128xi32, #tpu.memory_space<vmem>>, vector<16xi32>,
        %bitcast3A_614 = vector.bitcast %get3A_613 : vector<16xi32> to vector<32xbf16>
        %sub3A_615 = arith.subf %bitcast3A_606, %bitcast3A_610 : vector<32xbf16>
        %sub3A_616 = arith.subf %bitcast3A_606, %bitcast3A_614 : vector<32xbf16>
        %sub3A_617 = arith.subf %sub3A_615, %sub3A_616 : vector<32xbf16>
        %add3A_618 = arith.addf %sub3A_615, %sub3A_616 : vector<32xbf16>
        %bitcast3A_619 = vector.bitcast %sub3A_617 : vector<32xbf16> to vector<16xi32>
        %shift_left3A_620 = arith.shli %bitcast3A_619, %broadcast_in_dim3A_309 : vector<16xi32>
        %bitcast3A_621 = vector.bitcast %shift_left3A_620 : vector<16xi32> to vector<16xf32>
        %and3A_622 = arith.andi %bitcast3A_619, %broadcast_in_dim3A_307 : vector<16xi32>
        %bitcast3A_623 = vector.bitcast %and3A_622 : vector<16xi32> to vector<16xf32>
        %unpack3A_624 = tpu.unpack_subelements %add3A_618, 0 {pack_format = #tpu.pack_format<interleaved>} : vector<32xbf16> -> vector<16xf32>
        %unpack3A_625 = tpu.unpack_subelements %add3A_618, 1 {pack_format = #tpu.pack_format<interleaved>} : vector<32xbf16> -> vector<16xf32>
        %mul3A_626 = arith.mulf %bitcast3A_621, %unpack3A_624 : vector<16xf32>
        %add3A_627 = arith.addf %add3A_602, %mul3A_626 : vector<16xf32>
        %mul3A_628 = arith.mulf %bitcast3A_623, %unpack3A_625 : vector<16xf32>
        %add3A_629 = arith.addf %add3A_627, %mul3A_628 : vector<16xf32>
        %reduce_sum3A = arith.constant true
        %reduce_sum3A_630 = vector.broadcast %reduce_sum3A : i1 to vector<16xi1>
        %reduce_sum3A_631 = tpu.scan <sum>, %add3A_629 masked %reduce_sum3A_630 : vector<16xf32>, vector<16xi1> -> vector<16xf32>
        %reduce_sum3A_632 = vector.extract %reduce_sum3A_631[15] : f32 from vector<16xf32>
        %add3A_633 = arith.constant 1.000000e+00 : f32
        %add3A_634 = arith.addf %reduce_sum3A_632, %add3A_633 : f32
        %max3A = arith.constant 0.000000e+00 : f32
        %max3A_635 = arith.maximumf %add3A_634, %max3A : f32
        %add3A_636 = arith.addf %scan3A_417, %max3A_635 : f32
        scf.yield %add3A_636 : f32
      }
      %scan3A_315 = arith.constant 40 : i32
      %add3A_316 = arith.constant 2 : i32
      %add3A_317 = arith.addi %mul3A_215, %add3A_316 : i32
      %mul3A_318 = arith.constant 40 : i32
      %mul3A_319 = arith.muli %add3A_317, %mul3A_318 : i32
      %add3A_320 = arith.constant 5000 : i32
      %add3A_321 = arith.addi %add3A_320, %mul3A_319 : i32
      %add3A_322 = arith.constant 10000 : i32
      %add3A_323 = arith.addi %add3A_322, %mul3A_319 : i32
      %dma_wait3A_324 = tpu.memref_slice %arg7[%mul3A_319] : memref<15000xi32, #tpu.memory_space<vmem>> -> memref<40xi32, #tpu.memory_space<vmem>>
      %dma_wait3A_325 = arith.constant 0 : i32
      %dma_wait3A_326 = arith.constant 0 : i32
      %dma_wait3A_327 = tpu.memref_slice %arg2[%dma_wait3A_325, %dma_wait3A_326] : memref<10000x128xi32, #tpu.memory_space<hbm>> -> memref<10000x128xi32, #tpu.memory_space<hbm>>
      tpu.wait_indirect_dma semaphore(%arg23 : memref<!tpu.dma_semaphore, #tpu.memory_space<semaphore_mem>>) src(%dma_wait3A_327 : memref<10000x128xi32, #tpu.memory_space<hbm>>) dst(%arg14 : memref<40x128xi32, #tpu.memory_space<vmem>>)
      %dma_wait3A_328 = tpu.memref_slice %arg7[%add3A_321] : memref<15000xi32, #tpu.memory_space<vmem>> -> memref<40xi32, #tpu.memory_space<vmem>>
      %dma_wait3A_329 = arith.constant 0 : i32
      %dma_wait3A_330 = arith.constant 0 : i32
      %dma_wait3A_331 = tpu.memref_slice %arg3[%dma_wait3A_329, %dma_wait3A_330] : memref<10000x128xi32, #tpu.memory_space<hbm>> -> memref<10000x128xi32, #tpu.memory_space<hbm>>
      tpu.wait_indirect_dma semaphore(%arg23 : memref<!tpu.dma_semaphore, #tpu.memory_space<semaphore_mem>>) src(%dma_wait3A_331 : memref<10000x128xi32, #tpu.memory_space<hbm>>) dst(%arg15 : memref<40x128xi32, #tpu.memory_space<vmem>>)
      %dma_wait3A_332 = tpu.memref_slice %arg7[%add3A_323] : memref<15000xi32, #tpu.memory_space<vmem>> -> memref<40xi32, #tpu.memory_space<vmem>>
      %dma_wait3A_333 = arith.constant 0 : i32
      %dma_wait3A_334 = arith.constant 0 : i32
      %dma_wait3A_335 = tpu.memref_slice %arg4[%dma_wait3A_333, %dma_wait3A_334] : memref<10000x128xi32, #tpu.memory_space<hbm>> -> memref<10000x128xi32, #tpu.memory_space<hbm>>
      tpu.wait_indirect_dma semaphore(%arg23 : memref<!tpu.dma_semaphore, #tpu.memory_space<semaphore_mem>>) src(%dma_wait3A_335 : memref<10000x128xi32, #tpu.memory_space<hbm>>) dst(%arg16 : memref<40x128xi32, #tpu.memory_space<vmem>>)
      %add3A_336 = arith.constant 3 : i32
      %add3A_337 = arith.addi %add3A_317, %add3A_336 : i32
      %mul3A_338 = arith.constant 40 : i32
      %mul3A_339 = arith.muli %add3A_337, %mul3A_338 : i32
      %add3A_340 = arith.constant 5000 : i32
      %add3A_341 = arith.addi %add3A_340, %mul3A_339 : i32
      %add3A_342 = arith.constant 10000 : i32
      %add3A_343 = arith.addi %add3A_342, %mul3A_339 : i32
      %dma_start3A_344 = tpu.memref_slice %arg7[%mul3A_339] : memref<15000xi32, #tpu.memory_space<vmem>> -> memref<40xi32, #tpu.memory_space<vmem>>
      %dma_start3A_345 = arith.constant 0 : i32
      %dma_start3A_346 = arith.constant 0 : i32
      %dma_start3A_347 = tpu.memref_slice %arg2[%dma_start3A_345, %dma_start3A_346] : memref<10000x128xi32, #tpu.memory_space<hbm>> -> memref<10000x128xi32, #tpu.memory_space<hbm>>
      tpu.enqueue_indirect_dma source(%dma_start3A_347 : memref<10000x128xi32, #tpu.memory_space<hbm>>) target(%arg11 : memref<40x128xi32, #tpu.memory_space<vmem>>) offsets(%dma_start3A_344 : memref<40xi32, #tpu.memory_space<vmem>>) semaphore(%arg22 : memref<!tpu.dma_semaphore, #tpu.memory_space<semaphore_mem>>)
      %dma_start3A_348 = tpu.memref_slice %arg7[%add3A_341] : memref<15000xi32, #tpu.memory_space<vmem>> -> memref<40xi32, #tpu.memory_space<vmem>>
      %dma_start3A_349 = arith.constant 0 : i32
      %dma_start3A_350 = arith.constant 0 : i32
      %dma_start3A_351 = tpu.memref_slice %arg3[%dma_start3A_349, %dma_start3A_350] : memref<10000x128xi32, #tpu.memory_space<hbm>> -> memref<10000x128xi32, #tpu.memory_space<hbm>>
      tpu.enqueue_indirect_dma source(%dma_start3A_351 : memref<10000x128xi32, #tpu.memory_space<hbm>>) target(%arg12 : memref<40x128xi32, #tpu.memory_space<vmem>>) offsets(%dma_start3A_348 : memref<40xi32, #tpu.memory_space<vmem>>) semaphore(%arg22 : memref<!tpu.dma_semaphore, #tpu.memory_space<semaphore_mem>>)
      %dma_start3A_352 = tpu.memref_slice %arg7[%add3A_343] : memref<15000xi32, #tpu.memory_space<vmem>> -> memref<40xi32, #tpu.memory_space<vmem>>
      %dma_start3A_353 = arith.constant 0 : i32
      %dma_start3A_354 = arith.constant 0 : i32
      %dma_start3A_355 = tpu.memref_slice %arg4[%dma_start3A_353, %dma_start3A_354] : memref<10000x128xi32, #tpu.memory_space<hbm>> -> memref<10000x128xi32, #tpu.memory_space<hbm>>
      tpu.enqueue_indirect_dma source(%dma_start3A_355 : memref<10000x128xi32, #tpu.memory_space<hbm>>) target(%arg13 : memref<40x128xi32, #tpu.memory_space<vmem>>) offsets(%dma_start3A_352 : memref<40xi32, #tpu.memory_space<vmem>>) semaphore(%arg22 : memref<!tpu.dma_semaphore, #tpu.memory_space<semaphore_mem>>)
      %broadcast_in_dim3A_356 = arith.constant -65536 : i32
      %broadcast_in_dim3A_357 = vector.broadcast %broadcast_in_dim3A_356 : i32 to vector<16xi32>
      %broadcast_in_dim3A_358 = arith.constant 16 : i32
      %broadcast_in_dim3A_359 = vector.broadcast %broadcast_in_dim3A_358 : i32 to vector<16xi32>
      %scan3A_360 = arith.constant 0 : i32
      %scan3A_361 = arith.constant 40 : i32
      %scan3A_362 = arith.addi %scan3A_360, %scan3A_361 : i32
      %scan3A_363 = arith.constant 1 : i32
      %scan3A_364 = scf.for %scan3A_416 = %scan3A_360 to %scan3A_362 step %scan3A_363 iter_args(%scan3A_417 = %scan3A_314) -> (f32)  : i32 {
        %broadcast_in_dim3A_418 = arith.constant 0.000000e+00 : f32
        %broadcast_in_dim3A_419 = vector.broadcast %broadcast_in_dim3A_418 : f32 to vector<16xf32>
        %get3A = arith.index_cast %scan3A_416 : i32 to index
        %get3A_420 = arith.constant 0 : index
        %get3A_421 = tpu.vector_load %arg14[%get3A, %get3A_420] {strides = array<i32>} : memref<40x128xi32, #tpu.memory_space<vmem>>, vector<16xi32>,
        %bitcast3A = vector.bitcast %get3A_421 : vector<16xi32> to vector<32xbf16>
        %get3A_422 = arith.index_cast %scan3A_416 : i32 to index
        %get3A_423 = arith.constant 0 : index
        %get3A_424 = tpu.vector_load %arg15[%get3A_422, %get3A_423] {strides = array<i32>} : memref<40x128xi32, #tpu.memory_space<vmem>>, vector<16xi32>,
        %bitcast3A_425 = vector.bitcast %get3A_424 : vector<16xi32> to vector<32xbf16>
        %get3A_426 = arith.index_cast %scan3A_416 : i32 to index
        %get3A_427 = arith.constant 0 : index
        %get3A_428 = tpu.vector_load %arg16[%get3A_426, %get3A_427] {strides = array<i32>} : memref<40x128xi32, #tpu.memory_space<vmem>>, vector<16xi32>,
        %bitcast3A_429 = vector.bitcast %get3A_428 : vector<16xi32> to vector<32xbf16>
        %sub3A = arith.subf %bitcast3A, %bitcast3A_425 : vector<32xbf16>
        %sub3A_430 = arith.subf %bitcast3A, %bitcast3A_429 : vector<32xbf16>
        %sub3A_431 = arith.subf %sub3A, %sub3A_430 : vector<32xbf16>
        %add3A_432 = arith.addf %sub3A, %sub3A_430 : vector<32xbf16>
        %bitcast3A_433 = vector.bitcast %sub3A_431 : vector<32xbf16> to vector<16xi32>
        %shift_left3A = arith.shli %bitcast3A_433, %broadcast_in_dim3A_359 : vector<16xi32>
        %bitcast3A_434 = vector.bitcast %shift_left3A : vector<16xi32> to vector<16xf32>
        %and3A = arith.andi %bitcast3A_433, %broadcast_in_dim3A_357 : vector<16xi32>
        %bitcast3A_435 = vector.bitcast %and3A : vector<16xi32> to vector<16xf32>
        %unpack3A = tpu.unpack_subelements %add3A_432, 0 {pack_format = #tpu.pack_format<interleaved>} : vector<32xbf16> -> vector<16xf32>
        %unpack3A_436 = tpu.unpack_subelements %add3A_432, 1 {pack_format = #tpu.pack_format<interleaved>} : vector<32xbf16> -> vector<16xf32>
        %mul3A_437 = arith.mulf %bitcast3A_434, %unpack3A : vector<16xf32>
        %add3A_438 = arith.addf %broadcast_in_dim3A_419, %mul3A_437 : vector<16xf32>
        %mul3A_439 = arith.mulf %bitcast3A_435, %unpack3A_436 : vector<16xf32>
        %add3A_440 = arith.addf %add3A_438, %mul3A_439 : vector<16xf32>
        %get3A_441 = arith.index_cast %scan3A_416 : i32 to index
        %get3A_442 = arith.constant 16 : index
        %get3A_443 = tpu.vector_load %arg14[%get3A_441, %get3A_442] {strides = array<i32>} : memref<40x128xi32, #tpu.memory_space<vmem>>, vector<16xi32>,
        %bitcast3A_444 = vector.bitcast %get3A_443 : vector<16xi32> to vector<32xbf16>
        %get3A_445 = arith.index_cast %scan3A_416 : i32 to index
        %get3A_446 = arith.constant 16 : index
        %get3A_447 = tpu.vector_load %arg15[%get3A_445, %get3A_446] {strides = array<i32>} : memref<40x128xi32, #tpu.memory_space<vmem>>, vector<16xi32>,
        %bitcast3A_448 = vector.bitcast %get3A_447 : vector<16xi32> to vector<32xbf16>
        %get3A_449 = arith.index_cast %scan3A_416 : i32 to index
        %get3A_450 = arith.constant 16 : index
        %get3A_451 = tpu.vector_load %arg16[%get3A_449, %get3A_450] {strides = array<i32>} : memref<40x128xi32, #tpu.memory_space<vmem>>, vector<16xi32>,
        %bitcast3A_452 = vector.bitcast %get3A_451 : vector<16xi32> to vector<32xbf16>
        %sub3A_453 = arith.subf %bitcast3A_444, %bitcast3A_448 : vector<32xbf16>
        %sub3A_454 = arith.subf %bitcast3A_444, %bitcast3A_452 : vector<32xbf16>
        %sub3A_455 = arith.subf %sub3A_453, %sub3A_454 : vector<32xbf16>
        %add3A_456 = arith.addf %sub3A_453, %sub3A_454 : vector<32xbf16>
        %bitcast3A_457 = vector.bitcast %sub3A_455 : vector<32xbf16> to vector<16xi32>
        %shift_left3A_458 = arith.shli %bitcast3A_457, %broadcast_in_dim3A_359 : vector<16xi32>
        %bitcast3A_459 = vector.bitcast %shift_left3A_458 : vector<16xi32> to vector<16xf32>
        %and3A_460 = arith.andi %bitcast3A_457, %broadcast_in_dim3A_357 : vector<16xi32>
        %bitcast3A_461 = vector.bitcast %and3A_460 : vector<16xi32> to vector<16xf32>
        %unpack3A_462 = tpu.unpack_subelements %add3A_456, 0 {pack_format = #tpu.pack_format<interleaved>} : vector<32xbf16> -> vector<16xf32>
        %unpack3A_463 = tpu.unpack_subelements %add3A_456, 1 {pack_format = #tpu.pack_format<interleaved>} : vector<32xbf16> -> vector<16xf32>
        %mul3A_464 = arith.mulf %bitcast3A_459, %unpack3A_462 : vector<16xf32>
        %add3A_465 = arith.addf %add3A_440, %mul3A_464 : vector<16xf32>
        %mul3A_466 = arith.mulf %bitcast3A_461, %unpack3A_463 : vector<16xf32>
        %add3A_467 = arith.addf %add3A_465, %mul3A_466 : vector<16xf32>
        %get3A_468 = arith.index_cast %scan3A_416 : i32 to index
        %get3A_469 = arith.constant 32 : index
        %get3A_470 = tpu.vector_load %arg14[%get3A_468, %get3A_469] {strides = array<i32>} : memref<40x128xi32, #tpu.memory_space<vmem>>, vector<16xi32>,
        %bitcast3A_471 = vector.bitcast %get3A_470 : vector<16xi32> to vector<32xbf16>
        %get3A_472 = arith.index_cast %scan3A_416 : i32 to index
        %get3A_473 = arith.constant 32 : index
        %get3A_474 = tpu.vector_load %arg15[%get3A_472, %get3A_473] {strides = array<i32>} : memref<40x128xi32, #tpu.memory_space<vmem>>, vector<16xi32>,
        %bitcast3A_475 = vector.bitcast %get3A_474 : vector<16xi32> to vector<32xbf16>
        %get3A_476 = arith.index_cast %scan3A_416 : i32 to index
        %get3A_477 = arith.constant 32 : index
        %get3A_478 = tpu.vector_load %arg16[%get3A_476, %get3A_477] {strides = array<i32>} : memref<40x128xi32, #tpu.memory_space<vmem>>, vector<16xi32>,
        %bitcast3A_479 = vector.bitcast %get3A_478 : vector<16xi32> to vector<32xbf16>
        %sub3A_480 = arith.subf %bitcast3A_471, %bitcast3A_475 : vector<32xbf16>
        %sub3A_481 = arith.subf %bitcast3A_471, %bitcast3A_479 : vector<32xbf16>
        %sub3A_482 = arith.subf %sub3A_480, %sub3A_481 : vector<32xbf16>
        %add3A_483 = arith.addf %sub3A_480, %sub3A_481 : vector<32xbf16>
        %bitcast3A_484 = vector.bitcast %sub3A_482 : vector<32xbf16> to vector<16xi32>
        %shift_left3A_485 = arith.shli %bitcast3A_484, %broadcast_in_dim3A_359 : vector<16xi32>
        %bitcast3A_486 = vector.bitcast %shift_left3A_485 : vector<16xi32> to vector<16xf32>
        %and3A_487 = arith.andi %bitcast3A_484, %broadcast_in_dim3A_357 : vector<16xi32>
        %bitcast3A_488 = vector.bitcast %and3A_487 : vector<16xi32> to vector<16xf32>
        %unpack3A_489 = tpu.unpack_subelements %add3A_483, 0 {pack_format = #tpu.pack_format<interleaved>} : vector<32xbf16> -> vector<16xf32>
        %unpack3A_490 = tpu.unpack_subelements %add3A_483, 1 {pack_format = #tpu.pack_format<interleaved>} : vector<32xbf16> -> vector<16xf32>
        %mul3A_491 = arith.mulf %bitcast3A_486, %unpack3A_489 : vector<16xf32>
        %add3A_492 = arith.addf %add3A_467, %mul3A_491 : vector<16xf32>
        %mul3A_493 = arith.mulf %bitcast3A_488, %unpack3A_490 : vector<16xf32>
        %add3A_494 = arith.addf %add3A_492, %mul3A_493 : vector<16xf32>
        %get3A_495 = arith.index_cast %scan3A_416 : i32 to index
        %get3A_496 = arith.constant 48 : index
        %get3A_497 = tpu.vector_load %arg14[%get3A_495, %get3A_496] {strides = array<i32>} : memref<40x128xi32, #tpu.memory_space<vmem>>, vector<16xi32>,
        %bitcast3A_498 = vector.bitcast %get3A_497 : vector<16xi32> to vector<32xbf16>
        %get3A_499 = arith.index_cast %scan3A_416 : i32 to index
        %get3A_500 = arith.constant 48 : index
        %get3A_501 = tpu.vector_load %arg15[%get3A_499, %get3A_500] {strides = array<i32>} : memref<40x128xi32, #tpu.memory_space<vmem>>, vector<16xi32>,
        %bitcast3A_502 = vector.bitcast %get3A_501 : vector<16xi32> to vector<32xbf16>
        %get3A_503 = arith.index_cast %scan3A_416 : i32 to index
        %get3A_504 = arith.constant 48 : index
        %get3A_505 = tpu.vector_load %arg16[%get3A_503, %get3A_504] {strides = array<i32>} : memref<40x128xi32, #tpu.memory_space<vmem>>, vector<16xi32>,
        %bitcast3A_506 = vector.bitcast %get3A_505 : vector<16xi32> to vector<32xbf16>
        %sub3A_507 = arith.subf %bitcast3A_498, %bitcast3A_502 : vector<32xbf16>
        %sub3A_508 = arith.subf %bitcast3A_498, %bitcast3A_506 : vector<32xbf16>
        %sub3A_509 = arith.subf %sub3A_507, %sub3A_508 : vector<32xbf16>
        %add3A_510 = arith.addf %sub3A_507, %sub3A_508 : vector<32xbf16>
        %bitcast3A_511 = vector.bitcast %sub3A_509 : vector<32xbf16> to vector<16xi32>
        %shift_left3A_512 = arith.shli %bitcast3A_511, %broadcast_in_dim3A_359 : vector<16xi32>
        %bitcast3A_513 = vector.bitcast %shift_left3A_512 : vector<16xi32> to vector<16xf32>
        %and3A_514 = arith.andi %bitcast3A_511, %broadcast_in_dim3A_357 : vector<16xi32>
        %bitcast3A_515 = vector.bitcast %and3A_514 : vector<16xi32> to vector<16xf32>
        %unpack3A_516 = tpu.unpack_subelements %add3A_510, 0 {pack_format = #tpu.pack_format<interleaved>} : vector<32xbf16> -> vector<16xf32>
        %unpack3A_517 = tpu.unpack_subelements %add3A_510, 1 {pack_format = #tpu.pack_format<interleaved>} : vector<32xbf16> -> vector<16xf32>
        %mul3A_518 = arith.mulf %bitcast3A_513, %unpack3A_516 : vector<16xf32>
        %add3A_519 = arith.addf %add3A_494, %mul3A_518 : vector<16xf32>
        %mul3A_520 = arith.mulf %bitcast3A_515, %unpack3A_517 : vector<16xf32>
        %add3A_521 = arith.addf %add3A_519, %mul3A_520 : vector<16xf32>
        %get3A_522 = arith.index_cast %scan3A_416 : i32 to index
        %get3A_523 = arith.constant 64 : index
        %get3A_524 = tpu.vector_load %arg14[%get3A_522, %get3A_523] {strides = array<i32>} : memref<40x128xi32, #tpu.memory_space<vmem>>, vector<16xi32>,
        %bitcast3A_525 = vector.bitcast %get3A_524 : vector<16xi32> to vector<32xbf16>
        %get3A_526 = arith.index_cast %scan3A_416 : i32 to index
        %get3A_527 = arith.constant 64 : index
        %get3A_528 = tpu.vector_load %arg15[%get3A_526, %get3A_527] {strides = array<i32>} : memref<40x128xi32, #tpu.memory_space<vmem>>, vector<16xi32>,
        %bitcast3A_529 = vector.bitcast %get3A_528 : vector<16xi32> to vector<32xbf16>
        %get3A_530 = arith.index_cast %scan3A_416 : i32 to index
        %get3A_531 = arith.constant 64 : index
        %get3A_532 = tpu.vector_load %arg16[%get3A_530, %get3A_531] {strides = array<i32>} : memref<40x128xi32, #tpu.memory_space<vmem>>, vector<16xi32>,
        %bitcast3A_533 = vector.bitcast %get3A_532 : vector<16xi32> to vector<32xbf16>
        %sub3A_534 = arith.subf %bitcast3A_525, %bitcast3A_529 : vector<32xbf16>
        %sub3A_535 = arith.subf %bitcast3A_525, %bitcast3A_533 : vector<32xbf16>
        %sub3A_536 = arith.subf %sub3A_534, %sub3A_535 : vector<32xbf16>
        %add3A_537 = arith.addf %sub3A_534, %sub3A_535 : vector<32xbf16>
        %bitcast3A_538 = vector.bitcast %sub3A_536 : vector<32xbf16> to vector<16xi32>
        %shift_left3A_539 = arith.shli %bitcast3A_538, %broadcast_in_dim3A_359 : vector<16xi32>
        %bitcast3A_540 = vector.bitcast %shift_left3A_539 : vector<16xi32> to vector<16xf32>
        %and3A_541 = arith.andi %bitcast3A_538, %broadcast_in_dim3A_357 : vector<16xi32>
        %bitcast3A_542 = vector.bitcast %and3A_541 : vector<16xi32> to vector<16xf32>
        %unpack3A_543 = tpu.unpack_subelements %add3A_537, 0 {pack_format = #tpu.pack_format<interleaved>} : vector<32xbf16> -> vector<16xf32>
        %unpack3A_544 = tpu.unpack_subelements %add3A_537, 1 {pack_format = #tpu.pack_format<interleaved>} : vector<32xbf16> -> vector<16xf32>
        %mul3A_545 = arith.mulf %bitcast3A_540, %unpack3A_543 : vector<16xf32>
        %add3A_546 = arith.addf %add3A_521, %mul3A_545 : vector<16xf32>
        %mul3A_547 = arith.mulf %bitcast3A_542, %unpack3A_544 : vector<16xf32>
        %add3A_548 = arith.addf %add3A_546, %mul3A_547 : vector<16xf32>
        %get3A_549 = arith.index_cast %scan3A_416 : i32 to index
        %get3A_550 = arith.constant 80 : index
        %get3A_551 = tpu.vector_load %arg14[%get3A_549, %get3A_550] {strides = array<i32>} : memref<40x128xi32, #tpu.memory_space<vmem>>, vector<16xi32>,
        %bitcast3A_552 = vector.bitcast %get3A_551 : vector<16xi32> to vector<32xbf16>
        %get3A_553 = arith.index_cast %scan3A_416 : i32 to index
        %get3A_554 = arith.constant 80 : index
        %get3A_555 = tpu.vector_load %arg15[%get3A_553, %get3A_554] {strides = array<i32>} : memref<40x128xi32, #tpu.memory_space<vmem>>, vector<16xi32>,
        %bitcast3A_556 = vector.bitcast %get3A_555 : vector<16xi32> to vector<32xbf16>
        %get3A_557 = arith.index_cast %scan3A_416 : i32 to index
        %get3A_558 = arith.constant 80 : index
        %get3A_559 = tpu.vector_load %arg16[%get3A_557, %get3A_558] {strides = array<i32>} : memref<40x128xi32, #tpu.memory_space<vmem>>, vector<16xi32>,
        %bitcast3A_560 = vector.bitcast %get3A_559 : vector<16xi32> to vector<32xbf16>
        %sub3A_561 = arith.subf %bitcast3A_552, %bitcast3A_556 : vector<32xbf16>
        %sub3A_562 = arith.subf %bitcast3A_552, %bitcast3A_560 : vector<32xbf16>
        %sub3A_563 = arith.subf %sub3A_561, %sub3A_562 : vector<32xbf16>
        %add3A_564 = arith.addf %sub3A_561, %sub3A_562 : vector<32xbf16>
        %bitcast3A_565 = vector.bitcast %sub3A_563 : vector<32xbf16> to vector<16xi32>
        %shift_left3A_566 = arith.shli %bitcast3A_565, %broadcast_in_dim3A_359 : vector<16xi32>
        %bitcast3A_567 = vector.bitcast %shift_left3A_566 : vector<16xi32> to vector<16xf32>
        %and3A_568 = arith.andi %bitcast3A_565, %broadcast_in_dim3A_357 : vector<16xi32>
        %bitcast3A_569 = vector.bitcast %and3A_568 : vector<16xi32> to vector<16xf32>
        %unpack3A_570 = tpu.unpack_subelements %add3A_564, 0 {pack_format = #tpu.pack_format<interleaved>} : vector<32xbf16> -> vector<16xf32>
        %unpack3A_571 = tpu.unpack_subelements %add3A_564, 1 {pack_format = #tpu.pack_format<interleaved>} : vector<32xbf16> -> vector<16xf32>
        %mul3A_572 = arith.mulf %bitcast3A_567, %unpack3A_570 : vector<16xf32>
        %add3A_573 = arith.addf %add3A_548, %mul3A_572 : vector<16xf32>
        %mul3A_574 = arith.mulf %bitcast3A_569, %unpack3A_571 : vector<16xf32>
        %add3A_575 = arith.addf %add3A_573, %mul3A_574 : vector<16xf32>
        %get3A_576 = arith.index_cast %scan3A_416 : i32 to index
        %get3A_577 = arith.constant 96 : index
        %get3A_578 = tpu.vector_load %arg14[%get3A_576, %get3A_577] {strides = array<i32>} : memref<40x128xi32, #tpu.memory_space<vmem>>, vector<16xi32>,
        %bitcast3A_579 = vector.bitcast %get3A_578 : vector<16xi32> to vector<32xbf16>
        %get3A_580 = arith.index_cast %scan3A_416 : i32 to index
        %get3A_581 = arith.constant 96 : index
        %get3A_582 = tpu.vector_load %arg15[%get3A_580, %get3A_581] {strides = array<i32>} : memref<40x128xi32, #tpu.memory_space<vmem>>, vector<16xi32>,
        %bitcast3A_583 = vector.bitcast %get3A_582 : vector<16xi32> to vector<32xbf16>
        %get3A_584 = arith.index_cast %scan3A_416 : i32 to index
        %get3A_585 = arith.constant 96 : index
        %get3A_586 = tpu.vector_load %arg16[%get3A_584, %get3A_585] {strides = array<i32>} : memref<40x128xi32, #tpu.memory_space<vmem>>, vector<16xi32>,
        %bitcast3A_587 = vector.bitcast %get3A_586 : vector<16xi32> to vector<32xbf16>
        %sub3A_588 = arith.subf %bitcast3A_579, %bitcast3A_583 : vector<32xbf16>
        %sub3A_589 = arith.subf %bitcast3A_579, %bitcast3A_587 : vector<32xbf16>
        %sub3A_590 = arith.subf %sub3A_588, %sub3A_589 : vector<32xbf16>
        %add3A_591 = arith.addf %sub3A_588, %sub3A_589 : vector<32xbf16>
        %bitcast3A_592 = vector.bitcast %sub3A_590 : vector<32xbf16> to vector<16xi32>
        %shift_left3A_593 = arith.shli %bitcast3A_592, %broadcast_in_dim3A_359 : vector<16xi32>
        %bitcast3A_594 = vector.bitcast %shift_left3A_593 : vector<16xi32> to vector<16xf32>
        %and3A_595 = arith.andi %bitcast3A_592, %broadcast_in_dim3A_357 : vector<16xi32>
        %bitcast3A_596 = vector.bitcast %and3A_595 : vector<16xi32> to vector<16xf32>
        %unpack3A_597 = tpu.unpack_subelements %add3A_591, 0 {pack_format = #tpu.pack_format<interleaved>} : vector<32xbf16> -> vector<16xf32>
        %unpack3A_598 = tpu.unpack_subelements %add3A_591, 1 {pack_format = #tpu.pack_format<interleaved>} : vector<32xbf16> -> vector<16xf32>
        %mul3A_599 = arith.mulf %bitcast3A_594, %unpack3A_597 : vector<16xf32>
        %add3A_600 = arith.addf %add3A_575, %mul3A_599 : vector<16xf32>
        %mul3A_601 = arith.mulf %bitcast3A_596, %unpack3A_598 : vector<16xf32>
        %add3A_602 = arith.addf %add3A_600, %mul3A_601 : vector<16xf32>
        %get3A_603 = arith.index_cast %scan3A_416 : i32 to index
        %get3A_604 = arith.constant 112 : index
        %get3A_605 = tpu.vector_load %arg14[%get3A_603, %get3A_604] {strides = array<i32>} : memref<40x128xi32, #tpu.memory_space<vmem>>, vector<16xi32>,
        %bitcast3A_606 = vector.bitcast %get3A_605 : vector<16xi32> to vector<32xbf16>
        %get3A_607 = arith.index_cast %scan3A_416 : i32 to index
        %get3A_608 = arith.constant 112 : index
        %get3A_609 = tpu.vector_load %arg15[%get3A_607, %get3A_608] {strides = array<i32>} : memref<40x128xi32, #tpu.memory_space<vmem>>, vector<16xi32>,
        %bitcast3A_610 = vector.bitcast %get3A_609 : vector<16xi32> to vector<32xbf16>
        %get3A_611 = arith.index_cast %scan3A_416 : i32 to index
        %get3A_612 = arith.constant 112 : index
        %get3A_613 = tpu.vector_load %arg16[%get3A_611, %get3A_612] {strides = array<i32>} : memref<40x128xi32, #tpu.memory_space<vmem>>, vector<16xi32>,
        %bitcast3A_614 = vector.bitcast %get3A_613 : vector<16xi32> to vector<32xbf16>
        %sub3A_615 = arith.subf %bitcast3A_606, %bitcast3A_610 : vector<32xbf16>
        %sub3A_616 = arith.subf %bitcast3A_606, %bitcast3A_614 : vector<32xbf16>
        %sub3A_617 = arith.subf %sub3A_615, %sub3A_616 : vector<32xbf16>
        %add3A_618 = arith.addf %sub3A_615, %sub3A_616 : vector<32xbf16>
        %bitcast3A_619 = vector.bitcast %sub3A_617 : vector<32xbf16> to vector<16xi32>
        %shift_left3A_620 = arith.shli %bitcast3A_619, %broadcast_in_dim3A_359 : vector<16xi32>
        %bitcast3A_621 = vector.bitcast %shift_left3A_620 : vector<16xi32> to vector<16xf32>
        %and3A_622 = arith.andi %bitcast3A_619, %broadcast_in_dim3A_357 : vector<16xi32>
        %bitcast3A_623 = vector.bitcast %and3A_622 : vector<16xi32> to vector<16xf32>
        %unpack3A_624 = tpu.unpack_subelements %add3A_618, 0 {pack_format = #tpu.pack_format<interleaved>} : vector<32xbf16> -> vector<16xf32>
        %unpack3A_625 = tpu.unpack_subelements %add3A_618, 1 {pack_format = #tpu.pack_format<interleaved>} : vector<32xbf16> -> vector<16xf32>
        %mul3A_626 = arith.mulf %bitcast3A_621, %unpack3A_624 : vector<16xf32>
        %add3A_627 = arith.addf %add3A_602, %mul3A_626 : vector<16xf32>
        %mul3A_628 = arith.mulf %bitcast3A_623, %unpack3A_625 : vector<16xf32>
        %add3A_629 = arith.addf %add3A_627, %mul3A_628 : vector<16xf32>
        %reduce_sum3A = arith.constant true
        %reduce_sum3A_630 = vector.broadcast %reduce_sum3A : i1 to vector<16xi1>
        %reduce_sum3A_631 = tpu.scan <sum>, %add3A_629 masked %reduce_sum3A_630 : vector<16xf32>, vector<16xi1> -> vector<16xf32>
        %reduce_sum3A_632 = vector.extract %reduce_sum3A_631[15] : f32 from vector<16xf32>
        %add3A_633 = arith.constant 1.000000e+00 : f32
        %add3A_634 = arith.addf %reduce_sum3A_632, %add3A_633 : f32
        %max3A = arith.constant 0.000000e+00 : f32
        %max3A_635 = arith.maximumf %add3A_634, %max3A : f32
        %add3A_636 = arith.addf %scan3A_417, %max3A_635 : f32
        scf.yield %add3A_636 : f32
      }
      %scan3A_365 = arith.constant 40 : i32
      %add3A_366 = arith.constant 3 : i32
      %add3A_367 = arith.addi %mul3A_215, %add3A_366 : i32
      %mul3A_368 = arith.constant 40 : i32
      %mul3A_369 = arith.muli %add3A_367, %mul3A_368 : i32
      %add3A_370 = arith.constant 5000 : i32
      %add3A_371 = arith.addi %add3A_370, %mul3A_369 : i32
      %add3A_372 = arith.constant 10000 : i32
      %add3A_373 = arith.addi %add3A_372, %mul3A_369 : i32
      %dma_wait3A_374 = tpu.memref_slice %arg7[%mul3A_369] : memref<15000xi32, #tpu.memory_space<vmem>> -> memref<40xi32, #tpu.memory_space<vmem>>
      %dma_wait3A_375 = arith.constant 0 : i32
      %dma_wait3A_376 = arith.constant 0 : i32
      %dma_wait3A_377 = tpu.memref_slice %arg2[%dma_wait3A_375, %dma_wait3A_376] : memref<10000x128xi32, #tpu.memory_space<hbm>> -> memref<10000x128xi32, #tpu.memory_space<hbm>>
      tpu.wait_indirect_dma semaphore(%arg24 : memref<!tpu.dma_semaphore, #tpu.memory_space<semaphore_mem>>) src(%dma_wait3A_377 : memref<10000x128xi32, #tpu.memory_space<hbm>>) dst(%arg17 : memref<40x128xi32, #tpu.memory_space<vmem>>)
      %dma_wait3A_378 = tpu.memref_slice %arg7[%add3A_371] : memref<15000xi32, #tpu.memory_space<vmem>> -> memref<40xi32, #tpu.memory_space<vmem>>
      %dma_wait3A_379 = arith.constant 0 : i32
      %dma_wait3A_380 = arith.constant 0 : i32
      %dma_wait3A_381 = tpu.memref_slice %arg3[%dma_wait3A_379, %dma_wait3A_380] : memref<10000x128xi32, #tpu.memory_space<hbm>> -> memref<10000x128xi32, #tpu.memory_space<hbm>>
      tpu.wait_indirect_dma semaphore(%arg24 : memref<!tpu.dma_semaphore, #tpu.memory_space<semaphore_mem>>) src(%dma_wait3A_381 : memref<10000x128xi32, #tpu.memory_space<hbm>>) dst(%arg18 : memref<40x128xi32, #tpu.memory_space<vmem>>)
      %dma_wait3A_382 = tpu.memref_slice %arg7[%add3A_373] : memref<15000xi32, #tpu.memory_space<vmem>> -> memref<40xi32, #tpu.memory_space<vmem>>
      %dma_wait3A_383 = arith.constant 0 : i32
      %dma_wait3A_384 = arith.constant 0 : i32
      %dma_wait3A_385 = tpu.memref_slice %arg4[%dma_wait3A_383, %dma_wait3A_384] : memref<10000x128xi32, #tpu.memory_space<hbm>> -> memref<10000x128xi32, #tpu.memory_space<hbm>>
      tpu.wait_indirect_dma semaphore(%arg24 : memref<!tpu.dma_semaphore, #tpu.memory_space<semaphore_mem>>) src(%dma_wait3A_385 : memref<10000x128xi32, #tpu.memory_space<hbm>>) dst(%arg19 : memref<40x128xi32, #tpu.memory_space<vmem>>)
      %add3A_386 = arith.constant 3 : i32
      %add3A_387 = arith.addi %add3A_367, %add3A_386 : i32
      %mul3A_388 = arith.constant 40 : i32
      %mul3A_389 = arith.muli %add3A_387, %mul3A_388 : i32
      %add3A_390 = arith.constant 5000 : i32
      %add3A_391 = arith.addi %add3A_390, %mul3A_389 : i32
      %add3A_392 = arith.constant 10000 : i32
      %add3A_393 = arith.addi %add3A_392, %mul3A_389 : i32
      %dma_start3A_394 = tpu.memref_slice %arg7[%mul3A_389] : memref<15000xi32, #tpu.memory_space<vmem>> -> memref<40xi32, #tpu.memory_space<vmem>>
      %dma_start3A_395 = arith.constant 0 : i32
      %dma_start3A_396 = arith.constant 0 : i32
      %dma_start3A_397 = tpu.memref_slice %arg2[%dma_start3A_395, %dma_start3A_396] : memref<10000x128xi32, #tpu.memory_space<hbm>> -> memref<10000x128xi32, #tpu.memory_space<hbm>>
      tpu.enqueue_indirect_dma source(%dma_start3A_397 : memref<10000x128xi32, #tpu.memory_space<hbm>>) target(%arg14 : memref<40x128xi32, #tpu.memory_space<vmem>>) offsets(%dma_start3A_394 : memref<40xi32, #tpu.memory_space<vmem>>) semaphore(%arg23 : memref<!tpu.dma_semaphore, #tpu.memory_space<semaphore_mem>>)
      %dma_start3A_398 = tpu.memref_slice %arg7[%add3A_391] : memref<15000xi32, #tpu.memory_space<vmem>> -> memref<40xi32, #tpu.memory_space<vmem>>
      %dma_start3A_399 = arith.constant 0 : i32
      %dma_start3A_400 = arith.constant 0 : i32
      %dma_start3A_401 = tpu.memref_slice %arg3[%dma_start3A_399, %dma_start3A_400] : memref<10000x128xi32, #tpu.memory_space<hbm>> -> memref<10000x128xi32, #tpu.memory_space<hbm>>
      tpu.enqueue_indirect_dma source(%dma_start3A_401 : memref<10000x128xi32, #tpu.memory_space<hbm>>) target(%arg15 : memref<40x128xi32, #tpu.memory_space<vmem>>) offsets(%dma_start3A_398 : memref<40xi32, #tpu.memory_space<vmem>>) semaphore(%arg23 : memref<!tpu.dma_semaphore, #tpu.memory_space<semaphore_mem>>)
      %dma_start3A_402 = tpu.memref_slice %arg7[%add3A_393] : memref<15000xi32, #tpu.memory_space<vmem>> -> memref<40xi32, #tpu.memory_space<vmem>>
      %dma_start3A_403 = arith.constant 0 : i32
      %dma_start3A_404 = arith.constant 0 : i32
      %dma_start3A_405 = tpu.memref_slice %arg4[%dma_start3A_403, %dma_start3A_404] : memref<10000x128xi32, #tpu.memory_space<hbm>> -> memref<10000x128xi32, #tpu.memory_space<hbm>>
      tpu.enqueue_indirect_dma source(%dma_start3A_405 : memref<10000x128xi32, #tpu.memory_space<hbm>>) target(%arg16 : memref<40x128xi32, #tpu.memory_space<vmem>>) offsets(%dma_start3A_402 : memref<40xi32, #tpu.memory_space<vmem>>) semaphore(%arg23 : memref<!tpu.dma_semaphore, #tpu.memory_space<semaphore_mem>>)
      %broadcast_in_dim3A_406 = arith.constant -65536 : i32
      %broadcast_in_dim3A_407 = vector.broadcast %broadcast_in_dim3A_406 : i32 to vector<16xi32>
      %broadcast_in_dim3A_408 = arith.constant 16 : i32
      %broadcast_in_dim3A_409 = vector.broadcast %broadcast_in_dim3A_408 : i32 to vector<16xi32>
      %scan3A_410 = arith.constant 0 : i32
      %scan3A_411 = arith.constant 40 : i32
      %scan3A_412 = arith.addi %scan3A_410, %scan3A_411 : i32
      %scan3A_413 = arith.constant 1 : i32
      %scan3A_414 = scf.for %scan3A_416 = %scan3A_410 to %scan3A_412 step %scan3A_413 iter_args(%scan3A_417 = %scan3A_364) -> (f32)  : i32 {
        %broadcast_in_dim3A_418 = arith.constant 0.000000e+00 : f32
        %broadcast_in_dim3A_419 = vector.broadcast %broadcast_in_dim3A_418 : f32 to vector<16xf32>
        %get3A = arith.index_cast %scan3A_416 : i32 to index
        %get3A_420 = arith.constant 0 : index
        %get3A_421 = tpu.vector_load %arg17[%get3A, %get3A_420] {strides = array<i32>} : memref<40x128xi32, #tpu.memory_space<vmem>>, vector<16xi32>,
        %bitcast3A = vector.bitcast %get3A_421 : vector<16xi32> to vector<32xbf16>
        %get3A_422 = arith.index_cast %scan3A_416 : i32 to index
        %get3A_423 = arith.constant 0 : index
        %get3A_424 = tpu.vector_load %arg18[%get3A_422, %get3A_423] {strides = array<i32>} : memref<40x128xi32, #tpu.memory_space<vmem>>, vector<16xi32>,
        %bitcast3A_425 = vector.bitcast %get3A_424 : vector<16xi32> to vector<32xbf16>
        %get3A_426 = arith.index_cast %scan3A_416 : i32 to index
        %get3A_427 = arith.constant 0 : index
        %get3A_428 = tpu.vector_load %arg19[%get3A_426, %get3A_427] {strides = array<i32>} : memref<40x128xi32, #tpu.memory_space<vmem>>, vector<16xi32>,
        %bitcast3A_429 = vector.bitcast %get3A_428 : vector<16xi32> to vector<32xbf16>
        %sub3A = arith.subf %bitcast3A, %bitcast3A_425 : vector<32xbf16>
        %sub3A_430 = arith.subf %bitcast3A, %bitcast3A_429 : vector<32xbf16>
        %sub3A_431 = arith.subf %sub3A, %sub3A_430 : vector<32xbf16>
        %add3A_432 = arith.addf %sub3A, %sub3A_430 : vector<32xbf16>
        %bitcast3A_433 = vector.bitcast %sub3A_431 : vector<32xbf16> to vector<16xi32>
        %shift_left3A = arith.shli %bitcast3A_433, %broadcast_in_dim3A_409 : vector<16xi32>
        %bitcast3A_434 = vector.bitcast %shift_left3A : vector<16xi32> to vector<16xf32>
        %and3A = arith.andi %bitcast3A_433, %broadcast_in_dim3A_407 : vector<16xi32>
        %bitcast3A_435 = vector.bitcast %and3A : vector<16xi32> to vector<16xf32>
        %unpack3A = tpu.unpack_subelements %add3A_432, 0 {pack_format = #tpu.pack_format<interleaved>} : vector<32xbf16> -> vector<16xf32>
        %unpack3A_436 = tpu.unpack_subelements %add3A_432, 1 {pack_format = #tpu.pack_format<interleaved>} : vector<32xbf16> -> vector<16xf32>
        %mul3A_437 = arith.mulf %bitcast3A_434, %unpack3A : vector<16xf32>
        %add3A_438 = arith.addf %broadcast_in_dim3A_419, %mul3A_437 : vector<16xf32>
        %mul3A_439 = arith.mulf %bitcast3A_435, %unpack3A_436 : vector<16xf32>
        %add3A_440 = arith.addf %add3A_438, %mul3A_439 : vector<16xf32>
        %get3A_441 = arith.index_cast %scan3A_416 : i32 to index
        %get3A_442 = arith.constant 16 : index
        %get3A_443 = tpu.vector_load %arg17[%get3A_441, %get3A_442] {strides = array<i32>} : memref<40x128xi32, #tpu.memory_space<vmem>>, vector<16xi32>,
        %bitcast3A_444 = vector.bitcast %get3A_443 : vector<16xi32> to vector<32xbf16>
        %get3A_445 = arith.index_cast %scan3A_416 : i32 to index
        %get3A_446 = arith.constant 16 : index
        %get3A_447 = tpu.vector_load %arg18[%get3A_445, %get3A_446] {strides = array<i32>} : memref<40x128xi32, #tpu.memory_space<vmem>>, vector<16xi32>,
        %bitcast3A_448 = vector.bitcast %get3A_447 : vector<16xi32> to vector<32xbf16>
        %get3A_449 = arith.index_cast %scan3A_416 : i32 to index
        %get3A_450 = arith.constant 16 : index
        %get3A_451 = tpu.vector_load %arg19[%get3A_449, %get3A_450] {strides = array<i32>} : memref<40x128xi32, #tpu.memory_space<vmem>>, vector<16xi32>,
        %bitcast3A_452 = vector.bitcast %get3A_451 : vector<16xi32> to vector<32xbf16>
        %sub3A_453 = arith.subf %bitcast3A_444, %bitcast3A_448 : vector<32xbf16>
        %sub3A_454 = arith.subf %bitcast3A_444, %bitcast3A_452 : vector<32xbf16>
        %sub3A_455 = arith.subf %sub3A_453, %sub3A_454 : vector<32xbf16>
        %add3A_456 = arith.addf %sub3A_453, %sub3A_454 : vector<32xbf16>
        %bitcast3A_457 = vector.bitcast %sub3A_455 : vector<32xbf16> to vector<16xi32>
        %shift_left3A_458 = arith.shli %bitcast3A_457, %broadcast_in_dim3A_409 : vector<16xi32>
        %bitcast3A_459 = vector.bitcast %shift_left3A_458 : vector<16xi32> to vector<16xf32>
        %and3A_460 = arith.andi %bitcast3A_457, %broadcast_in_dim3A_407 : vector<16xi32>
        %bitcast3A_461 = vector.bitcast %and3A_460 : vector<16xi32> to vector<16xf32>
        %unpack3A_462 = tpu.unpack_subelements %add3A_456, 0 {pack_format = #tpu.pack_format<interleaved>} : vector<32xbf16> -> vector<16xf32>
        %unpack3A_463 = tpu.unpack_subelements %add3A_456, 1 {pack_format = #tpu.pack_format<interleaved>} : vector<32xbf16> -> vector<16xf32>
        %mul3A_464 = arith.mulf %bitcast3A_459, %unpack3A_462 : vector<16xf32>
        %add3A_465 = arith.addf %add3A_440, %mul3A_464 : vector<16xf32>
        %mul3A_466 = arith.mulf %bitcast3A_461, %unpack3A_463 : vector<16xf32>
        %add3A_467 = arith.addf %add3A_465, %mul3A_466 : vector<16xf32>
        %get3A_468 = arith.index_cast %scan3A_416 : i32 to index
        %get3A_469 = arith.constant 32 : index
        %get3A_470 = tpu.vector_load %arg17[%get3A_468, %get3A_469] {strides = array<i32>} : memref<40x128xi32, #tpu.memory_space<vmem>>, vector<16xi32>,
        %bitcast3A_471 = vector.bitcast %get3A_470 : vector<16xi32> to vector<32xbf16>
        %get3A_472 = arith.index_cast %scan3A_416 : i32 to index
        %get3A_473 = arith.constant 32 : index
        %get3A_474 = tpu.vector_load %arg18[%get3A_472, %get3A_473] {strides = array<i32>} : memref<40x128xi32, #tpu.memory_space<vmem>>, vector<16xi32>,
        %bitcast3A_475 = vector.bitcast %get3A_474 : vector<16xi32> to vector<32xbf16>
        %get3A_476 = arith.index_cast %scan3A_416 : i32 to index
        %get3A_477 = arith.constant 32 : index
        %get3A_478 = tpu.vector_load %arg19[%get3A_476, %get3A_477] {strides = array<i32>} : memref<40x128xi32, #tpu.memory_space<vmem>>, vector<16xi32>,
        %bitcast3A_479 = vector.bitcast %get3A_478 : vector<16xi32> to vector<32xbf16>
        %sub3A_480 = arith.subf %bitcast3A_471, %bitcast3A_475 : vector<32xbf16>
        %sub3A_481 = arith.subf %bitcast3A_471, %bitcast3A_479 : vector<32xbf16>
        %sub3A_482 = arith.subf %sub3A_480, %sub3A_481 : vector<32xbf16>
        %add3A_483 = arith.addf %sub3A_480, %sub3A_481 : vector<32xbf16>
        %bitcast3A_484 = vector.bitcast %sub3A_482 : vector<32xbf16> to vector<16xi32>
        %shift_left3A_485 = arith.shli %bitcast3A_484, %broadcast_in_dim3A_409 : vector<16xi32>
        %bitcast3A_486 = vector.bitcast %shift_left3A_485 : vector<16xi32> to vector<16xf32>
        %and3A_487 = arith.andi %bitcast3A_484, %broadcast_in_dim3A_407 : vector<16xi32>
        %bitcast3A_488 = vector.bitcast %and3A_487 : vector<16xi32> to vector<16xf32>
        %unpack3A_489 = tpu.unpack_subelements %add3A_483, 0 {pack_format = #tpu.pack_format<interleaved>} : vector<32xbf16> -> vector<16xf32>
        %unpack3A_490 = tpu.unpack_subelements %add3A_483, 1 {pack_format = #tpu.pack_format<interleaved>} : vector<32xbf16> -> vector<16xf32>
        %mul3A_491 = arith.mulf %bitcast3A_486, %unpack3A_489 : vector<16xf32>
        %add3A_492 = arith.addf %add3A_467, %mul3A_491 : vector<16xf32>
        %mul3A_493 = arith.mulf %bitcast3A_488, %unpack3A_490 : vector<16xf32>
        %add3A_494 = arith.addf %add3A_492, %mul3A_493 : vector<16xf32>
        %get3A_495 = arith.index_cast %scan3A_416 : i32 to index
        %get3A_496 = arith.constant 48 : index
        %get3A_497 = tpu.vector_load %arg17[%get3A_495, %get3A_496] {strides = array<i32>} : memref<40x128xi32, #tpu.memory_space<vmem>>, vector<16xi32>,
        %bitcast3A_498 = vector.bitcast %get3A_497 : vector<16xi32> to vector<32xbf16>
        %get3A_499 = arith.index_cast %scan3A_416 : i32 to index
        %get3A_500 = arith.constant 48 : index
        %get3A_501 = tpu.vector_load %arg18[%get3A_499, %get3A_500] {strides = array<i32>} : memref<40x128xi32, #tpu.memory_space<vmem>>, vector<16xi32>,
        %bitcast3A_502 = vector.bitcast %get3A_501 : vector<16xi32> to vector<32xbf16>
        %get3A_503 = arith.index_cast %scan3A_416 : i32 to index
        %get3A_504 = arith.constant 48 : index
        %get3A_505 = tpu.vector_load %arg19[%get3A_503, %get3A_504] {strides = array<i32>} : memref<40x128xi32, #tpu.memory_space<vmem>>, vector<16xi32>,
        %bitcast3A_506 = vector.bitcast %get3A_505 : vector<16xi32> to vector<32xbf16>
        %sub3A_507 = arith.subf %bitcast3A_498, %bitcast3A_502 : vector<32xbf16>
        %sub3A_508 = arith.subf %bitcast3A_498, %bitcast3A_506 : vector<32xbf16>
        %sub3A_509 = arith.subf %sub3A_507, %sub3A_508 : vector<32xbf16>
        %add3A_510 = arith.addf %sub3A_507, %sub3A_508 : vector<32xbf16>
        %bitcast3A_511 = vector.bitcast %sub3A_509 : vector<32xbf16> to vector<16xi32>
        %shift_left3A_512 = arith.shli %bitcast3A_511, %broadcast_in_dim3A_409 : vector<16xi32>
        %bitcast3A_513 = vector.bitcast %shift_left3A_512 : vector<16xi32> to vector<16xf32>
        %and3A_514 = arith.andi %bitcast3A_511, %broadcast_in_dim3A_407 : vector<16xi32>
        %bitcast3A_515 = vector.bitcast %and3A_514 : vector<16xi32> to vector<16xf32>
        %unpack3A_516 = tpu.unpack_subelements %add3A_510, 0 {pack_format = #tpu.pack_format<interleaved>} : vector<32xbf16> -> vector<16xf32>
        %unpack3A_517 = tpu.unpack_subelements %add3A_510, 1 {pack_format = #tpu.pack_format<interleaved>} : vector<32xbf16> -> vector<16xf32>
        %mul3A_518 = arith.mulf %bitcast3A_513, %unpack3A_516 : vector<16xf32>
        %add3A_519 = arith.addf %add3A_494, %mul3A_518 : vector<16xf32>
        %mul3A_520 = arith.mulf %bitcast3A_515, %unpack3A_517 : vector<16xf32>
        %add3A_521 = arith.addf %add3A_519, %mul3A_520 : vector<16xf32>
        %get3A_522 = arith.index_cast %scan3A_416 : i32 to index
        %get3A_523 = arith.constant 64 : index
        %get3A_524 = tpu.vector_load %arg17[%get3A_522, %get3A_523] {strides = array<i32>} : memref<40x128xi32, #tpu.memory_space<vmem>>, vector<16xi32>,
        %bitcast3A_525 = vector.bitcast %get3A_524 : vector<16xi32> to vector<32xbf16>
        %get3A_526 = arith.index_cast %scan3A_416 : i32 to index
        %get3A_527 = arith.constant 64 : index
        %get3A_528 = tpu.vector_load %arg18[%get3A_526, %get3A_527] {strides = array<i32>} : memref<40x128xi32, #tpu.memory_space<vmem>>, vector<16xi32>,
        %bitcast3A_529 = vector.bitcast %get3A_528 : vector<16xi32> to vector<32xbf16>
        %get3A_530 = arith.index_cast %scan3A_416 : i32 to index
        %get3A_531 = arith.constant 64 : index
        %get3A_532 = tpu.vector_load %arg19[%get3A_530, %get3A_531] {strides = array<i32>} : memref<40x128xi32, #tpu.memory_space<vmem>>, vector<16xi32>,
        %bitcast3A_533 = vector.bitcast %get3A_532 : vector<16xi32> to vector<32xbf16>
        %sub3A_534 = arith.subf %bitcast3A_525, %bitcast3A_529 : vector<32xbf16>
        %sub3A_535 = arith.subf %bitcast3A_525, %bitcast3A_533 : vector<32xbf16>
        %sub3A_536 = arith.subf %sub3A_534, %sub3A_535 : vector<32xbf16>
        %add3A_537 = arith.addf %sub3A_534, %sub3A_535 : vector<32xbf16>
        %bitcast3A_538 = vector.bitcast %sub3A_536 : vector<32xbf16> to vector<16xi32>
        %shift_left3A_539 = arith.shli %bitcast3A_538, %broadcast_in_dim3A_409 : vector<16xi32>
        %bitcast3A_540 = vector.bitcast %shift_left3A_539 : vector<16xi32> to vector<16xf32>
        %and3A_541 = arith.andi %bitcast3A_538, %broadcast_in_dim3A_407 : vector<16xi32>
        %bitcast3A_542 = vector.bitcast %and3A_541 : vector<16xi32> to vector<16xf32>
        %unpack3A_543 = tpu.unpack_subelements %add3A_537, 0 {pack_format = #tpu.pack_format<interleaved>} : vector<32xbf16> -> vector<16xf32>
        %unpack3A_544 = tpu.unpack_subelements %add3A_537, 1 {pack_format = #tpu.pack_format<interleaved>} : vector<32xbf16> -> vector<16xf32>
        %mul3A_545 = arith.mulf %bitcast3A_540, %unpack3A_543 : vector<16xf32>
        %add3A_546 = arith.addf %add3A_521, %mul3A_545 : vector<16xf32>
        %mul3A_547 = arith.mulf %bitcast3A_542, %unpack3A_544 : vector<16xf32>
        %add3A_548 = arith.addf %add3A_546, %mul3A_547 : vector<16xf32>
        %get3A_549 = arith.index_cast %scan3A_416 : i32 to index
        %get3A_550 = arith.constant 80 : index
        %get3A_551 = tpu.vector_load %arg17[%get3A_549, %get3A_550] {strides = array<i32>} : memref<40x128xi32, #tpu.memory_space<vmem>>, vector<16xi32>,
        %bitcast3A_552 = vector.bitcast %get3A_551 : vector<16xi32> to vector<32xbf16>
        %get3A_553 = arith.index_cast %scan3A_416 : i32 to index
        %get3A_554 = arith.constant 80 : index
        %get3A_555 = tpu.vector_load %arg18[%get3A_553, %get3A_554] {strides = array<i32>} : memref<40x128xi32, #tpu.memory_space<vmem>>, vector<16xi32>,
        %bitcast3A_556 = vector.bitcast %get3A_555 : vector<16xi32> to vector<32xbf16>
        %get3A_557 = arith.index_cast %scan3A_416 : i32 to index
        %get3A_558 = arith.constant 80 : index
        %get3A_559 = tpu.vector_load %arg19[%get3A_557, %get3A_558] {strides = array<i32>} : memref<40x128xi32, #tpu.memory_space<vmem>>, vector<16xi32>,
        %bitcast3A_560 = vector.bitcast %get3A_559 : vector<16xi32> to vector<32xbf16>
        %sub3A_561 = arith.subf %bitcast3A_552, %bitcast3A_556 : vector<32xbf16>
        %sub3A_562 = arith.subf %bitcast3A_552, %bitcast3A_560 : vector<32xbf16>
        %sub3A_563 = arith.subf %sub3A_561, %sub3A_562 : vector<32xbf16>
        %add3A_564 = arith.addf %sub3A_561, %sub3A_562 : vector<32xbf16>
        %bitcast3A_565 = vector.bitcast %sub3A_563 : vector<32xbf16> to vector<16xi32>
        %shift_left3A_566 = arith.shli %bitcast3A_565, %broadcast_in_dim3A_409 : vector<16xi32>
        %bitcast3A_567 = vector.bitcast %shift_left3A_566 : vector<16xi32> to vector<16xf32>
        %and3A_568 = arith.andi %bitcast3A_565, %broadcast_in_dim3A_407 : vector<16xi32>
        %bitcast3A_569 = vector.bitcast %and3A_568 : vector<16xi32> to vector<16xf32>
        %unpack3A_570 = tpu.unpack_subelements %add3A_564, 0 {pack_format = #tpu.pack_format<interleaved>} : vector<32xbf16> -> vector<16xf32>
        %unpack3A_571 = tpu.unpack_subelements %add3A_564, 1 {pack_format = #tpu.pack_format<interleaved>} : vector<32xbf16> -> vector<16xf32>
        %mul3A_572 = arith.mulf %bitcast3A_567, %unpack3A_570 : vector<16xf32>
        %add3A_573 = arith.addf %add3A_548, %mul3A_572 : vector<16xf32>
        %mul3A_574 = arith.mulf %bitcast3A_569, %unpack3A_571 : vector<16xf32>
        %add3A_575 = arith.addf %add3A_573, %mul3A_574 : vector<16xf32>
        %get3A_576 = arith.index_cast %scan3A_416 : i32 to index
        %get3A_577 = arith.constant 96 : index
        %get3A_578 = tpu.vector_load %arg17[%get3A_576, %get3A_577] {strides = array<i32>} : memref<40x128xi32, #tpu.memory_space<vmem>>, vector<16xi32>,
        %bitcast3A_579 = vector.bitcast %get3A_578 : vector<16xi32> to vector<32xbf16>
        %get3A_580 = arith.index_cast %scan3A_416 : i32 to index
        %get3A_581 = arith.constant 96 : index
        %get3A_582 = tpu.vector_load %arg18[%get3A_580, %get3A_581] {strides = array<i32>} : memref<40x128xi32, #tpu.memory_space<vmem>>, vector<16xi32>,
        %bitcast3A_583 = vector.bitcast %get3A_582 : vector<16xi32> to vector<32xbf16>
        %get3A_584 = arith.index_cast %scan3A_416 : i32 to index
        %get3A_585 = arith.constant 96 : index
        %get3A_586 = tpu.vector_load %arg19[%get3A_584, %get3A_585] {strides = array<i32>} : memref<40x128xi32, #tpu.memory_space<vmem>>, vector<16xi32>,
        %bitcast3A_587 = vector.bitcast %get3A_586 : vector<16xi32> to vector<32xbf16>
        %sub3A_588 = arith.subf %bitcast3A_579, %bitcast3A_583 : vector<32xbf16>
        %sub3A_589 = arith.subf %bitcast3A_579, %bitcast3A_587 : vector<32xbf16>
        %sub3A_590 = arith.subf %sub3A_588, %sub3A_589 : vector<32xbf16>
        %add3A_591 = arith.addf %sub3A_588, %sub3A_589 : vector<32xbf16>
        %bitcast3A_592 = vector.bitcast %sub3A_590 : vector<32xbf16> to vector<16xi32>
        %shift_left3A_593 = arith.shli %bitcast3A_592, %broadcast_in_dim3A_409 : vector<16xi32>
        %bitcast3A_594 = vector.bitcast %shift_left3A_593 : vector<16xi32> to vector<16xf32>
        %and3A_595 = arith.andi %bitcast3A_592, %broadcast_in_dim3A_407 : vector<16xi32>
        %bitcast3A_596 = vector.bitcast %and3A_595 : vector<16xi32> to vector<16xf32>
        %unpack3A_597 = tpu.unpack_subelements %add3A_591, 0 {pack_format = #tpu.pack_format<interleaved>} : vector<32xbf16> -> vector<16xf32>
        %unpack3A_598 = tpu.unpack_subelements %add3A_591, 1 {pack_format = #tpu.pack_format<interleaved>} : vector<32xbf16> -> vector<16xf32>
        %mul3A_599 = arith.mulf %bitcast3A_594, %unpack3A_597 : vector<16xf32>
        %add3A_600 = arith.addf %add3A_575, %mul3A_599 : vector<16xf32>
        %mul3A_601 = arith.mulf %bitcast3A_596, %unpack3A_598 : vector<16xf32>
        %add3A_602 = arith.addf %add3A_600, %mul3A_601 : vector<16xf32>
        %get3A_603 = arith.index_cast %scan3A_416 : i32 to index
        %get3A_604 = arith.constant 112 : index
        %get3A_605 = tpu.vector_load %arg17[%get3A_603, %get3A_604] {strides = array<i32>} : memref<40x128xi32, #tpu.memory_space<vmem>>, vector<16xi32>,
        %bitcast3A_606 = vector.bitcast %get3A_605 : vector<16xi32> to vector<32xbf16>
        %get3A_607 = arith.index_cast %scan3A_416 : i32 to index
        %get3A_608 = arith.constant 112 : index
        %get3A_609 = tpu.vector_load %arg18[%get3A_607, %get3A_608] {strides = array<i32>} : memref<40x128xi32, #tpu.memory_space<vmem>>, vector<16xi32>,
        %bitcast3A_610 = vector.bitcast %get3A_609 : vector<16xi32> to vector<32xbf16>
        %get3A_611 = arith.index_cast %scan3A_416 : i32 to index
        %get3A_612 = arith.constant 112 : index
        %get3A_613 = tpu.vector_load %arg19[%get3A_611, %get3A_612] {strides = array<i32>} : memref<40x128xi32, #tpu.memory_space<vmem>>, vector<16xi32>,
        %bitcast3A_614 = vector.bitcast %get3A_613 : vector<16xi32> to vector<32xbf16>
        %sub3A_615 = arith.subf %bitcast3A_606, %bitcast3A_610 : vector<32xbf16>
        %sub3A_616 = arith.subf %bitcast3A_606, %bitcast3A_614 : vector<32xbf16>
        %sub3A_617 = arith.subf %sub3A_615, %sub3A_616 : vector<32xbf16>
        %add3A_618 = arith.addf %sub3A_615, %sub3A_616 : vector<32xbf16>
        %bitcast3A_619 = vector.bitcast %sub3A_617 : vector<32xbf16> to vector<16xi32>
        %shift_left3A_620 = arith.shli %bitcast3A_619, %broadcast_in_dim3A_409 : vector<16xi32>
        %bitcast3A_621 = vector.bitcast %shift_left3A_620 : vector<16xi32> to vector<16xf32>
        %and3A_622 = arith.andi %bitcast3A_619, %broadcast_in_dim3A_407 : vector<16xi32>
        %bitcast3A_623 = vector.bitcast %and3A_622 : vector<16xi32> to vector<16xf32>
        %unpack3A_624 = tpu.unpack_subelements %add3A_618, 0 {pack_format = #tpu.pack_format<interleaved>} : vector<32xbf16> -> vector<16xf32>
        %unpack3A_625 = tpu.unpack_subelements %add3A_618, 1 {pack_format = #tpu.pack_format<interleaved>} : vector<32xbf16> -> vector<16xf32>
        %mul3A_626 = arith.mulf %bitcast3A_621, %unpack3A_624 : vector<16xf32>
        %add3A_627 = arith.addf %add3A_602, %mul3A_626 : vector<16xf32>
        %mul3A_628 = arith.mulf %bitcast3A_623, %unpack3A_625 : vector<16xf32>
        %add3A_629 = arith.addf %add3A_627, %mul3A_628 : vector<16xf32>
        %reduce_sum3A = arith.constant true
        %reduce_sum3A_630 = vector.broadcast %reduce_sum3A : i1 to vector<16xi1>
        %reduce_sum3A_631 = tpu.scan <sum>, %add3A_629 masked %reduce_sum3A_630 : vector<16xf32>, vector<16xi1> -> vector<16xf32>
        %reduce_sum3A_632 = vector.extract %reduce_sum3A_631[15] : f32 from vector<16xf32>
        %add3A_633 = arith.constant 1.000000e+00 : f32
        %add3A_634 = arith.addf %reduce_sum3A_632, %add3A_633 : f32
        %max3A = arith.constant 0.000000e+00 : f32
        %max3A_635 = arith.maximumf %add3A_634, %max3A : f32
        %add3A_636 = arith.addf %scan3A_417, %max3A_635 : f32
        scf.yield %add3A_636 : f32
      }
      %scan3A_415 = arith.constant 40 : i32
      scf.yield %scan3A_414 : f32
    }
    %scan3A_56 = arith.constant 30 : i32
    %dma_wait3A = arith.constant 4800 : i32
    %dma_wait3A_57 = tpu.memref_slice %arg7[%dma_wait3A] : memref<15000xi32, #tpu.memory_space<vmem>> -> memref<40xi32, #tpu.memory_space<vmem>>
    %dma_wait3A_58 = arith.constant 0 : i32
    %dma_wait3A_59 = arith.constant 0 : i32
    %dma_wait3A_60 = tpu.memref_slice %arg2[%dma_wait3A_58, %dma_wait3A_59] : memref<10000x128xi32, #tpu.memory_space<hbm>> -> memref<10000x128xi32, #tpu.memory_space<hbm>>
    tpu.wait_indirect_dma semaphore(%arg21 : memref<!tpu.dma_semaphore, #tpu.memory_space<semaphore_mem>>) src(%dma_wait3A_60 : memref<10000x128xi32, #tpu.memory_space<hbm>>) dst(%arg8 : memref<40x128xi32, #tpu.memory_space<vmem>>)
    %dma_wait3A_61 = arith.constant 9800 : i32
    %dma_wait3A_62 = tpu.memref_slice %arg7[%dma_wait3A_61] : memref<15000xi32, #tpu.memory_space<vmem>> -> memref<40xi32, #tpu.memory_space<vmem>>
    %dma_wait3A_63 = arith.constant 0 : i32
    %dma_wait3A_64 = arith.constant 0 : i32
    %dma_wait3A_65 = tpu.memref_slice %arg3[%dma_wait3A_63, %dma_wait3A_64] : memref<10000x128xi32, #tpu.memory_space<hbm>> -> memref<10000x128xi32, #tpu.memory_space<hbm>>
    tpu.wait_indirect_dma semaphore(%arg21 : memref<!tpu.dma_semaphore, #tpu.memory_space<semaphore_mem>>) src(%dma_wait3A_65 : memref<10000x128xi32, #tpu.memory_space<hbm>>) dst(%arg9 : memref<40x128xi32, #tpu.memory_space<vmem>>)
    %dma_wait3A_66 = arith.constant 14800 : i32
    %dma_wait3A_67 = tpu.memref_slice %arg7[%dma_wait3A_66] : memref<15000xi32, #tpu.memory_space<vmem>> -> memref<40xi32, #tpu.memory_space<vmem>>
    %dma_wait3A_68 = arith.constant 0 : i32
    %dma_wait3A_69 = arith.constant 0 : i32
    %dma_wait3A_70 = tpu.memref_slice %arg4[%dma_wait3A_68, %dma_wait3A_69] : memref<10000x128xi32, #tpu.memory_space<hbm>> -> memref<10000x128xi32, #tpu.memory_space<hbm>>
    tpu.wait_indirect_dma semaphore(%arg21 : memref<!tpu.dma_semaphore, #tpu.memory_space<semaphore_mem>>) src(%dma_wait3A_70 : memref<10000x128xi32, #tpu.memory_space<hbm>>) dst(%arg10 : memref<40x128xi32, #tpu.memory_space<vmem>>)
    %dma_start3A_71 = arith.constant 4920 : i32
    %dma_start3A_72 = tpu.memref_slice %arg7[%dma_start3A_71] : memref<15000xi32, #tpu.memory_space<vmem>> -> memref<40xi32, #tpu.memory_space<vmem>>
    %dma_start3A_73 = arith.constant 0 : i32
    %dma_start3A_74 = arith.constant 0 : i32
    %dma_start3A_75 = tpu.memref_slice %arg2[%dma_start3A_73, %dma_start3A_74] : memref<10000x128xi32, #tpu.memory_space<hbm>> -> memref<10000x128xi32, #tpu.memory_space<hbm>>
    tpu.enqueue_indirect_dma source(%dma_start3A_75 : memref<10000x128xi32, #tpu.memory_space<hbm>>) target(%arg17 : memref<40x128xi32, #tpu.memory_space<vmem>>) offsets(%dma_start3A_72 : memref<40xi32, #tpu.memory_space<vmem>>) semaphore(%arg24 : memref<!tpu.dma_semaphore, #tpu.memory_space<semaphore_mem>>)
    %dma_start3A_76 = arith.constant 9920 : i32
    %dma_start3A_77 = tpu.memref_slice %arg7[%dma_start3A_76] : memref<15000xi32, #tpu.memory_space<vmem>> -> memref<40xi32, #tpu.memory_space<vmem>>
    %dma_start3A_78 = arith.constant 0 : i32
    %dma_start3A_79 = arith.constant 0 : i32
    %dma_start3A_80 = tpu.memref_slice %arg3[%dma_start3A_78, %dma_start3A_79] : memref<10000x128xi32, #tpu.memory_space<hbm>> -> memref<10000x128xi32, #tpu.memory_space<hbm>>
    tpu.enqueue_indirect_dma source(%dma_start3A_80 : memref<10000x128xi32, #tpu.memory_space<hbm>>) target(%arg18 : memref<40x128xi32, #tpu.memory_space<vmem>>) offsets(%dma_start3A_77 : memref<40xi32, #tpu.memory_space<vmem>>) semaphore(%arg24 : memref<!tpu.dma_semaphore, #tpu.memory_space<semaphore_mem>>)
    %dma_start3A_81 = arith.constant 14920 : i32
    %dma_start3A_82 = tpu.memref_slice %arg7[%dma_start3A_81] : memref<15000xi32, #tpu.memory_space<vmem>> -> memref<40xi32, #tpu.memory_space<vmem>>
    %dma_start3A_83 = arith.constant 0 : i32
    %dma_start3A_84 = arith.constant 0 : i32
    %dma_start3A_85 = tpu.memref_slice %arg4[%dma_start3A_83, %dma_start3A_84] : memref<10000x128xi32, #tpu.memory_space<hbm>> -> memref<10000x128xi32, #tpu.memory_space<hbm>>
    tpu.enqueue_indirect_dma source(%dma_start3A_85 : memref<10000x128xi32, #tpu.memory_space<hbm>>) target(%arg19 : memref<40x128xi32, #tpu.memory_space<vmem>>) offsets(%dma_start3A_82 : memref<40xi32, #tpu.memory_space<vmem>>) semaphore(%arg24 : memref<!tpu.dma_semaphore, #tpu.memory_space<semaphore_mem>>)
    %broadcast_in_dim3A = arith.constant -65536 : i32
    %broadcast_in_dim3A_86 = vector.broadcast %broadcast_in_dim3A : i32 to vector<16xi32>
    %broadcast_in_dim3A_87 = arith.constant 16 : i32
    %broadcast_in_dim3A_88 = vector.broadcast %broadcast_in_dim3A_87 : i32 to vector<16xi32>
    %scan3A_89 = arith.constant 0 : i32
    %scan3A_90 = arith.constant 40 : i32
    %scan3A_91 = arith.addi %scan3A_89, %scan3A_90 : i32
    %scan3A_92 = arith.constant 1 : i32
    %scan3A_93 = scf.for %scan3A_212 = %scan3A_89 to %scan3A_91 step %scan3A_92 iter_args(%scan3A_213 = %scan3A_55) -> (f32)  : i32 {
      %broadcast_in_dim3A_214 = arith.constant 0.000000e+00 : f32
      %broadcast_in_dim3A_215 = vector.broadcast %broadcast_in_dim3A_214 : f32 to vector<16xf32>
      %get3A = arith.index_cast %scan3A_212 : i32 to index
      %get3A_216 = arith.constant 0 : index
      %get3A_217 = tpu.vector_load %arg8[%get3A, %get3A_216] {strides = array<i32>} : memref<40x128xi32, #tpu.memory_space<vmem>>, vector<16xi32>,
      %bitcast3A = vector.bitcast %get3A_217 : vector<16xi32> to vector<32xbf16>
      %get3A_218 = arith.index_cast %scan3A_212 : i32 to index
      %get3A_219 = arith.constant 0 : index
      %get3A_220 = tpu.vector_load %arg9[%get3A_218, %get3A_219] {strides = array<i32>} : memref<40x128xi32, #tpu.memory_space<vmem>>, vector<16xi32>,
      %bitcast3A_221 = vector.bitcast %get3A_220 : vector<16xi32> to vector<32xbf16>
      %get3A_222 = arith.index_cast %scan3A_212 : i32 to index
      %get3A_223 = arith.constant 0 : index
      %get3A_224 = tpu.vector_load %arg10[%get3A_222, %get3A_223] {strides = array<i32>} : memref<40x128xi32, #tpu.memory_space<vmem>>, vector<16xi32>,
      %bitcast3A_225 = vector.bitcast %get3A_224 : vector<16xi32> to vector<32xbf16>
      %sub3A = arith.subf %bitcast3A, %bitcast3A_221 : vector<32xbf16>
      %sub3A_226 = arith.subf %bitcast3A, %bitcast3A_225 : vector<32xbf16>
      %sub3A_227 = arith.subf %sub3A, %sub3A_226 : vector<32xbf16>
      %add3A_228 = arith.addf %sub3A, %sub3A_226 : vector<32xbf16>
      %bitcast3A_229 = vector.bitcast %sub3A_227 : vector<32xbf16> to vector<16xi32>
      %shift_left3A = arith.shli %bitcast3A_229, %broadcast_in_dim3A_88 : vector<16xi32>
      %bitcast3A_230 = vector.bitcast %shift_left3A : vector<16xi32> to vector<16xf32>
      %and3A = arith.andi %bitcast3A_229, %broadcast_in_dim3A_86 : vector<16xi32>
      %bitcast3A_231 = vector.bitcast %and3A : vector<16xi32> to vector<16xf32>
      %unpack3A = tpu.unpack_subelements %add3A_228, 0 {pack_format = #tpu.pack_format<interleaved>} : vector<32xbf16> -> vector<16xf32>
      %unpack3A_232 = tpu.unpack_subelements %add3A_228, 1 {pack_format = #tpu.pack_format<interleaved>} : vector<32xbf16> -> vector<16xf32>
      %mul3A_233 = arith.mulf %bitcast3A_230, %unpack3A : vector<16xf32>
      %add3A_234 = arith.addf %broadcast_in_dim3A_215, %mul3A_233 : vector<16xf32>
      %mul3A_235 = arith.mulf %bitcast3A_231, %unpack3A_232 : vector<16xf32>
      %add3A_236 = arith.addf %add3A_234, %mul3A_235 : vector<16xf32>
      %get3A_237 = arith.index_cast %scan3A_212 : i32 to index
      %get3A_238 = arith.constant 16 : index
      %get3A_239 = tpu.vector_load %arg8[%get3A_237, %get3A_238] {strides = array<i32>} : memref<40x128xi32, #tpu.memory_space<vmem>>, vector<16xi32>,
      %bitcast3A_240 = vector.bitcast %get3A_239 : vector<16xi32> to vector<32xbf16>
      %get3A_241 = arith.index_cast %scan3A_212 : i32 to index
      %get3A_242 = arith.constant 16 : index
      %get3A_243 = tpu.vector_load %arg9[%get3A_241, %get3A_242] {strides = array<i32>} : memref<40x128xi32, #tpu.memory_space<vmem>>, vector<16xi32>,
      %bitcast3A_244 = vector.bitcast %get3A_243 : vector<16xi32> to vector<32xbf16>
      %get3A_245 = arith.index_cast %scan3A_212 : i32 to index
      %get3A_246 = arith.constant 16 : index
      %get3A_247 = tpu.vector_load %arg10[%get3A_245, %get3A_246] {strides = array<i32>} : memref<40x128xi32, #tpu.memory_space<vmem>>, vector<16xi32>,
      %bitcast3A_248 = vector.bitcast %get3A_247 : vector<16xi32> to vector<32xbf16>
      %sub3A_249 = arith.subf %bitcast3A_240, %bitcast3A_244 : vector<32xbf16>
      %sub3A_250 = arith.subf %bitcast3A_240, %bitcast3A_248 : vector<32xbf16>
      %sub3A_251 = arith.subf %sub3A_249, %sub3A_250 : vector<32xbf16>
      %add3A_252 = arith.addf %sub3A_249, %sub3A_250 : vector<32xbf16>
      %bitcast3A_253 = vector.bitcast %sub3A_251 : vector<32xbf16> to vector<16xi32>
      %shift_left3A_254 = arith.shli %bitcast3A_253, %broadcast_in_dim3A_88 : vector<16xi32>
      %bitcast3A_255 = vector.bitcast %shift_left3A_254 : vector<16xi32> to vector<16xf32>
      %and3A_256 = arith.andi %bitcast3A_253, %broadcast_in_dim3A_86 : vector<16xi32>
      %bitcast3A_257 = vector.bitcast %and3A_256 : vector<16xi32> to vector<16xf32>
      %unpack3A_258 = tpu.unpack_subelements %add3A_252, 0 {pack_format = #tpu.pack_format<interleaved>} : vector<32xbf16> -> vector<16xf32>
      %unpack3A_259 = tpu.unpack_subelements %add3A_252, 1 {pack_format = #tpu.pack_format<interleaved>} : vector<32xbf16> -> vector<16xf32>
      %mul3A_260 = arith.mulf %bitcast3A_255, %unpack3A_258 : vector<16xf32>
      %add3A_261 = arith.addf %add3A_236, %mul3A_260 : vector<16xf32>
      %mul3A_262 = arith.mulf %bitcast3A_257, %unpack3A_259 : vector<16xf32>
      %add3A_263 = arith.addf %add3A_261, %mul3A_262 : vector<16xf32>
      %get3A_264 = arith.index_cast %scan3A_212 : i32 to index
      %get3A_265 = arith.constant 32 : index
      %get3A_266 = tpu.vector_load %arg8[%get3A_264, %get3A_265] {strides = array<i32>} : memref<40x128xi32, #tpu.memory_space<vmem>>, vector<16xi32>,
      %bitcast3A_267 = vector.bitcast %get3A_266 : vector<16xi32> to vector<32xbf16>
      %get3A_268 = arith.index_cast %scan3A_212 : i32 to index
      %get3A_269 = arith.constant 32 : index
      %get3A_270 = tpu.vector_load %arg9[%get3A_268, %get3A_269] {strides = array<i32>} : memref<40x128xi32, #tpu.memory_space<vmem>>, vector<16xi32>,
      %bitcast3A_271 = vector.bitcast %get3A_270 : vector<16xi32> to vector<32xbf16>
      %get3A_272 = arith.index_cast %scan3A_212 : i32 to index
      %get3A_273 = arith.constant 32 : index
      %get3A_274 = tpu.vector_load %arg10[%get3A_272, %get3A_273] {strides = array<i32>} : memref<40x128xi32, #tpu.memory_space<vmem>>, vector<16xi32>,
      %bitcast3A_275 = vector.bitcast %get3A_274 : vector<16xi32> to vector<32xbf16>
      %sub3A_276 = arith.subf %bitcast3A_267, %bitcast3A_271 : vector<32xbf16>
      %sub3A_277 = arith.subf %bitcast3A_267, %bitcast3A_275 : vector<32xbf16>
      %sub3A_278 = arith.subf %sub3A_276, %sub3A_277 : vector<32xbf16>
      %add3A_279 = arith.addf %sub3A_276, %sub3A_277 : vector<32xbf16>
      %bitcast3A_280 = vector.bitcast %sub3A_278 : vector<32xbf16> to vector<16xi32>
      %shift_left3A_281 = arith.shli %bitcast3A_280, %broadcast_in_dim3A_88 : vector<16xi32>
      %bitcast3A_282 = vector.bitcast %shift_left3A_281 : vector<16xi32> to vector<16xf32>
      %and3A_283 = arith.andi %bitcast3A_280, %broadcast_in_dim3A_86 : vector<16xi32>
      %bitcast3A_284 = vector.bitcast %and3A_283 : vector<16xi32> to vector<16xf32>
      %unpack3A_285 = tpu.unpack_subelements %add3A_279, 0 {pack_format = #tpu.pack_format<interleaved>} : vector<32xbf16> -> vector<16xf32>
      %unpack3A_286 = tpu.unpack_subelements %add3A_279, 1 {pack_format = #tpu.pack_format<interleaved>} : vector<32xbf16> -> vector<16xf32>
      %mul3A_287 = arith.mulf %bitcast3A_282, %unpack3A_285 : vector<16xf32>
      %add3A_288 = arith.addf %add3A_263, %mul3A_287 : vector<16xf32>
      %mul3A_289 = arith.mulf %bitcast3A_284, %unpack3A_286 : vector<16xf32>
      %add3A_290 = arith.addf %add3A_288, %mul3A_289 : vector<16xf32>
      %get3A_291 = arith.index_cast %scan3A_212 : i32 to index
      %get3A_292 = arith.constant 48 : index
      %get3A_293 = tpu.vector_load %arg8[%get3A_291, %get3A_292] {strides = array<i32>} : memref<40x128xi32, #tpu.memory_space<vmem>>, vector<16xi32>,
      %bitcast3A_294 = vector.bitcast %get3A_293 : vector<16xi32> to vector<32xbf16>
      %get3A_295 = arith.index_cast %scan3A_212 : i32 to index
      %get3A_296 = arith.constant 48 : index
      %get3A_297 = tpu.vector_load %arg9[%get3A_295, %get3A_296] {strides = array<i32>} : memref<40x128xi32, #tpu.memory_space<vmem>>, vector<16xi32>,
      %bitcast3A_298 = vector.bitcast %get3A_297 : vector<16xi32> to vector<32xbf16>
      %get3A_299 = arith.index_cast %scan3A_212 : i32 to index
      %get3A_300 = arith.constant 48 : index
      %get3A_301 = tpu.vector_load %arg10[%get3A_299, %get3A_300] {strides = array<i32>} : memref<40x128xi32, #tpu.memory_space<vmem>>, vector<16xi32>,
      %bitcast3A_302 = vector.bitcast %get3A_301 : vector<16xi32> to vector<32xbf16>
      %sub3A_303 = arith.subf %bitcast3A_294, %bitcast3A_298 : vector<32xbf16>
      %sub3A_304 = arith.subf %bitcast3A_294, %bitcast3A_302 : vector<32xbf16>
      %sub3A_305 = arith.subf %sub3A_303, %sub3A_304 : vector<32xbf16>
      %add3A_306 = arith.addf %sub3A_303, %sub3A_304 : vector<32xbf16>
      %bitcast3A_307 = vector.bitcast %sub3A_305 : vector<32xbf16> to vector<16xi32>
      %shift_left3A_308 = arith.shli %bitcast3A_307, %broadcast_in_dim3A_88 : vector<16xi32>
      %bitcast3A_309 = vector.bitcast %shift_left3A_308 : vector<16xi32> to vector<16xf32>
      %and3A_310 = arith.andi %bitcast3A_307, %broadcast_in_dim3A_86 : vector<16xi32>
      %bitcast3A_311 = vector.bitcast %and3A_310 : vector<16xi32> to vector<16xf32>
      %unpack3A_312 = tpu.unpack_subelements %add3A_306, 0 {pack_format = #tpu.pack_format<interleaved>} : vector<32xbf16> -> vector<16xf32>
      %unpack3A_313 = tpu.unpack_subelements %add3A_306, 1 {pack_format = #tpu.pack_format<interleaved>} : vector<32xbf16> -> vector<16xf32>
      %mul3A_314 = arith.mulf %bitcast3A_309, %unpack3A_312 : vector<16xf32>
      %add3A_315 = arith.addf %add3A_290, %mul3A_314 : vector<16xf32>
      %mul3A_316 = arith.mulf %bitcast3A_311, %unpack3A_313 : vector<16xf32>
      %add3A_317 = arith.addf %add3A_315, %mul3A_316 : vector<16xf32>
      %get3A_318 = arith.index_cast %scan3A_212 : i32 to index
      %get3A_319 = arith.constant 64 : index
      %get3A_320 = tpu.vector_load %arg8[%get3A_318, %get3A_319] {strides = array<i32>} : memref<40x128xi32, #tpu.memory_space<vmem>>, vector<16xi32>,
      %bitcast3A_321 = vector.bitcast %get3A_320 : vector<16xi32> to vector<32xbf16>
      %get3A_322 = arith.index_cast %scan3A_212 : i32 to index
      %get3A_323 = arith.constant 64 : index
      %get3A_324 = tpu.vector_load %arg9[%get3A_322, %get3A_323] {strides = array<i32>} : memref<40x128xi32, #tpu.memory_space<vmem>>, vector<16xi32>,
      %bitcast3A_325 = vector.bitcast %get3A_324 : vector<16xi32> to vector<32xbf16>
      %get3A_326 = arith.index_cast %scan3A_212 : i32 to index
      %get3A_327 = arith.constant 64 : index
      %get3A_328 = tpu.vector_load %arg10[%get3A_326, %get3A_327] {strides = array<i32>} : memref<40x128xi32, #tpu.memory_space<vmem>>, vector<16xi32>,
      %bitcast3A_329 = vector.bitcast %get3A_328 : vector<16xi32> to vector<32xbf16>
      %sub3A_330 = arith.subf %bitcast3A_321, %bitcast3A_325 : vector<32xbf16>
      %sub3A_331 = arith.subf %bitcast3A_321, %bitcast3A_329 : vector<32xbf16>
      %sub3A_332 = arith.subf %sub3A_330, %sub3A_331 : vector<32xbf16>
      %add3A_333 = arith.addf %sub3A_330, %sub3A_331 : vector<32xbf16>
      %bitcast3A_334 = vector.bitcast %sub3A_332 : vector<32xbf16> to vector<16xi32>
      %shift_left3A_335 = arith.shli %bitcast3A_334, %broadcast_in_dim3A_88 : vector<16xi32>
      %bitcast3A_336 = vector.bitcast %shift_left3A_335 : vector<16xi32> to vector<16xf32>
      %and3A_337 = arith.andi %bitcast3A_334, %broadcast_in_dim3A_86 : vector<16xi32>
      %bitcast3A_338 = vector.bitcast %and3A_337 : vector<16xi32> to vector<16xf32>
      %unpack3A_339 = tpu.unpack_subelements %add3A_333, 0 {pack_format = #tpu.pack_format<interleaved>} : vector<32xbf16> -> vector<16xf32>
      %unpack3A_340 = tpu.unpack_subelements %add3A_333, 1 {pack_format = #tpu.pack_format<interleaved>} : vector<32xbf16> -> vector<16xf32>
      %mul3A_341 = arith.mulf %bitcast3A_336, %unpack3A_339 : vector<16xf32>
      %add3A_342 = arith.addf %add3A_317, %mul3A_341 : vector<16xf32>
      %mul3A_343 = arith.mulf %bitcast3A_338, %unpack3A_340 : vector<16xf32>
      %add3A_344 = arith.addf %add3A_342, %mul3A_343 : vector<16xf32>
      %get3A_345 = arith.index_cast %scan3A_212 : i32 to index
      %get3A_346 = arith.constant 80 : index
      %get3A_347 = tpu.vector_load %arg8[%get3A_345, %get3A_346] {strides = array<i32>} : memref<40x128xi32, #tpu.memory_space<vmem>>, vector<16xi32>,
      %bitcast3A_348 = vector.bitcast %get3A_347 : vector<16xi32> to vector<32xbf16>
      %get3A_349 = arith.index_cast %scan3A_212 : i32 to index
      %get3A_350 = arith.constant 80 : index
      %get3A_351 = tpu.vector_load %arg9[%get3A_349, %get3A_350] {strides = array<i32>} : memref<40x128xi32, #tpu.memory_space<vmem>>, vector<16xi32>,
      %bitcast3A_352 = vector.bitcast %get3A_351 : vector<16xi32> to vector<32xbf16>
      %get3A_353 = arith.index_cast %scan3A_212 : i32 to index
      %get3A_354 = arith.constant 80 : index
      %get3A_355 = tpu.vector_load %arg10[%get3A_353, %get3A_354] {strides = array<i32>} : memref<40x128xi32, #tpu.memory_space<vmem>>, vector<16xi32>,
      %bitcast3A_356 = vector.bitcast %get3A_355 : vector<16xi32> to vector<32xbf16>
      %sub3A_357 = arith.subf %bitcast3A_348, %bitcast3A_352 : vector<32xbf16>
      %sub3A_358 = arith.subf %bitcast3A_348, %bitcast3A_356 : vector<32xbf16>
      %sub3A_359 = arith.subf %sub3A_357, %sub3A_358 : vector<32xbf16>
      %add3A_360 = arith.addf %sub3A_357, %sub3A_358 : vector<32xbf16>
      %bitcast3A_361 = vector.bitcast %sub3A_359 : vector<32xbf16> to vector<16xi32>
      %shift_left3A_362 = arith.shli %bitcast3A_361, %broadcast_in_dim3A_88 : vector<16xi32>
      %bitcast3A_363 = vector.bitcast %shift_left3A_362 : vector<16xi32> to vector<16xf32>
      %and3A_364 = arith.andi %bitcast3A_361, %broadcast_in_dim3A_86 : vector<16xi32>
      %bitcast3A_365 = vector.bitcast %and3A_364 : vector<16xi32> to vector<16xf32>
      %unpack3A_366 = tpu.unpack_subelements %add3A_360, 0 {pack_format = #tpu.pack_format<interleaved>} : vector<32xbf16> -> vector<16xf32>
      %unpack3A_367 = tpu.unpack_subelements %add3A_360, 1 {pack_format = #tpu.pack_format<interleaved>} : vector<32xbf16> -> vector<16xf32>
      %mul3A_368 = arith.mulf %bitcast3A_363, %unpack3A_366 : vector<16xf32>
      %add3A_369 = arith.addf %add3A_344, %mul3A_368 : vector<16xf32>
      %mul3A_370 = arith.mulf %bitcast3A_365, %unpack3A_367 : vector<16xf32>
      %add3A_371 = arith.addf %add3A_369, %mul3A_370 : vector<16xf32>
      %get3A_372 = arith.index_cast %scan3A_212 : i32 to index
      %get3A_373 = arith.constant 96 : index
      %get3A_374 = tpu.vector_load %arg8[%get3A_372, %get3A_373] {strides = array<i32>} : memref<40x128xi32, #tpu.memory_space<vmem>>, vector<16xi32>,
      %bitcast3A_375 = vector.bitcast %get3A_374 : vector<16xi32> to vector<32xbf16>
      %get3A_376 = arith.index_cast %scan3A_212 : i32 to index
      %get3A_377 = arith.constant 96 : index
      %get3A_378 = tpu.vector_load %arg9[%get3A_376, %get3A_377] {strides = array<i32>} : memref<40x128xi32, #tpu.memory_space<vmem>>, vector<16xi32>,
      %bitcast3A_379 = vector.bitcast %get3A_378 : vector<16xi32> to vector<32xbf16>
      %get3A_380 = arith.index_cast %scan3A_212 : i32 to index
      %get3A_381 = arith.constant 96 : index
      %get3A_382 = tpu.vector_load %arg10[%get3A_380, %get3A_381] {strides = array<i32>} : memref<40x128xi32, #tpu.memory_space<vmem>>, vector<16xi32>,
      %bitcast3A_383 = vector.bitcast %get3A_382 : vector<16xi32> to vector<32xbf16>
      %sub3A_384 = arith.subf %bitcast3A_375, %bitcast3A_379 : vector<32xbf16>
      %sub3A_385 = arith.subf %bitcast3A_375, %bitcast3A_383 : vector<32xbf16>
      %sub3A_386 = arith.subf %sub3A_384, %sub3A_385 : vector<32xbf16>
      %add3A_387 = arith.addf %sub3A_384, %sub3A_385 : vector<32xbf16>
      %bitcast3A_388 = vector.bitcast %sub3A_386 : vector<32xbf16> to vector<16xi32>
      %shift_left3A_389 = arith.shli %bitcast3A_388, %broadcast_in_dim3A_88 : vector<16xi32>
      %bitcast3A_390 = vector.bitcast %shift_left3A_389 : vector<16xi32> to vector<16xf32>
      %and3A_391 = arith.andi %bitcast3A_388, %broadcast_in_dim3A_86 : vector<16xi32>
      %bitcast3A_392 = vector.bitcast %and3A_391 : vector<16xi32> to vector<16xf32>
      %unpack3A_393 = tpu.unpack_subelements %add3A_387, 0 {pack_format = #tpu.pack_format<interleaved>} : vector<32xbf16> -> vector<16xf32>
      %unpack3A_394 = tpu.unpack_subelements %add3A_387, 1 {pack_format = #tpu.pack_format<interleaved>} : vector<32xbf16> -> vector<16xf32>
      %mul3A_395 = arith.mulf %bitcast3A_390, %unpack3A_393 : vector<16xf32>
      %add3A_396 = arith.addf %add3A_371, %mul3A_395 : vector<16xf32>
      %mul3A_397 = arith.mulf %bitcast3A_392, %unpack3A_394 : vector<16xf32>
      %add3A_398 = arith.addf %add3A_396, %mul3A_397 : vector<16xf32>
      %get3A_399 = arith.index_cast %scan3A_212 : i32 to index
      %get3A_400 = arith.constant 112 : index
      %get3A_401 = tpu.vector_load %arg8[%get3A_399, %get3A_400] {strides = array<i32>} : memref<40x128xi32, #tpu.memory_space<vmem>>, vector<16xi32>,
      %bitcast3A_402 = vector.bitcast %get3A_401 : vector<16xi32> to vector<32xbf16>
      %get3A_403 = arith.index_cast %scan3A_212 : i32 to index
      %get3A_404 = arith.constant 112 : index
      %get3A_405 = tpu.vector_load %arg9[%get3A_403, %get3A_404] {strides = array<i32>} : memref<40x128xi32, #tpu.memory_space<vmem>>, vector<16xi32>,
      %bitcast3A_406 = vector.bitcast %get3A_405 : vector<16xi32> to vector<32xbf16>
      %get3A_407 = arith.index_cast %scan3A_212 : i32 to index
      %get3A_408 = arith.constant 112 : index
      %get3A_409 = tpu.vector_load %arg10[%get3A_407, %get3A_408] {strides = array<i32>} : memref<40x128xi32, #tpu.memory_space<vmem>>, vector<16xi32>,
      %bitcast3A_410 = vector.bitcast %get3A_409 : vector<16xi32> to vector<32xbf16>
      %sub3A_411 = arith.subf %bitcast3A_402, %bitcast3A_406 : vector<32xbf16>
      %sub3A_412 = arith.subf %bitcast3A_402, %bitcast3A_410 : vector<32xbf16>
      %sub3A_413 = arith.subf %sub3A_411, %sub3A_412 : vector<32xbf16>
      %add3A_414 = arith.addf %sub3A_411, %sub3A_412 : vector<32xbf16>
      %bitcast3A_415 = vector.bitcast %sub3A_413 : vector<32xbf16> to vector<16xi32>
      %shift_left3A_416 = arith.shli %bitcast3A_415, %broadcast_in_dim3A_88 : vector<16xi32>
      %bitcast3A_417 = vector.bitcast %shift_left3A_416 : vector<16xi32> to vector<16xf32>
      %and3A_418 = arith.andi %bitcast3A_415, %broadcast_in_dim3A_86 : vector<16xi32>
      %bitcast3A_419 = vector.bitcast %and3A_418 : vector<16xi32> to vector<16xf32>
      %unpack3A_420 = tpu.unpack_subelements %add3A_414, 0 {pack_format = #tpu.pack_format<interleaved>} : vector<32xbf16> -> vector<16xf32>
      %unpack3A_421 = tpu.unpack_subelements %add3A_414, 1 {pack_format = #tpu.pack_format<interleaved>} : vector<32xbf16> -> vector<16xf32>
      %mul3A_422 = arith.mulf %bitcast3A_417, %unpack3A_420 : vector<16xf32>
      %add3A_423 = arith.addf %add3A_398, %mul3A_422 : vector<16xf32>
      %mul3A_424 = arith.mulf %bitcast3A_419, %unpack3A_421 : vector<16xf32>
      %add3A_425 = arith.addf %add3A_423, %mul3A_424 : vector<16xf32>
      %reduce_sum3A = arith.constant true
      %reduce_sum3A_426 = vector.broadcast %reduce_sum3A : i1 to vector<16xi1>
      %reduce_sum3A_427 = tpu.scan <sum>, %add3A_425 masked %reduce_sum3A_426 : vector<16xf32>, vector<16xi1> -> vector<16xf32>
      %reduce_sum3A_428 = vector.extract %reduce_sum3A_427[15] : f32 from vector<16xf32>
      %add3A_429 = arith.constant 1.000000e+00 : f32
      %add3A_430 = arith.addf %reduce_sum3A_428, %add3A_429 : f32
      %max3A = arith.constant 0.000000e+00 : f32
      %max3A_431 = arith.maximumf %add3A_430, %max3A : f32
      %add3A_432 = arith.addf %scan3A_213, %max3A_431 : f32
      scf.yield %add3A_432 : f32
    }
    %scan3A_94 = arith.constant 40 : i32
    %dma_wait3A_95 = arith.constant 4840 : i32
    %dma_wait3A_96 = tpu.memref_slice %arg7[%dma_wait3A_95] : memref<15000xi32, #tpu.memory_space<vmem>> -> memref<40xi32, #tpu.memory_space<vmem>>
    %dma_wait3A_97 = arith.constant 0 : i32
    %dma_wait3A_98 = arith.constant 0 : i32
    %dma_wait3A_99 = tpu.memref_slice %arg2[%dma_wait3A_97, %dma_wait3A_98] : memref<10000x128xi32, #tpu.memory_space<hbm>> -> memref<10000x128xi32, #tpu.memory_space<hbm>>
    tpu.wait_indirect_dma semaphore(%arg22 : memref<!tpu.dma_semaphore, #tpu.memory_space<semaphore_mem>>) src(%dma_wait3A_99 : memref<10000x128xi32, #tpu.memory_space<hbm>>) dst(%arg11 : memref<40x128xi32, #tpu.memory_space<vmem>>)
    %dma_wait3A_100 = arith.constant 9840 : i32
    %dma_wait3A_101 = tpu.memref_slice %arg7[%dma_wait3A_100] : memref<15000xi32, #tpu.memory_space<vmem>> -> memref<40xi32, #tpu.memory_space<vmem>>
    %dma_wait3A_102 = arith.constant 0 : i32
    %dma_wait3A_103 = arith.constant 0 : i32
    %dma_wait3A_104 = tpu.memref_slice %arg3[%dma_wait3A_102, %dma_wait3A_103] : memref<10000x128xi32, #tpu.memory_space<hbm>> -> memref<10000x128xi32, #tpu.memory_space<hbm>>
    tpu.wait_indirect_dma semaphore(%arg22 : memref<!tpu.dma_semaphore, #tpu.memory_space<semaphore_mem>>) src(%dma_wait3A_104 : memref<10000x128xi32, #tpu.memory_space<hbm>>) dst(%arg12 : memref<40x128xi32, #tpu.memory_space<vmem>>)
    %dma_wait3A_105 = arith.constant 14840 : i32
    %dma_wait3A_106 = tpu.memref_slice %arg7[%dma_wait3A_105] : memref<15000xi32, #tpu.memory_space<vmem>> -> memref<40xi32, #tpu.memory_space<vmem>>
    %dma_wait3A_107 = arith.constant 0 : i32
    %dma_wait3A_108 = arith.constant 0 : i32
    %dma_wait3A_109 = tpu.memref_slice %arg4[%dma_wait3A_107, %dma_wait3A_108] : memref<10000x128xi32, #tpu.memory_space<hbm>> -> memref<10000x128xi32, #tpu.memory_space<hbm>>
    tpu.wait_indirect_dma semaphore(%arg22 : memref<!tpu.dma_semaphore, #tpu.memory_space<semaphore_mem>>) src(%dma_wait3A_109 : memref<10000x128xi32, #tpu.memory_space<hbm>>) dst(%arg13 : memref<40x128xi32, #tpu.memory_space<vmem>>)
    %dma_start3A_110 = arith.constant 4960 : i32
    %dma_start3A_111 = tpu.memref_slice %arg7[%dma_start3A_110] : memref<15000xi32, #tpu.memory_space<vmem>> -> memref<40xi32, #tpu.memory_space<vmem>>
    %dma_start3A_112 = arith.constant 0 : i32
    %dma_start3A_113 = arith.constant 0 : i32
    %dma_start3A_114 = tpu.memref_slice %arg2[%dma_start3A_112, %dma_start3A_113] : memref<10000x128xi32, #tpu.memory_space<hbm>> -> memref<10000x128xi32, #tpu.memory_space<hbm>>
    tpu.enqueue_indirect_dma source(%dma_start3A_114 : memref<10000x128xi32, #tpu.memory_space<hbm>>) target(%arg8 : memref<40x128xi32, #tpu.memory_space<vmem>>) offsets(%dma_start3A_111 : memref<40xi32, #tpu.memory_space<vmem>>) semaphore(%arg21 : memref<!tpu.dma_semaphore, #tpu.memory_space<semaphore_mem>>)
    %dma_start3A_115 = arith.constant 9960 : i32
    %dma_start3A_116 = tpu.memref_slice %arg7[%dma_start3A_115] : memref<15000xi32, #tpu.memory_space<vmem>> -> memref<40xi32, #tpu.memory_space<vmem>>
    %dma_start3A_117 = arith.constant 0 : i32
    %dma_start3A_118 = arith.constant 0 : i32
    %dma_start3A_119 = tpu.memref_slice %arg3[%dma_start3A_117, %dma_start3A_118] : memref<10000x128xi32, #tpu.memory_space<hbm>> -> memref<10000x128xi32, #tpu.memory_space<hbm>>
    tpu.enqueue_indirect_dma source(%dma_start3A_119 : memref<10000x128xi32, #tpu.memory_space<hbm>>) target(%arg9 : memref<40x128xi32, #tpu.memory_space<vmem>>) offsets(%dma_start3A_116 : memref<40xi32, #tpu.memory_space<vmem>>) semaphore(%arg21 : memref<!tpu.dma_semaphore, #tpu.memory_space<semaphore_mem>>)
    %dma_start3A_120 = arith.constant 14960 : i32
    %dma_start3A_121 = tpu.memref_slice %arg7[%dma_start3A_120] : memref<15000xi32, #tpu.memory_space<vmem>> -> memref<40xi32, #tpu.memory_space<vmem>>
    %dma_start3A_122 = arith.constant 0 : i32
    %dma_start3A_123 = arith.constant 0 : i32
    %dma_start3A_124 = tpu.memref_slice %arg4[%dma_start3A_122, %dma_start3A_123] : memref<10000x128xi32, #tpu.memory_space<hbm>> -> memref<10000x128xi32, #tpu.memory_space<hbm>>
    tpu.enqueue_indirect_dma source(%dma_start3A_124 : memref<10000x128xi32, #tpu.memory_space<hbm>>) target(%arg10 : memref<40x128xi32, #tpu.memory_space<vmem>>) offsets(%dma_start3A_121 : memref<40xi32, #tpu.memory_space<vmem>>) semaphore(%arg21 : memref<!tpu.dma_semaphore, #tpu.memory_space<semaphore_mem>>)
    %broadcast_in_dim3A_125 = arith.constant -65536 : i32
    %broadcast_in_dim3A_126 = vector.broadcast %broadcast_in_dim3A_125 : i32 to vector<16xi32>
    %broadcast_in_dim3A_127 = arith.constant 16 : i32
    %broadcast_in_dim3A_128 = vector.broadcast %broadcast_in_dim3A_127 : i32 to vector<16xi32>
    %scan3A_129 = arith.constant 0 : i32
    %scan3A_130 = arith.constant 40 : i32
    %scan3A_131 = arith.addi %scan3A_129, %scan3A_130 : i32
    %scan3A_132 = arith.constant 1 : i32
    %scan3A_133 = scf.for %scan3A_212 = %scan3A_129 to %scan3A_131 step %scan3A_132 iter_args(%scan3A_213 = %scan3A_93) -> (f32)  : i32 {
      %broadcast_in_dim3A_214 = arith.constant 0.000000e+00 : f32
      %broadcast_in_dim3A_215 = vector.broadcast %broadcast_in_dim3A_214 : f32 to vector<16xf32>
      %get3A = arith.index_cast %scan3A_212 : i32 to index
      %get3A_216 = arith.constant 0 : index
      %get3A_217 = tpu.vector_load %arg11[%get3A, %get3A_216] {strides = array<i32>} : memref<40x128xi32, #tpu.memory_space<vmem>>, vector<16xi32>,
      %bitcast3A = vector.bitcast %get3A_217 : vector<16xi32> to vector<32xbf16>
      %get3A_218 = arith.index_cast %scan3A_212 : i32 to index
      %get3A_219 = arith.constant 0 : index
      %get3A_220 = tpu.vector_load %arg12[%get3A_218, %get3A_219] {strides = array<i32>} : memref<40x128xi32, #tpu.memory_space<vmem>>, vector<16xi32>,
      %bitcast3A_221 = vector.bitcast %get3A_220 : vector<16xi32> to vector<32xbf16>
      %get3A_222 = arith.index_cast %scan3A_212 : i32 to index
      %get3A_223 = arith.constant 0 : index
      %get3A_224 = tpu.vector_load %arg13[%get3A_222, %get3A_223] {strides = array<i32>} : memref<40x128xi32, #tpu.memory_space<vmem>>, vector<16xi32>,
      %bitcast3A_225 = vector.bitcast %get3A_224 : vector<16xi32> to vector<32xbf16>
      %sub3A = arith.subf %bitcast3A, %bitcast3A_221 : vector<32xbf16>
      %sub3A_226 = arith.subf %bitcast3A, %bitcast3A_225 : vector<32xbf16>
      %sub3A_227 = arith.subf %sub3A, %sub3A_226 : vector<32xbf16>
      %add3A_228 = arith.addf %sub3A, %sub3A_226 : vector<32xbf16>
      %bitcast3A_229 = vector.bitcast %sub3A_227 : vector<32xbf16> to vector<16xi32>
      %shift_left3A = arith.shli %bitcast3A_229, %broadcast_in_dim3A_128 : vector<16xi32>
      %bitcast3A_230 = vector.bitcast %shift_left3A : vector<16xi32> to vector<16xf32>
      %and3A = arith.andi %bitcast3A_229, %broadcast_in_dim3A_126 : vector<16xi32>
      %bitcast3A_231 = vector.bitcast %and3A : vector<16xi32> to vector<16xf32>
      %unpack3A = tpu.unpack_subelements %add3A_228, 0 {pack_format = #tpu.pack_format<interleaved>} : vector<32xbf16> -> vector<16xf32>
      %unpack3A_232 = tpu.unpack_subelements %add3A_228, 1 {pack_format = #tpu.pack_format<interleaved>} : vector<32xbf16> -> vector<16xf32>
      %mul3A_233 = arith.mulf %bitcast3A_230, %unpack3A : vector<16xf32>
      %add3A_234 = arith.addf %broadcast_in_dim3A_215, %mul3A_233 : vector<16xf32>
      %mul3A_235 = arith.mulf %bitcast3A_231, %unpack3A_232 : vector<16xf32>
      %add3A_236 = arith.addf %add3A_234, %mul3A_235 : vector<16xf32>
      %get3A_237 = arith.index_cast %scan3A_212 : i32 to index
      %get3A_238 = arith.constant 16 : index
      %get3A_239 = tpu.vector_load %arg11[%get3A_237, %get3A_238] {strides = array<i32>} : memref<40x128xi32, #tpu.memory_space<vmem>>, vector<16xi32>,
      %bitcast3A_240 = vector.bitcast %get3A_239 : vector<16xi32> to vector<32xbf16>
      %get3A_241 = arith.index_cast %scan3A_212 : i32 to index
      %get3A_242 = arith.constant 16 : index
      %get3A_243 = tpu.vector_load %arg12[%get3A_241, %get3A_242] {strides = array<i32>} : memref<40x128xi32, #tpu.memory_space<vmem>>, vector<16xi32>,
      %bitcast3A_244 = vector.bitcast %get3A_243 : vector<16xi32> to vector<32xbf16>
      %get3A_245 = arith.index_cast %scan3A_212 : i32 to index
      %get3A_246 = arith.constant 16 : index
      %get3A_247 = tpu.vector_load %arg13[%get3A_245, %get3A_246] {strides = array<i32>} : memref<40x128xi32, #tpu.memory_space<vmem>>, vector<16xi32>,
      %bitcast3A_248 = vector.bitcast %get3A_247 : vector<16xi32> to vector<32xbf16>
      %sub3A_249 = arith.subf %bitcast3A_240, %bitcast3A_244 : vector<32xbf16>
      %sub3A_250 = arith.subf %bitcast3A_240, %bitcast3A_248 : vector<32xbf16>
      %sub3A_251 = arith.subf %sub3A_249, %sub3A_250 : vector<32xbf16>
      %add3A_252 = arith.addf %sub3A_249, %sub3A_250 : vector<32xbf16>
      %bitcast3A_253 = vector.bitcast %sub3A_251 : vector<32xbf16> to vector<16xi32>
      %shift_left3A_254 = arith.shli %bitcast3A_253, %broadcast_in_dim3A_128 : vector<16xi32>
      %bitcast3A_255 = vector.bitcast %shift_left3A_254 : vector<16xi32> to vector<16xf32>
      %and3A_256 = arith.andi %bitcast3A_253, %broadcast_in_dim3A_126 : vector<16xi32>
      %bitcast3A_257 = vector.bitcast %and3A_256 : vector<16xi32> to vector<16xf32>
      %unpack3A_258 = tpu.unpack_subelements %add3A_252, 0 {pack_format = #tpu.pack_format<interleaved>} : vector<32xbf16> -> vector<16xf32>
      %unpack3A_259 = tpu.unpack_subelements %add3A_252, 1 {pack_format = #tpu.pack_format<interleaved>} : vector<32xbf16> -> vector<16xf32>
      %mul3A_260 = arith.mulf %bitcast3A_255, %unpack3A_258 : vector<16xf32>
      %add3A_261 = arith.addf %add3A_236, %mul3A_260 : vector<16xf32>
      %mul3A_262 = arith.mulf %bitcast3A_257, %unpack3A_259 : vector<16xf32>
      %add3A_263 = arith.addf %add3A_261, %mul3A_262 : vector<16xf32>
      %get3A_264 = arith.index_cast %scan3A_212 : i32 to index
      %get3A_265 = arith.constant 32 : index
      %get3A_266 = tpu.vector_load %arg11[%get3A_264, %get3A_265] {strides = array<i32>} : memref<40x128xi32, #tpu.memory_space<vmem>>, vector<16xi32>,
      %bitcast3A_267 = vector.bitcast %get3A_266 : vector<16xi32> to vector<32xbf16>
      %get3A_268 = arith.index_cast %scan3A_212 : i32 to index
      %get3A_269 = arith.constant 32 : index
      %get3A_270 = tpu.vector_load %arg12[%get3A_268, %get3A_269] {strides = array<i32>} : memref<40x128xi32, #tpu.memory_space<vmem>>, vector<16xi32>,
      %bitcast3A_271 = vector.bitcast %get3A_270 : vector<16xi32> to vector<32xbf16>
      %get3A_272 = arith.index_cast %scan3A_212 : i32 to index
      %get3A_273 = arith.constant 32 : index
      %get3A_274 = tpu.vector_load %arg13[%get3A_272, %get3A_273] {strides = array<i32>} : memref<40x128xi32, #tpu.memory_space<vmem>>, vector<16xi32>,
      %bitcast3A_275 = vector.bitcast %get3A_274 : vector<16xi32> to vector<32xbf16>
      %sub3A_276 = arith.subf %bitcast3A_267, %bitcast3A_271 : vector<32xbf16>
      %sub3A_277 = arith.subf %bitcast3A_267, %bitcast3A_275 : vector<32xbf16>
      %sub3A_278 = arith.subf %sub3A_276, %sub3A_277 : vector<32xbf16>
      %add3A_279 = arith.addf %sub3A_276, %sub3A_277 : vector<32xbf16>
      %bitcast3A_280 = vector.bitcast %sub3A_278 : vector<32xbf16> to vector<16xi32>
      %shift_left3A_281 = arith.shli %bitcast3A_280, %broadcast_in_dim3A_128 : vector<16xi32>
      %bitcast3A_282 = vector.bitcast %shift_left3A_281 : vector<16xi32> to vector<16xf32>
      %and3A_283 = arith.andi %bitcast3A_280, %broadcast_in_dim3A_126 : vector<16xi32>
      %bitcast3A_284 = vector.bitcast %and3A_283 : vector<16xi32> to vector<16xf32>
      %unpack3A_285 = tpu.unpack_subelements %add3A_279, 0 {pack_format = #tpu.pack_format<interleaved>} : vector<32xbf16> -> vector<16xf32>
      %unpack3A_286 = tpu.unpack_subelements %add3A_279, 1 {pack_format = #tpu.pack_format<interleaved>} : vector<32xbf16> -> vector<16xf32>
      %mul3A_287 = arith.mulf %bitcast3A_282, %unpack3A_285 : vector<16xf32>
      %add3A_288 = arith.addf %add3A_263, %mul3A_287 : vector<16xf32>
      %mul3A_289 = arith.mulf %bitcast3A_284, %unpack3A_286 : vector<16xf32>
      %add3A_290 = arith.addf %add3A_288, %mul3A_289 : vector<16xf32>
      %get3A_291 = arith.index_cast %scan3A_212 : i32 to index
      %get3A_292 = arith.constant 48 : index
      %get3A_293 = tpu.vector_load %arg11[%get3A_291, %get3A_292] {strides = array<i32>} : memref<40x128xi32, #tpu.memory_space<vmem>>, vector<16xi32>,
      %bitcast3A_294 = vector.bitcast %get3A_293 : vector<16xi32> to vector<32xbf16>
      %get3A_295 = arith.index_cast %scan3A_212 : i32 to index
      %get3A_296 = arith.constant 48 : index
      %get3A_297 = tpu.vector_load %arg12[%get3A_295, %get3A_296] {strides = array<i32>} : memref<40x128xi32, #tpu.memory_space<vmem>>, vector<16xi32>,
      %bitcast3A_298 = vector.bitcast %get3A_297 : vector<16xi32> to vector<32xbf16>
      %get3A_299 = arith.index_cast %scan3A_212 : i32 to index
      %get3A_300 = arith.constant 48 : index
      %get3A_301 = tpu.vector_load %arg13[%get3A_299, %get3A_300] {strides = array<i32>} : memref<40x128xi32, #tpu.memory_space<vmem>>, vector<16xi32>,
      %bitcast3A_302 = vector.bitcast %get3A_301 : vector<16xi32> to vector<32xbf16>
      %sub3A_303 = arith.subf %bitcast3A_294, %bitcast3A_298 : vector<32xbf16>
      %sub3A_304 = arith.subf %bitcast3A_294, %bitcast3A_302 : vector<32xbf16>
      %sub3A_305 = arith.subf %sub3A_303, %sub3A_304 : vector<32xbf16>
      %add3A_306 = arith.addf %sub3A_303, %sub3A_304 : vector<32xbf16>
      %bitcast3A_307 = vector.bitcast %sub3A_305 : vector<32xbf16> to vector<16xi32>
      %shift_left3A_308 = arith.shli %bitcast3A_307, %broadcast_in_dim3A_128 : vector<16xi32>
      %bitcast3A_309 = vector.bitcast %shift_left3A_308 : vector<16xi32> to vector<16xf32>
      %and3A_310 = arith.andi %bitcast3A_307, %broadcast_in_dim3A_126 : vector<16xi32>
      %bitcast3A_311 = vector.bitcast %and3A_310 : vector<16xi32> to vector<16xf32>
      %unpack3A_312 = tpu.unpack_subelements %add3A_306, 0 {pack_format = #tpu.pack_format<interleaved>} : vector<32xbf16> -> vector<16xf32>
      %unpack3A_313 = tpu.unpack_subelements %add3A_306, 1 {pack_format = #tpu.pack_format<interleaved>} : vector<32xbf16> -> vector<16xf32>
      %mul3A_314 = arith.mulf %bitcast3A_309, %unpack3A_312 : vector<16xf32>
      %add3A_315 = arith.addf %add3A_290, %mul3A_314 : vector<16xf32>
      %mul3A_316 = arith.mulf %bitcast3A_311, %unpack3A_313 : vector<16xf32>
      %add3A_317 = arith.addf %add3A_315, %mul3A_316 : vector<16xf32>
      %get3A_318 = arith.index_cast %scan3A_212 : i32 to index
      %get3A_319 = arith.constant 64 : index
      %get3A_320 = tpu.vector_load %arg11[%get3A_318, %get3A_319] {strides = array<i32>} : memref<40x128xi32, #tpu.memory_space<vmem>>, vector<16xi32>,
      %bitcast3A_321 = vector.bitcast %get3A_320 : vector<16xi32> to vector<32xbf16>
      %get3A_322 = arith.index_cast %scan3A_212 : i32 to index
      %get3A_323 = arith.constant 64 : index
      %get3A_324 = tpu.vector_load %arg12[%get3A_322, %get3A_323] {strides = array<i32>} : memref<40x128xi32, #tpu.memory_space<vmem>>, vector<16xi32>,
      %bitcast3A_325 = vector.bitcast %get3A_324 : vector<16xi32> to vector<32xbf16>
      %get3A_326 = arith.index_cast %scan3A_212 : i32 to index
      %get3A_327 = arith.constant 64 : index
      %get3A_328 = tpu.vector_load %arg13[%get3A_326, %get3A_327] {strides = array<i32>} : memref<40x128xi32, #tpu.memory_space<vmem>>, vector<16xi32>,
      %bitcast3A_329 = vector.bitcast %get3A_328 : vector<16xi32> to vector<32xbf16>
      %sub3A_330 = arith.subf %bitcast3A_321, %bitcast3A_325 : vector<32xbf16>
      %sub3A_331 = arith.subf %bitcast3A_321, %bitcast3A_329 : vector<32xbf16>
      %sub3A_332 = arith.subf %sub3A_330, %sub3A_331 : vector<32xbf16>
      %add3A_333 = arith.addf %sub3A_330, %sub3A_331 : vector<32xbf16>
      %bitcast3A_334 = vector.bitcast %sub3A_332 : vector<32xbf16> to vector<16xi32>
      %shift_left3A_335 = arith.shli %bitcast3A_334, %broadcast_in_dim3A_128 : vector<16xi32>
      %bitcast3A_336 = vector.bitcast %shift_left3A_335 : vector<16xi32> to vector<16xf32>
      %and3A_337 = arith.andi %bitcast3A_334, %broadcast_in_dim3A_126 : vector<16xi32>
      %bitcast3A_338 = vector.bitcast %and3A_337 : vector<16xi32> to vector<16xf32>
      %unpack3A_339 = tpu.unpack_subelements %add3A_333, 0 {pack_format = #tpu.pack_format<interleaved>} : vector<32xbf16> -> vector<16xf32>
      %unpack3A_340 = tpu.unpack_subelements %add3A_333, 1 {pack_format = #tpu.pack_format<interleaved>} : vector<32xbf16> -> vector<16xf32>
      %mul3A_341 = arith.mulf %bitcast3A_336, %unpack3A_339 : vector<16xf32>
      %add3A_342 = arith.addf %add3A_317, %mul3A_341 : vector<16xf32>
      %mul3A_343 = arith.mulf %bitcast3A_338, %unpack3A_340 : vector<16xf32>
      %add3A_344 = arith.addf %add3A_342, %mul3A_343 : vector<16xf32>
      %get3A_345 = arith.index_cast %scan3A_212 : i32 to index
      %get3A_346 = arith.constant 80 : index
      %get3A_347 = tpu.vector_load %arg11[%get3A_345, %get3A_346] {strides = array<i32>} : memref<40x128xi32, #tpu.memory_space<vmem>>, vector<16xi32>,
      %bitcast3A_348 = vector.bitcast %get3A_347 : vector<16xi32> to vector<32xbf16>
      %get3A_349 = arith.index_cast %scan3A_212 : i32 to index
      %get3A_350 = arith.constant 80 : index
      %get3A_351 = tpu.vector_load %arg12[%get3A_349, %get3A_350] {strides = array<i32>} : memref<40x128xi32, #tpu.memory_space<vmem>>, vector<16xi32>,
      %bitcast3A_352 = vector.bitcast %get3A_351 : vector<16xi32> to vector<32xbf16>
      %get3A_353 = arith.index_cast %scan3A_212 : i32 to index
      %get3A_354 = arith.constant 80 : index
      %get3A_355 = tpu.vector_load %arg13[%get3A_353, %get3A_354] {strides = array<i32>} : memref<40x128xi32, #tpu.memory_space<vmem>>, vector<16xi32>,
      %bitcast3A_356 = vector.bitcast %get3A_355 : vector<16xi32> to vector<32xbf16>
      %sub3A_357 = arith.subf %bitcast3A_348, %bitcast3A_352 : vector<32xbf16>
      %sub3A_358 = arith.subf %bitcast3A_348, %bitcast3A_356 : vector<32xbf16>
      %sub3A_359 = arith.subf %sub3A_357, %sub3A_358 : vector<32xbf16>
      %add3A_360 = arith.addf %sub3A_357, %sub3A_358 : vector<32xbf16>
      %bitcast3A_361 = vector.bitcast %sub3A_359 : vector<32xbf16> to vector<16xi32>
      %shift_left3A_362 = arith.shli %bitcast3A_361, %broadcast_in_dim3A_128 : vector<16xi32>
      %bitcast3A_363 = vector.bitcast %shift_left3A_362 : vector<16xi32> to vector<16xf32>
      %and3A_364 = arith.andi %bitcast3A_361, %broadcast_in_dim3A_126 : vector<16xi32>
      %bitcast3A_365 = vector.bitcast %and3A_364 : vector<16xi32> to vector<16xf32>
      %unpack3A_366 = tpu.unpack_subelements %add3A_360, 0 {pack_format = #tpu.pack_format<interleaved>} : vector<32xbf16> -> vector<16xf32>
      %unpack3A_367 = tpu.unpack_subelements %add3A_360, 1 {pack_format = #tpu.pack_format<interleaved>} : vector<32xbf16> -> vector<16xf32>
      %mul3A_368 = arith.mulf %bitcast3A_363, %unpack3A_366 : vector<16xf32>
      %add3A_369 = arith.addf %add3A_344, %mul3A_368 : vector<16xf32>
      %mul3A_370 = arith.mulf %bitcast3A_365, %unpack3A_367 : vector<16xf32>
      %add3A_371 = arith.addf %add3A_369, %mul3A_370 : vector<16xf32>
      %get3A_372 = arith.index_cast %scan3A_212 : i32 to index
      %get3A_373 = arith.constant 96 : index
      %get3A_374 = tpu.vector_load %arg11[%get3A_372, %get3A_373] {strides = array<i32>} : memref<40x128xi32, #tpu.memory_space<vmem>>, vector<16xi32>,
      %bitcast3A_375 = vector.bitcast %get3A_374 : vector<16xi32> to vector<32xbf16>
      %get3A_376 = arith.index_cast %scan3A_212 : i32 to index
      %get3A_377 = arith.constant 96 : index
      %get3A_378 = tpu.vector_load %arg12[%get3A_376, %get3A_377] {strides = array<i32>} : memref<40x128xi32, #tpu.memory_space<vmem>>, vector<16xi32>,
      %bitcast3A_379 = vector.bitcast %get3A_378 : vector<16xi32> to vector<32xbf16>
      %get3A_380 = arith.index_cast %scan3A_212 : i32 to index
      %get3A_381 = arith.constant 96 : index
      %get3A_382 = tpu.vector_load %arg13[%get3A_380, %get3A_381] {strides = array<i32>} : memref<40x128xi32, #tpu.memory_space<vmem>>, vector<16xi32>,
      %bitcast3A_383 = vector.bitcast %get3A_382 : vector<16xi32> to vector<32xbf16>
      %sub3A_384 = arith.subf %bitcast3A_375, %bitcast3A_379 : vector<32xbf16>
      %sub3A_385 = arith.subf %bitcast3A_375, %bitcast3A_383 : vector<32xbf16>
      %sub3A_386 = arith.subf %sub3A_384, %sub3A_385 : vector<32xbf16>
      %add3A_387 = arith.addf %sub3A_384, %sub3A_385 : vector<32xbf16>
      %bitcast3A_388 = vector.bitcast %sub3A_386 : vector<32xbf16> to vector<16xi32>
      %shift_left3A_389 = arith.shli %bitcast3A_388, %broadcast_in_dim3A_128 : vector<16xi32>
      %bitcast3A_390 = vector.bitcast %shift_left3A_389 : vector<16xi32> to vector<16xf32>
      %and3A_391 = arith.andi %bitcast3A_388, %broadcast_in_dim3A_126 : vector<16xi32>
      %bitcast3A_392 = vector.bitcast %and3A_391 : vector<16xi32> to vector<16xf32>
      %unpack3A_393 = tpu.unpack_subelements %add3A_387, 0 {pack_format = #tpu.pack_format<interleaved>} : vector<32xbf16> -> vector<16xf32>
      %unpack3A_394 = tpu.unpack_subelements %add3A_387, 1 {pack_format = #tpu.pack_format<interleaved>} : vector<32xbf16> -> vector<16xf32>
      %mul3A_395 = arith.mulf %bitcast3A_390, %unpack3A_393 : vector<16xf32>
      %add3A_396 = arith.addf %add3A_371, %mul3A_395 : vector<16xf32>
      %mul3A_397 = arith.mulf %bitcast3A_392, %unpack3A_394 : vector<16xf32>
      %add3A_398 = arith.addf %add3A_396, %mul3A_397 : vector<16xf32>
      %get3A_399 = arith.index_cast %scan3A_212 : i32 to index
      %get3A_400 = arith.constant 112 : index
      %get3A_401 = tpu.vector_load %arg11[%get3A_399, %get3A_400] {strides = array<i32>} : memref<40x128xi32, #tpu.memory_space<vmem>>, vector<16xi32>,
      %bitcast3A_402 = vector.bitcast %get3A_401 : vector<16xi32> to vector<32xbf16>
      %get3A_403 = arith.index_cast %scan3A_212 : i32 to index
      %get3A_404 = arith.constant 112 : index
      %get3A_405 = tpu.vector_load %arg12[%get3A_403, %get3A_404] {strides = array<i32>} : memref<40x128xi32, #tpu.memory_space<vmem>>, vector<16xi32>,
      %bitcast3A_406 = vector.bitcast %get3A_405 : vector<16xi32> to vector<32xbf16>
      %get3A_407 = arith.index_cast %scan3A_212 : i32 to index
      %get3A_408 = arith.constant 112 : index
      %get3A_409 = tpu.vector_load %arg13[%get3A_407, %get3A_408] {strides = array<i32>} : memref<40x128xi32, #tpu.memory_space<vmem>>, vector<16xi32>,
      %bitcast3A_410 = vector.bitcast %get3A_409 : vector<16xi32> to vector<32xbf16>
      %sub3A_411 = arith.subf %bitcast3A_402, %bitcast3A_406 : vector<32xbf16>
      %sub3A_412 = arith.subf %bitcast3A_402, %bitcast3A_410 : vector<32xbf16>
      %sub3A_413 = arith.subf %sub3A_411, %sub3A_412 : vector<32xbf16>
      %add3A_414 = arith.addf %sub3A_411, %sub3A_412 : vector<32xbf16>
      %bitcast3A_415 = vector.bitcast %sub3A_413 : vector<32xbf16> to vector<16xi32>
      %shift_left3A_416 = arith.shli %bitcast3A_415, %broadcast_in_dim3A_128 : vector<16xi32>
      %bitcast3A_417 = vector.bitcast %shift_left3A_416 : vector<16xi32> to vector<16xf32>
      %and3A_418 = arith.andi %bitcast3A_415, %broadcast_in_dim3A_126 : vector<16xi32>
      %bitcast3A_419 = vector.bitcast %and3A_418 : vector<16xi32> to vector<16xf32>
      %unpack3A_420 = tpu.unpack_subelements %add3A_414, 0 {pack_format = #tpu.pack_format<interleaved>} : vector<32xbf16> -> vector<16xf32>
      %unpack3A_421 = tpu.unpack_subelements %add3A_414, 1 {pack_format = #tpu.pack_format<interleaved>} : vector<32xbf16> -> vector<16xf32>
      %mul3A_422 = arith.mulf %bitcast3A_417, %unpack3A_420 : vector<16xf32>
      %add3A_423 = arith.addf %add3A_398, %mul3A_422 : vector<16xf32>
      %mul3A_424 = arith.mulf %bitcast3A_419, %unpack3A_421 : vector<16xf32>
      %add3A_425 = arith.addf %add3A_423, %mul3A_424 : vector<16xf32>
      %reduce_sum3A = arith.constant true
      %reduce_sum3A_426 = vector.broadcast %reduce_sum3A : i1 to vector<16xi1>
      %reduce_sum3A_427 = tpu.scan <sum>, %add3A_425 masked %reduce_sum3A_426 : vector<16xf32>, vector<16xi1> -> vector<16xf32>
      %reduce_sum3A_428 = vector.extract %reduce_sum3A_427[15] : f32 from vector<16xf32>
      %add3A_429 = arith.constant 1.000000e+00 : f32
      %add3A_430 = arith.addf %reduce_sum3A_428, %add3A_429 : f32
      %max3A = arith.constant 0.000000e+00 : f32
      %max3A_431 = arith.maximumf %add3A_430, %max3A : f32
      %add3A_432 = arith.addf %scan3A_213, %max3A_431 : f32
      scf.yield %add3A_432 : f32
    }
    %scan3A_134 = arith.constant 40 : i32
    %dma_wait3A_135 = arith.constant 4880 : i32
    %dma_wait3A_136 = tpu.memref_slice %arg7[%dma_wait3A_135] : memref<15000xi32, #tpu.memory_space<vmem>> -> memref<40xi32, #tpu.memory_space<vmem>>
    %dma_wait3A_137 = arith.constant 0 : i32
    %dma_wait3A_138 = arith.constant 0 : i32
    %dma_wait3A_139 = tpu.memref_slice %arg2[%dma_wait3A_137, %dma_wait3A_138] : memref<10000x128xi32, #tpu.memory_space<hbm>> -> memref<10000x128xi32, #tpu.memory_space<hbm>>
    tpu.wait_indirect_dma semaphore(%arg23 : memref<!tpu.dma_semaphore, #tpu.memory_space<semaphore_mem>>) src(%dma_wait3A_139 : memref<10000x128xi32, #tpu.memory_space<hbm>>) dst(%arg14 : memref<40x128xi32, #tpu.memory_space<vmem>>)
    %dma_wait3A_140 = arith.constant 9880 : i32
    %dma_wait3A_141 = tpu.memref_slice %arg7[%dma_wait3A_140] : memref<15000xi32, #tpu.memory_space<vmem>> -> memref<40xi32, #tpu.memory_space<vmem>>
    %dma_wait3A_142 = arith.constant 0 : i32
    %dma_wait3A_143 = arith.constant 0 : i32
    %dma_wait3A_144 = tpu.memref_slice %arg3[%dma_wait3A_142, %dma_wait3A_143] : memref<10000x128xi32, #tpu.memory_space<hbm>> -> memref<10000x128xi32, #tpu.memory_space<hbm>>
    tpu.wait_indirect_dma semaphore(%arg23 : memref<!tpu.dma_semaphore, #tpu.memory_space<semaphore_mem>>) src(%dma_wait3A_144 : memref<10000x128xi32, #tpu.memory_space<hbm>>) dst(%arg15 : memref<40x128xi32, #tpu.memory_space<vmem>>)
    %dma_wait3A_145 = arith.constant 14880 : i32
    %dma_wait3A_146 = tpu.memref_slice %arg7[%dma_wait3A_145] : memref<15000xi32, #tpu.memory_space<vmem>> -> memref<40xi32, #tpu.memory_space<vmem>>
    %dma_wait3A_147 = arith.constant 0 : i32
    %dma_wait3A_148 = arith.constant 0 : i32
    %dma_wait3A_149 = tpu.memref_slice %arg4[%dma_wait3A_147, %dma_wait3A_148] : memref<10000x128xi32, #tpu.memory_space<hbm>> -> memref<10000x128xi32, #tpu.memory_space<hbm>>
    tpu.wait_indirect_dma semaphore(%arg23 : memref<!tpu.dma_semaphore, #tpu.memory_space<semaphore_mem>>) src(%dma_wait3A_149 : memref<10000x128xi32, #tpu.memory_space<hbm>>) dst(%arg16 : memref<40x128xi32, #tpu.memory_space<vmem>>)
    %broadcast_in_dim3A_150 = arith.constant -65536 : i32
    %broadcast_in_dim3A_151 = vector.broadcast %broadcast_in_dim3A_150 : i32 to vector<16xi32>
    %broadcast_in_dim3A_152 = arith.constant 16 : i32
    %broadcast_in_dim3A_153 = vector.broadcast %broadcast_in_dim3A_152 : i32 to vector<16xi32>
    %scan3A_154 = arith.constant 0 : i32
    %scan3A_155 = arith.constant 40 : i32
    %scan3A_156 = arith.addi %scan3A_154, %scan3A_155 : i32
    %scan3A_157 = arith.constant 1 : i32
    %scan3A_158 = scf.for %scan3A_212 = %scan3A_154 to %scan3A_156 step %scan3A_157 iter_args(%scan3A_213 = %scan3A_133) -> (f32)  : i32 {
      %broadcast_in_dim3A_214 = arith.constant 0.000000e+00 : f32
      %broadcast_in_dim3A_215 = vector.broadcast %broadcast_in_dim3A_214 : f32 to vector<16xf32>
      %get3A = arith.index_cast %scan3A_212 : i32 to index
      %get3A_216 = arith.constant 0 : index
      %get3A_217 = tpu.vector_load %arg14[%get3A, %get3A_216] {strides = array<i32>} : memref<40x128xi32, #tpu.memory_space<vmem>>, vector<16xi32>,
      %bitcast3A = vector.bitcast %get3A_217 : vector<16xi32> to vector<32xbf16>
      %get3A_218 = arith.index_cast %scan3A_212 : i32 to index
      %get3A_219 = arith.constant 0 : index
      %get3A_220 = tpu.vector_load %arg15[%get3A_218, %get3A_219] {strides = array<i32>} : memref<40x128xi32, #tpu.memory_space<vmem>>, vector<16xi32>,
      %bitcast3A_221 = vector.bitcast %get3A_220 : vector<16xi32> to vector<32xbf16>
      %get3A_222 = arith.index_cast %scan3A_212 : i32 to index
      %get3A_223 = arith.constant 0 : index
      %get3A_224 = tpu.vector_load %arg16[%get3A_222, %get3A_223] {strides = array<i32>} : memref<40x128xi32, #tpu.memory_space<vmem>>, vector<16xi32>,
      %bitcast3A_225 = vector.bitcast %get3A_224 : vector<16xi32> to vector<32xbf16>
      %sub3A = arith.subf %bitcast3A, %bitcast3A_221 : vector<32xbf16>
      %sub3A_226 = arith.subf %bitcast3A, %bitcast3A_225 : vector<32xbf16>
      %sub3A_227 = arith.subf %sub3A, %sub3A_226 : vector<32xbf16>
      %add3A_228 = arith.addf %sub3A, %sub3A_226 : vector<32xbf16>
      %bitcast3A_229 = vector.bitcast %sub3A_227 : vector<32xbf16> to vector<16xi32>
      %shift_left3A = arith.shli %bitcast3A_229, %broadcast_in_dim3A_153 : vector<16xi32>
      %bitcast3A_230 = vector.bitcast %shift_left3A : vector<16xi32> to vector<16xf32>
      %and3A = arith.andi %bitcast3A_229, %broadcast_in_dim3A_151 : vector<16xi32>
      %bitcast3A_231 = vector.bitcast %and3A : vector<16xi32> to vector<16xf32>
      %unpack3A = tpu.unpack_subelements %add3A_228, 0 {pack_format = #tpu.pack_format<interleaved>} : vector<32xbf16> -> vector<16xf32>
      %unpack3A_232 = tpu.unpack_subelements %add3A_228, 1 {pack_format = #tpu.pack_format<interleaved>} : vector<32xbf16> -> vector<16xf32>
      %mul3A_233 = arith.mulf %bitcast3A_230, %unpack3A : vector<16xf32>
      %add3A_234 = arith.addf %broadcast_in_dim3A_215, %mul3A_233 : vector<16xf32>
      %mul3A_235 = arith.mulf %bitcast3A_231, %unpack3A_232 : vector<16xf32>
      %add3A_236 = arith.addf %add3A_234, %mul3A_235 : vector<16xf32>
      %get3A_237 = arith.index_cast %scan3A_212 : i32 to index
      %get3A_238 = arith.constant 16 : index
      %get3A_239 = tpu.vector_load %arg14[%get3A_237, %get3A_238] {strides = array<i32>} : memref<40x128xi32, #tpu.memory_space<vmem>>, vector<16xi32>,
      %bitcast3A_240 = vector.bitcast %get3A_239 : vector<16xi32> to vector<32xbf16>
      %get3A_241 = arith.index_cast %scan3A_212 : i32 to index
      %get3A_242 = arith.constant 16 : index
      %get3A_243 = tpu.vector_load %arg15[%get3A_241, %get3A_242] {strides = array<i32>} : memref<40x128xi32, #tpu.memory_space<vmem>>, vector<16xi32>,
      %bitcast3A_244 = vector.bitcast %get3A_243 : vector<16xi32> to vector<32xbf16>
      %get3A_245 = arith.index_cast %scan3A_212 : i32 to index
      %get3A_246 = arith.constant 16 : index
      %get3A_247 = tpu.vector_load %arg16[%get3A_245, %get3A_246] {strides = array<i32>} : memref<40x128xi32, #tpu.memory_space<vmem>>, vector<16xi32>,
      %bitcast3A_248 = vector.bitcast %get3A_247 : vector<16xi32> to vector<32xbf16>
      %sub3A_249 = arith.subf %bitcast3A_240, %bitcast3A_244 : vector<32xbf16>
      %sub3A_250 = arith.subf %bitcast3A_240, %bitcast3A_248 : vector<32xbf16>
      %sub3A_251 = arith.subf %sub3A_249, %sub3A_250 : vector<32xbf16>
      %add3A_252 = arith.addf %sub3A_249, %sub3A_250 : vector<32xbf16>
      %bitcast3A_253 = vector.bitcast %sub3A_251 : vector<32xbf16> to vector<16xi32>
      %shift_left3A_254 = arith.shli %bitcast3A_253, %broadcast_in_dim3A_153 : vector<16xi32>
      %bitcast3A_255 = vector.bitcast %shift_left3A_254 : vector<16xi32> to vector<16xf32>
      %and3A_256 = arith.andi %bitcast3A_253, %broadcast_in_dim3A_151 : vector<16xi32>
      %bitcast3A_257 = vector.bitcast %and3A_256 : vector<16xi32> to vector<16xf32>
      %unpack3A_258 = tpu.unpack_subelements %add3A_252, 0 {pack_format = #tpu.pack_format<interleaved>} : vector<32xbf16> -> vector<16xf32>
      %unpack3A_259 = tpu.unpack_subelements %add3A_252, 1 {pack_format = #tpu.pack_format<interleaved>} : vector<32xbf16> -> vector<16xf32>
      %mul3A_260 = arith.mulf %bitcast3A_255, %unpack3A_258 : vector<16xf32>
      %add3A_261 = arith.addf %add3A_236, %mul3A_260 : vector<16xf32>
      %mul3A_262 = arith.mulf %bitcast3A_257, %unpack3A_259 : vector<16xf32>
      %add3A_263 = arith.addf %add3A_261, %mul3A_262 : vector<16xf32>
      %get3A_264 = arith.index_cast %scan3A_212 : i32 to index
      %get3A_265 = arith.constant 32 : index
      %get3A_266 = tpu.vector_load %arg14[%get3A_264, %get3A_265] {strides = array<i32>} : memref<40x128xi32, #tpu.memory_space<vmem>>, vector<16xi32>,
      %bitcast3A_267 = vector.bitcast %get3A_266 : vector<16xi32> to vector<32xbf16>
      %get3A_268 = arith.index_cast %scan3A_212 : i32 to index
      %get3A_269 = arith.constant 32 : index
      %get3A_270 = tpu.vector_load %arg15[%get3A_268, %get3A_269] {strides = array<i32>} : memref<40x128xi32, #tpu.memory_space<vmem>>, vector<16xi32>,
      %bitcast3A_271 = vector.bitcast %get3A_270 : vector<16xi32> to vector<32xbf16>
      %get3A_272 = arith.index_cast %scan3A_212 : i32 to index
      %get3A_273 = arith.constant 32 : index
      %get3A_274 = tpu.vector_load %arg16[%get3A_272, %get3A_273] {strides = array<i32>} : memref<40x128xi32, #tpu.memory_space<vmem>>, vector<16xi32>,
      %bitcast3A_275 = vector.bitcast %get3A_274 : vector<16xi32> to vector<32xbf16>
      %sub3A_276 = arith.subf %bitcast3A_267, %bitcast3A_271 : vector<32xbf16>
      %sub3A_277 = arith.subf %bitcast3A_267, %bitcast3A_275 : vector<32xbf16>
      %sub3A_278 = arith.subf %sub3A_276, %sub3A_277 : vector<32xbf16>
      %add3A_279 = arith.addf %sub3A_276, %sub3A_277 : vector<32xbf16>
      %bitcast3A_280 = vector.bitcast %sub3A_278 : vector<32xbf16> to vector<16xi32>
      %shift_left3A_281 = arith.shli %bitcast3A_280, %broadcast_in_dim3A_153 : vector<16xi32>
      %bitcast3A_282 = vector.bitcast %shift_left3A_281 : vector<16xi32> to vector<16xf32>
      %and3A_283 = arith.andi %bitcast3A_280, %broadcast_in_dim3A_151 : vector<16xi32>
      %bitcast3A_284 = vector.bitcast %and3A_283 : vector<16xi32> to vector<16xf32>
      %unpack3A_285 = tpu.unpack_subelements %add3A_279, 0 {pack_format = #tpu.pack_format<interleaved>} : vector<32xbf16> -> vector<16xf32>
      %unpack3A_286 = tpu.unpack_subelements %add3A_279, 1 {pack_format = #tpu.pack_format<interleaved>} : vector<32xbf16> -> vector<16xf32>
      %mul3A_287 = arith.mulf %bitcast3A_282, %unpack3A_285 : vector<16xf32>
      %add3A_288 = arith.addf %add3A_263, %mul3A_287 : vector<16xf32>
      %mul3A_289 = arith.mulf %bitcast3A_284, %unpack3A_286 : vector<16xf32>
      %add3A_290 = arith.addf %add3A_288, %mul3A_289 : vector<16xf32>
      %get3A_291 = arith.index_cast %scan3A_212 : i32 to index
      %get3A_292 = arith.constant 48 : index
      %get3A_293 = tpu.vector_load %arg14[%get3A_291, %get3A_292] {strides = array<i32>} : memref<40x128xi32, #tpu.memory_space<vmem>>, vector<16xi32>,
      %bitcast3A_294 = vector.bitcast %get3A_293 : vector<16xi32> to vector<32xbf16>
      %get3A_295 = arith.index_cast %scan3A_212 : i32 to index
      %get3A_296 = arith.constant 48 : index
      %get3A_297 = tpu.vector_load %arg15[%get3A_295, %get3A_296] {strides = array<i32>} : memref<40x128xi32, #tpu.memory_space<vmem>>, vector<16xi32>,
      %bitcast3A_298 = vector.bitcast %get3A_297 : vector<16xi32> to vector<32xbf16>
      %get3A_299 = arith.index_cast %scan3A_212 : i32 to index
      %get3A_300 = arith.constant 48 : index
      %get3A_301 = tpu.vector_load %arg16[%get3A_299, %get3A_300] {strides = array<i32>} : memref<40x128xi32, #tpu.memory_space<vmem>>, vector<16xi32>,
      %bitcast3A_302 = vector.bitcast %get3A_301 : vector<16xi32> to vector<32xbf16>
      %sub3A_303 = arith.subf %bitcast3A_294, %bitcast3A_298 : vector<32xbf16>
      %sub3A_304 = arith.subf %bitcast3A_294, %bitcast3A_302 : vector<32xbf16>
      %sub3A_305 = arith.subf %sub3A_303, %sub3A_304 : vector<32xbf16>
      %add3A_306 = arith.addf %sub3A_303, %sub3A_304 : vector<32xbf16>
      %bitcast3A_307 = vector.bitcast %sub3A_305 : vector<32xbf16> to vector<16xi32>
      %shift_left3A_308 = arith.shli %bitcast3A_307, %broadcast_in_dim3A_153 : vector<16xi32>
      %bitcast3A_309 = vector.bitcast %shift_left3A_308 : vector<16xi32> to vector<16xf32>
      %and3A_310 = arith.andi %bitcast3A_307, %broadcast_in_dim3A_151 : vector<16xi32>
      %bitcast3A_311 = vector.bitcast %and3A_310 : vector<16xi32> to vector<16xf32>
      %unpack3A_312 = tpu.unpack_subelements %add3A_306, 0 {pack_format = #tpu.pack_format<interleaved>} : vector<32xbf16> -> vector<16xf32>
      %unpack3A_313 = tpu.unpack_subelements %add3A_306, 1 {pack_format = #tpu.pack_format<interleaved>} : vector<32xbf16> -> vector<16xf32>
      %mul3A_314 = arith.mulf %bitcast3A_309, %unpack3A_312 : vector<16xf32>
      %add3A_315 = arith.addf %add3A_290, %mul3A_314 : vector<16xf32>
      %mul3A_316 = arith.mulf %bitcast3A_311, %unpack3A_313 : vector<16xf32>
      %add3A_317 = arith.addf %add3A_315, %mul3A_316 : vector<16xf32>
      %get3A_318 = arith.index_cast %scan3A_212 : i32 to index
      %get3A_319 = arith.constant 64 : index
      %get3A_320 = tpu.vector_load %arg14[%get3A_318, %get3A_319] {strides = array<i32>} : memref<40x128xi32, #tpu.memory_space<vmem>>, vector<16xi32>,
      %bitcast3A_321 = vector.bitcast %get3A_320 : vector<16xi32> to vector<32xbf16>
      %get3A_322 = arith.index_cast %scan3A_212 : i32 to index
      %get3A_323 = arith.constant 64 : index
      %get3A_324 = tpu.vector_load %arg15[%get3A_322, %get3A_323] {strides = array<i32>} : memref<40x128xi32, #tpu.memory_space<vmem>>, vector<16xi32>,
      %bitcast3A_325 = vector.bitcast %get3A_324 : vector<16xi32> to vector<32xbf16>
      %get3A_326 = arith.index_cast %scan3A_212 : i32 to index
      %get3A_327 = arith.constant 64 : index
      %get3A_328 = tpu.vector_load %arg16[%get3A_326, %get3A_327] {strides = array<i32>} : memref<40x128xi32, #tpu.memory_space<vmem>>, vector<16xi32>,
      %bitcast3A_329 = vector.bitcast %get3A_328 : vector<16xi32> to vector<32xbf16>
      %sub3A_330 = arith.subf %bitcast3A_321, %bitcast3A_325 : vector<32xbf16>
      %sub3A_331 = arith.subf %bitcast3A_321, %bitcast3A_329 : vector<32xbf16>
      %sub3A_332 = arith.subf %sub3A_330, %sub3A_331 : vector<32xbf16>
      %add3A_333 = arith.addf %sub3A_330, %sub3A_331 : vector<32xbf16>
      %bitcast3A_334 = vector.bitcast %sub3A_332 : vector<32xbf16> to vector<16xi32>
      %shift_left3A_335 = arith.shli %bitcast3A_334, %broadcast_in_dim3A_153 : vector<16xi32>
      %bitcast3A_336 = vector.bitcast %shift_left3A_335 : vector<16xi32> to vector<16xf32>
      %and3A_337 = arith.andi %bitcast3A_334, %broadcast_in_dim3A_151 : vector<16xi32>
      %bitcast3A_338 = vector.bitcast %and3A_337 : vector<16xi32> to vector<16xf32>
      %unpack3A_339 = tpu.unpack_subelements %add3A_333, 0 {pack_format = #tpu.pack_format<interleaved>} : vector<32xbf16> -> vector<16xf32>
      %unpack3A_340 = tpu.unpack_subelements %add3A_333, 1 {pack_format = #tpu.pack_format<interleaved>} : vector<32xbf16> -> vector<16xf32>
      %mul3A_341 = arith.mulf %bitcast3A_336, %unpack3A_339 : vector<16xf32>
      %add3A_342 = arith.addf %add3A_317, %mul3A_341 : vector<16xf32>
      %mul3A_343 = arith.mulf %bitcast3A_338, %unpack3A_340 : vector<16xf32>
      %add3A_344 = arith.addf %add3A_342, %mul3A_343 : vector<16xf32>
      %get3A_345 = arith.index_cast %scan3A_212 : i32 to index
      %get3A_346 = arith.constant 80 : index
      %get3A_347 = tpu.vector_load %arg14[%get3A_345, %get3A_346] {strides = array<i32>} : memref<40x128xi32, #tpu.memory_space<vmem>>, vector<16xi32>,
      %bitcast3A_348 = vector.bitcast %get3A_347 : vector<16xi32> to vector<32xbf16>
      %get3A_349 = arith.index_cast %scan3A_212 : i32 to index
      %get3A_350 = arith.constant 80 : index
      %get3A_351 = tpu.vector_load %arg15[%get3A_349, %get3A_350] {strides = array<i32>} : memref<40x128xi32, #tpu.memory_space<vmem>>, vector<16xi32>,
      %bitcast3A_352 = vector.bitcast %get3A_351 : vector<16xi32> to vector<32xbf16>
      %get3A_353 = arith.index_cast %scan3A_212 : i32 to index
      %get3A_354 = arith.constant 80 : index
      %get3A_355 = tpu.vector_load %arg16[%get3A_353, %get3A_354] {strides = array<i32>} : memref<40x128xi32, #tpu.memory_space<vmem>>, vector<16xi32>,
      %bitcast3A_356 = vector.bitcast %get3A_355 : vector<16xi32> to vector<32xbf16>
      %sub3A_357 = arith.subf %bitcast3A_348, %bitcast3A_352 : vector<32xbf16>
      %sub3A_358 = arith.subf %bitcast3A_348, %bitcast3A_356 : vector<32xbf16>
      %sub3A_359 = arith.subf %sub3A_357, %sub3A_358 : vector<32xbf16>
      %add3A_360 = arith.addf %sub3A_357, %sub3A_358 : vector<32xbf16>
      %bitcast3A_361 = vector.bitcast %sub3A_359 : vector<32xbf16> to vector<16xi32>
      %shift_left3A_362 = arith.shli %bitcast3A_361, %broadcast_in_dim3A_153 : vector<16xi32>
      %bitcast3A_363 = vector.bitcast %shift_left3A_362 : vector<16xi32> to vector<16xf32>
      %and3A_364 = arith.andi %bitcast3A_361, %broadcast_in_dim3A_151 : vector<16xi32>
      %bitcast3A_365 = vector.bitcast %and3A_364 : vector<16xi32> to vector<16xf32>
      %unpack3A_366 = tpu.unpack_subelements %add3A_360, 0 {pack_format = #tpu.pack_format<interleaved>} : vector<32xbf16> -> vector<16xf32>
      %unpack3A_367 = tpu.unpack_subelements %add3A_360, 1 {pack_format = #tpu.pack_format<interleaved>} : vector<32xbf16> -> vector<16xf32>
      %mul3A_368 = arith.mulf %bitcast3A_363, %unpack3A_366 : vector<16xf32>
      %add3A_369 = arith.addf %add3A_344, %mul3A_368 : vector<16xf32>
      %mul3A_370 = arith.mulf %bitcast3A_365, %unpack3A_367 : vector<16xf32>
      %add3A_371 = arith.addf %add3A_369, %mul3A_370 : vector<16xf32>
      %get3A_372 = arith.index_cast %scan3A_212 : i32 to index
      %get3A_373 = arith.constant 96 : index
      %get3A_374 = tpu.vector_load %arg14[%get3A_372, %get3A_373] {strides = array<i32>} : memref<40x128xi32, #tpu.memory_space<vmem>>, vector<16xi32>,
      %bitcast3A_375 = vector.bitcast %get3A_374 : vector<16xi32> to vector<32xbf16>
      %get3A_376 = arith.index_cast %scan3A_212 : i32 to index
      %get3A_377 = arith.constant 96 : index
      %get3A_378 = tpu.vector_load %arg15[%get3A_376, %get3A_377] {strides = array<i32>} : memref<40x128xi32, #tpu.memory_space<vmem>>, vector<16xi32>,
      %bitcast3A_379 = vector.bitcast %get3A_378 : vector<16xi32> to vector<32xbf16>
      %get3A_380 = arith.index_cast %scan3A_212 : i32 to index
      %get3A_381 = arith.constant 96 : index
      %get3A_382 = tpu.vector_load %arg16[%get3A_380, %get3A_381] {strides = array<i32>} : memref<40x128xi32, #tpu.memory_space<vmem>>, vector<16xi32>,
      %bitcast3A_383 = vector.bitcast %get3A_382 : vector<16xi32> to vector<32xbf16>
      %sub3A_384 = arith.subf %bitcast3A_375, %bitcast3A_379 : vector<32xbf16>
      %sub3A_385 = arith.subf %bitcast3A_375, %bitcast3A_383 : vector<32xbf16>
      %sub3A_386 = arith.subf %sub3A_384, %sub3A_385 : vector<32xbf16>
      %add3A_387 = arith.addf %sub3A_384, %sub3A_385 : vector<32xbf16>
      %bitcast3A_388 = vector.bitcast %sub3A_386 : vector<32xbf16> to vector<16xi32>
      %shift_left3A_389 = arith.shli %bitcast3A_388, %broadcast_in_dim3A_153 : vector<16xi32>
      %bitcast3A_390 = vector.bitcast %shift_left3A_389 : vector<16xi32> to vector<16xf32>
      %and3A_391 = arith.andi %bitcast3A_388, %broadcast_in_dim3A_151 : vector<16xi32>
      %bitcast3A_392 = vector.bitcast %and3A_391 : vector<16xi32> to vector<16xf32>
      %unpack3A_393 = tpu.unpack_subelements %add3A_387, 0 {pack_format = #tpu.pack_format<interleaved>} : vector<32xbf16> -> vector<16xf32>
      %unpack3A_394 = tpu.unpack_subelements %add3A_387, 1 {pack_format = #tpu.pack_format<interleaved>} : vector<32xbf16> -> vector<16xf32>
      %mul3A_395 = arith.mulf %bitcast3A_390, %unpack3A_393 : vector<16xf32>
      %add3A_396 = arith.addf %add3A_371, %mul3A_395 : vector<16xf32>
      %mul3A_397 = arith.mulf %bitcast3A_392, %unpack3A_394 : vector<16xf32>
      %add3A_398 = arith.addf %add3A_396, %mul3A_397 : vector<16xf32>
      %get3A_399 = arith.index_cast %scan3A_212 : i32 to index
      %get3A_400 = arith.constant 112 : index
      %get3A_401 = tpu.vector_load %arg14[%get3A_399, %get3A_400] {strides = array<i32>} : memref<40x128xi32, #tpu.memory_space<vmem>>, vector<16xi32>,
      %bitcast3A_402 = vector.bitcast %get3A_401 : vector<16xi32> to vector<32xbf16>
      %get3A_403 = arith.index_cast %scan3A_212 : i32 to index
      %get3A_404 = arith.constant 112 : index
      %get3A_405 = tpu.vector_load %arg15[%get3A_403, %get3A_404] {strides = array<i32>} : memref<40x128xi32, #tpu.memory_space<vmem>>, vector<16xi32>,
      %bitcast3A_406 = vector.bitcast %get3A_405 : vector<16xi32> to vector<32xbf16>
      %get3A_407 = arith.index_cast %scan3A_212 : i32 to index
      %get3A_408 = arith.constant 112 : index
      %get3A_409 = tpu.vector_load %arg16[%get3A_407, %get3A_408] {strides = array<i32>} : memref<40x128xi32, #tpu.memory_space<vmem>>, vector<16xi32>,
      %bitcast3A_410 = vector.bitcast %get3A_409 : vector<16xi32> to vector<32xbf16>
      %sub3A_411 = arith.subf %bitcast3A_402, %bitcast3A_406 : vector<32xbf16>
      %sub3A_412 = arith.subf %bitcast3A_402, %bitcast3A_410 : vector<32xbf16>
      %sub3A_413 = arith.subf %sub3A_411, %sub3A_412 : vector<32xbf16>
      %add3A_414 = arith.addf %sub3A_411, %sub3A_412 : vector<32xbf16>
      %bitcast3A_415 = vector.bitcast %sub3A_413 : vector<32xbf16> to vector<16xi32>
      %shift_left3A_416 = arith.shli %bitcast3A_415, %broadcast_in_dim3A_153 : vector<16xi32>
      %bitcast3A_417 = vector.bitcast %shift_left3A_416 : vector<16xi32> to vector<16xf32>
      %and3A_418 = arith.andi %bitcast3A_415, %broadcast_in_dim3A_151 : vector<16xi32>
      %bitcast3A_419 = vector.bitcast %and3A_418 : vector<16xi32> to vector<16xf32>
      %unpack3A_420 = tpu.unpack_subelements %add3A_414, 0 {pack_format = #tpu.pack_format<interleaved>} : vector<32xbf16> -> vector<16xf32>
      %unpack3A_421 = tpu.unpack_subelements %add3A_414, 1 {pack_format = #tpu.pack_format<interleaved>} : vector<32xbf16> -> vector<16xf32>
      %mul3A_422 = arith.mulf %bitcast3A_417, %unpack3A_420 : vector<16xf32>
      %add3A_423 = arith.addf %add3A_398, %mul3A_422 : vector<16xf32>
      %mul3A_424 = arith.mulf %bitcast3A_419, %unpack3A_421 : vector<16xf32>
      %add3A_425 = arith.addf %add3A_423, %mul3A_424 : vector<16xf32>
      %reduce_sum3A = arith.constant true
      %reduce_sum3A_426 = vector.broadcast %reduce_sum3A : i1 to vector<16xi1>
      %reduce_sum3A_427 = tpu.scan <sum>, %add3A_425 masked %reduce_sum3A_426 : vector<16xf32>, vector<16xi1> -> vector<16xf32>
      %reduce_sum3A_428 = vector.extract %reduce_sum3A_427[15] : f32 from vector<16xf32>
      %add3A_429 = arith.constant 1.000000e+00 : f32
      %add3A_430 = arith.addf %reduce_sum3A_428, %add3A_429 : f32
      %max3A = arith.constant 0.000000e+00 : f32
      %max3A_431 = arith.maximumf %add3A_430, %max3A : f32
      %add3A_432 = arith.addf %scan3A_213, %max3A_431 : f32
      scf.yield %add3A_432 : f32
    }
    %scan3A_159 = arith.constant 40 : i32
    %dma_wait3A_160 = arith.constant 4920 : i32
    %dma_wait3A_161 = tpu.memref_slice %arg7[%dma_wait3A_160] : memref<15000xi32, #tpu.memory_space<vmem>> -> memref<40xi32, #tpu.memory_space<vmem>>
    %dma_wait3A_162 = arith.constant 0 : i32
    %dma_wait3A_163 = arith.constant 0 : i32
    %dma_wait3A_164 = tpu.memref_slice %arg2[%dma_wait3A_162, %dma_wait3A_163] : memref<10000x128xi32, #tpu.memory_space<hbm>> -> memref<10000x128xi32, #tpu.memory_space<hbm>>
    tpu.wait_indirect_dma semaphore(%arg24 : memref<!tpu.dma_semaphore, #tpu.memory_space<semaphore_mem>>) src(%dma_wait3A_164 : memref<10000x128xi32, #tpu.memory_space<hbm>>) dst(%arg17 : memref<40x128xi32, #tpu.memory_space<vmem>>)
    %dma_wait3A_165 = arith.constant 9920 : i32
    %dma_wait3A_166 = tpu.memref_slice %arg7[%dma_wait3A_165] : memref<15000xi32, #tpu.memory_space<vmem>> -> memref<40xi32, #tpu.memory_space<vmem>>
    %dma_wait3A_167 = arith.constant 0 : i32
    %dma_wait3A_168 = arith.constant 0 : i32
    %dma_wait3A_169 = tpu.memref_slice %arg3[%dma_wait3A_167, %dma_wait3A_168] : memref<10000x128xi32, #tpu.memory_space<hbm>> -> memref<10000x128xi32, #tpu.memory_space<hbm>>
    tpu.wait_indirect_dma semaphore(%arg24 : memref<!tpu.dma_semaphore, #tpu.memory_space<semaphore_mem>>) src(%dma_wait3A_169 : memref<10000x128xi32, #tpu.memory_space<hbm>>) dst(%arg18 : memref<40x128xi32, #tpu.memory_space<vmem>>)
    %dma_wait3A_170 = arith.constant 14920 : i32
    %dma_wait3A_171 = tpu.memref_slice %arg7[%dma_wait3A_170] : memref<15000xi32, #tpu.memory_space<vmem>> -> memref<40xi32, #tpu.memory_space<vmem>>
    %dma_wait3A_172 = arith.constant 0 : i32
    %dma_wait3A_173 = arith.constant 0 : i32
    %dma_wait3A_174 = tpu.memref_slice %arg4[%dma_wait3A_172, %dma_wait3A_173] : memref<10000x128xi32, #tpu.memory_space<hbm>> -> memref<10000x128xi32, #tpu.memory_space<hbm>>
    tpu.wait_indirect_dma semaphore(%arg24 : memref<!tpu.dma_semaphore, #tpu.memory_space<semaphore_mem>>) src(%dma_wait3A_174 : memref<10000x128xi32, #tpu.memory_space<hbm>>) dst(%arg19 : memref<40x128xi32, #tpu.memory_space<vmem>>)
    %broadcast_in_dim3A_175 = arith.constant -65536 : i32
    %broadcast_in_dim3A_176 = vector.broadcast %broadcast_in_dim3A_175 : i32 to vector<16xi32>
    %broadcast_in_dim3A_177 = arith.constant 16 : i32
    %broadcast_in_dim3A_178 = vector.broadcast %broadcast_in_dim3A_177 : i32 to vector<16xi32>
    %scan3A_179 = arith.constant 0 : i32
    %scan3A_180 = arith.constant 40 : i32
    %scan3A_181 = arith.addi %scan3A_179, %scan3A_180 : i32
    %scan3A_182 = arith.constant 1 : i32
    %scan3A_183 = scf.for %scan3A_212 = %scan3A_179 to %scan3A_181 step %scan3A_182 iter_args(%scan3A_213 = %scan3A_158) -> (f32)  : i32 {
      %broadcast_in_dim3A_214 = arith.constant 0.000000e+00 : f32
      %broadcast_in_dim3A_215 = vector.broadcast %broadcast_in_dim3A_214 : f32 to vector<16xf32>
      %get3A = arith.index_cast %scan3A_212 : i32 to index
      %get3A_216 = arith.constant 0 : index
      %get3A_217 = tpu.vector_load %arg17[%get3A, %get3A_216] {strides = array<i32>} : memref<40x128xi32, #tpu.memory_space<vmem>>, vector<16xi32>,
      %bitcast3A = vector.bitcast %get3A_217 : vector<16xi32> to vector<32xbf16>
      %get3A_218 = arith.index_cast %scan3A_212 : i32 to index
      %get3A_219 = arith.constant 0 : index
      %get3A_220 = tpu.vector_load %arg18[%get3A_218, %get3A_219] {strides = array<i32>} : memref<40x128xi32, #tpu.memory_space<vmem>>, vector<16xi32>,
      %bitcast3A_221 = vector.bitcast %get3A_220 : vector<16xi32> to vector<32xbf16>
      %get3A_222 = arith.index_cast %scan3A_212 : i32 to index
      %get3A_223 = arith.constant 0 : index
      %get3A_224 = tpu.vector_load %arg19[%get3A_222, %get3A_223] {strides = array<i32>} : memref<40x128xi32, #tpu.memory_space<vmem>>, vector<16xi32>,
      %bitcast3A_225 = vector.bitcast %get3A_224 : vector<16xi32> to vector<32xbf16>
      %sub3A = arith.subf %bitcast3A, %bitcast3A_221 : vector<32xbf16>
      %sub3A_226 = arith.subf %bitcast3A, %bitcast3A_225 : vector<32xbf16>
      %sub3A_227 = arith.subf %sub3A, %sub3A_226 : vector<32xbf16>
      %add3A_228 = arith.addf %sub3A, %sub3A_226 : vector<32xbf16>
      %bitcast3A_229 = vector.bitcast %sub3A_227 : vector<32xbf16> to vector<16xi32>
      %shift_left3A = arith.shli %bitcast3A_229, %broadcast_in_dim3A_178 : vector<16xi32>
      %bitcast3A_230 = vector.bitcast %shift_left3A : vector<16xi32> to vector<16xf32>
      %and3A = arith.andi %bitcast3A_229, %broadcast_in_dim3A_176 : vector<16xi32>
      %bitcast3A_231 = vector.bitcast %and3A : vector<16xi32> to vector<16xf32>
      %unpack3A = tpu.unpack_subelements %add3A_228, 0 {pack_format = #tpu.pack_format<interleaved>} : vector<32xbf16> -> vector<16xf32>
      %unpack3A_232 = tpu.unpack_subelements %add3A_228, 1 {pack_format = #tpu.pack_format<interleaved>} : vector<32xbf16> -> vector<16xf32>
      %mul3A_233 = arith.mulf %bitcast3A_230, %unpack3A : vector<16xf32>
      %add3A_234 = arith.addf %broadcast_in_dim3A_215, %mul3A_233 : vector<16xf32>
      %mul3A_235 = arith.mulf %bitcast3A_231, %unpack3A_232 : vector<16xf32>
      %add3A_236 = arith.addf %add3A_234, %mul3A_235 : vector<16xf32>
      %get3A_237 = arith.index_cast %scan3A_212 : i32 to index
      %get3A_238 = arith.constant 16 : index
      %get3A_239 = tpu.vector_load %arg17[%get3A_237, %get3A_238] {strides = array<i32>} : memref<40x128xi32, #tpu.memory_space<vmem>>, vector<16xi32>,
      %bitcast3A_240 = vector.bitcast %get3A_239 : vector<16xi32> to vector<32xbf16>
      %get3A_241 = arith.index_cast %scan3A_212 : i32 to index
      %get3A_242 = arith.constant 16 : index
      %get3A_243 = tpu.vector_load %arg18[%get3A_241, %get3A_242] {strides = array<i32>} : memref<40x128xi32, #tpu.memory_space<vmem>>, vector<16xi32>,
      %bitcast3A_244 = vector.bitcast %get3A_243 : vector<16xi32> to vector<32xbf16>
      %get3A_245 = arith.index_cast %scan3A_212 : i32 to index
      %get3A_246 = arith.constant 16 : index
      %get3A_247 = tpu.vector_load %arg19[%get3A_245, %get3A_246] {strides = array<i32>} : memref<40x128xi32, #tpu.memory_space<vmem>>, vector<16xi32>,
      %bitcast3A_248 = vector.bitcast %get3A_247 : vector<16xi32> to vector<32xbf16>
      %sub3A_249 = arith.subf %bitcast3A_240, %bitcast3A_244 : vector<32xbf16>
      %sub3A_250 = arith.subf %bitcast3A_240, %bitcast3A_248 : vector<32xbf16>
      %sub3A_251 = arith.subf %sub3A_249, %sub3A_250 : vector<32xbf16>
      %add3A_252 = arith.addf %sub3A_249, %sub3A_250 : vector<32xbf16>
      %bitcast3A_253 = vector.bitcast %sub3A_251 : vector<32xbf16> to vector<16xi32>
      %shift_left3A_254 = arith.shli %bitcast3A_253, %broadcast_in_dim3A_178 : vector<16xi32>
      %bitcast3A_255 = vector.bitcast %shift_left3A_254 : vector<16xi32> to vector<16xf32>
      %and3A_256 = arith.andi %bitcast3A_253, %broadcast_in_dim3A_176 : vector<16xi32>
      %bitcast3A_257 = vector.bitcast %and3A_256 : vector<16xi32> to vector<16xf32>
      %unpack3A_258 = tpu.unpack_subelements %add3A_252, 0 {pack_format = #tpu.pack_format<interleaved>} : vector<32xbf16> -> vector<16xf32>
      %unpack3A_259 = tpu.unpack_subelements %add3A_252, 1 {pack_format = #tpu.pack_format<interleaved>} : vector<32xbf16> -> vector<16xf32>
      %mul3A_260 = arith.mulf %bitcast3A_255, %unpack3A_258 : vector<16xf32>
      %add3A_261 = arith.addf %add3A_236, %mul3A_260 : vector<16xf32>
      %mul3A_262 = arith.mulf %bitcast3A_257, %unpack3A_259 : vector<16xf32>
      %add3A_263 = arith.addf %add3A_261, %mul3A_262 : vector<16xf32>
      %get3A_264 = arith.index_cast %scan3A_212 : i32 to index
      %get3A_265 = arith.constant 32 : index
      %get3A_266 = tpu.vector_load %arg17[%get3A_264, %get3A_265] {strides = array<i32>} : memref<40x128xi32, #tpu.memory_space<vmem>>, vector<16xi32>,
      %bitcast3A_267 = vector.bitcast %get3A_266 : vector<16xi32> to vector<32xbf16>
      %get3A_268 = arith.index_cast %scan3A_212 : i32 to index
      %get3A_269 = arith.constant 32 : index
      %get3A_270 = tpu.vector_load %arg18[%get3A_268, %get3A_269] {strides = array<i32>} : memref<40x128xi32, #tpu.memory_space<vmem>>, vector<16xi32>,
      %bitcast3A_271 = vector.bitcast %get3A_270 : vector<16xi32> to vector<32xbf16>
      %get3A_272 = arith.index_cast %scan3A_212 : i32 to index
      %get3A_273 = arith.constant 32 : index
      %get3A_274 = tpu.vector_load %arg19[%get3A_272, %get3A_273] {strides = array<i32>} : memref<40x128xi32, #tpu.memory_space<vmem>>, vector<16xi32>,
      %bitcast3A_275 = vector.bitcast %get3A_274 : vector<16xi32> to vector<32xbf16>
      %sub3A_276 = arith.subf %bitcast3A_267, %bitcast3A_271 : vector<32xbf16>
      %sub3A_277 = arith.subf %bitcast3A_267, %bitcast3A_275 : vector<32xbf16>
      %sub3A_278 = arith.subf %sub3A_276, %sub3A_277 : vector<32xbf16>
      %add3A_279 = arith.addf %sub3A_276, %sub3A_277 : vector<32xbf16>
      %bitcast3A_280 = vector.bitcast %sub3A_278 : vector<32xbf16> to vector<16xi32>
      %shift_left3A_281 = arith.shli %bitcast3A_280, %broadcast_in_dim3A_178 : vector<16xi32>
      %bitcast3A_282 = vector.bitcast %shift_left3A_281 : vector<16xi32> to vector<16xf32>
      %and3A_283 = arith.andi %bitcast3A_280, %broadcast_in_dim3A_176 : vector<16xi32>
      %bitcast3A_284 = vector.bitcast %and3A_283 : vector<16xi32> to vector<16xf32>
      %unpack3A_285 = tpu.unpack_subelements %add3A_279, 0 {pack_format = #tpu.pack_format<interleaved>} : vector<32xbf16> -> vector<16xf32>
      %unpack3A_286 = tpu.unpack_subelements %add3A_279, 1 {pack_format = #tpu.pack_format<interleaved>} : vector<32xbf16> -> vector<16xf32>
      %mul3A_287 = arith.mulf %bitcast3A_282, %unpack3A_285 : vector<16xf32>
      %add3A_288 = arith.addf %add3A_263, %mul3A_287 : vector<16xf32>
      %mul3A_289 = arith.mulf %bitcast3A_284, %unpack3A_286 : vector<16xf32>
      %add3A_290 = arith.addf %add3A_288, %mul3A_289 : vector<16xf32>
      %get3A_291 = arith.index_cast %scan3A_212 : i32 to index
      %get3A_292 = arith.constant 48 : index
      %get3A_293 = tpu.vector_load %arg17[%get3A_291, %get3A_292] {strides = array<i32>} : memref<40x128xi32, #tpu.memory_space<vmem>>, vector<16xi32>,
      %bitcast3A_294 = vector.bitcast %get3A_293 : vector<16xi32> to vector<32xbf16>
      %get3A_295 = arith.index_cast %scan3A_212 : i32 to index
      %get3A_296 = arith.constant 48 : index
      %get3A_297 = tpu.vector_load %arg18[%get3A_295, %get3A_296] {strides = array<i32>} : memref<40x128xi32, #tpu.memory_space<vmem>>, vector<16xi32>,
      %bitcast3A_298 = vector.bitcast %get3A_297 : vector<16xi32> to vector<32xbf16>
      %get3A_299 = arith.index_cast %scan3A_212 : i32 to index
      %get3A_300 = arith.constant 48 : index
      %get3A_301 = tpu.vector_load %arg19[%get3A_299, %get3A_300] {strides = array<i32>} : memref<40x128xi32, #tpu.memory_space<vmem>>, vector<16xi32>,
      %bitcast3A_302 = vector.bitcast %get3A_301 : vector<16xi32> to vector<32xbf16>
      %sub3A_303 = arith.subf %bitcast3A_294, %bitcast3A_298 : vector<32xbf16>
      %sub3A_304 = arith.subf %bitcast3A_294, %bitcast3A_302 : vector<32xbf16>
      %sub3A_305 = arith.subf %sub3A_303, %sub3A_304 : vector<32xbf16>
      %add3A_306 = arith.addf %sub3A_303, %sub3A_304 : vector<32xbf16>
      %bitcast3A_307 = vector.bitcast %sub3A_305 : vector<32xbf16> to vector<16xi32>
      %shift_left3A_308 = arith.shli %bitcast3A_307, %broadcast_in_dim3A_178 : vector<16xi32>
      %bitcast3A_309 = vector.bitcast %shift_left3A_308 : vector<16xi32> to vector<16xf32>
      %and3A_310 = arith.andi %bitcast3A_307, %broadcast_in_dim3A_176 : vector<16xi32>
      %bitcast3A_311 = vector.bitcast %and3A_310 : vector<16xi32> to vector<16xf32>
      %unpack3A_312 = tpu.unpack_subelements %add3A_306, 0 {pack_format = #tpu.pack_format<interleaved>} : vector<32xbf16> -> vector<16xf32>
      %unpack3A_313 = tpu.unpack_subelements %add3A_306, 1 {pack_format = #tpu.pack_format<interleaved>} : vector<32xbf16> -> vector<16xf32>
      %mul3A_314 = arith.mulf %bitcast3A_309, %unpack3A_312 : vector<16xf32>
      %add3A_315 = arith.addf %add3A_290, %mul3A_314 : vector<16xf32>
      %mul3A_316 = arith.mulf %bitcast3A_311, %unpack3A_313 : vector<16xf32>
      %add3A_317 = arith.addf %add3A_315, %mul3A_316 : vector<16xf32>
      %get3A_318 = arith.index_cast %scan3A_212 : i32 to index
      %get3A_319 = arith.constant 64 : index
      %get3A_320 = tpu.vector_load %arg17[%get3A_318, %get3A_319] {strides = array<i32>} : memref<40x128xi32, #tpu.memory_space<vmem>>, vector<16xi32>,
      %bitcast3A_321 = vector.bitcast %get3A_320 : vector<16xi32> to vector<32xbf16>
      %get3A_322 = arith.index_cast %scan3A_212 : i32 to index
      %get3A_323 = arith.constant 64 : index
      %get3A_324 = tpu.vector_load %arg18[%get3A_322, %get3A_323] {strides = array<i32>} : memref<40x128xi32, #tpu.memory_space<vmem>>, vector<16xi32>,
      %bitcast3A_325 = vector.bitcast %get3A_324 : vector<16xi32> to vector<32xbf16>
      %get3A_326 = arith.index_cast %scan3A_212 : i32 to index
      %get3A_327 = arith.constant 64 : index
      %get3A_328 = tpu.vector_load %arg19[%get3A_326, %get3A_327] {strides = array<i32>} : memref<40x128xi32, #tpu.memory_space<vmem>>, vector<16xi32>,
      %bitcast3A_329 = vector.bitcast %get3A_328 : vector<16xi32> to vector<32xbf16>
      %sub3A_330 = arith.subf %bitcast3A_321, %bitcast3A_325 : vector<32xbf16>
      %sub3A_331 = arith.subf %bitcast3A_321, %bitcast3A_329 : vector<32xbf16>
      %sub3A_332 = arith.subf %sub3A_330, %sub3A_331 : vector<32xbf16>
      %add3A_333 = arith.addf %sub3A_330, %sub3A_331 : vector<32xbf16>
      %bitcast3A_334 = vector.bitcast %sub3A_332 : vector<32xbf16> to vector<16xi32>
      %shift_left3A_335 = arith.shli %bitcast3A_334, %broadcast_in_dim3A_178 : vector<16xi32>
      %bitcast3A_336 = vector.bitcast %shift_left3A_335 : vector<16xi32> to vector<16xf32>
      %and3A_337 = arith.andi %bitcast3A_334, %broadcast_in_dim3A_176 : vector<16xi32>
      %bitcast3A_338 = vector.bitcast %and3A_337 : vector<16xi32> to vector<16xf32>
      %unpack3A_339 = tpu.unpack_subelements %add3A_333, 0 {pack_format = #tpu.pack_format<interleaved>} : vector<32xbf16> -> vector<16xf32>
      %unpack3A_340 = tpu.unpack_subelements %add3A_333, 1 {pack_format = #tpu.pack_format<interleaved>} : vector<32xbf16> -> vector<16xf32>
      %mul3A_341 = arith.mulf %bitcast3A_336, %unpack3A_339 : vector<16xf32>
      %add3A_342 = arith.addf %add3A_317, %mul3A_341 : vector<16xf32>
      %mul3A_343 = arith.mulf %bitcast3A_338, %unpack3A_340 : vector<16xf32>
      %add3A_344 = arith.addf %add3A_342, %mul3A_343 : vector<16xf32>
      %get3A_345 = arith.index_cast %scan3A_212 : i32 to index
      %get3A_346 = arith.constant 80 : index
      %get3A_347 = tpu.vector_load %arg17[%get3A_345, %get3A_346] {strides = array<i32>} : memref<40x128xi32, #tpu.memory_space<vmem>>, vector<16xi32>,
      %bitcast3A_348 = vector.bitcast %get3A_347 : vector<16xi32> to vector<32xbf16>
      %get3A_349 = arith.index_cast %scan3A_212 : i32 to index
      %get3A_350 = arith.constant 80 : index
      %get3A_351 = tpu.vector_load %arg18[%get3A_349, %get3A_350] {strides = array<i32>} : memref<40x128xi32, #tpu.memory_space<vmem>>, vector<16xi32>,
      %bitcast3A_352 = vector.bitcast %get3A_351 : vector<16xi32> to vector<32xbf16>
      %get3A_353 = arith.index_cast %scan3A_212 : i32 to index
      %get3A_354 = arith.constant 80 : index
      %get3A_355 = tpu.vector_load %arg19[%get3A_353, %get3A_354] {strides = array<i32>} : memref<40x128xi32, #tpu.memory_space<vmem>>, vector<16xi32>,
      %bitcast3A_356 = vector.bitcast %get3A_355 : vector<16xi32> to vector<32xbf16>
      %sub3A_357 = arith.subf %bitcast3A_348, %bitcast3A_352 : vector<32xbf16>
      %sub3A_358 = arith.subf %bitcast3A_348, %bitcast3A_356 : vector<32xbf16>
      %sub3A_359 = arith.subf %sub3A_357, %sub3A_358 : vector<32xbf16>
      %add3A_360 = arith.addf %sub3A_357, %sub3A_358 : vector<32xbf16>
      %bitcast3A_361 = vector.bitcast %sub3A_359 : vector<32xbf16> to vector<16xi32>
      %shift_left3A_362 = arith.shli %bitcast3A_361, %broadcast_in_dim3A_178 : vector<16xi32>
      %bitcast3A_363 = vector.bitcast %shift_left3A_362 : vector<16xi32> to vector<16xf32>
      %and3A_364 = arith.andi %bitcast3A_361, %broadcast_in_dim3A_176 : vector<16xi32>
      %bitcast3A_365 = vector.bitcast %and3A_364 : vector<16xi32> to vector<16xf32>
      %unpack3A_366 = tpu.unpack_subelements %add3A_360, 0 {pack_format = #tpu.pack_format<interleaved>} : vector<32xbf16> -> vector<16xf32>
      %unpack3A_367 = tpu.unpack_subelements %add3A_360, 1 {pack_format = #tpu.pack_format<interleaved>} : vector<32xbf16> -> vector<16xf32>
      %mul3A_368 = arith.mulf %bitcast3A_363, %unpack3A_366 : vector<16xf32>
      %add3A_369 = arith.addf %add3A_344, %mul3A_368 : vector<16xf32>
      %mul3A_370 = arith.mulf %bitcast3A_365, %unpack3A_367 : vector<16xf32>
      %add3A_371 = arith.addf %add3A_369, %mul3A_370 : vector<16xf32>
      %get3A_372 = arith.index_cast %scan3A_212 : i32 to index
      %get3A_373 = arith.constant 96 : index
      %get3A_374 = tpu.vector_load %arg17[%get3A_372, %get3A_373] {strides = array<i32>} : memref<40x128xi32, #tpu.memory_space<vmem>>, vector<16xi32>,
      %bitcast3A_375 = vector.bitcast %get3A_374 : vector<16xi32> to vector<32xbf16>
      %get3A_376 = arith.index_cast %scan3A_212 : i32 to index
      %get3A_377 = arith.constant 96 : index
      %get3A_378 = tpu.vector_load %arg18[%get3A_376, %get3A_377] {strides = array<i32>} : memref<40x128xi32, #tpu.memory_space<vmem>>, vector<16xi32>,
      %bitcast3A_379 = vector.bitcast %get3A_378 : vector<16xi32> to vector<32xbf16>
      %get3A_380 = arith.index_cast %scan3A_212 : i32 to index
      %get3A_381 = arith.constant 96 : index
      %get3A_382 = tpu.vector_load %arg19[%get3A_380, %get3A_381] {strides = array<i32>} : memref<40x128xi32, #tpu.memory_space<vmem>>, vector<16xi32>,
      %bitcast3A_383 = vector.bitcast %get3A_382 : vector<16xi32> to vector<32xbf16>
      %sub3A_384 = arith.subf %bitcast3A_375, %bitcast3A_379 : vector<32xbf16>
      %sub3A_385 = arith.subf %bitcast3A_375, %bitcast3A_383 : vector<32xbf16>
      %sub3A_386 = arith.subf %sub3A_384, %sub3A_385 : vector<32xbf16>
      %add3A_387 = arith.addf %sub3A_384, %sub3A_385 : vector<32xbf16>
      %bitcast3A_388 = vector.bitcast %sub3A_386 : vector<32xbf16> to vector<16xi32>
      %shift_left3A_389 = arith.shli %bitcast3A_388, %broadcast_in_dim3A_178 : vector<16xi32>
      %bitcast3A_390 = vector.bitcast %shift_left3A_389 : vector<16xi32> to vector<16xf32>
      %and3A_391 = arith.andi %bitcast3A_388, %broadcast_in_dim3A_176 : vector<16xi32>
      %bitcast3A_392 = vector.bitcast %and3A_391 : vector<16xi32> to vector<16xf32>
      %unpack3A_393 = tpu.unpack_subelements %add3A_387, 0 {pack_format = #tpu.pack_format<interleaved>} : vector<32xbf16> -> vector<16xf32>
      %unpack3A_394 = tpu.unpack_subelements %add3A_387, 1 {pack_format = #tpu.pack_format<interleaved>} : vector<32xbf16> -> vector<16xf32>
      %mul3A_395 = arith.mulf %bitcast3A_390, %unpack3A_393 : vector<16xf32>
      %add3A_396 = arith.addf %add3A_371, %mul3A_395 : vector<16xf32>
      %mul3A_397 = arith.mulf %bitcast3A_392, %unpack3A_394 : vector<16xf32>
      %add3A_398 = arith.addf %add3A_396, %mul3A_397 : vector<16xf32>
      %get3A_399 = arith.index_cast %scan3A_212 : i32 to index
      %get3A_400 = arith.constant 112 : index
      %get3A_401 = tpu.vector_load %arg17[%get3A_399, %get3A_400] {strides = array<i32>} : memref<40x128xi32, #tpu.memory_space<vmem>>, vector<16xi32>,
      %bitcast3A_402 = vector.bitcast %get3A_401 : vector<16xi32> to vector<32xbf16>
      %get3A_403 = arith.index_cast %scan3A_212 : i32 to index
      %get3A_404 = arith.constant 112 : index
      %get3A_405 = tpu.vector_load %arg18[%get3A_403, %get3A_404] {strides = array<i32>} : memref<40x128xi32, #tpu.memory_space<vmem>>, vector<16xi32>,
      %bitcast3A_406 = vector.bitcast %get3A_405 : vector<16xi32> to vector<32xbf16>
      %get3A_407 = arith.index_cast %scan3A_212 : i32 to index
      %get3A_408 = arith.constant 112 : index
      %get3A_409 = tpu.vector_load %arg19[%get3A_407, %get3A_408] {strides = array<i32>} : memref<40x128xi32, #tpu.memory_space<vmem>>, vector<16xi32>,
      %bitcast3A_410 = vector.bitcast %get3A_409 : vector<16xi32> to vector<32xbf16>
      %sub3A_411 = arith.subf %bitcast3A_402, %bitcast3A_406 : vector<32xbf16>
      %sub3A_412 = arith.subf %bitcast3A_402, %bitcast3A_410 : vector<32xbf16>
      %sub3A_413 = arith.subf %sub3A_411, %sub3A_412 : vector<32xbf16>
      %add3A_414 = arith.addf %sub3A_411, %sub3A_412 : vector<32xbf16>
      %bitcast3A_415 = vector.bitcast %sub3A_413 : vector<32xbf16> to vector<16xi32>
      %shift_left3A_416 = arith.shli %bitcast3A_415, %broadcast_in_dim3A_178 : vector<16xi32>
      %bitcast3A_417 = vector.bitcast %shift_left3A_416 : vector<16xi32> to vector<16xf32>
      %and3A_418 = arith.andi %bitcast3A_415, %broadcast_in_dim3A_176 : vector<16xi32>
      %bitcast3A_419 = vector.bitcast %and3A_418 : vector<16xi32> to vector<16xf32>
      %unpack3A_420 = tpu.unpack_subelements %add3A_414, 0 {pack_format = #tpu.pack_format<interleaved>} : vector<32xbf16> -> vector<16xf32>
      %unpack3A_421 = tpu.unpack_subelements %add3A_414, 1 {pack_format = #tpu.pack_format<interleaved>} : vector<32xbf16> -> vector<16xf32>
      %mul3A_422 = arith.mulf %bitcast3A_417, %unpack3A_420 : vector<16xf32>
      %add3A_423 = arith.addf %add3A_398, %mul3A_422 : vector<16xf32>
      %mul3A_424 = arith.mulf %bitcast3A_419, %unpack3A_421 : vector<16xf32>
      %add3A_425 = arith.addf %add3A_423, %mul3A_424 : vector<16xf32>
      %reduce_sum3A = arith.constant true
      %reduce_sum3A_426 = vector.broadcast %reduce_sum3A : i1 to vector<16xi1>
      %reduce_sum3A_427 = tpu.scan <sum>, %add3A_425 masked %reduce_sum3A_426 : vector<16xf32>, vector<16xi1> -> vector<16xf32>
      %reduce_sum3A_428 = vector.extract %reduce_sum3A_427[15] : f32 from vector<16xf32>
      %add3A_429 = arith.constant 1.000000e+00 : f32
      %add3A_430 = arith.addf %reduce_sum3A_428, %add3A_429 : f32
      %max3A = arith.constant 0.000000e+00 : f32
      %max3A_431 = arith.maximumf %add3A_430, %max3A : f32
      %add3A_432 = arith.addf %scan3A_213, %max3A_431 : f32
      scf.yield %add3A_432 : f32
    }
    %scan3A_184 = arith.constant 40 : i32
    %dma_wait3A_185 = arith.constant 4960 : i32
    %dma_wait3A_186 = tpu.memref_slice %arg7[%dma_wait3A_185] : memref<15000xi32, #tpu.memory_space<vmem>> -> memref<40xi32, #tpu.memory_space<vmem>>
    %dma_wait3A_187 = arith.constant 0 : i32
    %dma_wait3A_188 = arith.constant 0 : i32
    %dma_wait3A_189 = tpu.memref_slice %arg2[%dma_wait3A_187, %dma_wait3A_188] : memref<10000x128xi32, #tpu.memory_space<hbm>> -> memref<10000x128xi32, #tpu.memory_space<hbm>>
    tpu.wait_indirect_dma semaphore(%arg21 : memref<!tpu.dma_semaphore, #tpu.memory_space<semaphore_mem>>) src(%dma_wait3A_189 : memref<10000x128xi32, #tpu.memory_space<hbm>>) dst(%arg8 : memref<40x128xi32, #tpu.memory_space<vmem>>)
    %dma_wait3A_190 = arith.constant 9960 : i32
    %dma_wait3A_191 = tpu.memref_slice %arg7[%dma_wait3A_190] : memref<15000xi32, #tpu.memory_space<vmem>> -> memref<40xi32, #tpu.memory_space<vmem>>
    %dma_wait3A_192 = arith.constant 0 : i32
    %dma_wait3A_193 = arith.constant 0 : i32
    %dma_wait3A_194 = tpu.memref_slice %arg3[%dma_wait3A_192, %dma_wait3A_193] : memref<10000x128xi32, #tpu.memory_space<hbm>> -> memref<10000x128xi32, #tpu.memory_space<hbm>>
    tpu.wait_indirect_dma semaphore(%arg21 : memref<!tpu.dma_semaphore, #tpu.memory_space<semaphore_mem>>) src(%dma_wait3A_194 : memref<10000x128xi32, #tpu.memory_space<hbm>>) dst(%arg9 : memref<40x128xi32, #tpu.memory_space<vmem>>)
    %dma_wait3A_195 = arith.constant 14960 : i32
    %dma_wait3A_196 = tpu.memref_slice %arg7[%dma_wait3A_195] : memref<15000xi32, #tpu.memory_space<vmem>> -> memref<40xi32, #tpu.memory_space<vmem>>
    %dma_wait3A_197 = arith.constant 0 : i32
    %dma_wait3A_198 = arith.constant 0 : i32
    %dma_wait3A_199 = tpu.memref_slice %arg4[%dma_wait3A_197, %dma_wait3A_198] : memref<10000x128xi32, #tpu.memory_space<hbm>> -> memref<10000x128xi32, #tpu.memory_space<hbm>>
    tpu.wait_indirect_dma semaphore(%arg21 : memref<!tpu.dma_semaphore, #tpu.memory_space<semaphore_mem>>) src(%dma_wait3A_199 : memref<10000x128xi32, #tpu.memory_space<hbm>>) dst(%arg10 : memref<40x128xi32, #tpu.memory_space<vmem>>)
    %broadcast_in_dim3A_200 = arith.constant -65536 : i32
    %broadcast_in_dim3A_201 = vector.broadcast %broadcast_in_dim3A_200 : i32 to vector<16xi32>
    %broadcast_in_dim3A_202 = arith.constant 16 : i32
    %broadcast_in_dim3A_203 = vector.broadcast %broadcast_in_dim3A_202 : i32 to vector<16xi32>
    %scan3A_204 = arith.constant 0 : i32
    %scan3A_205 = arith.constant 40 : i32
    %scan3A_206 = arith.addi %scan3A_204, %scan3A_205 : i32
    %scan3A_207 = arith.constant 1 : i32
    %scan3A_208 = scf.for %scan3A_212 = %scan3A_204 to %scan3A_206 step %scan3A_207 iter_args(%scan3A_213 = %scan3A_183) -> (f32)  : i32 {
      %broadcast_in_dim3A_214 = arith.constant 0.000000e+00 : f32
      %broadcast_in_dim3A_215 = vector.broadcast %broadcast_in_dim3A_214 : f32 to vector<16xf32>
      %get3A = arith.index_cast %scan3A_212 : i32 to index
      %get3A_216 = arith.constant 0 : index
      %get3A_217 = tpu.vector_load %arg8[%get3A, %get3A_216] {strides = array<i32>} : memref<40x128xi32, #tpu.memory_space<vmem>>, vector<16xi32>,
      %bitcast3A = vector.bitcast %get3A_217 : vector<16xi32> to vector<32xbf16>
      %get3A_218 = arith.index_cast %scan3A_212 : i32 to index
      %get3A_219 = arith.constant 0 : index
      %get3A_220 = tpu.vector_load %arg9[%get3A_218, %get3A_219] {strides = array<i32>} : memref<40x128xi32, #tpu.memory_space<vmem>>, vector<16xi32>,
      %bitcast3A_221 = vector.bitcast %get3A_220 : vector<16xi32> to vector<32xbf16>
      %get3A_222 = arith.index_cast %scan3A_212 : i32 to index
      %get3A_223 = arith.constant 0 : index
      %get3A_224 = tpu.vector_load %arg10[%get3A_222, %get3A_223] {strides = array<i32>} : memref<40x128xi32, #tpu.memory_space<vmem>>, vector<16xi32>,
      %bitcast3A_225 = vector.bitcast %get3A_224 : vector<16xi32> to vector<32xbf16>
      %sub3A = arith.subf %bitcast3A, %bitcast3A_221 : vector<32xbf16>
      %sub3A_226 = arith.subf %bitcast3A, %bitcast3A_225 : vector<32xbf16>
      %sub3A_227 = arith.subf %sub3A, %sub3A_226 : vector<32xbf16>
      %add3A_228 = arith.addf %sub3A, %sub3A_226 : vector<32xbf16>
      %bitcast3A_229 = vector.bitcast %sub3A_227 : vector<32xbf16> to vector<16xi32>
      %shift_left3A = arith.shli %bitcast3A_229, %broadcast_in_dim3A_203 : vector<16xi32>
      %bitcast3A_230 = vector.bitcast %shift_left3A : vector<16xi32> to vector<16xf32>
      %and3A = arith.andi %bitcast3A_229, %broadcast_in_dim3A_201 : vector<16xi32>
      %bitcast3A_231 = vector.bitcast %and3A : vector<16xi32> to vector<16xf32>
      %unpack3A = tpu.unpack_subelements %add3A_228, 0 {pack_format = #tpu.pack_format<interleaved>} : vector<32xbf16> -> vector<16xf32>
      %unpack3A_232 = tpu.unpack_subelements %add3A_228, 1 {pack_format = #tpu.pack_format<interleaved>} : vector<32xbf16> -> vector<16xf32>
      %mul3A_233 = arith.mulf %bitcast3A_230, %unpack3A : vector<16xf32>
      %add3A_234 = arith.addf %broadcast_in_dim3A_215, %mul3A_233 : vector<16xf32>
      %mul3A_235 = arith.mulf %bitcast3A_231, %unpack3A_232 : vector<16xf32>
      %add3A_236 = arith.addf %add3A_234, %mul3A_235 : vector<16xf32>
      %get3A_237 = arith.index_cast %scan3A_212 : i32 to index
      %get3A_238 = arith.constant 16 : index
      %get3A_239 = tpu.vector_load %arg8[%get3A_237, %get3A_238] {strides = array<i32>} : memref<40x128xi32, #tpu.memory_space<vmem>>, vector<16xi32>,
      %bitcast3A_240 = vector.bitcast %get3A_239 : vector<16xi32> to vector<32xbf16>
      %get3A_241 = arith.index_cast %scan3A_212 : i32 to index
      %get3A_242 = arith.constant 16 : index
      %get3A_243 = tpu.vector_load %arg9[%get3A_241, %get3A_242] {strides = array<i32>} : memref<40x128xi32, #tpu.memory_space<vmem>>, vector<16xi32>,
      %bitcast3A_244 = vector.bitcast %get3A_243 : vector<16xi32> to vector<32xbf16>
      %get3A_245 = arith.index_cast %scan3A_212 : i32 to index
      %get3A_246 = arith.constant 16 : index
      %get3A_247 = tpu.vector_load %arg10[%get3A_245, %get3A_246] {strides = array<i32>} : memref<40x128xi32, #tpu.memory_space<vmem>>, vector<16xi32>,
      %bitcast3A_248 = vector.bitcast %get3A_247 : vector<16xi32> to vector<32xbf16>
      %sub3A_249 = arith.subf %bitcast3A_240, %bitcast3A_244 : vector<32xbf16>
      %sub3A_250 = arith.subf %bitcast3A_240, %bitcast3A_248 : vector<32xbf16>
      %sub3A_251 = arith.subf %sub3A_249, %sub3A_250 : vector<32xbf16>
      %add3A_252 = arith.addf %sub3A_249, %sub3A_250 : vector<32xbf16>
      %bitcast3A_253 = vector.bitcast %sub3A_251 : vector<32xbf16> to vector<16xi32>
      %shift_left3A_254 = arith.shli %bitcast3A_253, %broadcast_in_dim3A_203 : vector<16xi32>
      %bitcast3A_255 = vector.bitcast %shift_left3A_254 : vector<16xi32> to vector<16xf32>
      %and3A_256 = arith.andi %bitcast3A_253, %broadcast_in_dim3A_201 : vector<16xi32>
      %bitcast3A_257 = vector.bitcast %and3A_256 : vector<16xi32> to vector<16xf32>
      %unpack3A_258 = tpu.unpack_subelements %add3A_252, 0 {pack_format = #tpu.pack_format<interleaved>} : vector<32xbf16> -> vector<16xf32>
      %unpack3A_259 = tpu.unpack_subelements %add3A_252, 1 {pack_format = #tpu.pack_format<interleaved>} : vector<32xbf16> -> vector<16xf32>
      %mul3A_260 = arith.mulf %bitcast3A_255, %unpack3A_258 : vector<16xf32>
      %add3A_261 = arith.addf %add3A_236, %mul3A_260 : vector<16xf32>
      %mul3A_262 = arith.mulf %bitcast3A_257, %unpack3A_259 : vector<16xf32>
      %add3A_263 = arith.addf %add3A_261, %mul3A_262 : vector<16xf32>
      %get3A_264 = arith.index_cast %scan3A_212 : i32 to index
      %get3A_265 = arith.constant 32 : index
      %get3A_266 = tpu.vector_load %arg8[%get3A_264, %get3A_265] {strides = array<i32>} : memref<40x128xi32, #tpu.memory_space<vmem>>, vector<16xi32>,
      %bitcast3A_267 = vector.bitcast %get3A_266 : vector<16xi32> to vector<32xbf16>
      %get3A_268 = arith.index_cast %scan3A_212 : i32 to index
      %get3A_269 = arith.constant 32 : index
      %get3A_270 = tpu.vector_load %arg9[%get3A_268, %get3A_269] {strides = array<i32>} : memref<40x128xi32, #tpu.memory_space<vmem>>, vector<16xi32>,
      %bitcast3A_271 = vector.bitcast %get3A_270 : vector<16xi32> to vector<32xbf16>
      %get3A_272 = arith.index_cast %scan3A_212 : i32 to index
      %get3A_273 = arith.constant 32 : index
      %get3A_274 = tpu.vector_load %arg10[%get3A_272, %get3A_273] {strides = array<i32>} : memref<40x128xi32, #tpu.memory_space<vmem>>, vector<16xi32>,
      %bitcast3A_275 = vector.bitcast %get3A_274 : vector<16xi32> to vector<32xbf16>
      %sub3A_276 = arith.subf %bitcast3A_267, %bitcast3A_271 : vector<32xbf16>
      %sub3A_277 = arith.subf %bitcast3A_267, %bitcast3A_275 : vector<32xbf16>
      %sub3A_278 = arith.subf %sub3A_276, %sub3A_277 : vector<32xbf16>
      %add3A_279 = arith.addf %sub3A_276, %sub3A_277 : vector<32xbf16>
      %bitcast3A_280 = vector.bitcast %sub3A_278 : vector<32xbf16> to vector<16xi32>
      %shift_left3A_281 = arith.shli %bitcast3A_280, %broadcast_in_dim3A_203 : vector<16xi32>
      %bitcast3A_282 = vector.bitcast %shift_left3A_281 : vector<16xi32> to vector<16xf32>
      %and3A_283 = arith.andi %bitcast3A_280, %broadcast_in_dim3A_201 : vector<16xi32>
      %bitcast3A_284 = vector.bitcast %and3A_283 : vector<16xi32> to vector<16xf32>
      %unpack3A_285 = tpu.unpack_subelements %add3A_279, 0 {pack_format = #tpu.pack_format<interleaved>} : vector<32xbf16> -> vector<16xf32>
      %unpack3A_286 = tpu.unpack_subelements %add3A_279, 1 {pack_format = #tpu.pack_format<interleaved>} : vector<32xbf16> -> vector<16xf32>
      %mul3A_287 = arith.mulf %bitcast3A_282, %unpack3A_285 : vector<16xf32>
      %add3A_288 = arith.addf %add3A_263, %mul3A_287 : vector<16xf32>
      %mul3A_289 = arith.mulf %bitcast3A_284, %unpack3A_286 : vector<16xf32>
      %add3A_290 = arith.addf %add3A_288, %mul3A_289 : vector<16xf32>
      %get3A_291 = arith.index_cast %scan3A_212 : i32 to index
      %get3A_292 = arith.constant 48 : index
      %get3A_293 = tpu.vector_load %arg8[%get3A_291, %get3A_292] {strides = array<i32>} : memref<40x128xi32, #tpu.memory_space<vmem>>, vector<16xi32>,
      %bitcast3A_294 = vector.bitcast %get3A_293 : vector<16xi32> to vector<32xbf16>
      %get3A_295 = arith.index_cast %scan3A_212 : i32 to index
      %get3A_296 = arith.constant 48 : index
      %get3A_297 = tpu.vector_load %arg9[%get3A_295, %get3A_296] {strides = array<i32>} : memref<40x128xi32, #tpu.memory_space<vmem>>, vector<16xi32>,
      %bitcast3A_298 = vector.bitcast %get3A_297 : vector<16xi32> to vector<32xbf16>
      %get3A_299 = arith.index_cast %scan3A_212 : i32 to index
      %get3A_300 = arith.constant 48 : index
      %get3A_301 = tpu.vector_load %arg10[%get3A_299, %get3A_300] {strides = array<i32>} : memref<40x128xi32, #tpu.memory_space<vmem>>, vector<16xi32>,
      %bitcast3A_302 = vector.bitcast %get3A_301 : vector<16xi32> to vector<32xbf16>
      %sub3A_303 = arith.subf %bitcast3A_294, %bitcast3A_298 : vector<32xbf16>
      %sub3A_304 = arith.subf %bitcast3A_294, %bitcast3A_302 : vector<32xbf16>
      %sub3A_305 = arith.subf %sub3A_303, %sub3A_304 : vector<32xbf16>
      %add3A_306 = arith.addf %sub3A_303, %sub3A_304 : vector<32xbf16>
      %bitcast3A_307 = vector.bitcast %sub3A_305 : vector<32xbf16> to vector<16xi32>
      %shift_left3A_308 = arith.shli %bitcast3A_307, %broadcast_in_dim3A_203 : vector<16xi32>
      %bitcast3A_309 = vector.bitcast %shift_left3A_308 : vector<16xi32> to vector<16xf32>
      %and3A_310 = arith.andi %bitcast3A_307, %broadcast_in_dim3A_201 : vector<16xi32>
      %bitcast3A_311 = vector.bitcast %and3A_310 : vector<16xi32> to vector<16xf32>
      %unpack3A_312 = tpu.unpack_subelements %add3A_306, 0 {pack_format = #tpu.pack_format<interleaved>} : vector<32xbf16> -> vector<16xf32>
      %unpack3A_313 = tpu.unpack_subelements %add3A_306, 1 {pack_format = #tpu.pack_format<interleaved>} : vector<32xbf16> -> vector<16xf32>
      %mul3A_314 = arith.mulf %bitcast3A_309, %unpack3A_312 : vector<16xf32>
      %add3A_315 = arith.addf %add3A_290, %mul3A_314 : vector<16xf32>
      %mul3A_316 = arith.mulf %bitcast3A_311, %unpack3A_313 : vector<16xf32>
      %add3A_317 = arith.addf %add3A_315, %mul3A_316 : vector<16xf32>
      %get3A_318 = arith.index_cast %scan3A_212 : i32 to index
      %get3A_319 = arith.constant 64 : index
      %get3A_320 = tpu.vector_load %arg8[%get3A_318, %get3A_319] {strides = array<i32>} : memref<40x128xi32, #tpu.memory_space<vmem>>, vector<16xi32>,
      %bitcast3A_321 = vector.bitcast %get3A_320 : vector<16xi32> to vector<32xbf16>
      %get3A_322 = arith.index_cast %scan3A_212 : i32 to index
      %get3A_323 = arith.constant 64 : index
      %get3A_324 = tpu.vector_load %arg9[%get3A_322, %get3A_323] {strides = array<i32>} : memref<40x128xi32, #tpu.memory_space<vmem>>, vector<16xi32>,
      %bitcast3A_325 = vector.bitcast %get3A_324 : vector<16xi32> to vector<32xbf16>
      %get3A_326 = arith.index_cast %scan3A_212 : i32 to index
      %get3A_327 = arith.constant 64 : index
      %get3A_328 = tpu.vector_load %arg10[%get3A_326, %get3A_327] {strides = array<i32>} : memref<40x128xi32, #tpu.memory_space<vmem>>, vector<16xi32>,
      %bitcast3A_329 = vector.bitcast %get3A_328 : vector<16xi32> to vector<32xbf16>
      %sub3A_330 = arith.subf %bitcast3A_321, %bitcast3A_325 : vector<32xbf16>
      %sub3A_331 = arith.subf %bitcast3A_321, %bitcast3A_329 : vector<32xbf16>
      %sub3A_332 = arith.subf %sub3A_330, %sub3A_331 : vector<32xbf16>
      %add3A_333 = arith.addf %sub3A_330, %sub3A_331 : vector<32xbf16>
      %bitcast3A_334 = vector.bitcast %sub3A_332 : vector<32xbf16> to vector<16xi32>
      %shift_left3A_335 = arith.shli %bitcast3A_334, %broadcast_in_dim3A_203 : vector<16xi32>
      %bitcast3A_336 = vector.bitcast %shift_left3A_335 : vector<16xi32> to vector<16xf32>
      %and3A_337 = arith.andi %bitcast3A_334, %broadcast_in_dim3A_201 : vector<16xi32>
      %bitcast3A_338 = vector.bitcast %and3A_337 : vector<16xi32> to vector<16xf32>
      %unpack3A_339 = tpu.unpack_subelements %add3A_333, 0 {pack_format = #tpu.pack_format<interleaved>} : vector<32xbf16> -> vector<16xf32>
      %unpack3A_340 = tpu.unpack_subelements %add3A_333, 1 {pack_format = #tpu.pack_format<interleaved>} : vector<32xbf16> -> vector<16xf32>
      %mul3A_341 = arith.mulf %bitcast3A_336, %unpack3A_339 : vector<16xf32>
      %add3A_342 = arith.addf %add3A_317, %mul3A_341 : vector<16xf32>
      %mul3A_343 = arith.mulf %bitcast3A_338, %unpack3A_340 : vector<16xf32>
      %add3A_344 = arith.addf %add3A_342, %mul3A_343 : vector<16xf32>
      %get3A_345 = arith.index_cast %scan3A_212 : i32 to index
      %get3A_346 = arith.constant 80 : index
      %get3A_347 = tpu.vector_load %arg8[%get3A_345, %get3A_346] {strides = array<i32>} : memref<40x128xi32, #tpu.memory_space<vmem>>, vector<16xi32>,
      %bitcast3A_348 = vector.bitcast %get3A_347 : vector<16xi32> to vector<32xbf16>
      %get3A_349 = arith.index_cast %scan3A_212 : i32 to index
      %get3A_350 = arith.constant 80 : index
      %get3A_351 = tpu.vector_load %arg9[%get3A_349, %get3A_350] {strides = array<i32>} : memref<40x128xi32, #tpu.memory_space<vmem>>, vector<16xi32>,
      %bitcast3A_352 = vector.bitcast %get3A_351 : vector<16xi32> to vector<32xbf16>
      %get3A_353 = arith.index_cast %scan3A_212 : i32 to index
      %get3A_354 = arith.constant 80 : index
      %get3A_355 = tpu.vector_load %arg10[%get3A_353, %get3A_354] {strides = array<i32>} : memref<40x128xi32, #tpu.memory_space<vmem>>, vector<16xi32>,
      %bitcast3A_356 = vector.bitcast %get3A_355 : vector<16xi32> to vector<32xbf16>
      %sub3A_357 = arith.subf %bitcast3A_348, %bitcast3A_352 : vector<32xbf16>
      %sub3A_358 = arith.subf %bitcast3A_348, %bitcast3A_356 : vector<32xbf16>
      %sub3A_359 = arith.subf %sub3A_357, %sub3A_358 : vector<32xbf16>
      %add3A_360 = arith.addf %sub3A_357, %sub3A_358 : vector<32xbf16>
      %bitcast3A_361 = vector.bitcast %sub3A_359 : vector<32xbf16> to vector<16xi32>
      %shift_left3A_362 = arith.shli %bitcast3A_361, %broadcast_in_dim3A_203 : vector<16xi32>
      %bitcast3A_363 = vector.bitcast %shift_left3A_362 : vector<16xi32> to vector<16xf32>
      %and3A_364 = arith.andi %bitcast3A_361, %broadcast_in_dim3A_201 : vector<16xi32>
      %bitcast3A_365 = vector.bitcast %and3A_364 : vector<16xi32> to vector<16xf32>
      %unpack3A_366 = tpu.unpack_subelements %add3A_360, 0 {pack_format = #tpu.pack_format<interleaved>} : vector<32xbf16> -> vector<16xf32>
      %unpack3A_367 = tpu.unpack_subelements %add3A_360, 1 {pack_format = #tpu.pack_format<interleaved>} : vector<32xbf16> -> vector<16xf32>
      %mul3A_368 = arith.mulf %bitcast3A_363, %unpack3A_366 : vector<16xf32>
      %add3A_369 = arith.addf %add3A_344, %mul3A_368 : vector<16xf32>
      %mul3A_370 = arith.mulf %bitcast3A_365, %unpack3A_367 : vector<16xf32>
      %add3A_371 = arith.addf %add3A_369, %mul3A_370 : vector<16xf32>
      %get3A_372 = arith.index_cast %scan3A_212 : i32 to index
      %get3A_373 = arith.constant 96 : index
      %get3A_374 = tpu.vector_load %arg8[%get3A_372, %get3A_373] {strides = array<i32>} : memref<40x128xi32, #tpu.memory_space<vmem>>, vector<16xi32>,
      %bitcast3A_375 = vector.bitcast %get3A_374 : vector<16xi32> to vector<32xbf16>
      %get3A_376 = arith.index_cast %scan3A_212 : i32 to index
      %get3A_377 = arith.constant 96 : index
      %get3A_378 = tpu.vector_load %arg9[%get3A_376, %get3A_377] {strides = array<i32>} : memref<40x128xi32, #tpu.memory_space<vmem>>, vector<16xi32>,
      %bitcast3A_379 = vector.bitcast %get3A_378 : vector<16xi32> to vector<32xbf16>
      %get3A_380 = arith.index_cast %scan3A_212 : i32 to index
      %get3A_381 = arith.constant 96 : index
      %get3A_382 = tpu.vector_load %arg10[%get3A_380, %get3A_381] {strides = array<i32>} : memref<40x128xi32, #tpu.memory_space<vmem>>, vector<16xi32>,
      %bitcast3A_383 = vector.bitcast %get3A_382 : vector<16xi32> to vector<32xbf16>
      %sub3A_384 = arith.subf %bitcast3A_375, %bitcast3A_379 : vector<32xbf16>
      %sub3A_385 = arith.subf %bitcast3A_375, %bitcast3A_383 : vector<32xbf16>
      %sub3A_386 = arith.subf %sub3A_384, %sub3A_385 : vector<32xbf16>
      %add3A_387 = arith.addf %sub3A_384, %sub3A_385 : vector<32xbf16>
      %bitcast3A_388 = vector.bitcast %sub3A_386 : vector<32xbf16> to vector<16xi32>
      %shift_left3A_389 = arith.shli %bitcast3A_388, %broadcast_in_dim3A_203 : vector<16xi32>
      %bitcast3A_390 = vector.bitcast %shift_left3A_389 : vector<16xi32> to vector<16xf32>
      %and3A_391 = arith.andi %bitcast3A_388, %broadcast_in_dim3A_201 : vector<16xi32>
      %bitcast3A_392 = vector.bitcast %and3A_391 : vector<16xi32> to vector<16xf32>
      %unpack3A_393 = tpu.unpack_subelements %add3A_387, 0 {pack_format = #tpu.pack_format<interleaved>} : vector<32xbf16> -> vector<16xf32>
      %unpack3A_394 = tpu.unpack_subelements %add3A_387, 1 {pack_format = #tpu.pack_format<interleaved>} : vector<32xbf16> -> vector<16xf32>
      %mul3A_395 = arith.mulf %bitcast3A_390, %unpack3A_393 : vector<16xf32>
      %add3A_396 = arith.addf %add3A_371, %mul3A_395 : vector<16xf32>
      %mul3A_397 = arith.mulf %bitcast3A_392, %unpack3A_394 : vector<16xf32>
      %add3A_398 = arith.addf %add3A_396, %mul3A_397 : vector<16xf32>
      %get3A_399 = arith.index_cast %scan3A_212 : i32 to index
      %get3A_400 = arith.constant 112 : index
      %get3A_401 = tpu.vector_load %arg8[%get3A_399, %get3A_400] {strides = array<i32>} : memref<40x128xi32, #tpu.memory_space<vmem>>, vector<16xi32>,
      %bitcast3A_402 = vector.bitcast %get3A_401 : vector<16xi32> to vector<32xbf16>
      %get3A_403 = arith.index_cast %scan3A_212 : i32 to index
      %get3A_404 = arith.constant 112 : index
      %get3A_405 = tpu.vector_load %arg9[%get3A_403, %get3A_404] {strides = array<i32>} : memref<40x128xi32, #tpu.memory_space<vmem>>, vector<16xi32>,
      %bitcast3A_406 = vector.bitcast %get3A_405 : vector<16xi32> to vector<32xbf16>
      %get3A_407 = arith.index_cast %scan3A_212 : i32 to index
      %get3A_408 = arith.constant 112 : index
      %get3A_409 = tpu.vector_load %arg10[%get3A_407, %get3A_408] {strides = array<i32>} : memref<40x128xi32, #tpu.memory_space<vmem>>, vector<16xi32>,
      %bitcast3A_410 = vector.bitcast %get3A_409 : vector<16xi32> to vector<32xbf16>
      %sub3A_411 = arith.subf %bitcast3A_402, %bitcast3A_406 : vector<32xbf16>
      %sub3A_412 = arith.subf %bitcast3A_402, %bitcast3A_410 : vector<32xbf16>
      %sub3A_413 = arith.subf %sub3A_411, %sub3A_412 : vector<32xbf16>
      %add3A_414 = arith.addf %sub3A_411, %sub3A_412 : vector<32xbf16>
      %bitcast3A_415 = vector.bitcast %sub3A_413 : vector<32xbf16> to vector<16xi32>
      %shift_left3A_416 = arith.shli %bitcast3A_415, %broadcast_in_dim3A_203 : vector<16xi32>
      %bitcast3A_417 = vector.bitcast %shift_left3A_416 : vector<16xi32> to vector<16xf32>
      %and3A_418 = arith.andi %bitcast3A_415, %broadcast_in_dim3A_201 : vector<16xi32>
      %bitcast3A_419 = vector.bitcast %and3A_418 : vector<16xi32> to vector<16xf32>
      %unpack3A_420 = tpu.unpack_subelements %add3A_414, 0 {pack_format = #tpu.pack_format<interleaved>} : vector<32xbf16> -> vector<16xf32>
      %unpack3A_421 = tpu.unpack_subelements %add3A_414, 1 {pack_format = #tpu.pack_format<interleaved>} : vector<32xbf16> -> vector<16xf32>
      %mul3A_422 = arith.mulf %bitcast3A_417, %unpack3A_420 : vector<16xf32>
      %add3A_423 = arith.addf %add3A_398, %mul3A_422 : vector<16xf32>
      %mul3A_424 = arith.mulf %bitcast3A_419, %unpack3A_421 : vector<16xf32>
      %add3A_425 = arith.addf %add3A_423, %mul3A_424 : vector<16xf32>
      %reduce_sum3A = arith.constant true
      %reduce_sum3A_426 = vector.broadcast %reduce_sum3A : i1 to vector<16xi1>
      %reduce_sum3A_427 = tpu.scan <sum>, %add3A_425 masked %reduce_sum3A_426 : vector<16xf32>, vector<16xi1> -> vector<16xf32>
      %reduce_sum3A_428 = vector.extract %reduce_sum3A_427[15] : f32 from vector<16xf32>
      %add3A_429 = arith.constant 1.000000e+00 : f32
      %add3A_430 = arith.addf %reduce_sum3A_428, %add3A_429 : f32
      %max3A = arith.constant 0.000000e+00 : f32
      %max3A_431 = arith.maximumf %add3A_430, %max3A : f32
      %add3A_432 = arith.addf %scan3A_213, %max3A_431 : f32
      scf.yield %add3A_432 : f32
    }
    %scan3A_209 = arith.constant 40 : i32
    %broadcast_in_dim3A_210 = vector.broadcast %scan3A_208 : f32 to vector<16xf32>
    %swap3A = arith.constant 0 : index
    %swap3A_211 = tpu.vector_load %arg20[%swap3A] {strides = array<i32>} : memref<16xf32, #tpu.memory_space<vmem>>, vector<16xf32>,
    tpu.vector_store %arg20[%swap3A], %broadcast_in_dim3A_210 {strides = array<i32>} : memref<16xf32, #tpu.memory_space<vmem>>, vector<16xf32>,
    "tpu.region"() ({
      %run_scoped3A = tpu.sem_alloc : memref<!tpu.dma_semaphore, #tpu.memory_space<semaphore_mem>>
      %dma_start3A_212 = arith.constant 0 : i32
      %dma_start3A_213 = tpu.memref_slice %arg6[%add3A, %dma_start3A_212] : memref<32x16xf32, #tpu.memory_space<hbm>> -> memref<1x16xf32, #tpu.memory_space<hbm>>
      %dma_start3A_214 = tpu.memref_squeeze %dma_start3A_213 : memref<1x16xf32, #tpu.memory_space<hbm>> -> memref<16xf32, #tpu.memory_space<hbm>>
      %dma_start3A_215 = arith.constant 0 : i32
      %dma_start3A_216 = tpu.memref_slice %arg6[%add3A, %dma_start3A_215] : memref<32x16xf32, #tpu.memory_space<hbm>> -> memref<1x16xf32, #tpu.memory_space<hbm>>
      %dma_start3A_217 = tpu.memref_squeeze %dma_start3A_216 : memref<1x16xf32, #tpu.memory_space<hbm>> -> memref<16xf32, #tpu.memory_space<hbm>>
      tpu.enqueue_dma source(%arg20 : memref<16xf32, #tpu.memory_space<vmem>>) target(%dma_start3A_217 : memref<16xf32, #tpu.memory_space<hbm>>) target_semaphore(%run_scoped3A : memref<!tpu.dma_semaphore, #tpu.memory_space<semaphore_mem>>)
      %dma_wait3A_218 = arith.constant 0 : i32
      %dma_wait3A_219 = tpu.memref_slice %arg6[%add3A, %dma_wait3A_218] : memref<32x16xf32, #tpu.memory_space<hbm>> -> memref<1x16xf32, #tpu.memory_space<hbm>>
      %dma_wait3A_220 = tpu.memref_squeeze %dma_wait3A_219 : memref<1x16xf32, #tpu.memory_space<hbm>> -> memref<16xf32, #tpu.memory_space<hbm>>
      %dma_wait3A_221 = arith.constant 0 : i32
      %dma_wait3A_222 = tpu.memref_slice %arg6[%add3A, %dma_wait3A_221] : memref<32x16xf32, #tpu.memory_space<hbm>> -> memref<1x16xf32, #tpu.memory_space<hbm>>
      %dma_wait3A_223 = tpu.memref_squeeze %dma_wait3A_222 : memref<1x16xf32, #tpu.memory_space<hbm>> -> memref<16xf32, #tpu.memory_space<hbm>>
      tpu.wait_dma2 semaphore(%run_scoped3A : memref<!tpu.dma_semaphore, #tpu.memory_space<semaphore_mem>>) src(%arg20 : memref<16xf32, #tpu.memory_space<vmem>>) dst(%dma_wait3A_223 : memref<16xf32, #tpu.memory_space<hbm>>)
      tpu.yield
    }) : () -> ()
    return
  }
}

</mosaic_0001>

<sc_bundles>
// kernel: kernel.3.cloned.1.call-start
scs
__scs_entry_jumppad:
0x0: {  	(pc) =	sbr.rel $0x88, $3  }
0x1: {  	(tag) =	ssettag $0x0;
	lr =	simm.s32 $0x1  }
0x2: {  	[smem:$0x3F9D] =	sst lr;
	_ =	strace $0xD0000000  }
0x3: {  	_ = 	snop  }
0x4: {  	_ = 	snop  }
0x5: {  	_ = 	snop  }
0x6: {  	_ = 	snop  }
0x7: {  	_ = 	snop  }
__scs_overlays_trampoline_lowered:
0x8: {  	[smem:$0x3FAC] =	sst s0  }
0x9: {  	[smem:$0x3FAD] =	sst s1  }
0xa: {  	[smem:$0x3FAE] =	sst s2  }
0xb: {  	[smem:$0x3FAF] =	sst s3  }
0xc: {  	[smem:$0x3FB0] =	sst s4  }
0xd: {  	[smem:$0x3FB1] =	sst s5  }
0xe: {  	[smem:$0x3FB2] =	sst s6  }
0xf: {  	[smem:$0x3FB3] =	sst s7  }
0x10: {  	[smem:$0x3FB4] =	sst s8  }
0x11: {  	[smem:$0x3FB5] =	sst s9;
	s0 =	simm.s32 @!p0 $0x0  }
0x12: {  	s1 =	sld [smem:$0x3F9B];
	s0 =	simm.s32 @p0 $0x1  }
0x13: {  	[smem:$0x3FB6] =	sst s0;
	s0 =	simm.s32 @!p1 $0x0  }
0x14: {  	s2 =	sld [smem:$0x3F9A];
	s0 =	simm.s32 @p1 $0x1  }
0x15: {  	[smem:$0x3FB7] =	sst s0;
	s0 =	simm.s32 @!p2 $0x0  }
0x16: {  	s3 =	sld [smem:$0x3FDB];
	s0 =	simm.s32 @p2 $0x1  }
0x17: {  	s4 =	simm.s32 $0x1BF5;
	[smem:$0x3FB9] =	sst s0  }
0x18: {  	s0 =	sld [smem:$0x3F9C];
	_ =	swait.ge [sflag:s4], $0x0  }
0x19: {  	s7 =	sld [smem:$0x3F9D]  }
0x1a: {  	s8 =	sadd.s32 $0xFFFFE003, lr  }
0x1b: {  	s9 =	sadd.s32 $0xFFFFFEF7, lr;
	s5 =	simm.s32 $0xFFFFFFFF;
	p2 =	slt.u32 s8, $0xFFFFF086  }
0x1c: {  	p1 =	slt.u32 s9, $0xF7A;
	s5 =	simm.s32 @!p2 $0x0  }
0x1d: {  	s5 =	simm.s32 @p1 $0x1;
	p0 =	seq.s32 s7, s2  }
0x1e: {  	s7 =	smul.u32 @!p0 $0xF7A, s2;
	p2 =	seq.s32 @!p0 s5, $0x0  }
0x1f: {  	s9 =	smul.u32 $0xF7A, s1;
	s8 =	simm.s32 @!p0 $0x1BF5;
	p2 =	por !p2, p0  }
0x20: {  	[sflag:s8] =	ssyncset.s32 @!p0 $0xFFFFF086;
	s6 =	sadd.s32 @!p0 s3, s7;
	s7 =	simm.s32 @!p0 $0x108  }
0x21: {  	s3 =	sadd.s32 s3, s9;
	s6 =	sadd.s32 @!p0 $0x88, s6;
	s7 =	simm.s32 @p2 $0x1082  }
0x22: {  	[simem:s7], [sflag:s8] =	dma.local @!p0 [hbm:s6], $0xF7A  }
0x23: {  	s9 =	sor.u32 $0xD0000000, s2;
	s6 =	simm.s32 $0x108;
	_ =	swait.ge @!p0 [sflag:s8], $0x0  }
0x24: {  	s3 =	sadd.s32 $0x88, s3;
	s6 =	simm.s32 @!p1 $0x1082;
	[sflag:s4] =	ssyncset.s32 $0xFFFFF086  }
0x25: {  	[simem:s6], [sflag:s4] =	dma.local [hbm:s3], $0xF7A  }
0x26: {  	[smem:$0x3F9D] =	sst s1;
	(tag) =	ssettag s2;
	_ =	strace s9  }
0x27: {  	s1 =	sld [smem:$0x3FAD]  }
0x28: {  	s2 =	sld [smem:$0x3FAE]  }
0x29: {  	s4 =	sld [smem:$0x3FB0]  }
0x2a: {  	p0 =	seq.s32 s5, $0x0;
	s5 =	sld [smem:$0x3FB1]  }
0x2b: {  	s6 =	sld [smem:$0x3FB2]  }
0x2c: {  	s7 =	sld [smem:$0x3FB3]  }
0x2d: {  	s3 =	simm.s32 $0x108;
	s8 =	sld [smem:$0x3FB4]  }
0x2e: {  	s3 =	simm.s32 @!p0 $0x1082;
	s9 =	sld [smem:$0x3FB5]  }
0x2f: {  	lr =	sadd.s32 s0, s3;
	s0 =	sld [smem:$0x3FAC]  }
0x30: {  	s3 =	sld [smem:$0x3FAF]  }
0x31: {  	[smem:$0x3FB8] =	sst s10  }
0x32: {  	s10 =	sld [smem:$0x3FB6];
	_ =	sdelay $0x3  }
0x33: {  	p0 =	seq.s32 s10, $0x1;
	s10 =	sld [smem:$0x3FB8];
	_ =	sdelay $0x3  }
0x34: {  	[smem:$0x3FB8] =	sst s10  }
0x35: {  	s10 =	sld [smem:$0x3FB7];
	_ =	sdelay $0x3  }
0x36: {  	p1 =	seq.s32 s10, $0x1;
	s10 =	sld [smem:$0x3FB8];
	_ =	sdelay $0x3  }
0x37: {  	[smem:$0x3FB8] =	sst s10  }
0x38: {  	s10 =	sld [smem:$0x3FB9]  }
0x39: {  	_ = 	snop;
	(pc) =	sbr.ind lr, $3  }
0x3a: {  	_ = 	snop  }
0x3b: {  	_ = 	snop  }
0x3c: {  	p2 =	seq.s32 s10, $0x1;
	s10 =	sld [smem:$0x3FB8]  }
0x3d: {  	_ =	shalt  }
0x3e: {  	_ =	shalt  }
0x3f: {  	_ =	shalt  }
0x40: {  	_ =	shalt  }
0x41: {  	_ =	shalt  }
0x42: {  	_ =	shalt  }
0x43: {  	_ =	shalt  }
0x44: {  	_ =	shalt  }
0x45: {  	_ =	shalt  }
0x46: {  	_ =	shalt  }
0x47: {  	_ =	shalt  }
0x48: {  	_ =	shalt  }
0x49: {  	_ =	shalt  }
0x4a: {  	_ =	shalt  }
0x4b: {  	_ =	shalt  }
0x4c: {  	_ =	shalt  }
0x4d: {  	_ =	shalt  }
0x4e: {  	_ =	shalt  }
0x4f: {  	_ =	shalt  }
0x50: {  	_ =	shalt  }
0x51: {  	_ =	shalt  }
0x52: {  	_ =	shalt  }
0x53: {  	_ =	shalt  }
0x54: {  	_ =	shalt  }
0x55: {  	_ =	shalt  }
0x56: {  	_ =	shalt  }
0x57: {  	_ =	shalt  }
0x58: {  	_ =	shalt  }
0x59: {  	_ =	shalt  }
0x5a: {  	_ =	shalt  }
0x5b: {  	_ =	shalt  }
0x5c: {  	_ =	shalt  }
0x5d: {  	_ =	shalt  }
0x5e: {  	_ =	shalt  }
0x5f: {  	_ =	shalt  }
0x60: {  	_ =	shalt  }
0x61: {  	_ =	shalt  }
0x62: {  	_ =	shalt  }
0x63: {  	_ =	shalt  }
0x64: {  	_ =	shalt  }
0x65: {  	_ =	shalt  }
0x66: {  	_ =	shalt  }
0x67: {  	_ =	shalt  }
0x68: {  	_ =	shalt  }
0x69: {  	_ =	shalt  }
0x6a: {  	_ =	shalt  }
0x6b: {  	_ =	shalt  }
0x6c: {  	_ =	shalt  }
0x6d: {  	_ =	shalt  }
0x6e: {  	_ =	shalt  }
0x6f: {  	_ =	shalt  }
0x70: {  	_ =	shalt  }
0x71: {  	_ =	shalt  }
0x72: {  	_ =	shalt  }
0x73: {  	_ =	shalt  }
0x74: {  	_ =	shalt  }
0x75: {  	_ =	shalt  }
0x76: {  	_ =	shalt  }
0x77: {  	_ =	shalt  }
0x78: {  	_ =	shalt  }
0x79: {  	_ =	shalt  }
0x7a: {  	_ =	shalt  }
0x7b: {  	_ =	shalt  }
0x7c: {  	_ =	shalt  }
0x7d: {  	_ =	shalt  }
0x7e: {  	_ =	shalt  }
0x7f: {  	_ =	shalt  }
0x80: {  	_ =	shalt  }
0x81: {  	_ =	shalt  }
0x82: {  	_ =	shalt  }
0x83: {  	_ =	shalt  }
0x84: {  	_ =	shalt  }
0x85: {  	_ =	shalt  }
0x86: {  	_ =	shalt  }
0x87: {  	_ =	shalt  }
.Lfunc_end0:
.L_simem_size_0:
called_computation_lowered:
.L_overlay_start_0:
0x88: {  	s2 =	sld [smem:$0x3FD9]  }
0x89: {  	s3 =	sld [smem:$0x3FFE];
	_ =	sdelay $0x1  }
0x8a: {  	s1 =	srdreg.scid  }
0x8b: {  	s0 =	sand.u32 $0x1, s1  }
0x8c: {  	s16 =	sshll.u32 s0, $0xA;
	s2 =	sadd.s32 s3, s2  }
0x8d: {  	s2 =	sadd.s32 s2, s16  }
0x8e: {  	[smem:$0x3FC4] =	sst s2  }
0x8f: {  	_ = 	snop  }
0x90: {  	(tm) =	ssettm $0x1  }
0x91: {  	s17 =	sld [smem:$0x3FFB];
	_ =	sdelay $0x3  }
0x92: {  	_ =	strace s17  }
0x93: {  	s2 =	sld [smem:$0x3FFC];
	_ =	sdelay $0x3  }
0x94: {  	_ =	strace s2  }
0x95: {  	s2 =	sld [smem:$0x3FFD];
	_ =	sdelay $0x3  }
0x96: {  	_ =	strace s2  }
0x97: {  	_ =	strace $0x8FFFFFFF  }
0x98: {  	s18 =	sld [smem:$0x3FDB];
	_ =	sdelay $0x1  }
0x99: {  	s19 =	simm.s32 $_scs_section_size  }
0x9a: {  	s4 =	simm.s32 $_size__tile_overlayer_lowered;
	s5 =	simm.s32 $_tile_overlayer_lowered  }
0x9b: {  	s22 =	simm.s32 $0x1BFF;
	s21 =	sshll.u32 s5, $0x1;
	s2 =	sadd.s32 s19, s18  }
0x9c: {  	s6 =	simm.s32 $0x0;
	s20 =	sshll.u32 s4, $0x1;
	s4 =	sadd.s32 s21, s2  }
0x9d: {  	[timem:s6], [sflag:s22] =	dma.local [hbm:s4], s20  }
0x9e: {  	_ =	swait.ge [sflag:s22], s20  }
0x9f: {  	s3 =	ssub.s32 $0x0, s20;
	[sflag:s22] =	ssyncset.done $0x0  }
0xa0: {  	[sflag:s22] =	ssyncadd.s32 s3;
	_ =	sdelay $0x1  }
0xa1: {  	s23 =	simm.s32 $0x1B8B  }
0xa2: {  	_ =	swait.ge [sflag:s23], $0x1  }
0xa3: {  	[sflag:s23] =	ssyncset.done $0x0  }
0xa4: {  	s25 =	simm.s32 $0x1B8E;
	s24 =	sld [smem:$0x3FFE];
	[sflag:s23] =	ssyncadd.s32 $0xFFFFFFFF  }
0xa5: {  	s26 =	simm.s32 $execute0_lowered;
	[smem:$0x3FD2] =	sst s25  }
0xa6: {  	s4 =	sshll.u32 s26, $0x1;
	_ =	strace $0x80000046;
	[dreg:$0x1] =	wrdreg $0xFFFFFFFF  }
0xa7: {  	s28 =	simm.s32 $_size_execute0_lowered;
	s2 =	sadd.s32 s2, s4;
	[dreg:$0x0] =	wrdreg $0x0  }
0xa8: {  	s4 =	sshll.u32 s28, $0x1;
	[dreg:$0x2] =	wrdreg s2  }
0xa9: {  	[dreg:$0x3] =	wrdreg s4  }
0xaa: {  	[dreg:$0x4] =	wrdreg $0xC0  }
0xab: {  	_ =	task [dreg:s6], $0x5FFFF  }
0xac: {  	[dreg:$0x1] =	wrdreg $0xFFFFFFFF  }
0xad: {  	[dreg:$0x0] =	wrdreg $0x60  }
0xae: {  	[dreg:$0x2] =	wrdreg s24  }
0xaf: {  	[dreg:$0x3] =	wrdreg $0x9  }
0xb0: {  	_ =	task.clear_ibuf [dreg:s6], $0x4FFFF;
	_ =	strace $0x90000046  }
0xb1: {  	s29 =	simm.s32 $0x9;
	_ =	strace $0x80000048  }
0xb2: {  	_ =	swait.ge [sflag:s29], $0x1  }
0xb3: {  	[sflag:s29] =	ssyncadd.s32 $0xFFFFFFFF  }
0xb4: {  	_ =	strace $0x90000048  }
0xb5: {  	_ =	sfence  }
0xb6: {  	s30 =	sld [smem:$0x0];
	_ =	sdelay $0x2  }
0xb7: {  	s31 =	sshll.u32 s1, $0xD;
	s1 =	sshrl.u32 s1, $0x2  }
0xb8: {  	s3 =	sand.u32 $0x4000, s31;
	s1 =	sadd.s32 s1, s30  }
0xb9: {  	s0 =	sor.u32 s3, s0;
	s1 =	sshll.u32 s1, $0x11  }
0xba: {  	s0 =	sor.u32 s1, s0  }
0xbb: {  	s0 =	sadd.s32 $0x8F2B, s0  }
0xbc: {  	[sflag:s0] =	ssyncadd.remote.s32 $0x1  }
0xbd: {  	_ =	sfence.sel $0xFFFF  }
0xbe: {  	[dreg:$0x0] =	wrdreg $0xFFFFFFFF;
	(pc) =	sbr.abs _section_cstart, $3  }
0xbf: {  	[dreg:$0x1] =	wrdreg $0xFFFFFFFF  }
0xc0: {  	_ =	task.clear_ibuf [dreg:s6], $0x2FFFF;
	_ =	strace $0x9FFFFFFF  }
0xc1: {  	(tm) =	ssettm $0x7FFFFFFF  }
tec
execute0_lowered:
.L_overlay_start_1:
0x0: {  	(tag) =	ssettag $0x1  }
0x1: {  	s0 =	rddreg [dreg:$0x0]  }
0x2: {  	s1 =	srdreg.scid;
	s3 =	stileid.u32  }
0x3: {  	s2 =	simm.s32 $0x0;
	s11 =	simm.s32 $0x5;
	s14 =	simm.s32 $0x28  }
0x4: {  	s15 =	simm.s32 $0x3B00;
	s16 =	simm.s32 $0x4F00;
	s17 =	simm.s32 $0x6300  }
0x5: {  	s18 =	simm.s32 $0x7700;
	s20 =	simm.s32 $0x8B00;
	s22 =	simm.s32 $0x9F00  }
0x6: {  	s29 =	simm.s32 $0xDB00;
	s1 =	sand.u32 $0x1, s1;
	s3 =	sshll.u32 s3, $0x1  }
0x7: {  	s30 =	simm.s32 $0x1;
	s31 =	simm.s32 $0xEF00;
	s6 =	sor.u32 s1, s3  }
0x8: {  	s19 =	simm.s32 $0x2;
	s21 =	simm.s32 $0x3;
	s7 =	smul.u32 $0x1388, s6  }
0x9: {  	s28 =	simm.s32 $0x0;
	[smem:$0x7FF] =	sst s2;
	s4 =	sadd.s32 $0x5E200, s0  }
0xa: {  	s5 =	sadd.s32 $0x37000, s0;
	_ =	strace $0x80000047;
	s7 =	sshrl.u32 s7, $0x3  }
0xb: {  	s3 =	sadd.s32 $0x1200, s0;
	s1 =	ssub.s32 $0x2, s1;
	s7 =	sadd.s32 s7, s0  }
0xc: {  	s6 =	sshll.u32 s6, $0x4;
	s23 =	sshrl.u32 s1, $0x1;
	s24 =	sadd.s32 $0x28400, s7  }
0xd: {  	s1 =	ssub.s32 s1, s23;
	s25 =	sadd.s32 $0x2D220, s7;
	[dreg:$0x2] =	wrdreg s24  }
0xe: {  	s0 =	sadd.s32 s6, s0;
	s26 =	sadd.s32 $0x32040, s7;
	[dreg:$0x3] =	wrdreg s25  }
0xf: {  	s23 =	simm.s32 $0x4;
	s0 =	sadd.s32 $0x85400, s0;
	[dreg:$0x4] =	wrdreg s26  }
0x10: {  	s10 =	smax.u32 s1, $0x1;
	s1 =	simm.s32 $0x11700;
	[dreg:$0x5] =	wrdreg s0  }
0x11: {  	s24 =	simm.s32 $0xB300;
	s26 =	simm.s32 $0xC700;
	s0 =	simm.s32 $0x10300  }
.LBB2_1:
0x12: {  	s6 =	rddreg [dreg:$0x2]  }
0x13: {  	[tilespmem:s2], [sflag:$0x5] =	stream.linear.gather [hbm4b:s6+s2], $0x1388, $0x38;
	[tilespmem:$0x12B80] =	vst v63  }
0x14: {  	_ =	swait.ge [sflag:s11], $0x1388  }
0x15: {  	[sflag:s11] =	ssyncset.done $0x0  }
0x16: {  	s7 =	simm.s32 $0x1388;
	s13 =	rddreg [dreg:$0x3];
	[sflag:s11] =	ssyncadd.s32 $0xFFFFEC78  }
0x17: {  	[tilespmem:s7], [sflag:$0x5] =	stream.linear.gather [hbm4b:s13+s2], $0x1388, $0x38;
	[tilespmem:$0x12B80] =	vst v63  }
0x18: {  	_ =	swait.ge [sflag:s11], $0x1388  }
0x19: {  	[sflag:s11] =	ssyncset.done $0x0  }
0x1a: {  	s8 =	simm.s32 $0x2710;
	s25 =	rddreg [dreg:$0x4];
	[sflag:s11] =	ssyncadd.s32 $0xFFFFEC78  }
0x1b: {  	[tilespmem:s8], [sflag:$0x5] =	stream.linear.gather [hbm4b:s25+s2], $0x1388, $0x38;
	[tilespmem:$0x12B80] =	vst v63  }
0x1c: {  	_ =	swait.ge [sflag:s11], $0x1388  }
0x1d: {  	[sflag:s11] =	ssyncset.done $0x0  }
0x1e: {  	[sflag:s11] =	ssyncadd.s32 $0xFFFFEC78  }
0x1f: {  	[tilespmem:s15], [sflag:$0x1] =	stream.indirect.gather [hbm4b:s3+s14], $0x80, s2, s14, $0xb8;
	[tilespmem:$0x12B80] =	vst v63  }
0x20: {  	_ = 	snop  }
0x21: {  	[tilespmem:s16], [sflag:$0x1] =	stream.indirect.gather [hbm4b:s4+s14], $0x80, s7, s14, $0xb8;
	[tilespmem:$0x12B80] =	vst v63  }
0x22: {  	_ = 	snop  }
0x23: {  	[tilespmem:s17], [sflag:$0x1] =	stream.indirect.gather [hbm4b:s5+s14], $0x80, s8, s14, $0xb8;
	[tilespmem:$0x12B80] =	vst v63  }
0x24: {  	_ = 	snop  }
0x25: {  	[tilespmem:s18], [sflag:$0x2] =	stream.indirect.gather [hbm4b:s3+s14], $0x80, s14, s14, $0xb8;
	[tilespmem:$0x12B80] =	vst v63  }
0x26: {  	s8 =	simm.s32 $0x13B0  }
0x27: {  	[tilespmem:s20], [sflag:$0x2] =	stream.indirect.gather [hbm4b:s4+s14], $0x80, s8, s14, $0xb8;
	[tilespmem:$0x12B80] =	vst v63  }
0x28: {  	s9 =	simm.s32 $0x2738  }
0x29: {  	[tilespmem:s22], [sflag:$0x2] =	stream.indirect.gather [hbm4b:s5+s14], $0x80, s9, s14, $0xb8;
	[tilespmem:$0x12B80] =	vst v63  }
0x2a: {  	s12 =	simm.s32 $0x50  }
0x2b: {  	[tilespmem:s24], [sflag:$0x3] =	stream.indirect.gather [hbm4b:s3+s14], $0x80, s12, s14, $0xb8;
	[tilespmem:$0x12B80] =	vst v63  }
0x2c: {  	s13 =	simm.s32 $0x13D8  }
0x2d: {  	[tilespmem:s26], [sflag:$0x3] =	stream.indirect.gather [hbm4b:s4+s14], $0x80, s13, s14, $0xb8;
	[tilespmem:$0x12B80] =	vst v63  }
0x2e: {  	s25 =	simm.s32 $0x2760  }
0x2f: {  	[tilespmem:s29], [sflag:$0x3] =	stream.indirect.gather [hbm4b:s5+s14], $0x80, s25, s14, $0xb8;
	[tilespmem:$0x12B80] =	vst v63  }
0x30: {  	s13 =	simm.f32 $0.0e+00;
	s25 =	simm.s32 $0x0  }
.LBB2_2:
0x31: {  	_ =	swait.ge [sflag:s30], $0x1400  }
0x32: {  	[sflag:s30] =	ssyncset.done $0x0  }
0x33: {  	[sflag:s30] =	ssyncadd.s32 $0xFFFFEC00  }
0x34: {  	_ =	swait.ge [sflag:s30], $0x1400  }
0x35: {  	[sflag:s30] =	ssyncset.done $0x0  }
0x36: {  	s6 =	smul.u32 $0x280, s25;
	[sflag:s30] =	ssyncadd.s32 $0xFFFFEC00  }
0x37: {  	_ =	swait.ge [sflag:s30], $0x1400  }
0x38: {  	s12 =	sshra.s32 s6, $0x2;
	[sflag:s30] =	ssyncset.done $0x0  }
0x39: {  	s6 =	sadd.s32 $0x78, s12;
	[sflag:s30] =	ssyncadd.s32 $0xFFFFEC00  }
0x3a: {  	[tilespmem:s31], [sflag:$0x4] =	stream.indirect.gather [hbm4b:s3+s14], $0x80, s6, s14, $0xb8;
	[tilespmem:$0x12B80] =	vst v63  }
0x3b: {  	s9 =	sadd.s32 $0x1400, s12  }
0x3c: {  	[tilespmem:s0], [sflag:$0x4] =	stream.indirect.gather [hbm4b:s4+s14], $0x80, s9, s14, $0xb8;
	[tilespmem:$0x12B80] =	vst v63  }
0x3d: {  	s8 =	simm.s32 $0x0;
	s7 =	sadd.s32 $0x2788, s12  }
0x3e: {  	[tilespmem:s1], [sflag:$0x4] =	stream.indirect.gather [hbm4b:s5+s14], $0x80, s7, s14, $0xb8;
	[tilespmem:$0x12B80] =	vst v63  }
0x3f: {  	v0 =	vld [tilespmem:s8+$0x3B00]  }
0x40: {  	v1 =	vld [tilespmem:s8+$0x4F00]  }
0x41: {  	v2 =	vld [tilespmem:s8+$0x6300]  }
0x42: {  	v3 =	vld [tilespmem:s8+$0x3B10]  }
0x43: {  	v4 =	vld [tilespmem:s8+$0x4F10]  }
0x44: {  	v5 =	vld [tilespmem:s8+$0x6310];
	_ =	sdelay $0x2  }
0x45: {  	v6 =	vld [tilespmem:s8+$0x3B20]  }
0x46: {  	v7 =	vld [tilespmem:s8+$0x3B30];
	v1 =	vsub.bf16 v0, v1;
	v0 =	vsub.bf16 v0, v2  }
0x47: {  	v2 =	vld [tilespmem:s8+$0x4F20];
	v4 =	vsub.bf16 v3, v4;
	v3 =	vsub.bf16 v3, v5  }
0x48: {  	v5 =	vld [tilespmem:s8+$0x4F30];
	v8 =	vsub.bf16 v1, v0;
	v0 =	vadd.bf16 v0, v1  }
0x49: {  	v1 =	vld [tilespmem:s8+$0x6320]  }
0x4a: {  	v9 =	vshll.u32 v8, $0x10;
	v10 =	vunpack.i.l.bf16.f32 v0  }
0x4b: {  	v11 =	vld [tilespmem:s8+$0x3B40];
	v8 =	vand.u32 $0xFFFF0000, v8;
	v9 =	vmul.f32 v9, v10;
	v10 =	vsub.bf16 v4, v3  }
0x4c: {  	v0 =	vunpack.i.u.bf16.f32 v0;
	v2 =	vsub.bf16 v6, v2;
	v3 =	vadd.bf16 v3, v4;
	v4 =	vld [tilespmem:s8+$0x6330]  }
0x4d: {  	v12 =	vld [tilespmem:s8+$0x4F40];
	v0 =	vmul.f32 v8, v0;
	v5 =	vsub.bf16 v7, v5;
	v9 =	vadd.f32 $0.0e+00, v9  }
0x4e: {  	v1 =	vsub.bf16 v6, v1;
	v6 =	vshll.u32 v10, $0x10;
	v8 =	vunpack.i.l.bf16.f32 v3  }
0x4f: {  	v10 =	vand.u32 $0xFFFF0000, v10;
	v6 =	vmul.f32 v6, v8;
	v0 =	vadd.f32 v9, v0  }
0x50: {  	v13 =	vld [tilespmem:s8+$0x6340];
	v3 =	vunpack.i.u.bf16.f32 v3;
	v8 =	vsub.bf16 v2, v1;
	v1 =	vadd.bf16 v1, v2  }
0x51: {  	v3 =	vmul.f32 v10, v3;
	v4 =	vsub.bf16 v7, v4;
	v0 =	vadd.f32 v6, v0  }
0x52: {  	v6 =	vsub.bf16 v11, v12;
	v7 =	vshll.u32 v8, $0x10;
	v10 =	vunpack.i.l.bf16.f32 v1  }
0x53: {  	v9 =	vld [tilespmem:s8+$0x3B50];
	v8 =	vand.u32 $0xFFFF0000, v8;
	v0 =	vadd.f32 v0, v3;
	v3 =	vmul.f32 v7, v10  }
0x54: {  	v2 =	vld [tilespmem:s8+$0x4F50];
	v1 =	vunpack.i.u.bf16.f32 v1;
	v7 =	vsub.bf16 v5, v4;
	v4 =	vadd.bf16 v4, v5  }
0x55: {  	v11 =	vsub.bf16 v11, v13;
	v1 =	vmul.f32 v8, v1;
	v5 =	vld [tilespmem:s8+$0x6350];
	v0 =	vadd.f32 v3, v0  }
0x56: {  	v8 =	vshll.u32 v7, $0x10;
	v49 =	vunpack.i.l.bf16.f32 v4  }
0x57: {  	v10 =	vld [tilespmem:s8+$0x3B60];
	v13 =	vsub.bf16 v6, v11;
	v0 =	vadd.f32 v0, v1;
	v1 =	vmul.f32 v8, v49  }
0x58: {  	v6 =	vadd.bf16 v11, v6;
	v3 =	vld [tilespmem:s8+$0x4F60];
	v7 =	vand.u32 $0xFFFF0000, v7;
	v4 =	vunpack.i.u.bf16.f32 v4  }
0x59: {  	v11 =	vld [tilespmem:s8+$0x6360];
	v2 =	vsub.bf16 v9, v2;
	v0 =	vadd.f32 v1, v0;
	v1 =	vmul.f32 v7, v4  }
0x5a: {  	v4 =	vsub.bf16 v9, v5;
	v7 =	vshll.u32 v13, $0x10;
	v9 =	vunpack.i.l.bf16.f32 v6  }
0x5b: {  	v8 =	vld [tilespmem:s8+$0x3B70];
	v6 =	vunpack.i.u.bf16.f32 v6;
	v0 =	vadd.f32 v0, v1;
	v1 =	vmul.f32 v7, v9  }
0x5c: {  	v5 =	vld [tilespmem:s8+$0x4F70];
	v7 =	vsub.bf16 v2, v4;
	v9 =	vand.u32 $0xFFFF0000, v13;
	v2 =	vadd.bf16 v4, v2  }
0x5d: {  	s9 =	simm.s32 $0x80;
	v3 =	vsub.bf16 v10, v3;
	v4 =	vld [tilespmem:s8+$0x6370];
	v0 =	vadd.f32 v1, v0;
	v1 =	vmul.f32 v9, v6  }
0x5e: {  	v50 =	vld [tilespmem:s9+$0x3B00];
	v6 =	vsub.bf16 v10, v11;
	v10 =	vshll.u32 v7, $0x10;
	v11 =	vunpack.i.l.bf16.f32 v2  }
0x5f: {  	v51 =	vld [tilespmem:s9+$0x3B10];
	v7 =	vand.u32 $0xFFFF0000, v7;
	v0 =	vadd.f32 v0, v1;
	v1 =	vmul.f32 v10, v11  }
0x60: {  	v2 =	vunpack.i.u.bf16.f32 v2;
	v10 =	vsub.bf16 v3, v6;
	v11 =	vld [tilespmem:s9+$0x4F00];
	v3 =	vadd.bf16 v6, v3  }
0x61: {  	v5 =	vsub.bf16 v8, v5;
	v6 =	vld [tilespmem:s9+$0x6300];
	v0 =	vadd.f32 v1, v0;
	v1 =	vmul.f32 v7, v2  }
0x62: {  	v9 =	vld [tilespmem:s9+$0x3B40];
	v2 =	vsub.bf16 v8, v4;
	v7 =	vshll.u32 v10, $0x10;
	v8 =	vunpack.i.l.bf16.f32 v3  }
0x63: {  	v4 =	vld [tilespmem:s9+$0x4F40];
	v10 =	vand.u32 $0xFFFF0000, v10;
	v0 =	vadd.f32 v0, v1;
	v1 =	vmul.f32 v7, v8  }
0x64: {  	v3 =	vunpack.i.u.bf16.f32 v3;
	v7 =	vsub.bf16 v5, v2;
	v8 =	vld [tilespmem:s9+$0x4F10];
	v2 =	vadd.bf16 v2, v5  }
0x65: {  	v5 =	vsub.bf16 v50, v11;
	v11 =	vld [tilespmem:s9+$0x6310];
	v0 =	vadd.f32 v1, v0;
	v1 =	vmul.f32 v10, v3  }
0x66: {  	v14 =	vld [tilespmem:s9+$0x4F20];
	v3 =	vsub.bf16 v50, v6;
	v10 =	vshll.u32 v7, $0x10;
	v52 =	vunpack.i.l.bf16.f32 v2  }
0x67: {  	v6 =	vld [tilespmem:s9+$0x3B20];
	v7 =	vand.u32 $0xFFFF0000, v7;
	v0 =	vadd.f32 v0, v1;
	v1 =	vmul.f32 v10, v52  }
0x68: {  	v2 =	vunpack.i.u.bf16.f32 v2;
	v4 =	vsub.bf16 v9, v4;
	v10 =	vsub.bf16 v5, v3  }
0x69: {  	v3 =	vadd.bf16 v3, v5;
	v5 =	vld [tilespmem:s9+$0x6320];
	v0 =	vadd.f32 v1, v0;
	v1 =	vmul.f32 v7, v2  }
0x6a: {  	v53 =	vld [tilespmem:s9+$0x3B30];
	v2 =	vsub.bf16 v51, v8;
	v7 =	vsub.bf16 v51, v11  }
0x6b: {  	v8 =	vld [tilespmem:s9+$0x4F30];
	v11 =	vshll.u32 v10, $0x10;
	v54 =	vunpack.i.l.bf16.f32 v3;
	v0 =	vadd.f32 v0, v1  }
0x6c: {  	v10 =	vand.u32 $0xFFFF0000, v10;
	v55 =	vsub.bf16 v6, v14;
	v1 =	vmul.f32 v11, v54  }
0x6d: {  	v3 =	vunpack.i.u.bf16.f32 v3;
	v11 =	vsub.bf16 v2, v7;
	v2 =	vadd.bf16 v7, v2;
	v7 =	vld [tilespmem:s9+$0x6330];
	(xrf2) =	vadd.scan.msk.f32 $0xffff, v0  }
0x6e: {  	v0 =	vadd.f32 $0.0e+00, v1;
	v1 =	vmul.f32 v10, v3;
	v3 =	vsub.bf16 v6, v5  }
0x6f: {  	v5 =	vld [tilespmem:s9+$0x6340];
	v6 =	vshll.u32 v11, $0x10;
	v10 =	vunpack.i.l.bf16.f32 v2;
	v11 =	vand.u32 $0xFFFF0000, v11  }
0x70: {  	v8 =	vsub.bf16 v53, v8;
	v0 =	vadd.f32 v0, v1;
	v1 =	vmul.f32 v6, v10  }
0x71: {  	v2 =	vunpack.i.u.bf16.f32 v2;
	v6 =	vsub.bf16 v55, v3;
	v3 =	vadd.bf16 v3, v55  }
0x72: {  	v0 =	vadd.f32 v1, v0;
	v1 =	vmul.f32 v11, v2;
	v2 =	vsub.bf16 v53, v7  }
0x73: {  	v56 =	vld [tilespmem:s9+$0x4F50];
	v7 =	vshll.u32 v6, $0x10;
	v11 =	vunpack.i.l.bf16.f32 v3;
	v6 =	vand.u32 $0xFFFF0000, v6  }
0x74: {  	v10 =	vld [tilespmem:s9+$0x3B50];
	v5 =	vsub.bf16 v9, v5;
	v0 =	vadd.f32 v0, v1;
	v1 =	vmul.f32 v7, v11  }
0x75: {  	v3 =	vunpack.i.u.bf16.f32 v3;
	v7 =	vsub.bf16 v8, v2;
	v2 =	vadd.bf16 v2, v8;
	v8 =	vld [tilespmem:s9+$0x6350]  }
0x76: {  	v9 =	vld [tilespmem:s9+$0x3B60];
	v58 =	vsub.bf16 v4, v5;
	v0 =	vadd.f32 v1, v0;
	v1 =	vmul.f32 v6, v3  }
0x77: {  	v4 =	vadd.bf16 v5, v4;
	v6 =	vld [tilespmem:s9+$0x4F60];
	v11 =	vshll.u32 v7, $0x10;
	v57 =	vunpack.i.l.bf16.f32 v2;
	v59, _, _ =	vpop (xrf2)  }
0x78: {  	v0 =	vadd.f32 v0, v1;
	v1 =	vmul.f32 v11, v57;
	(v2sf) =	vpush v59, $0xF  }
0x79: {  	v5 =	vld [tilespmem:s9+$0x6360];
	v3 =	vsub.bf16 v10, v56;
	v7 =	vand.u32 $0xFFFF0000, v7;
	v2 =	vunpack.i.u.bf16.f32 v2  }
0x7a: {  	v0 =	vadd.f32 v1, v0;
	v1 =	vmul.f32 v7, v2;
	v2 =	vsub.bf16 v10, v8  }
0x7b: {  	v11 =	vld [tilespmem:s9+$0x3B70];
	v8 =	vshll.u32 v58, $0x10;
	v10 =	vunpack.i.l.bf16.f32 v4;
	v4 =	vunpack.i.u.bf16.f32 v4  }
0x7c: {  	v7 =	vld [tilespmem:s9+$0x4F70];
	v60 =	vsub.bf16 v9, v6;
	v0 =	vadd.f32 v0, v1;
	v1 =	vmul.f32 v8, v10  }
0x7d: {  	v6 =	vand.u32 $0xFFFF0000, v58;
	v8 =	vsub.bf16 v3, v2;
	v2 =	vadd.bf16 v2, v3;
	v10 =	vld [tilespmem:s9+$0x6370]  }
0x7e: {  	s6 =	simm.s32 $0x100;
	v5 =	vsub.bf16 v9, v5;
	v6 =	vmul.f32 v6, v4;
	v1 =	vadd.f32 v1, v0  }
0x7f: {  	v4 =	vld [tilespmem:s6+$0x3B00];
	v9 =	vshll.u32 v8, $0x10;
	v61 =	vunpack.i.l.bf16.f32 v2;
	v15 =	vunpack.i.u.bf16.f32 v2  }
0x80: {  	v0 =	vld [tilespmem:s6+$0x3B40];
	v2 =	vadd.bf16 v5, v60;
	v9 =	vmul.f32 v9, v61;
	v62 =	vadd.f32 v1, v6  }
0x81: {  	v63 =	vand.u32 $0xFFFF0000, v8;
	v3 =	vsub.bf16 v11, v7;
	v1 =	vsub.bf16 v60, v5;
	v6 =	vld [tilespmem:s6+$0x4F00]  }
0x82: {  	s7 =	simm.s32 $0x600;
	v7 =	vld [tilespmem:s6+$0x6300];
	v5 =	vsub.bf16 v11, v10;
	v8 =	vadd.f32 v9, v62;
	v9 =	vmul.f32 v63, v15  }
.LBB2_3:
0x83: {  	p0 =	sne.s32 s7, $0x4E00;
	v10 =	vld [tilespmem:s6+$0x4F40];
	v11 =	vshll.u32 v1, $0x10;
	v12 =	vunpack.i.l.bf16.f32 v2  }
0x84: {  	v13 =	vld [tilespmem:s6+$0x3B10];
	v8 =	vadd.f32 v8, v9;
	v9 =	vmul.f32 v11, v12;
	v11 =	vsub.bf16 v3, v5  }
0x85: {  	v1 =	vand.u32 $0xFFFF0000, v1;
	v2 =	vunpack.i.u.bf16.f32 v2;
	v3 =	vadd.bf16 v5, v3;
	v12 =	vld [tilespmem:s6+$0x4F10]  }
0x86: {  	v1 =	vmul.f32 v1, v2;
	v5 =	vsub.bf16 v4, v6;
	v6 =	vld [tilespmem:s6+$0x6310];
	v8 =	vadd.f32 v9, v8  }
0x87: {  	v9 =	vunpack.i.l.bf16.f32 v3;
	v2 =	vsub.bf16 v4, v7;
	v4 =	vld [tilespmem:s6+$0x3B20];
	v7 =	vshll.u32 v11, $0x10;
	s8 =	spop (v2sf)  }
0x88: {  	v14 =	vld [tilespmem:s6+$0x4F20];
	v10 =	vsub.bf16 v0, v10;
	v1 =	vadd.f32 v8, v1;
	v7 =	vmul.f32 v7, v9;
	s8 =	sadd.f32 $1.000000000e+00, s8  }
0x89: {  	v3 =	vunpack.i.u.bf16.f32 v3;
	v11 =	vand.u32 $0xFFFF0000, v11;
	v8 =	vsub.bf16 v5, v2;
	v9 =	vld [tilespmem:s6+$0x3B30]  }
0x8a: {  	v3 =	vmul.f32 v11, v3;
	v2 =	vadd.bf16 v2, v5;
	v5 =	vld [tilespmem:s6+$0x6320];
	v1 =	vadd.f32 v7, v1;
	s8 =	smax.f32 s8, $0.0e+00  }
0x8b: {  	v7 =	vsub.bf16 v13, v12;
	v6 =	vsub.bf16 v13, v6;
	v11 =	vld [tilespmem:s6+$0x4F30];
	s13 =	sadd.f32 s8, s13  }
0x8c: {  	v12 =	vshll.u32 v8, $0x10;
	v13 =	vunpack.i.l.bf16.f32 v2;
	v1 =	vadd.f32 v1, v3  }
0x8d: {  	v3 =	vmul.f32 v12, v13;
	v12 =	vsub.bf16 v7, v6;
	v13 =	vsub.bf16 v4, v14  }
0x8e: {  	v8 =	vand.u32 $0xFFFF0000, v8;
	v2 =	vunpack.i.u.bf16.f32 v2;
	v6 =	vadd.bf16 v6, v7;
	v7 =	vld [tilespmem:s6+$0x6330];
	(xrf2) =	vadd.scan.msk.f32 $0xffff, v1  }
0x8f: {  	v2 =	vmul.f32 v8, v2;
	v1 =	vadd.f32 $0.0e+00, v3;
	v3 =	vsub.bf16 v4, v5;
	v4 =	vld [tilespmem:s6+$0x6340]  }
0x90: {  	v5 =	vshll.u32 v12, $0x10;
	v8 =	vunpack.i.l.bf16.f32 v6;
	v11 =	vsub.bf16 v9, v11  }
0x91: {  	v1 =	vadd.f32 v1, v2;
	v2 =	vmul.f32 v5, v8;
	v5 =	vsub.bf16 v13, v3;
	v8 =	vld [tilespmem:s6+$0x3B50]  }
0x92: {  	v12 =	vand.u32 $0xFFFF0000, v12;
	v6 =	vunpack.i.u.bf16.f32 v6;
	v3 =	vadd.bf16 v3, v13;
	v13 =	vld [tilespmem:s6+$0x4F50]  }
0x93: {  	v1 =	vadd.f32 v2, v1;
	v2 =	vmul.f32 v12, v6;
	v6 =	vsub.bf16 v9, v7  }
0x94: {  	v7 =	vshll.u32 v5, $0x10;
	v9 =	vunpack.i.l.bf16.f32 v3;
	v0 =	vsub.bf16 v0, v4  }
0x95: {  	v1 =	vadd.f32 v1, v2;
	v2 =	vmul.f32 v7, v9;
	v4 =	vsub.bf16 v11, v6;
	v7 =	vld [tilespmem:s6+$0x3B60]  }
0x96: {  	v5 =	vand.u32 $0xFFFF0000, v5;
	v3 =	vunpack.i.u.bf16.f32 v3;
	v6 =	vadd.bf16 v6, v11;
	v9 =	vld [tilespmem:s6+$0x6350]  }
0x97: {  	v1 =	vadd.f32 v2, v1;
	v2 =	vmul.f32 v5, v3;
	v3 =	vsub.bf16 v8, v13;
	v5 =	vld [tilespmem:s6+$0x4F60]  }
0x98: {  	v11 =	vshll.u32 v4, $0x10;
	v12 =	vunpack.i.l.bf16.f32 v6;
	v13 =	vsub.bf16 v10, v0;
	v14, _, _ =	vpop (xrf2)  }
0x99: {  	v1 =	vadd.f32 v1, v2;
	v2 =	vmul.f32 v11, v12;
	v11 =	vld [tilespmem:s6+$0x3B70];
	(v2sf) =	vpush v14, $0xF  }
0x9a: {  	v4 =	vand.u32 $0xFFFF0000, v4;
	v6 =	vunpack.i.u.bf16.f32 v6;
	v0 =	vadd.bf16 v0, v10;
	v10 =	vld [tilespmem:s6+$0x6360]  }
0x9b: {  	v1 =	vadd.f32 v2, v1;
	v2 =	vmul.f32 v4, v6;
	v4 =	vsub.bf16 v8, v9;
	v6 =	vld [tilespmem:s6+$0x4F70]  }
0x9c: {  	v8 =	vshll.u32 v13, $0x10;
	v9 =	vunpack.i.l.bf16.f32 v0;
	v5 =	vsub.bf16 v7, v5  }
0x9d: {  	v1 =	vadd.f32 v1, v2;
	v2 =	vmul.f32 v8, v9;
	v8 =	vsub.bf16 v3, v4  }
0x9e: {  	v0 =	vunpack.i.u.bf16.f32 v0;
	v9 =	vand.u32 $0xFFFF0000, v13;
	v12 =	vadd.bf16 v4, v3;
	v13 =	vld [tilespmem:s6+$0x6370]  }
.Ltmp0:
0x9f: {  	s6 =	sshra.s32 s7, $0x2;
	v1 =	vadd.f32 v2, v1;
	v2 =	vmul.f32 v9, v0;
	v7 =	vsub.bf16 v7, v10;
	(pc) =	sbr.rel @p0 .LBB2_3-.Ltmp0, $4  }
0xa0: {  	v9 =	vshll.u32 v8, $0x10;
	v10 =	vunpack.i.l.bf16.f32 v12;
	v0 =	vld [tilespmem:s6+$0x3B40];
	v3 =	vsub.bf16 v11, v6  }
0xa1: {  	v14 =	vadd.f32 v1, v2;
	v9 =	vmul.f32 v9, v10;
	v4 =	vld [tilespmem:s6+$0x3B00];
	v1 =	vsub.bf16 v5, v7  }
0xa2: {  	v12 =	vunpack.i.u.bf16.f32 v12;
	v10 =	vand.u32 $0xFFFF0000, v8;
	v2 =	vadd.bf16 v7, v5;
	v6 =	vld [tilespmem:s6+$0x4F00]  }
0xa3: {  	s7 =	sadd.s32 $0x200, s7;
	v8 =	vadd.f32 v9, v14;
	v9 =	vmul.f32 v10, v12;
	v7 =	vld [tilespmem:s6+$0x6300];
	v5 =	vsub.bf16 v11, v13  }
0xa4: {  	v10 =	vld [tilespmem:s6+$0x3B10]  }
0xa5: {  	v11 =	vld [tilespmem:s6+$0x4F10]  }
0xa6: {  	v12 =	vld [tilespmem:s6+$0x6310]  }
0xa7: {  	v13 =	vshll.u32 v1, $0x10;
	v14 =	vunpack.i.l.bf16.f32 v2;
	v17 =	vld [tilespmem:s6+$0x3B30];
	v8 =	vadd.f32 v8, v9  }
0xa8: {  	v32 =	vld [tilespmem:s6+$0x6330];
	v1 =	vand.u32 $0xFFFF0000, v1;
	v6 =	vsub.bf16 v4, v6;
	v4 =	vsub.bf16 v4, v7  }
0xa9: {  	v2 =	vunpack.i.u.bf16.f32 v2;
	v9 =	vld [tilespmem:s6+$0x4F20];
	v29 =	vsub.bf16 v3, v5;
	v3 =	vadd.bf16 v5, v3  }
0xaa: {  	v13 =	vmul.f32 v13, v14;
	v7 =	vld [tilespmem:s6+$0x3B20];
	v15 =	vsub.bf16 v6, v4;
	v4 =	vadd.bf16 v4, v6  }
0xab: {  	v1 =	vmul.f32 v1, v2;
	v11 =	vsub.bf16 v10, v11;
	v10 =	vsub.bf16 v10, v12;
	v6 =	vld [tilespmem:s6+$0x6320]  }
0xac: {  	v8 =	vadd.f32 v13, v8;
	v30 =	vshll.u32 v15, $0x10;
	v16 =	vunpack.i.l.bf16.f32 v4  }
0xad: {  	v34 =	vsub.bf16 v17, v32;
	v31 =	vsub.bf16 v11, v10;
	v14 =	vmul.f32 v30, v16  }
0xae: {  	v10 =	vadd.bf16 v10, v11;
	v11 =	vld [tilespmem:s6+$0x4F30];
	v15 =	vand.u32 $0xFFFF0000, v15;
	v4 =	vunpack.i.u.bf16.f32 v4  }
0xaf: {  	v9 =	vsub.bf16 v7, v9;
	v4 =	vmul.f32 v15, v4;
	v14 =	vadd.f32 $0.0e+00, v14  }
0xb0: {  	v5 =	vshll.u32 v31, $0x10;
	v6 =	vsub.bf16 v7, v6;
	v7 =	vunpack.i.l.bf16.f32 v10  }
0xb1: {  	v33 =	vand.u32 $0xFFFF0000, v31;
	v5 =	vmul.f32 v5, v7;
	v4 =	vadd.f32 v14, v4  }
0xb2: {  	v10 =	vunpack.i.u.bf16.f32 v10;
	v7 =	vsub.bf16 v9, v6;
	v6 =	vadd.bf16 v6, v9;
	v9 =	vld [tilespmem:s6+$0x4F40]  }
0xb3: {  	v11 =	vsub.bf16 v17, v11;
	v4 =	vadd.f32 v5, v4;
	v5 =	vmul.f32 v33, v10;
	v10 =	vld [tilespmem:s6+$0x6340]  }
0xb4: {  	v1 =	vadd.f32 v8, v1;
	v35 =	vshll.u32 v7, $0x10;
	v36 =	vunpack.i.l.bf16.f32 v6  }
0xb5: {  	v39 =	vld [tilespmem:s6+$0x4F50];
	v38 =	vsub.bf16 v11, v34;
	v37 =	vmul.f32 v35, v36;
	v4 =	vadd.f32 v4, v5  }
0xb6: {  	v11 =	vadd.bf16 v34, v11;
	v7 =	vand.u32 $0xFFFF0000, v7;
	v6 =	vunpack.i.u.bf16.f32 v6;
	v5 =	vld [tilespmem:s6+$0x3B50]  }
0xb7: {  	v6 =	vmul.f32 v7, v6;
	v7 =	vld [tilespmem:s6+$0x6350];
	v2 =	vsub.bf16 v0, v9;
	v4 =	vadd.f32 v37, v4  }
0xb8: {  	v9 =	vshll.u32 v38, $0x10;
	v0 =	vsub.bf16 v0, v10;
	v10 =	vunpack.i.l.bf16.f32 v11  }
0xb9: {  	v41 =	vand.u32 $0xFFFF0000, v38;
	v4 =	vadd.f32 v4, v6;
	v6 =	vld [tilespmem:s6+$0x3B60];
	v9 =	vmul.f32 v9, v10  }
0xba: {  	v11 =	vunpack.i.u.bf16.f32 v11;
	v10 =	vsub.bf16 v2, v0;
	v0 =	vadd.bf16 v0, v2;
	v2 =	vld [tilespmem:s6+$0x4F60]  }
0xbb: {  	v11 =	vmul.f32 v41, v11;
	v40 =	vsub.bf16 v5, v39;
	v4 =	vadd.f32 v9, v4;
	v9 =	vld [tilespmem:s6+$0x6360]  }
0xbc: {  	v5 =	vsub.bf16 v5, v7;
	v7 =	vld [tilespmem:s6+$0x3B70];
	v8 =	vshll.u32 v10, $0x10;
	v42 =	vunpack.i.l.bf16.f32 v0  }
0xbd: {  	v44 =	vshll.u32 v29, $0x10;
	v4 =	vadd.f32 v4, v11;
	v11 =	vld [tilespmem:s6+$0x4F70];
	v8 =	vmul.f32 v8, v42  }
0xbe: {  	v43 =	vsub.bf16 v40, v5;
	v10 =	vand.u32 $0xFFFF0000, v10;
	v0 =	vunpack.i.u.bf16.f32 v0  }
0xbf: {  	v5 =	vadd.bf16 v5, v40;
	v0 =	vmul.f32 v10, v0;
	v4 =	vadd.f32 v8, v4  }
0xc0: {  	v10 =	vunpack.i.l.bf16.f32 v3;
	v8 =	vld [tilespmem:s6+$0x6370];
	v2 =	vsub.bf16 v6, v2;
	v6 =	vsub.bf16 v6, v9  }
0xc1: {  	v9 =	vshll.u32 v43, $0x10;
	v0 =	vadd.f32 v4, v0;
	v4 =	vunpack.i.l.bf16.f32 v5  }
0xc2: {  	v14 =	vand.u32 $0xFFFF0000, v43;
	v11 =	vsub.bf16 v7, v11;
	v4 =	vmul.f32 v9, v4  }
0xc3: {  	v5 =	vunpack.i.u.bf16.f32 v5;
	v9 =	vsub.bf16 v2, v6;
	v2 =	vadd.bf16 v6, v2  }
0xc4: {  	v6 =	vmul.f32 v44, v10;
	v0 =	vadd.f32 v4, v0;
	v4 =	vmul.f32 v14, v5  }
0xc5: {  	v5 =	vsub.bf16 v7, v8;
	v7 =	vshll.u32 v9, $0x10;
	v8 =	vunpack.i.l.bf16.f32 v2  }
0xc6: {  	v2 =	vunpack.i.u.bf16.f32 v2;
	v0 =	vadd.f32 v0, v4;
	v4 =	vmul.f32 v7, v8  }
0xc7: {  	v7 =	vsub.bf16 v11, v5;
	v8 =	vand.u32 $0xFFFF0000, v9;
	v5 =	vadd.bf16 v5, v11  }
0xc8: {  	v3 =	vunpack.i.u.bf16.f32 v3;
	v2 =	vmul.f32 v8, v2;
	v0 =	vadd.f32 v4, v0  }
0xc9: {  	v1 =	vadd.f32 v6, v1;
	v4 =	vshll.u32 v7, $0x10;
	v8 =	vunpack.i.l.bf16.f32 v5  }
0xca: {  	v9 =	vand.u32 $0xFFFF0000, v29;
	v0 =	vadd.f32 v0, v2;
	v2 =	vmul.f32 v4, v8  }
0xcb: {  	v3 =	vmul.f32 v9, v3;
	v5 =	vunpack.i.u.bf16.f32 v5;
	v4 =	vand.u32 $0xFFFF0000, v7  }
0xcc: {  	v0 =	vadd.f32 v2, v0;
	v2 =	vmul.f32 v4, v5  }
0xcd: {  	v1 =	vadd.f32 v1, v3  }
0xce: {  	v0 =	vadd.f32 v0, v2  }
0xcf: {  	(xrf2) =	vadd.scan.msk.f32 $0xffff, v1  }
0xd0: {  	(xrf2) =	vadd.scan.msk.f32 $0xffff, v0;
	_ =	sdelay $0x8  }
0xd1: {  	v0, _, _ =	vpop (xrf2)  }
0xd2: {  	(v2sf) =	vpush v0, $0xF;
	v0, _, _ =	vpop (xrf2)  }
0xd3: {  	(v2sf) =	vpush v0, $0xF;
	_ =	sdelay $0xc  }
0xd4: {  	s8 =	spop (v2sf)  }
0xd5: {  	s6 =	spop (v2sf)  }
0xd6: {  	s7 =	spop (v2sf)  }
0xd7: {  	_ =	swait.ge [sflag:s19], $0x1400  }
0xd8: {  	[sflag:s19] =	ssyncset.done $0x0  }
0xd9: {  	[sflag:s19] =	ssyncadd.s32 $0xFFFFEC00  }
0xda: {  	_ =	swait.ge [sflag:s19], $0x1400  }
0xdb: {  	[sflag:s19] =	ssyncset.done $0x0  }
0xdc: {  	[sflag:s19] =	ssyncadd.s32 $0xFFFFEC00  }
0xdd: {  	_ =	swait.ge [sflag:s19], $0x1400  }
0xde: {  	[sflag:s19] =	ssyncset.done $0x0  }
0xdf: {  	s9 =	sadd.s32 $0xA0, s12;
	[sflag:s19] =	ssyncadd.s32 $0xFFFFEC00  }
0xe0: {  	[tilespmem:s15], [sflag:$0x1] =	stream.indirect.gather [hbm4b:s3+s14], $0x80, s9, s14, $0xb8;
	[tilespmem:$0x12B80] =	vst v63  }
0xe1: {  	s9 =	sadd.s32 $0x1428, s12  }
0xe2: {  	[tilespmem:s16], [sflag:$0x1] =	stream.indirect.gather [hbm4b:s4+s14], $0x80, s9, s14, $0xb8;
	[tilespmem:$0x12B80] =	vst v63  }
0xe3: {  	s9 =	sadd.s32 $0x27B0, s12  }
0xe4: {  	[tilespmem:s17], [sflag:$0x1] =	stream.indirect.gather [hbm4b:s5+s14], $0x80, s9, s14, $0xb8;
	[tilespmem:$0x12B80] =	vst v63  }
0xe5: {  	s9 =	simm.s32 $0x0  }
0xe6: {  	v0 =	vld [tilespmem:s9+$0x7700]  }
0xe7: {  	v1 =	vld [tilespmem:s9+$0x8B00]  }
0xe8: {  	v2 =	vld [tilespmem:s9+$0x9F00]  }
0xe9: {  	v3 =	vld [tilespmem:s9+$0x7710]  }
0xea: {  	v4 =	vld [tilespmem:s9+$0x8B10]  }
0xeb: {  	v5 =	vld [tilespmem:s9+$0x9F10];
	_ =	sdelay $0x2  }
0xec: {  	v6 =	vld [tilespmem:s9+$0x7720]  }
0xed: {  	v7 =	vld [tilespmem:s9+$0x7730];
	v1 =	vsub.bf16 v0, v1;
	v0 =	vsub.bf16 v0, v2  }
0xee: {  	v2 =	vld [tilespmem:s9+$0x8B20];
	v4 =	vsub.bf16 v3, v4;
	v3 =	vsub.bf16 v3, v5  }
0xef: {  	v5 =	vld [tilespmem:s9+$0x8B30];
	v8 =	vsub.bf16 v1, v0;
	v0 =	vadd.bf16 v0, v1  }
0xf0: {  	v1 =	vld [tilespmem:s9+$0x9F20]  }
0xf1: {  	v9 =	vshll.u32 v8, $0x10;
	v10 =	vunpack.i.l.bf16.f32 v0  }
0xf2: {  	v11 =	vld [tilespmem:s9+$0x7740];
	v8 =	vand.u32 $0xFFFF0000, v8;
	v9 =	vmul.f32 v9, v10;
	v10 =	vsub.bf16 v4, v3  }
0xf3: {  	v0 =	vunpack.i.u.bf16.f32 v0;
	v2 =	vsub.bf16 v6, v2;
	v3 =	vadd.bf16 v3, v4;
	v4 =	vld [tilespmem:s9+$0x9F30]  }
0xf4: {  	v45 =	vld [tilespmem:s9+$0x8B40];
	v0 =	vmul.f32 v8, v0;
	v5 =	vsub.bf16 v7, v5;
	v9 =	vadd.f32 $0.0e+00, v9  }
0xf5: {  	v1 =	vsub.bf16 v6, v1;
	v6 =	vshll.u32 v10, $0x10;
	v8 =	vunpack.i.l.bf16.f32 v3  }
0xf6: {  	v10 =	vand.u32 $0xFFFF0000, v10;
	v6 =	vmul.f32 v6, v8;
	v0 =	vadd.f32 v9, v0  }
0xf7: {  	v46 =	vld [tilespmem:s9+$0x9F40];
	v3 =	vunpack.i.u.bf16.f32 v3;
	v8 =	vsub.bf16 v2, v1;
	v1 =	vadd.bf16 v1, v2  }
0xf8: {  	v3 =	vmul.f32 v10, v3;
	v4 =	vsub.bf16 v7, v4;
	v0 =	vadd.f32 v6, v0  }
0xf9: {  	v6 =	vsub.bf16 v11, v45;
	v7 =	vshll.u32 v8, $0x10;
	v10 =	vunpack.i.l.bf16.f32 v1  }
0xfa: {  	v9 =	vld [tilespmem:s9+$0x7750];
	v8 =	vand.u32 $0xFFFF0000, v8;
	v0 =	vadd.f32 v0, v3;
	v3 =	vmul.f32 v7, v10  }
0xfb: {  	v2 =	vld [tilespmem:s9+$0x8B50];
	v1 =	vunpack.i.u.bf16.f32 v1;
	v7 =	vsub.bf16 v5, v4;
	v4 =	vadd.bf16 v4, v5  }
0xfc: {  	v11 =	vsub.bf16 v11, v46;
	v1 =	vmul.f32 v8, v1;
	v5 =	vld [tilespmem:s9+$0x9F50];
	v0 =	vadd.f32 v3, v0  }
0xfd: {  	v8 =	vshll.u32 v7, $0x10;
	v47 =	vunpack.i.l.bf16.f32 v4  }
0xfe: {  	v10 =	vld [tilespmem:s9+$0x7760];
	v13 =	vsub.bf16 v6, v11;
	v0 =	vadd.f32 v0, v1;
	v1 =	vmul.f32 v8, v47  }
0xff: {  	v6 =	vadd.bf16 v11, v6;
	v3 =	vld [tilespmem:s9+$0x8B60];
	v7 =	vand.u32 $0xFFFF0000, v7;
	v4 =	vunpack.i.u.bf16.f32 v4  }
0x100: {  	v11 =	vld [tilespmem:s9+$0x9F60];
	v2 =	vsub.bf16 v9, v2;
	v0 =	vadd.f32 v1, v0;
	v1 =	vmul.f32 v7, v4  }
0x101: {  	v4 =	vsub.bf16 v9, v5;
	v7 =	vshll.u32 v13, $0x10;
	v9 =	vunpack.i.l.bf16.f32 v6  }
0x102: {  	v8 =	vld [tilespmem:s9+$0x7770];
	v6 =	vunpack.i.u.bf16.f32 v6;
	v0 =	vadd.f32 v0, v1;
	v1 =	vmul.f32 v7, v9  }
0x103: {  	v5 =	vld [tilespmem:s9+$0x8B70];
	v7 =	vsub.bf16 v2, v4;
	v9 =	vand.u32 $0xFFFF0000, v13;
	v2 =	vadd.bf16 v4, v2  }
0x104: {  	v3 =	vsub.bf16 v10, v3;
	v4 =	vld [tilespmem:s9+$0x9F70];
	s9 =	simm.s32 $0x80;
	v0 =	vadd.f32 v1, v0;
	v1 =	vmul.f32 v9, v6  }
0x105: {  	v48 =	vld [tilespmem:s9+$0x7700];
	v6 =	vsub.bf16 v10, v11;
	v10 =	vshll.u32 v7, $0x10;
	v11 =	vunpack.i.l.bf16.f32 v2  }
0x106: {  	v49 =	vld [tilespmem:s9+$0x7710];
	v7 =	vand.u32 $0xFFFF0000, v7;
	v0 =	vadd.f32 v0, v1;
	v1 =	vmul.f32 v10, v11  }
0x107: {  	v2 =	vunpack.i.u.bf16.f32 v2;
	v10 =	vsub.bf16 v3, v6;
	v11 =	vld [tilespmem:s9+$0x8B00];
	v3 =	vadd.bf16 v6, v3  }
0x108: {  	v5 =	vsub.bf16 v8, v5;
	v6 =	vld [tilespmem:s9+$0x9F00];
	v0 =	vadd.f32 v1, v0;
	v1 =	vmul.f32 v7, v2  }
0x109: {  	v9 =	vld [tilespmem:s9+$0x7740];
	v2 =	vsub.bf16 v8, v4;
	v7 =	vshll.u32 v10, $0x10;
	v8 =	vunpack.i.l.bf16.f32 v3  }
0x10a: {  	v4 =	vld [tilespmem:s9+$0x8B40];
	v10 =	vand.u32 $0xFFFF0000, v10;
	v0 =	vadd.f32 v0, v1;
	v1 =	vmul.f32 v7, v8  }
0x10b: {  	v3 =	vunpack.i.u.bf16.f32 v3;
	v7 =	vsub.bf16 v5, v2;
	v8 =	vld [tilespmem:s9+$0x8B10];
	v2 =	vadd.bf16 v2, v5  }
0x10c: {  	v5 =	vsub.bf16 v48, v11;
	v11 =	vld [tilespmem:s9+$0x9F10];
	v0 =	vadd.f32 v1, v0;
	v1 =	vmul.f32 v10, v3  }
0x10d: {  	v51 =	vld [tilespmem:s9+$0x8B20];
	v3 =	vsub.bf16 v48, v6;
	v10 =	vshll.u32 v7, $0x10;
	v50 =	vunpack.i.l.bf16.f32 v2  }
0x10e: {  	v6 =	vld [tilespmem:s9+$0x7720];
	v7 =	vand.u32 $0xFFFF0000, v7;
	v0 =	vadd.f32 v0, v1;
	v1 =	vmul.f32 v10, v50  }
0x10f: {  	v2 =	vunpack.i.u.bf16.f32 v2;
	v4 =	vsub.bf16 v9, v4;
	v10 =	vsub.bf16 v5, v3  }
0x110: {  	v3 =	vadd.bf16 v3, v5;
	v5 =	vld [tilespmem:s9+$0x9F20];
	v0 =	vadd.f32 v1, v0;
	v1 =	vmul.f32 v7, v2  }
0x111: {  	v52 =	vld [tilespmem:s9+$0x7730];
	v2 =	vsub.bf16 v49, v8;
	v7 =	vsub.bf16 v49, v11  }
0x112: {  	v8 =	vld [tilespmem:s9+$0x8B30];
	v11 =	vshll.u32 v10, $0x10;
	v53 =	vunpack.i.l.bf16.f32 v3;
	v0 =	vadd.f32 v0, v1  }
0x113: {  	v10 =	vand.u32 $0xFFFF0000, v10;
	v54 =	vsub.bf16 v6, v51;
	v1 =	vmul.f32 v11, v53  }
0x114: {  	v3 =	vunpack.i.u.bf16.f32 v3;
	v11 =	vsub.bf16 v2, v7;
	v2 =	vadd.bf16 v7, v2;
	v7 =	vld [tilespmem:s9+$0x9F30];
	(xrf2) =	vadd.scan.msk.f32 $0xffff, v0  }
0x115: {  	v0 =	vadd.f32 $0.0e+00, v1;
	v1 =	vmul.f32 v10, v3;
	v3 =	vsub.bf16 v6, v5  }
0x116: {  	v5 =	vld [tilespmem:s9+$0x9F40];
	v6 =	vshll.u32 v11, $0x10;
	v10 =	vunpack.i.l.bf16.f32 v2;
	v11 =	vand.u32 $0xFFFF0000, v11  }
0x117: {  	v8 =	vsub.bf16 v52, v8;
	v0 =	vadd.f32 v0, v1;
	v1 =	vmul.f32 v6, v10  }
0x118: {  	v2 =	vunpack.i.u.bf16.f32 v2;
	v6 =	vsub.bf16 v54, v3;
	v3 =	vadd.bf16 v3, v54  }
0x119: {  	v0 =	vadd.f32 v1, v0;
	v1 =	vmul.f32 v11, v2;
	v2 =	vsub.bf16 v52, v7  }
0x11a: {  	v55 =	vld [tilespmem:s9+$0x8B50];
	v7 =	vshll.u32 v6, $0x10;
	v11 =	vunpack.i.l.bf16.f32 v3;
	v6 =	vand.u32 $0xFFFF0000, v6  }
0x11b: {  	v10 =	vld [tilespmem:s9+$0x7750];
	v5 =	vsub.bf16 v9, v5;
	v0 =	vadd.f32 v0, v1;
	v1 =	vmul.f32 v7, v11  }
0x11c: {  	v3 =	vunpack.i.u.bf16.f32 v3;
	v7 =	vsub.bf16 v8, v2;
	v2 =	vadd.bf16 v2, v8;
	v8 =	vld [tilespmem:s9+$0x9F50]  }
0x11d: {  	v9 =	vld [tilespmem:s9+$0x7760];
	v57 =	vsub.bf16 v4, v5;
	v0 =	vadd.f32 v1, v0;
	v1 =	vmul.f32 v6, v3  }
0x11e: {  	v4 =	vadd.bf16 v5, v4;
	v6 =	vld [tilespmem:s9+$0x8B60];
	v11 =	vshll.u32 v7, $0x10;
	v56 =	vunpack.i.l.bf16.f32 v2;
	v58, _, _ =	vpop (xrf2)  }
0x11f: {  	v0 =	vadd.f32 v0, v1;
	v1 =	vmul.f32 v11, v56;
	(v2sf) =	vpush v58, $0xF  }
0x120: {  	v5 =	vld [tilespmem:s9+$0x9F60];
	v3 =	vsub.bf16 v10, v55;
	v7 =	vand.u32 $0xFFFF0000, v7;
	v2 =	vunpack.i.u.bf16.f32 v2  }
0x121: {  	v0 =	vadd.f32 v1, v0;
	v1 =	vmul.f32 v7, v2;
	v2 =	vsub.bf16 v10, v8  }
0x122: {  	s8 =	sadd.f32 $1.000000000e+00, s8;
	v11 =	vld [tilespmem:s9+$0x7770];
	v8 =	vshll.u32 v57, $0x10;
	v10 =	vunpack.i.l.bf16.f32 v4;
	v4 =	vunpack.i.u.bf16.f32 v4  }
0x123: {  	v7 =	vld [tilespmem:s9+$0x8B70];
	v59 =	vsub.bf16 v9, v6;
	v0 =	vadd.f32 v0, v1;
	v1 =	vmul.f32 v8, v10  }
0x124: {  	s8 =	smax.f32 s8, $0.0e+00;
	v6 =	vand.u32 $0xFFFF0000, v57;
	v8 =	vsub.bf16 v3, v2;
	v10 =	vld [tilespmem:s9+$0x9F70];
	s9 =	sadd.f32 $1.000000000e+00, s6;
	v2 =	vadd.bf16 v2, v3  }
0x125: {  	s8 =	sadd.f32 s8, s13;
	v5 =	vsub.bf16 v9, v5;
	s6 =	simm.s32 $0x100;
	v6 =	vmul.f32 v6, v4;
	v1 =	vadd.f32 v1, v0  }
0x126: {  	s7 =	sadd.f32 $1.000000000e+00, s7;
	v4 =	vld [tilespmem:s6+$0x7700];
	s9 =	smax.f32 s9, $0.0e+00;
	v9 =	vshll.u32 v8, $0x10;
	v60 =	vunpack.i.l.bf16.f32 v2;
	v63 =	vunpack.i.u.bf16.f32 v2  }
0x127: {  	v0 =	vld [tilespmem:s6+$0x7740];
	v2 =	vadd.bf16 v5, v59;
	s8 =	sadd.f32 s9, s8;
	v9 =	vmul.f32 v9, v60;
	v61 =	vadd.f32 v1, v6  }
0x128: {  	s7 =	smax.f32 s7, $0.0e+00;
	v62 =	vand.u32 $0xFFFF0000, v8;
	v3 =	vsub.bf16 v11, v7;
	v1 =	vsub.bf16 v59, v5;
	v6 =	vld [tilespmem:s6+$0x8B00]  }
0x129: {  	v7 =	vld [tilespmem:s6+$0x9F00];
	s13 =	sadd.f32 s7, s8;
	s7 =	simm.s32 $0x600;
	v5 =	vsub.bf16 v11, v10;
	v8 =	vadd.f32 v9, v61;
	v9 =	vmul.f32 v62, v63  }
.LBB2_5:
0x12a: {  	p0 =	sne.s32 s7, $0x4E00;
	v10 =	vld [tilespmem:s6+$0x8B40];
	v11 =	vshll.u32 v1, $0x10;
	v12 =	vunpack.i.l.bf16.f32 v2  }
0x12b: {  	v13 =	vld [tilespmem:s6+$0x7710];
	v8 =	vadd.f32 v8, v9;
	v9 =	vmul.f32 v11, v12;
	v11 =	vsub.bf16 v3, v5  }
0x12c: {  	v1 =	vand.u32 $0xFFFF0000, v1;
	v2 =	vunpack.i.u.bf16.f32 v2;
	v3 =	vadd.bf16 v5, v3;
	v12 =	vld [tilespmem:s6+$0x8B10]  }
0x12d: {  	v1 =	vmul.f32 v1, v2;
	v5 =	vsub.bf16 v4, v6;
	v6 =	vld [tilespmem:s6+$0x9F10];
	v8 =	vadd.f32 v9, v8  }
0x12e: {  	v9 =	vunpack.i.l.bf16.f32 v3;
	v2 =	vsub.bf16 v4, v7;
	v4 =	vld [tilespmem:s6+$0x7720];
	v7 =	vshll.u32 v11, $0x10;
	s8 =	spop (v2sf)  }
0x12f: {  	v14 =	vld [tilespmem:s6+$0x8B20];
	v10 =	vsub.bf16 v0, v10;
	v1 =	vadd.f32 v8, v1;
	v7 =	vmul.f32 v7, v9;
	s8 =	sadd.f32 $1.000000000e+00, s8  }
0x130: {  	v3 =	vunpack.i.u.bf16.f32 v3;
	v11 =	vand.u32 $0xFFFF0000, v11;
	v8 =	vsub.bf16 v5, v2;
	v9 =	vld [tilespmem:s6+$0x7730]  }
0x131: {  	v3 =	vmul.f32 v11, v3;
	v2 =	vadd.bf16 v2, v5;
	v5 =	vld [tilespmem:s6+$0x9F20];
	v1 =	vadd.f32 v7, v1;
	s8 =	smax.f32 s8, $0.0e+00  }
0x132: {  	v7 =	vsub.bf16 v13, v12;
	v6 =	vsub.bf16 v13, v6;
	v11 =	vld [tilespmem:s6+$0x8B30];
	s13 =	sadd.f32 s8, s13  }
0x133: {  	v12 =	vshll.u32 v8, $0x10;
	v13 =	vunpack.i.l.bf16.f32 v2;
	v1 =	vadd.f32 v1, v3  }
0x134: {  	v3 =	vmul.f32 v12, v13;
	v12 =	vsub.bf16 v7, v6;
	v13 =	vsub.bf16 v4, v14  }
0x135: {  	v8 =	vand.u32 $0xFFFF0000, v8;
	v2 =	vunpack.i.u.bf16.f32 v2;
	v6 =	vadd.bf16 v6, v7;
	v7 =	vld [tilespmem:s6+$0x9F30];
	(xrf2) =	vadd.scan.msk.f32 $0xffff, v1  }
0x136: {  	v2 =	vmul.f32 v8, v2;
	v1 =	vadd.f32 $0.0e+00, v3;
	v3 =	vsub.bf16 v4, v5;
	v4 =	vld [tilespmem:s6+$0x9F40]  }
0x137: {  	v5 =	vshll.u32 v12, $0x10;
	v8 =	vunpack.i.l.bf16.f32 v6;
	v11 =	vsub.bf16 v9, v11  }
0x138: {  	v1 =	vadd.f32 v1, v2;
	v2 =	vmul.f32 v5, v8;
	v5 =	vsub.bf16 v13, v3;
	v8 =	vld [tilespmem:s6+$0x7750]  }
0x139: {  	v12 =	vand.u32 $0xFFFF0000, v12;
	v6 =	vunpack.i.u.bf16.f32 v6;
	v3 =	vadd.bf16 v3, v13;
	v13 =	vld [tilespmem:s6+$0x8B50]  }
0x13a: {  	v1 =	vadd.f32 v2, v1;
	v2 =	vmul.f32 v12, v6;
	v6 =	vsub.bf16 v9, v7  }
0x13b: {  	v7 =	vshll.u32 v5, $0x10;
	v9 =	vunpack.i.l.bf16.f32 v3;
	v0 =	vsub.bf16 v0, v4  }
0x13c: {  	v1 =	vadd.f32 v1, v2;
	v2 =	vmul.f32 v7, v9;
	v4 =	vsub.bf16 v11, v6;
	v7 =	vld [tilespmem:s6+$0x7760]  }
0x13d: {  	v5 =	vand.u32 $0xFFFF0000, v5;
	v3 =	vunpack.i.u.bf16.f32 v3;
	v6 =	vadd.bf16 v6, v11;
	v9 =	vld [tilespmem:s6+$0x9F50]  }
0x13e: {  	v1 =	vadd.f32 v2, v1;
	v2 =	vmul.f32 v5, v3;
	v3 =	vsub.bf16 v8, v13;
	v5 =	vld [tilespmem:s6+$0x8B60]  }
0x13f: {  	v11 =	vshll.u32 v4, $0x10;
	v12 =	vunpack.i.l.bf16.f32 v6;
	v13 =	vsub.bf16 v10, v0;
	v14, _, _ =	vpop (xrf2)  }
0x140: {  	v1 =	vadd.f32 v1, v2;
	v2 =	vmul.f32 v11, v12;
	v11 =	vld [tilespmem:s6+$0x7770];
	(v2sf) =	vpush v14, $0xF  }
0x141: {  	v4 =	vand.u32 $0xFFFF0000, v4;
	v6 =	vunpack.i.u.bf16.f32 v6;
	v0 =	vadd.bf16 v0, v10;
	v10 =	vld [tilespmem:s6+$0x9F60]  }
0x142: {  	v1 =	vadd.f32 v2, v1;
	v2 =	vmul.f32 v4, v6;
	v4 =	vsub.bf16 v8, v9;
	v6 =	vld [tilespmem:s6+$0x8B70]  }
0x143: {  	v8 =	vshll.u32 v13, $0x10;
	v9 =	vunpack.i.l.bf16.f32 v0;
	v5 =	vsub.bf16 v7, v5  }
0x144: {  	v1 =	vadd.f32 v1, v2;
	v2 =	vmul.f32 v8, v9;
	v8 =	vsub.bf16 v3, v4  }
0x145: {  	v0 =	vunpack.i.u.bf16.f32 v0;
	v9 =	vand.u32 $0xFFFF0000, v13;
	v12 =	vadd.bf16 v4, v3;
	v13 =	vld [tilespmem:s6+$0x9F70]  }
.Ltmp1:
0x146: {  	s6 =	sshra.s32 s7, $0x2;
	v1 =	vadd.f32 v2, v1;
	v2 =	vmul.f32 v9, v0;
	v7 =	vsub.bf16 v7, v10;
	(pc) =	sbr.rel @p0 .LBB2_5-.Ltmp1, $4  }
0x147: {  	v9 =	vshll.u32 v8, $0x10;
	v10 =	vunpack.i.l.bf16.f32 v12;
	v0 =	vld [tilespmem:s6+$0x7740];
	v3 =	vsub.bf16 v11, v6  }
0x148: {  	v14 =	vadd.f32 v1, v2;
	v9 =	vmul.f32 v9, v10;
	v4 =	vld [tilespmem:s6+$0x7700];
	v1 =	vsub.bf16 v5, v7  }
0x149: {  	v12 =	vunpack.i.u.bf16.f32 v12;
	v10 =	vand.u32 $0xFFFF0000, v8;
	v2 =	vadd.bf16 v7, v5;
	v6 =	vld [tilespmem:s6+$0x8B00]  }
0x14a: {  	s7 =	sadd.s32 $0x200, s7;
	v8 =	vadd.f32 v9, v14;
	v9 =	vmul.f32 v10, v12;
	v7 =	vld [tilespmem:s6+$0x9F00];
	v5 =	vsub.bf16 v11, v13  }
0x14b: {  	v10 =	vld [tilespmem:s6+$0x7710]  }
0x14c: {  	v11 =	vld [tilespmem:s6+$0x8B10]  }
0x14d: {  	v12 =	vld [tilespmem:s6+$0x9F10]  }
0x14e: {  	v13 =	vshll.u32 v1, $0x10;
	v14 =	vunpack.i.l.bf16.f32 v2;
	v17 =	vld [tilespmem:s6+$0x7730];
	v8 =	vadd.f32 v8, v9  }
0x14f: {  	v32 =	vld [tilespmem:s6+$0x9F30];
	v1 =	vand.u32 $0xFFFF0000, v1;
	v6 =	vsub.bf16 v4, v6;
	v4 =	vsub.bf16 v4, v7  }
0x150: {  	v2 =	vunpack.i.u.bf16.f32 v2;
	v9 =	vld [tilespmem:s6+$0x8B20];
	v29 =	vsub.bf16 v3, v5;
	v3 =	vadd.bf16 v5, v3  }
0x151: {  	v13 =	vmul.f32 v13, v14;
	v7 =	vld [tilespmem:s6+$0x7720];
	v15 =	vsub.bf16 v6, v4;
	v4 =	vadd.bf16 v4, v6  }
0x152: {  	v1 =	vmul.f32 v1, v2;
	v11 =	vsub.bf16 v10, v11;
	v10 =	vsub.bf16 v10, v12;
	v6 =	vld [tilespmem:s6+$0x9F20]  }
0x153: {  	v8 =	vadd.f32 v13, v8;
	v30 =	vshll.u32 v15, $0x10;
	v16 =	vunpack.i.l.bf16.f32 v4  }
0x154: {  	v34 =	vsub.bf16 v17, v32;
	v31 =	vsub.bf16 v11, v10;
	v14 =	vmul.f32 v30, v16  }
0x155: {  	v10 =	vadd.bf16 v10, v11;
	v11 =	vld [tilespmem:s6+$0x8B30];
	v15 =	vand.u32 $0xFFFF0000, v15;
	v4 =	vunpack.i.u.bf16.f32 v4  }
0x156: {  	v9 =	vsub.bf16 v7, v9;
	v4 =	vmul.f32 v15, v4;
	v14 =	vadd.f32 $0.0e+00, v14  }
0x157: {  	v5 =	vshll.u32 v31, $0x10;
	v6 =	vsub.bf16 v7, v6;
	v7 =	vunpack.i.l.bf16.f32 v10  }
0x158: {  	v33 =	vand.u32 $0xFFFF0000, v31;
	v5 =	vmul.f32 v5, v7;
	v4 =	vadd.f32 v14, v4  }
0x159: {  	v10 =	vunpack.i.u.bf16.f32 v10;
	v7 =	vsub.bf16 v9, v6;
	v6 =	vadd.bf16 v6, v9;
	v9 =	vld [tilespmem:s6+$0x8B40]  }
0x15a: {  	v11 =	vsub.bf16 v17, v11;
	v4 =	vadd.f32 v5, v4;
	v5 =	vmul.f32 v33, v10;
	v10 =	vld [tilespmem:s6+$0x9F40]  }
0x15b: {  	v1 =	vadd.f32 v8, v1;
	v35 =	vshll.u32 v7, $0x10;
	v36 =	vunpack.i.l.bf16.f32 v6  }
0x15c: {  	v39 =	vld [tilespmem:s6+$0x8B50];
	v38 =	vsub.bf16 v11, v34;
	v37 =	vmul.f32 v35, v36;
	v4 =	vadd.f32 v4, v5  }
0x15d: {  	v11 =	vadd.bf16 v34, v11;
	v7 =	vand.u32 $0xFFFF0000, v7;
	v6 =	vunpack.i.u.bf16.f32 v6;
	v5 =	vld [tilespmem:s6+$0x7750]  }
0x15e: {  	v6 =	vmul.f32 v7, v6;
	v7 =	vld [tilespmem:s6+$0x9F50];
	v2 =	vsub.bf16 v0, v9;
	v4 =	vadd.f32 v37, v4  }
0x15f: {  	v9 =	vshll.u32 v38, $0x10;
	v0 =	vsub.bf16 v0, v10;
	v10 =	vunpack.i.l.bf16.f32 v11  }
0x160: {  	v41 =	vand.u32 $0xFFFF0000, v38;
	v4 =	vadd.f32 v4, v6;
	v6 =	vld [tilespmem:s6+$0x7760];
	v9 =	vmul.f32 v9, v10  }
0x161: {  	v11 =	vunpack.i.u.bf16.f32 v11;
	v10 =	vsub.bf16 v2, v0;
	v0 =	vadd.bf16 v0, v2;
	v2 =	vld [tilespmem:s6+$0x8B60]  }
0x162: {  	v11 =	vmul.f32 v41, v11;
	v40 =	vsub.bf16 v5, v39;
	v4 =	vadd.f32 v9, v4;
	v9 =	vld [tilespmem:s6+$0x9F60]  }
0x163: {  	v5 =	vsub.bf16 v5, v7;
	v7 =	vld [tilespmem:s6+$0x7770];
	v8 =	vshll.u32 v10, $0x10;
	v42 =	vunpack.i.l.bf16.f32 v0  }
0x164: {  	v44 =	vshll.u32 v29, $0x10;
	v4 =	vadd.f32 v4, v11;
	v11 =	vld [tilespmem:s6+$0x8B70];
	v8 =	vmul.f32 v8, v42  }
0x165: {  	v43 =	vsub.bf16 v40, v5;
	v10 =	vand.u32 $0xFFFF0000, v10;
	v0 =	vunpack.i.u.bf16.f32 v0  }
0x166: {  	v5 =	vadd.bf16 v5, v40;
	v0 =	vmul.f32 v10, v0;
	v4 =	vadd.f32 v8, v4  }
0x167: {  	v10 =	vunpack.i.l.bf16.f32 v3;
	v8 =	vld [tilespmem:s6+$0x9F70];
	v2 =	vsub.bf16 v6, v2;
	v6 =	vsub.bf16 v6, v9  }
0x168: {  	v9 =	vshll.u32 v43, $0x10;
	v0 =	vadd.f32 v4, v0;
	v4 =	vunpack.i.l.bf16.f32 v5  }
0x169: {  	v14 =	vand.u32 $0xFFFF0000, v43;
	v11 =	vsub.bf16 v7, v11;
	v4 =	vmul.f32 v9, v4  }
0x16a: {  	v5 =	vunpack.i.u.bf16.f32 v5;
	v9 =	vsub.bf16 v2, v6;
	v2 =	vadd.bf16 v6, v2  }
0x16b: {  	v6 =	vmul.f32 v44, v10;
	v0 =	vadd.f32 v4, v0;
	v4 =	vmul.f32 v14, v5  }
0x16c: {  	v5 =	vsub.bf16 v7, v8;
	v7 =	vshll.u32 v9, $0x10;
	v8 =	vunpack.i.l.bf16.f32 v2  }
0x16d: {  	v2 =	vunpack.i.u.bf16.f32 v2;
	v0 =	vadd.f32 v0, v4;
	v4 =	vmul.f32 v7, v8  }
0x16e: {  	v7 =	vsub.bf16 v11, v5;
	v8 =	vand.u32 $0xFFFF0000, v9;
	v5 =	vadd.bf16 v5, v11  }
0x16f: {  	v3 =	vunpack.i.u.bf16.f32 v3;
	v2 =	vmul.f32 v8, v2;
	v0 =	vadd.f32 v4, v0  }
0x170: {  	v1 =	vadd.f32 v6, v1;
	v4 =	vshll.u32 v7, $0x10;
	v8 =	vunpack.i.l.bf16.f32 v5  }
0x171: {  	v9 =	vand.u32 $0xFFFF0000, v29;
	v0 =	vadd.f32 v0, v2;
	v2 =	vmul.f32 v4, v8  }
0x172: {  	v3 =	vmul.f32 v9, v3;
	v5 =	vunpack.i.u.bf16.f32 v5;
	v4 =	vand.u32 $0xFFFF0000, v7  }
0x173: {  	v0 =	vadd.f32 v2, v0;
	v2 =	vmul.f32 v4, v5  }
0x174: {  	v1 =	vadd.f32 v1, v3  }
0x175: {  	v0 =	vadd.f32 v0, v2  }
0x176: {  	(xrf2) =	vadd.scan.msk.f32 $0xffff, v1  }
0x177: {  	(xrf2) =	vadd.scan.msk.f32 $0xffff, v0;
	_ =	sdelay $0x8  }
0x178: {  	v0, _, _ =	vpop (xrf2)  }
0x179: {  	(v2sf) =	vpush v0, $0xF;
	v0, _, _ =	vpop (xrf2)  }
0x17a: {  	(v2sf) =	vpush v0, $0xF;
	_ =	sdelay $0xc  }
0x17b: {  	s8 =	spop (v2sf)  }
0x17c: {  	s6 =	spop (v2sf)  }
0x17d: {  	s7 =	spop (v2sf)  }
0x17e: {  	_ =	swait.ge [sflag:s21], $0x1400  }
0x17f: {  	[sflag:s21] =	ssyncset.done $0x0  }
0x180: {  	[sflag:s21] =	ssyncadd.s32 $0xFFFFEC00  }
0x181: {  	_ =	swait.ge [sflag:s21], $0x1400  }
0x182: {  	[sflag:s21] =	ssyncset.done $0x0  }
0x183: {  	[sflag:s21] =	ssyncadd.s32 $0xFFFFEC00  }
0x184: {  	_ =	swait.ge [sflag:s21], $0x1400  }
0x185: {  	[sflag:s21] =	ssyncset.done $0x0  }
0x186: {  	s9 =	sadd.s32 $0xC8, s12;
	[sflag:s21] =	ssyncadd.s32 $0xFFFFEC00  }
0x187: {  	[tilespmem:s18], [sflag:$0x2] =	stream.indirect.gather [hbm4b:s3+s14], $0x80, s9, s14, $0xb8;
	[tilespmem:$0x12B80] =	vst v63  }
0x188: {  	s9 =	sadd.s32 $0x1450, s12  }
0x189: {  	[tilespmem:s20], [sflag:$0x2] =	stream.indirect.gather [hbm4b:s4+s14], $0x80, s9, s14, $0xb8;
	[tilespmem:$0x12B80] =	vst v63  }
0x18a: {  	s9 =	sadd.s32 $0x27D8, s12  }
0x18b: {  	[tilespmem:s22], [sflag:$0x2] =	stream.indirect.gather [hbm4b:s5+s14], $0x80, s9, s14, $0xb8;
	[tilespmem:$0x12B80] =	vst v63  }
0x18c: {  	s9 =	simm.s32 $0x0  }
0x18d: {  	v0 =	vld [tilespmem:s9+$0xB300]  }
0x18e: {  	v1 =	vld [tilespmem:s9+$0xC700]  }
0x18f: {  	v2 =	vld [tilespmem:s9+$0xDB00]  }
0x190: {  	v3 =	vld [tilespmem:s9+$0xB310]  }
0x191: {  	v4 =	vld [tilespmem:s9+$0xC710]  }
0x192: {  	v5 =	vld [tilespmem:s9+$0xDB10];
	_ =	sdelay $0x2  }
0x193: {  	v6 =	vld [tilespmem:s9+$0xB320]  }
0x194: {  	v7 =	vld [tilespmem:s9+$0xB330];
	v1 =	vsub.bf16 v0, v1;
	v0 =	vsub.bf16 v0, v2  }
0x195: {  	v2 =	vld [tilespmem:s9+$0xC720];
	v4 =	vsub.bf16 v3, v4;
	v3 =	vsub.bf16 v3, v5  }
0x196: {  	v5 =	vld [tilespmem:s9+$0xC730];
	v8 =	vsub.bf16 v1, v0;
	v0 =	vadd.bf16 v0, v1  }
0x197: {  	v1 =	vld [tilespmem:s9+$0xDB20]  }
0x198: {  	v9 =	vshll.u32 v8, $0x10;
	v10 =	vunpack.i.l.bf16.f32 v0  }
0x199: {  	v11 =	vld [tilespmem:s9+$0xB340];
	v8 =	vand.u32 $0xFFFF0000, v8;
	v9 =	vmul.f32 v9, v10;
	v10 =	vsub.bf16 v4, v3  }
0x19a: {  	v0 =	vunpack.i.u.bf16.f32 v0;
	v2 =	vsub.bf16 v6, v2;
	v3 =	vadd.bf16 v3, v4;
	v4 =	vld [tilespmem:s9+$0xDB30]  }
0x19b: {  	v45 =	vld [tilespmem:s9+$0xC740];
	v0 =	vmul.f32 v8, v0;
	v5 =	vsub.bf16 v7, v5;
	v9 =	vadd.f32 $0.0e+00, v9  }
0x19c: {  	v1 =	vsub.bf16 v6, v1;
	v6 =	vshll.u32 v10, $0x10;
	v8 =	vunpack.i.l.bf16.f32 v3  }
0x19d: {  	v10 =	vand.u32 $0xFFFF0000, v10;
	v6 =	vmul.f32 v6, v8;
	v0 =	vadd.f32 v9, v0  }
0x19e: {  	v46 =	vld [tilespmem:s9+$0xDB40];
	v3 =	vunpack.i.u.bf16.f32 v3;
	v8 =	vsub.bf16 v2, v1;
	v1 =	vadd.bf16 v1, v2  }
0x19f: {  	v3 =	vmul.f32 v10, v3;
	v4 =	vsub.bf16 v7, v4;
	v0 =	vadd.f32 v6, v0  }
0x1a0: {  	v6 =	vsub.bf16 v11, v45;
	v7 =	vshll.u32 v8, $0x10;
	v10 =	vunpack.i.l.bf16.f32 v1  }
0x1a1: {  	v9 =	vld [tilespmem:s9+$0xB350];
	v8 =	vand.u32 $0xFFFF0000, v8;
	v0 =	vadd.f32 v0, v3;
	v3 =	vmul.f32 v7, v10  }
0x1a2: {  	v2 =	vld [tilespmem:s9+$0xC750];
	v1 =	vunpack.i.u.bf16.f32 v1;
	v7 =	vsub.bf16 v5, v4;
	v4 =	vadd.bf16 v4, v5  }
0x1a3: {  	v11 =	vsub.bf16 v11, v46;
	v1 =	vmul.f32 v8, v1;
	v5 =	vld [tilespmem:s9+$0xDB50];
	v0 =	vadd.f32 v3, v0  }
0x1a4: {  	v8 =	vshll.u32 v7, $0x10;
	v47 =	vunpack.i.l.bf16.f32 v4  }
0x1a5: {  	v10 =	vld [tilespmem:s9+$0xB360];
	v13 =	vsub.bf16 v6, v11;
	v0 =	vadd.f32 v0, v1;
	v1 =	vmul.f32 v8, v47  }
0x1a6: {  	v6 =	vadd.bf16 v11, v6;
	v3 =	vld [tilespmem:s9+$0xC760];
	v7 =	vand.u32 $0xFFFF0000, v7;
	v4 =	vunpack.i.u.bf16.f32 v4  }
0x1a7: {  	v11 =	vld [tilespmem:s9+$0xDB60];
	v2 =	vsub.bf16 v9, v2;
	v0 =	vadd.f32 v1, v0;
	v1 =	vmul.f32 v7, v4  }
0x1a8: {  	v4 =	vsub.bf16 v9, v5;
	v7 =	vshll.u32 v13, $0x10;
	v9 =	vunpack.i.l.bf16.f32 v6  }
0x1a9: {  	v8 =	vld [tilespmem:s9+$0xB370];
	v6 =	vunpack.i.u.bf16.f32 v6;
	v0 =	vadd.f32 v0, v1;
	v1 =	vmul.f32 v7, v9  }
0x1aa: {  	v5 =	vld [tilespmem:s9+$0xC770];
	v7 =	vsub.bf16 v2, v4;
	v9 =	vand.u32 $0xFFFF0000, v13;
	v2 =	vadd.bf16 v4, v2  }
0x1ab: {  	v3 =	vsub.bf16 v10, v3;
	v4 =	vld [tilespmem:s9+$0xDB70];
	s9 =	simm.s32 $0x80;
	v0 =	vadd.f32 v1, v0;
	v1 =	vmul.f32 v9, v6  }
0x1ac: {  	v48 =	vld [tilespmem:s9+$0xB300];
	v6 =	vsub.bf16 v10, v11;
	v10 =	vshll.u32 v7, $0x10;
	v11 =	vunpack.i.l.bf16.f32 v2  }
0x1ad: {  	v49 =	vld [tilespmem:s9+$0xB310];
	v7 =	vand.u32 $0xFFFF0000, v7;
	v0 =	vadd.f32 v0, v1;
	v1 =	vmul.f32 v10, v11  }
0x1ae: {  	v2 =	vunpack.i.u.bf16.f32 v2;
	v10 =	vsub.bf16 v3, v6;
	v11 =	vld [tilespmem:s9+$0xC700];
	v3 =	vadd.bf16 v6, v3  }
0x1af: {  	v5 =	vsub.bf16 v8, v5;
	v6 =	vld [tilespmem:s9+$0xDB00];
	v0 =	vadd.f32 v1, v0;
	v1 =	vmul.f32 v7, v2  }
0x1b0: {  	v9 =	vld [tilespmem:s9+$0xB340];
	v2 =	vsub.bf16 v8, v4;
	v7 =	vshll.u32 v10, $0x10;
	v8 =	vunpack.i.l.bf16.f32 v3  }
0x1b1: {  	v4 =	vld [tilespmem:s9+$0xC740];
	v10 =	vand.u32 $0xFFFF0000, v10;
	v0 =	vadd.f32 v0, v1;
	v1 =	vmul.f32 v7, v8  }
0x1b2: {  	v3 =	vunpack.i.u.bf16.f32 v3;
	v7 =	vsub.bf16 v5, v2;
	v8 =	vld [tilespmem:s9+$0xC710];
	v2 =	vadd.bf16 v2, v5  }
0x1b3: {  	v5 =	vsub.bf16 v48, v11;
	v11 =	vld [tilespmem:s9+$0xDB10];
	v0 =	vadd.f32 v1, v0;
	v1 =	vmul.f32 v10, v3  }
0x1b4: {  	v51 =	vld [tilespmem:s9+$0xC720];
	v3 =	vsub.bf16 v48, v6;
	v10 =	vshll.u32 v7, $0x10;
	v50 =	vunpack.i.l.bf16.f32 v2  }
0x1b5: {  	v6 =	vld [tilespmem:s9+$0xB320];
	v7 =	vand.u32 $0xFFFF0000, v7;
	v0 =	vadd.f32 v0, v1;
	v1 =	vmul.f32 v10, v50  }
0x1b6: {  	v2 =	vunpack.i.u.bf16.f32 v2;
	v4 =	vsub.bf16 v9, v4;
	v10 =	vsub.bf16 v5, v3  }
0x1b7: {  	v3 =	vadd.bf16 v3, v5;
	v5 =	vld [tilespmem:s9+$0xDB20];
	v0 =	vadd.f32 v1, v0;
	v1 =	vmul.f32 v7, v2  }
0x1b8: {  	v52 =	vld [tilespmem:s9+$0xB330];
	v2 =	vsub.bf16 v49, v8;
	v7 =	vsub.bf16 v49, v11  }
0x1b9: {  	v8 =	vld [tilespmem:s9+$0xC730];
	v11 =	vshll.u32 v10, $0x10;
	v53 =	vunpack.i.l.bf16.f32 v3;
	v0 =	vadd.f32 v0, v1  }
0x1ba: {  	v10 =	vand.u32 $0xFFFF0000, v10;
	v54 =	vsub.bf16 v6, v51;
	v1 =	vmul.f32 v11, v53  }
0x1bb: {  	v3 =	vunpack.i.u.bf16.f32 v3;
	v11 =	vsub.bf16 v2, v7;
	v2 =	vadd.bf16 v7, v2;
	v7 =	vld [tilespmem:s9+$0xDB30];
	(xrf2) =	vadd.scan.msk.f32 $0xffff, v0  }
0x1bc: {  	v0 =	vadd.f32 $0.0e+00, v1;
	v1 =	vmul.f32 v10, v3;
	v3 =	vsub.bf16 v6, v5  }
0x1bd: {  	v5 =	vld [tilespmem:s9+$0xDB40];
	v6 =	vshll.u32 v11, $0x10;
	v10 =	vunpack.i.l.bf16.f32 v2;
	v11 =	vand.u32 $0xFFFF0000, v11  }
0x1be: {  	v8 =	vsub.bf16 v52, v8;
	v0 =	vadd.f32 v0, v1;
	v1 =	vmul.f32 v6, v10  }
0x1bf: {  	v2 =	vunpack.i.u.bf16.f32 v2;
	v6 =	vsub.bf16 v54, v3;
	v3 =	vadd.bf16 v3, v54  }
0x1c0: {  	v0 =	vadd.f32 v1, v0;
	v1 =	vmul.f32 v11, v2;
	v2 =	vsub.bf16 v52, v7  }
0x1c1: {  	v55 =	vld [tilespmem:s9+$0xC750];
	v7 =	vshll.u32 v6, $0x10;
	v11 =	vunpack.i.l.bf16.f32 v3;
	v6 =	vand.u32 $0xFFFF0000, v6  }
0x1c2: {  	v10 =	vld [tilespmem:s9+$0xB350];
	v5 =	vsub.bf16 v9, v5;
	v0 =	vadd.f32 v0, v1;
	v1 =	vmul.f32 v7, v11  }
0x1c3: {  	v3 =	vunpack.i.u.bf16.f32 v3;
	v7 =	vsub.bf16 v8, v2;
	v2 =	vadd.bf16 v2, v8;
	v8 =	vld [tilespmem:s9+$0xDB50]  }
0x1c4: {  	v9 =	vld [tilespmem:s9+$0xB360];
	v57 =	vsub.bf16 v4, v5;
	v0 =	vadd.f32 v1, v0;
	v1 =	vmul.f32 v6, v3  }
0x1c5: {  	v4 =	vadd.bf16 v5, v4;
	v6 =	vld [tilespmem:s9+$0xC760];
	v11 =	vshll.u32 v7, $0x10;
	v56 =	vunpack.i.l.bf16.f32 v2;
	v58, _, _ =	vpop (xrf2)  }
0x1c6: {  	v0 =	vadd.f32 v0, v1;
	v1 =	vmul.f32 v11, v56;
	(v2sf) =	vpush v58, $0xF  }
0x1c7: {  	v5 =	vld [tilespmem:s9+$0xDB60];
	v3 =	vsub.bf16 v10, v55;
	v7 =	vand.u32 $0xFFFF0000, v7;
	v2 =	vunpack.i.u.bf16.f32 v2  }
0x1c8: {  	v0 =	vadd.f32 v1, v0;
	v1 =	vmul.f32 v7, v2;
	v2 =	vsub.bf16 v10, v8  }
0x1c9: {  	s8 =	sadd.f32 $1.000000000e+00, s8;
	v11 =	vld [tilespmem:s9+$0xB370];
	v8 =	vshll.u32 v57, $0x10;
	v10 =	vunpack.i.l.bf16.f32 v4;
	v4 =	vunpack.i.u.bf16.f32 v4  }
0x1ca: {  	v7 =	vld [tilespmem:s9+$0xC770];
	v59 =	vsub.bf16 v9, v6;
	v0 =	vadd.f32 v0, v1;
	v1 =	vmul.f32 v8, v10  }
0x1cb: {  	s8 =	smax.f32 s8, $0.0e+00;
	v6 =	vand.u32 $0xFFFF0000, v57;
	v8 =	vsub.bf16 v3, v2;
	v10 =	vld [tilespmem:s9+$0xDB70];
	s9 =	sadd.f32 $1.000000000e+00, s6;
	v2 =	vadd.bf16 v2, v3  }
0x1cc: {  	s8 =	sadd.f32 s8, s13;
	v5 =	vsub.bf16 v9, v5;
	s6 =	simm.s32 $0x100;
	v6 =	vmul.f32 v6, v4;
	v1 =	vadd.f32 v1, v0  }
0x1cd: {  	s7 =	sadd.f32 $1.000000000e+00, s7;
	v4 =	vld [tilespmem:s6+$0xB300];
	s9 =	smax.f32 s9, $0.0e+00;
	v9 =	vshll.u32 v8, $0x10;
	v60 =	vunpack.i.l.bf16.f32 v2;
	v63 =	vunpack.i.u.bf16.f32 v2  }
0x1ce: {  	v0 =	vld [tilespmem:s6+$0xB340];
	v2 =	vadd.bf16 v5, v59;
	s8 =	sadd.f32 s9, s8;
	v9 =	vmul.f32 v9, v60;
	v61 =	vadd.f32 v1, v6  }
0x1cf: {  	s7 =	smax.f32 s7, $0.0e+00;
	v62 =	vand.u32 $0xFFFF0000, v8;
	v3 =	vsub.bf16 v11, v7;
	v1 =	vsub.bf16 v59, v5;
	v6 =	vld [tilespmem:s6+$0xC700]  }
0x1d0: {  	v7 =	vld [tilespmem:s6+$0xDB00];
	s13 =	sadd.f32 s7, s8;
	s7 =	simm.s32 $0x600;
	v5 =	vsub.bf16 v11, v10;
	v8 =	vadd.f32 v9, v61;
	v9 =	vmul.f32 v62, v63  }
.LBB2_7:
0x1d1: {  	p0 =	sne.s32 s7, $0x4E00;
	v10 =	vld [tilespmem:s6+$0xC740];
	v11 =	vshll.u32 v1, $0x10;
	v12 =	vunpack.i.l.bf16.f32 v2  }
0x1d2: {  	v13 =	vld [tilespmem:s6+$0xB310];
	v8 =	vadd.f32 v8, v9;
	v9 =	vmul.f32 v11, v12;
	v11 =	vsub.bf16 v3, v5  }
0x1d3: {  	v1 =	vand.u32 $0xFFFF0000, v1;
	v2 =	vunpack.i.u.bf16.f32 v2;
	v3 =	vadd.bf16 v5, v3;
	v12 =	vld [tilespmem:s6+$0xC710]  }
0x1d4: {  	v1 =	vmul.f32 v1, v2;
	v5 =	vsub.bf16 v4, v6;
	v6 =	vld [tilespmem:s6+$0xDB10];
	v8 =	vadd.f32 v9, v8  }
0x1d5: {  	v9 =	vunpack.i.l.bf16.f32 v3;
	v2 =	vsub.bf16 v4, v7;
	v4 =	vld [tilespmem:s6+$0xB320];
	v7 =	vshll.u32 v11, $0x10;
	s8 =	spop (v2sf)  }
0x1d6: {  	v14 =	vld [tilespmem:s6+$0xC720];
	v10 =	vsub.bf16 v0, v10;
	v1 =	vadd.f32 v8, v1;
	v7 =	vmul.f32 v7, v9;
	s8 =	sadd.f32 $1.000000000e+00, s8  }
0x1d7: {  	v3 =	vunpack.i.u.bf16.f32 v3;
	v11 =	vand.u32 $0xFFFF0000, v11;
	v8 =	vsub.bf16 v5, v2;
	v9 =	vld [tilespmem:s6+$0xB330]  }
0x1d8: {  	v3 =	vmul.f32 v11, v3;
	v2 =	vadd.bf16 v2, v5;
	v5 =	vld [tilespmem:s6+$0xDB20];
	v1 =	vadd.f32 v7, v1;
	s8 =	smax.f32 s8, $0.0e+00  }
0x1d9: {  	v7 =	vsub.bf16 v13, v12;
	v6 =	vsub.bf16 v13, v6;
	v11 =	vld [tilespmem:s6+$0xC730];
	s13 =	sadd.f32 s8, s13  }
0x1da: {  	v12 =	vshll.u32 v8, $0x10;
	v13 =	vunpack.i.l.bf16.f32 v2;
	v1 =	vadd.f32 v1, v3  }
0x1db: {  	v3 =	vmul.f32 v12, v13;
	v12 =	vsub.bf16 v7, v6;
	v13 =	vsub.bf16 v4, v14  }
0x1dc: {  	v8 =	vand.u32 $0xFFFF0000, v8;
	v2 =	vunpack.i.u.bf16.f32 v2;
	v6 =	vadd.bf16 v6, v7;
	v7 =	vld [tilespmem:s6+$0xDB30];
	(xrf2) =	vadd.scan.msk.f32 $0xffff, v1  }
0x1dd: {  	v2 =	vmul.f32 v8, v2;
	v1 =	vadd.f32 $0.0e+00, v3;
	v3 =	vsub.bf16 v4, v5;
	v4 =	vld [tilespmem:s6+$0xDB40]  }
0x1de: {  	v5 =	vshll.u32 v12, $0x10;
	v8 =	vunpack.i.l.bf16.f32 v6;
	v11 =	vsub.bf16 v9, v11  }
0x1df: {  	v1 =	vadd.f32 v1, v2;
	v2 =	vmul.f32 v5, v8;
	v5 =	vsub.bf16 v13, v3;
	v8 =	vld [tilespmem:s6+$0xB350]  }
0x1e0: {  	v12 =	vand.u32 $0xFFFF0000, v12;
	v6 =	vunpack.i.u.bf16.f32 v6;
	v3 =	vadd.bf16 v3, v13;
	v13 =	vld [tilespmem:s6+$0xC750]  }
0x1e1: {  	v1 =	vadd.f32 v2, v1;
	v2 =	vmul.f32 v12, v6;
	v6 =	vsub.bf16 v9, v7  }
0x1e2: {  	v7 =	vshll.u32 v5, $0x10;
	v9 =	vunpack.i.l.bf16.f32 v3;
	v0 =	vsub.bf16 v0, v4  }
0x1e3: {  	v1 =	vadd.f32 v1, v2;
	v2 =	vmul.f32 v7, v9;
	v4 =	vsub.bf16 v11, v6;
	v7 =	vld [tilespmem:s6+$0xB360]  }
0x1e4: {  	v5 =	vand.u32 $0xFFFF0000, v5;
	v3 =	vunpack.i.u.bf16.f32 v3;
	v6 =	vadd.bf16 v6, v11;
	v9 =	vld [tilespmem:s6+$0xDB50]  }
0x1e5: {  	v1 =	vadd.f32 v2, v1;
	v2 =	vmul.f32 v5, v3;
	v3 =	vsub.bf16 v8, v13;
	v5 =	vld [tilespmem:s6+$0xC760]  }
0x1e6: {  	v11 =	vshll.u32 v4, $0x10;
	v12 =	vunpack.i.l.bf16.f32 v6;
	v13 =	vsub.bf16 v10, v0;
	v14, _, _ =	vpop (xrf2)  }
0x1e7: {  	v1 =	vadd.f32 v1, v2;
	v2 =	vmul.f32 v11, v12;
	v11 =	vld [tilespmem:s6+$0xB370];
	(v2sf) =	vpush v14, $0xF  }
0x1e8: {  	v4 =	vand.u32 $0xFFFF0000, v4;
	v6 =	vunpack.i.u.bf16.f32 v6;
	v0 =	vadd.bf16 v0, v10;
	v10 =	vld [tilespmem:s6+$0xDB60]  }
0x1e9: {  	v1 =	vadd.f32 v2, v1;
	v2 =	vmul.f32 v4, v6;
	v4 =	vsub.bf16 v8, v9;
	v6 =	vld [tilespmem:s6+$0xC770]  }
0x1ea: {  	v8 =	vshll.u32 v13, $0x10;
	v9 =	vunpack.i.l.bf16.f32 v0;
	v5 =	vsub.bf16 v7, v5  }
0x1eb: {  	v1 =	vadd.f32 v1, v2;
	v2 =	vmul.f32 v8, v9;
	v8 =	vsub.bf16 v3, v4  }
0x1ec: {  	v0 =	vunpack.i.u.bf16.f32 v0;
	v9 =	vand.u32 $0xFFFF0000, v13;
	v12 =	vadd.bf16 v4, v3;
	v13 =	vld [tilespmem:s6+$0xDB70]  }
.Ltmp2:
0x1ed: {  	s6 =	sshra.s32 s7, $0x2;
	v1 =	vadd.f32 v2, v1;
	v2 =	vmul.f32 v9, v0;
	v7 =	vsub.bf16 v7, v10;
	(pc) =	sbr.rel @p0 .LBB2_7-.Ltmp2, $4  }
0x1ee: {  	v9 =	vshll.u32 v8, $0x10;
	v10 =	vunpack.i.l.bf16.f32 v12;
	v0 =	vld [tilespmem:s6+$0xB340];
	v3 =	vsub.bf16 v11, v6  }
0x1ef: {  	v14 =	vadd.f32 v1, v2;
	v9 =	vmul.f32 v9, v10;
	v4 =	vld [tilespmem:s6+$0xB300];
	v1 =	vsub.bf16 v5, v7  }
0x1f0: {  	v12 =	vunpack.i.u.bf16.f32 v12;
	v10 =	vand.u32 $0xFFFF0000, v8;
	v2 =	vadd.bf16 v7, v5;
	v6 =	vld [tilespmem:s6+$0xC700]  }
0x1f1: {  	s7 =	sadd.s32 $0x200, s7;
	v8 =	vadd.f32 v9, v14;
	v9 =	vmul.f32 v10, v12;
	v7 =	vld [tilespmem:s6+$0xDB00];
	v5 =	vsub.bf16 v11, v13  }
0x1f2: {  	v10 =	vld [tilespmem:s6+$0xB310]  }
0x1f3: {  	v11 =	vld [tilespmem:s6+$0xC710]  }
0x1f4: {  	v12 =	vld [tilespmem:s6+$0xDB10]  }
0x1f5: {  	v13 =	vshll.u32 v1, $0x10;
	v14 =	vunpack.i.l.bf16.f32 v2;
	v17 =	vld [tilespmem:s6+$0xB330];
	v8 =	vadd.f32 v8, v9  }
0x1f6: {  	v32 =	vld [tilespmem:s6+$0xDB30];
	v1 =	vand.u32 $0xFFFF0000, v1;
	v6 =	vsub.bf16 v4, v6;
	v4 =	vsub.bf16 v4, v7  }
0x1f7: {  	v2 =	vunpack.i.u.bf16.f32 v2;
	v9 =	vld [tilespmem:s6+$0xC720];
	v29 =	vsub.bf16 v3, v5;
	v3 =	vadd.bf16 v5, v3  }
0x1f8: {  	v13 =	vmul.f32 v13, v14;
	v7 =	vld [tilespmem:s6+$0xB320];
	v15 =	vsub.bf16 v6, v4;
	v4 =	vadd.bf16 v4, v6  }
0x1f9: {  	v1 =	vmul.f32 v1, v2;
	v11 =	vsub.bf16 v10, v11;
	v10 =	vsub.bf16 v10, v12;
	v6 =	vld [tilespmem:s6+$0xDB20]  }
0x1fa: {  	v8 =	vadd.f32 v13, v8;
	v30 =	vshll.u32 v15, $0x10;
	v16 =	vunpack.i.l.bf16.f32 v4  }
0x1fb: {  	v34 =	vsub.bf16 v17, v32;
	v31 =	vsub.bf16 v11, v10;
	v14 =	vmul.f32 v30, v16  }
0x1fc: {  	v10 =	vadd.bf16 v10, v11;
	v11 =	vld [tilespmem:s6+$0xC730];
	v15 =	vand.u32 $0xFFFF0000, v15;
	v4 =	vunpack.i.u.bf16.f32 v4  }
0x1fd: {  	v9 =	vsub.bf16 v7, v9;
	v4 =	vmul.f32 v15, v4;
	v14 =	vadd.f32 $0.0e+00, v14  }
0x1fe: {  	v5 =	vshll.u32 v31, $0x10;
	v6 =	vsub.bf16 v7, v6;
	v7 =	vunpack.i.l.bf16.f32 v10  }
0x1ff: {  	v33 =	vand.u32 $0xFFFF0000, v31;
	v5 =	vmul.f32 v5, v7;
	v4 =	vadd.f32 v14, v4  }
0x200: {  	v10 =	vunpack.i.u.bf16.f32 v10;
	v7 =	vsub.bf16 v9, v6;
	v6 =	vadd.bf16 v6, v9;
	v9 =	vld [tilespmem:s6+$0xC740]  }
0x201: {  	v11 =	vsub.bf16 v17, v11;
	v4 =	vadd.f32 v5, v4;
	v5 =	vmul.f32 v33, v10;
	v10 =	vld [tilespmem:s6+$0xDB40]  }
0x202: {  	v1 =	vadd.f32 v8, v1;
	v35 =	vshll.u32 v7, $0x10;
	v36 =	vunpack.i.l.bf16.f32 v6  }
0x203: {  	v39 =	vld [tilespmem:s6+$0xC750];
	v38 =	vsub.bf16 v11, v34;
	v37 =	vmul.f32 v35, v36;
	v4 =	vadd.f32 v4, v5  }
0x204: {  	v11 =	vadd.bf16 v34, v11;
	v7 =	vand.u32 $0xFFFF0000, v7;
	v6 =	vunpack.i.u.bf16.f32 v6;
	v5 =	vld [tilespmem:s6+$0xB350]  }
0x205: {  	v6 =	vmul.f32 v7, v6;
	v7 =	vld [tilespmem:s6+$0xDB50];
	v2 =	vsub.bf16 v0, v9;
	v4 =	vadd.f32 v37, v4  }
0x206: {  	v9 =	vshll.u32 v38, $0x10;
	v0 =	vsub.bf16 v0, v10;
	v10 =	vunpack.i.l.bf16.f32 v11  }
0x207: {  	v41 =	vand.u32 $0xFFFF0000, v38;
	v4 =	vadd.f32 v4, v6;
	v6 =	vld [tilespmem:s6+$0xB360];
	v9 =	vmul.f32 v9, v10  }
0x208: {  	v11 =	vunpack.i.u.bf16.f32 v11;
	v10 =	vsub.bf16 v2, v0;
	v0 =	vadd.bf16 v0, v2;
	v2 =	vld [tilespmem:s6+$0xC760]  }
0x209: {  	v11 =	vmul.f32 v41, v11;
	v40 =	vsub.bf16 v5, v39;
	v4 =	vadd.f32 v9, v4;
	v9 =	vld [tilespmem:s6+$0xDB60]  }
0x20a: {  	v5 =	vsub.bf16 v5, v7;
	v7 =	vld [tilespmem:s6+$0xB370];
	v8 =	vshll.u32 v10, $0x10;
	v42 =	vunpack.i.l.bf16.f32 v0  }
0x20b: {  	v44 =	vshll.u32 v29, $0x10;
	v4 =	vadd.f32 v4, v11;
	v11 =	vld [tilespmem:s6+$0xC770];
	v8 =	vmul.f32 v8, v42  }
0x20c: {  	v43 =	vsub.bf16 v40, v5;
	v10 =	vand.u32 $0xFFFF0000, v10;
	v0 =	vunpack.i.u.bf16.f32 v0  }
0x20d: {  	v5 =	vadd.bf16 v5, v40;
	v0 =	vmul.f32 v10, v0;
	v4 =	vadd.f32 v8, v4  }
0x20e: {  	v10 =	vunpack.i.l.bf16.f32 v3;
	v8 =	vld [tilespmem:s6+$0xDB70];
	v2 =	vsub.bf16 v6, v2;
	v6 =	vsub.bf16 v6, v9  }
0x20f: {  	v9 =	vshll.u32 v43, $0x10;
	v0 =	vadd.f32 v4, v0;
	v4 =	vunpack.i.l.bf16.f32 v5  }
0x210: {  	v14 =	vand.u32 $0xFFFF0000, v43;
	v11 =	vsub.bf16 v7, v11;
	v4 =	vmul.f32 v9, v4  }
0x211: {  	v5 =	vunpack.i.u.bf16.f32 v5;
	v9 =	vsub.bf16 v2, v6;
	v2 =	vadd.bf16 v6, v2  }
0x212: {  	v6 =	vmul.f32 v44, v10;
	v0 =	vadd.f32 v4, v0;
	v4 =	vmul.f32 v14, v5  }
0x213: {  	v5 =	vsub.bf16 v7, v8;
	v7 =	vshll.u32 v9, $0x10;
	v8 =	vunpack.i.l.bf16.f32 v2  }
0x214: {  	v2 =	vunpack.i.u.bf16.f32 v2;
	v0 =	vadd.f32 v0, v4;
	v4 =	vmul.f32 v7, v8  }
0x215: {  	v7 =	vsub.bf16 v11, v5;
	v8 =	vand.u32 $0xFFFF0000, v9;
	v5 =	vadd.bf16 v5, v11  }
0x216: {  	v3 =	vunpack.i.u.bf16.f32 v3;
	v2 =	vmul.f32 v8, v2;
	v0 =	vadd.f32 v4, v0  }
0x217: {  	v1 =	vadd.f32 v6, v1;
	v4 =	vshll.u32 v7, $0x10;
	v8 =	vunpack.i.l.bf16.f32 v5  }
0x218: {  	v9 =	vand.u32 $0xFFFF0000, v29;
	v0 =	vadd.f32 v0, v2;
	v2 =	vmul.f32 v4, v8  }
0x219: {  	v3 =	vmul.f32 v9, v3;
	v5 =	vunpack.i.u.bf16.f32 v5;
	v4 =	vand.u32 $0xFFFF0000, v7  }
0x21a: {  	v0 =	vadd.f32 v2, v0;
	v2 =	vmul.f32 v4, v5  }
0x21b: {  	v1 =	vadd.f32 v1, v3  }
0x21c: {  	v0 =	vadd.f32 v0, v2  }
0x21d: {  	(xrf2) =	vadd.scan.msk.f32 $0xffff, v1  }
0x21e: {  	(xrf2) =	vadd.scan.msk.f32 $0xffff, v0;
	_ =	sdelay $0x8  }
0x21f: {  	v0, _, _ =	vpop (xrf2)  }
0x220: {  	(v2sf) =	vpush v0, $0xF;
	v0, _, _ =	vpop (xrf2)  }
0x221: {  	(v2sf) =	vpush v0, $0xF;
	_ =	sdelay $0xc  }
0x222: {  	s8 =	spop (v2sf)  }
0x223: {  	s7 =	spop (v2sf)  }
0x224: {  	s6 =	spop (v2sf)  }
0x225: {  	_ =	swait.ge [sflag:s23], $0x1400  }
0x226: {  	[sflag:s23] =	ssyncset.done $0x0  }
0x227: {  	[sflag:s23] =	ssyncadd.s32 $0xFFFFEC00  }
0x228: {  	_ =	swait.ge [sflag:s23], $0x1400  }
0x229: {  	[sflag:s23] =	ssyncset.done $0x0  }
0x22a: {  	[sflag:s23] =	ssyncadd.s32 $0xFFFFEC00  }
0x22b: {  	_ =	swait.ge [sflag:s23], $0x1400  }
0x22c: {  	[sflag:s23] =	ssyncset.done $0x0  }
0x22d: {  	s9 =	sadd.s32 $0xF0, s12;
	[sflag:s23] =	ssyncadd.s32 $0xFFFFEC00  }
0x22e: {  	[tilespmem:s24], [sflag:$0x3] =	stream.indirect.gather [hbm4b:s3+s14], $0x80, s9, s14, $0xb8;
	[tilespmem:$0x12B80] =	vst v63  }
0x22f: {  	s9 =	sadd.s32 $0x1478, s12  }
0x230: {  	[tilespmem:s26], [sflag:$0x3] =	stream.indirect.gather [hbm4b:s4+s14], $0x80, s9, s14, $0xb8;
	[tilespmem:$0x12B80] =	vst v63  }
0x231: {  	s12 =	sadd.s32 $0x2800, s12  }
0x232: {  	[tilespmem:s29], [sflag:$0x3] =	stream.indirect.gather [hbm4b:s5+s14], $0x80, s12, s14, $0xb8;
	[tilespmem:$0x12B80] =	vst v63  }
0x233: {  	s12 =	simm.s32 $0x0  }
0x234: {  	v0 =	vld [tilespmem:s12+$0xEF00]  }
0x235: {  	v1 =	vld [tilespmem:s12+$0x10300]  }
0x236: {  	v2 =	vld [tilespmem:s12+$0x11700]  }
0x237: {  	v3 =	vld [tilespmem:s12+$0xEF10]  }
0x238: {  	v4 =	vld [tilespmem:s12+$0x10310]  }
0x239: {  	v5 =	vld [tilespmem:s12+$0x11710];
	_ =	sdelay $0x2  }
0x23a: {  	v6 =	vld [tilespmem:s12+$0xEF20]  }
0x23b: {  	v7 =	vld [tilespmem:s12+$0xEF30];
	v1 =	vsub.bf16 v0, v1;
	v0 =	vsub.bf16 v0, v2  }
0x23c: {  	v2 =	vld [tilespmem:s12+$0x10320];
	v4 =	vsub.bf16 v3, v4;
	v3 =	vsub.bf16 v3, v5  }
0x23d: {  	v5 =	vld [tilespmem:s12+$0x10330];
	v8 =	vsub.bf16 v1, v0;
	v0 =	vadd.bf16 v0, v1  }
0x23e: {  	v1 =	vld [tilespmem:s12+$0x11720]  }
0x23f: {  	v9 =	vshll.u32 v8, $0x10;
	v10 =	vunpack.i.l.bf16.f32 v0  }
0x240: {  	v11 =	vld [tilespmem:s12+$0xEF40];
	v8 =	vand.u32 $0xFFFF0000, v8;
	v9 =	vmul.f32 v9, v10;
	v10 =	vsub.bf16 v4, v3  }
0x241: {  	v0 =	vunpack.i.u.bf16.f32 v0;
	v2 =	vsub.bf16 v6, v2;
	v3 =	vadd.bf16 v3, v4;
	v4 =	vld [tilespmem:s12+$0x11730]  }
0x242: {  	v45 =	vld [tilespmem:s12+$0x10340];
	v0 =	vmul.f32 v8, v0;
	v5 =	vsub.bf16 v7, v5;
	v9 =	vadd.f32 $0.0e+00, v9  }
0x243: {  	v1 =	vsub.bf16 v6, v1;
	v6 =	vshll.u32 v10, $0x10;
	v8 =	vunpack.i.l.bf16.f32 v3  }
0x244: {  	v10 =	vand.u32 $0xFFFF0000, v10;
	v6 =	vmul.f32 v6, v8;
	v0 =	vadd.f32 v9, v0  }
0x245: {  	v46 =	vld [tilespmem:s12+$0x11740];
	v3 =	vunpack.i.u.bf16.f32 v3;
	v8 =	vsub.bf16 v2, v1;
	v1 =	vadd.bf16 v1, v2  }
0x246: {  	v3 =	vmul.f32 v10, v3;
	v4 =	vsub.bf16 v7, v4;
	v0 =	vadd.f32 v6, v0  }
0x247: {  	v6 =	vsub.bf16 v11, v45;
	v7 =	vshll.u32 v8, $0x10;
	v10 =	vunpack.i.l.bf16.f32 v1  }
0x248: {  	v9 =	vld [tilespmem:s12+$0xEF50];
	v8 =	vand.u32 $0xFFFF0000, v8;
	v0 =	vadd.f32 v0, v3;
	v3 =	vmul.f32 v7, v10  }
0x249: {  	v2 =	vld [tilespmem:s12+$0x10350];
	v1 =	vunpack.i.u.bf16.f32 v1;
	v7 =	vsub.bf16 v5, v4;
	v4 =	vadd.bf16 v4, v5  }
0x24a: {  	v11 =	vsub.bf16 v11, v46;
	v1 =	vmul.f32 v8, v1;
	v5 =	vld [tilespmem:s12+$0x11750];
	v0 =	vadd.f32 v3, v0  }
0x24b: {  	v8 =	vshll.u32 v7, $0x10;
	v47 =	vunpack.i.l.bf16.f32 v4  }
0x24c: {  	v10 =	vld [tilespmem:s12+$0xEF60];
	v13 =	vsub.bf16 v6, v11;
	v0 =	vadd.f32 v0, v1;
	v1 =	vmul.f32 v8, v47  }
0x24d: {  	v6 =	vadd.bf16 v11, v6;
	v3 =	vld [tilespmem:s12+$0x10360];
	v7 =	vand.u32 $0xFFFF0000, v7;
	v4 =	vunpack.i.u.bf16.f32 v4  }
0x24e: {  	v11 =	vld [tilespmem:s12+$0x11760];
	v2 =	vsub.bf16 v9, v2;
	v0 =	vadd.f32 v1, v0;
	v1 =	vmul.f32 v7, v4  }
0x24f: {  	v4 =	vsub.bf16 v9, v5;
	v7 =	vshll.u32 v13, $0x10;
	v9 =	vunpack.i.l.bf16.f32 v6  }
0x250: {  	v8 =	vld [tilespmem:s12+$0xEF70];
	v6 =	vunpack.i.u.bf16.f32 v6;
	v0 =	vadd.f32 v0, v1;
	v1 =	vmul.f32 v7, v9  }
0x251: {  	v5 =	vld [tilespmem:s12+$0x10370];
	v7 =	vsub.bf16 v2, v4;
	v9 =	vand.u32 $0xFFFF0000, v13;
	v2 =	vadd.bf16 v4, v2  }
0x252: {  	v3 =	vsub.bf16 v10, v3;
	v4 =	vld [tilespmem:s12+$0x11770];
	s12 =	simm.s32 $0x80;
	v0 =	vadd.f32 v1, v0;
	v1 =	vmul.f32 v9, v6  }
0x253: {  	v48 =	vld [tilespmem:s12+$0xEF00];
	v6 =	vsub.bf16 v10, v11;
	v10 =	vshll.u32 v7, $0x10;
	v11 =	vunpack.i.l.bf16.f32 v2  }
0x254: {  	v49 =	vld [tilespmem:s12+$0xEF10];
	v7 =	vand.u32 $0xFFFF0000, v7;
	v0 =	vadd.f32 v0, v1;
	v1 =	vmul.f32 v10, v11  }
0x255: {  	v2 =	vunpack.i.u.bf16.f32 v2;
	v10 =	vsub.bf16 v3, v6;
	v11 =	vld [tilespmem:s12+$0x10300];
	v3 =	vadd.bf16 v6, v3  }
0x256: {  	v5 =	vsub.bf16 v8, v5;
	v6 =	vld [tilespmem:s12+$0x11700];
	v0 =	vadd.f32 v1, v0;
	v1 =	vmul.f32 v7, v2  }
0x257: {  	v9 =	vld [tilespmem:s12+$0xEF40];
	v2 =	vsub.bf16 v8, v4;
	v7 =	vshll.u32 v10, $0x10;
	v8 =	vunpack.i.l.bf16.f32 v3  }
0x258: {  	v4 =	vld [tilespmem:s12+$0x10340];
	v10 =	vand.u32 $0xFFFF0000, v10;
	v0 =	vadd.f32 v0, v1;
	v1 =	vmul.f32 v7, v8  }
0x259: {  	v3 =	vunpack.i.u.bf16.f32 v3;
	v7 =	vsub.bf16 v5, v2;
	v8 =	vld [tilespmem:s12+$0x10310];
	v2 =	vadd.bf16 v2, v5  }
0x25a: {  	v5 =	vsub.bf16 v48, v11;
	v11 =	vld [tilespmem:s12+$0x11710];
	v0 =	vadd.f32 v1, v0;
	v1 =	vmul.f32 v10, v3  }
0x25b: {  	v51 =	vld [tilespmem:s12+$0x10320];
	v3 =	vsub.bf16 v48, v6;
	v10 =	vshll.u32 v7, $0x10;
	v50 =	vunpack.i.l.bf16.f32 v2  }
0x25c: {  	v6 =	vld [tilespmem:s12+$0xEF20];
	v7 =	vand.u32 $0xFFFF0000, v7;
	v0 =	vadd.f32 v0, v1;
	v1 =	vmul.f32 v10, v50  }
0x25d: {  	v2 =	vunpack.i.u.bf16.f32 v2;
	v4 =	vsub.bf16 v9, v4;
	v10 =	vsub.bf16 v5, v3  }
0x25e: {  	v3 =	vadd.bf16 v3, v5;
	v5 =	vld [tilespmem:s12+$0x11720];
	v0 =	vadd.f32 v1, v0;
	v1 =	vmul.f32 v7, v2  }
0x25f: {  	v52 =	vld [tilespmem:s12+$0xEF30];
	v2 =	vsub.bf16 v49, v8;
	v7 =	vsub.bf16 v49, v11  }
0x260: {  	v8 =	vld [tilespmem:s12+$0x10330];
	v11 =	vshll.u32 v10, $0x10;
	v53 =	vunpack.i.l.bf16.f32 v3;
	v0 =	vadd.f32 v0, v1  }
0x261: {  	v10 =	vand.u32 $0xFFFF0000, v10;
	v54 =	vsub.bf16 v6, v51;
	v1 =	vmul.f32 v11, v53  }
0x262: {  	v3 =	vunpack.i.u.bf16.f32 v3;
	v11 =	vsub.bf16 v2, v7;
	v2 =	vadd.bf16 v7, v2;
	v7 =	vld [tilespmem:s12+$0x11730];
	(xrf2) =	vadd.scan.msk.f32 $0xffff, v0  }
0x263: {  	v0 =	vadd.f32 $0.0e+00, v1;
	v1 =	vmul.f32 v10, v3;
	v3 =	vsub.bf16 v6, v5  }
0x264: {  	v5 =	vld [tilespmem:s12+$0x11740];
	v6 =	vshll.u32 v11, $0x10;
	v10 =	vunpack.i.l.bf16.f32 v2;
	v11 =	vand.u32 $0xFFFF0000, v11  }
0x265: {  	v8 =	vsub.bf16 v52, v8;
	v0 =	vadd.f32 v0, v1;
	v1 =	vmul.f32 v6, v10  }
0x266: {  	v2 =	vunpack.i.u.bf16.f32 v2;
	v6 =	vsub.bf16 v54, v3;
	v3 =	vadd.bf16 v3, v54  }
0x267: {  	v0 =	vadd.f32 v1, v0;
	v1 =	vmul.f32 v11, v2;
	v2 =	vsub.bf16 v52, v7  }
0x268: {  	v55 =	vld [tilespmem:s12+$0x10350];
	v7 =	vshll.u32 v6, $0x10;
	v11 =	vunpack.i.l.bf16.f32 v3;
	v6 =	vand.u32 $0xFFFF0000, v6  }
0x269: {  	v10 =	vld [tilespmem:s12+$0xEF50];
	v5 =	vsub.bf16 v9, v5;
	v0 =	vadd.f32 v0, v1;
	v1 =	vmul.f32 v7, v11  }
0x26a: {  	v3 =	vunpack.i.u.bf16.f32 v3;
	v9 =	vld [tilespmem:s12+$0xEF60];
	v7 =	vsub.bf16 v8, v2;
	v2 =	vadd.bf16 v2, v8  }
0x26b: {  	v8 =	vld [tilespmem:s12+$0x11750];
	v57 =	vsub.bf16 v4, v5;
	v0 =	vadd.f32 v1, v0;
	v1 =	vmul.f32 v6, v3  }
0x26c: {  	v4 =	vadd.bf16 v5, v4;
	v6 =	vld [tilespmem:s12+$0x10360];
	v11 =	vshll.u32 v7, $0x10;
	v56 =	vunpack.i.l.bf16.f32 v2;
	v58, _, _ =	vpop (xrf2)  }
0x26d: {  	v0 =	vadd.f32 v0, v1;
	v1 =	vmul.f32 v11, v56;
	(v2sf) =	vpush v58, $0xF  }
0x26e: {  	v5 =	vld [tilespmem:s12+$0x11760];
	v3 =	vsub.bf16 v10, v55;
	v7 =	vand.u32 $0xFFFF0000, v7;
	v2 =	vunpack.i.u.bf16.f32 v2  }
0x26f: {  	v59 =	vand.u32 $0xFFFF0000, v57;
	v11 =	vld [tilespmem:s12+$0xEF70];
	v0 =	vadd.f32 v1, v0;
	v1 =	vmul.f32 v7, v2  }
0x270: {  	s8 =	sadd.f32 $1.000000000e+00, s8;
	v2 =	vsub.bf16 v10, v8;
	v7 =	vld [tilespmem:s12+$0x10370];
	v8 =	vshll.u32 v57, $0x10;
	v10 =	vunpack.i.l.bf16.f32 v4  }
0x271: {  	v6 =	vsub.bf16 v9, v6;
	v0 =	vadd.f32 v0, v1;
	v1 =	vmul.f32 v8, v10  }
0x272: {  	s8 =	smax.f32 s8, $0.0e+00;
	s7 =	sadd.f32 $1.000000000e+00, s7;
	v4 =	vunpack.i.u.bf16.f32 v4;
	v8 =	vsub.bf16 v3, v2;
	v10 =	vld [tilespmem:s12+$0x11770];
	v2 =	vadd.bf16 v2, v3  }
0x273: {  	s8 =	sadd.f32 s8, s13;
	s13 =	simm.s32 $0x100;
	v12 =	vmul.f32 v59, v4;
	v9 =	vsub.bf16 v9, v5;
	v1 =	vadd.f32 v1, v0  }
0x274: {  	s7 =	smax.f32 s7, $0.0e+00;
	s6 =	sadd.f32 $1.000000000e+00, s6;
	v4 =	vld [tilespmem:s13+$0xEF00];
	v5 =	vshll.u32 v8, $0x10;
	v60 =	vunpack.i.l.bf16.f32 v2;
	v62 =	vand.u32 $0xFFFF0000, v8  }
0x275: {  	s7 =	sadd.f32 s7, s8;
	v0 =	vld [tilespmem:s13+$0xEF40];
	v3 =	vsub.bf16 v11, v7;
	v61 =	vmul.f32 v5, v60;
	v7 =	vadd.f32 v1, v12  }
0x276: {  	s6 =	smax.f32 s6, $0.0e+00;
	v63 =	vunpack.i.u.bf16.f32 v2;
	v2 =	vadd.bf16 v9, v6;
	v5 =	vld [tilespmem:s13+$0x10300];
	v1 =	vsub.bf16 v6, v9  }
0x277: {  	s12 =	sadd.f32 s6, s7;
	s6 =	simm.s32 $0x600;
	v6 =	vld [tilespmem:s13+$0x11700];
	v9 =	vmul.f32 v62, v63;
	v8 =	vadd.f32 v61, v7;
	v7 =	vsub.bf16 v11, v10  }
.LBB2_9:
0x278: {  	p0 =	sne.s32 s6, $0x4E00;
	v10 =	vld [tilespmem:s13+$0x10340];
	v11 =	vshll.u32 v1, $0x10;
	v12 =	vunpack.i.l.bf16.f32 v2  }
0x279: {  	v13 =	vld [tilespmem:s13+$0xEF10];
	v8 =	vadd.f32 v8, v9;
	v9 =	vmul.f32 v11, v12;
	v11 =	vsub.bf16 v3, v7  }
0x27a: {  	v1 =	vand.u32 $0xFFFF0000, v1;
	v2 =	vunpack.i.u.bf16.f32 v2;
	v3 =	vadd.bf16 v7, v3;
	v12 =	vld [tilespmem:s13+$0x10310]  }
0x27b: {  	v1 =	vmul.f32 v1, v2;
	v5 =	vsub.bf16 v4, v5;
	v7 =	vld [tilespmem:s13+$0x11710];
	v8 =	vadd.f32 v9, v8  }
0x27c: {  	v9 =	vunpack.i.l.bf16.f32 v3;
	v2 =	vsub.bf16 v4, v6;
	v4 =	vld [tilespmem:s13+$0xEF20];
	v6 =	vshll.u32 v11, $0x10;
	s7 =	spop (v2sf)  }
0x27d: {  	v14 =	vld [tilespmem:s13+$0x10320];
	v10 =	vsub.bf16 v0, v10;
	v1 =	vadd.f32 v8, v1;
	v6 =	vmul.f32 v6, v9;
	s7 =	sadd.f32 $1.000000000e+00, s7  }
0x27e: {  	v3 =	vunpack.i.u.bf16.f32 v3;
	v11 =	vand.u32 $0xFFFF0000, v11;
	v8 =	vsub.bf16 v5, v2;
	v9 =	vld [tilespmem:s13+$0xEF30]  }
0x27f: {  	v3 =	vmul.f32 v11, v3;
	v2 =	vadd.bf16 v2, v5;
	v5 =	vld [tilespmem:s13+$0x11720];
	v1 =	vadd.f32 v6, v1;
	s7 =	smax.f32 s7, $0.0e+00  }
0x280: {  	v6 =	vsub.bf16 v13, v12;
	v7 =	vsub.bf16 v13, v7;
	v11 =	vld [tilespmem:s13+$0x10330];
	s12 =	sadd.f32 s7, s12  }
0x281: {  	v12 =	vshll.u32 v8, $0x10;
	v13 =	vunpack.i.l.bf16.f32 v2;
	v1 =	vadd.f32 v1, v3  }
0x282: {  	v3 =	vmul.f32 v12, v13;
	v12 =	vsub.bf16 v6, v7;
	v13 =	vsub.bf16 v4, v14  }
0x283: {  	v8 =	vand.u32 $0xFFFF0000, v8;
	v2 =	vunpack.i.u.bf16.f32 v2;
	v6 =	vadd.bf16 v7, v6;
	v7 =	vld [tilespmem:s13+$0x11730];
	(xrf2) =	vadd.scan.msk.f32 $0xffff, v1  }
0x284: {  	v2 =	vmul.f32 v8, v2;
	v1 =	vadd.f32 $0.0e+00, v3;
	v3 =	vsub.bf16 v4, v5;
	v4 =	vld [tilespmem:s13+$0x11740]  }
0x285: {  	v5 =	vshll.u32 v12, $0x10;
	v8 =	vunpack.i.l.bf16.f32 v6;
	v11 =	vsub.bf16 v9, v11  }
0x286: {  	v1 =	vadd.f32 v1, v2;
	v2 =	vmul.f32 v5, v8;
	v5 =	vsub.bf16 v13, v3;
	v8 =	vld [tilespmem:s13+$0xEF50]  }
0x287: {  	v12 =	vand.u32 $0xFFFF0000, v12;
	v6 =	vunpack.i.u.bf16.f32 v6;
	v3 =	vadd.bf16 v3, v13;
	v13 =	vld [tilespmem:s13+$0x10350]  }
0x288: {  	v1 =	vadd.f32 v2, v1;
	v2 =	vmul.f32 v12, v6;
	v6 =	vsub.bf16 v9, v7  }
0x289: {  	v7 =	vshll.u32 v5, $0x10;
	v9 =	vunpack.i.l.bf16.f32 v3;
	v0 =	vsub.bf16 v0, v4  }
0x28a: {  	v1 =	vadd.f32 v1, v2;
	v2 =	vmul.f32 v7, v9;
	v4 =	vsub.bf16 v11, v6;
	v7 =	vld [tilespmem:s13+$0xEF60]  }
0x28b: {  	v5 =	vand.u32 $0xFFFF0000, v5;
	v3 =	vunpack.i.u.bf16.f32 v3;
	v6 =	vadd.bf16 v6, v11;
	v9 =	vld [tilespmem:s13+$0x11750]  }
0x28c: {  	v1 =	vadd.f32 v2, v1;
	v2 =	vmul.f32 v5, v3;
	v3 =	vsub.bf16 v8, v13;
	v5 =	vld [tilespmem:s13+$0x10360]  }
0x28d: {  	v11 =	vshll.u32 v4, $0x10;
	v12 =	vunpack.i.l.bf16.f32 v6;
	v13 =	vsub.bf16 v10, v0;
	v14, _, _ =	vpop (xrf2)  }
0x28e: {  	v1 =	vadd.f32 v1, v2;
	v2 =	vmul.f32 v11, v12;
	v11 =	vld [tilespmem:s13+$0xEF70];
	(v2sf) =	vpush v14, $0xF  }
0x28f: {  	v4 =	vand.u32 $0xFFFF0000, v4;
	v6 =	vunpack.i.u.bf16.f32 v6;
	v0 =	vadd.bf16 v0, v10;
	v10 =	vld [tilespmem:s13+$0x11760]  }
0x290: {  	v1 =	vadd.f32 v2, v1;
	v2 =	vmul.f32 v4, v6;
	v4 =	vsub.bf16 v8, v9;
	v6 =	vld [tilespmem:s13+$0x10370]  }
0x291: {  	v8 =	vshll.u32 v13, $0x10;
	v9 =	vunpack.i.l.bf16.f32 v0;
	v12 =	vsub.bf16 v7, v5  }
0x292: {  	v1 =	vadd.f32 v1, v2;
	v2 =	vmul.f32 v8, v9;
	v8 =	vsub.bf16 v3, v4  }
0x293: {  	v0 =	vunpack.i.u.bf16.f32 v0;
	v5 =	vand.u32 $0xFFFF0000, v13;
	v9 =	vadd.bf16 v4, v3;
	v13 =	vld [tilespmem:s13+$0x11770]  }
.Ltmp3:
0x294: {  	s13 =	sshra.s32 s6, $0x2;
	v1 =	vadd.f32 v2, v1;
	v2 =	vmul.f32 v5, v0;
	v7 =	vsub.bf16 v7, v10;
	(pc) =	sbr.rel @p0 .LBB2_9-.Ltmp3, $4  }
0x295: {  	v5 =	vshll.u32 v8, $0x10;
	v10 =	vunpack.i.l.bf16.f32 v9;
	v0 =	vld [tilespmem:s13+$0xEF40];
	v3 =	vsub.bf16 v11, v6  }
0x296: {  	v14 =	vadd.f32 v1, v2;
	v10 =	vmul.f32 v5, v10;
	v4 =	vld [tilespmem:s13+$0xEF00];
	v1 =	vsub.bf16 v12, v7  }
0x297: {  	v15 =	vand.u32 $0xFFFF0000, v8;
	v9 =	vunpack.i.u.bf16.f32 v9;
	v2 =	vadd.bf16 v7, v12;
	v5 =	vld [tilespmem:s13+$0x10300]  }
0x298: {  	s6 =	sadd.s32 $0x200, s6;
	v9 =	vmul.f32 v15, v9;
	v8 =	vadd.f32 v10, v14;
	v6 =	vld [tilespmem:s13+$0x11700];
	v7 =	vsub.bf16 v11, v13  }
0x299: {  	v10 =	vld [tilespmem:s13+$0xEF10]  }
0x29a: {  	v11 =	vld [tilespmem:s13+$0x10310]  }
0x29b: {  	v12 =	vld [tilespmem:s13+$0x11710]  }
0x29c: {  	v13 =	vld [tilespmem:s13+$0xEF20]  }
0x29d: {  	v45 =	vshll.u32 v1, $0x10;
	v15 =	vld [tilespmem:s13+$0x10320]  }
0x29e: {  	v14 =	vunpack.i.l.bf16.f32 v2;
	v47 =	vld [tilespmem:s13+$0x11720];
	v57 =	vand.u32 $0xFFFF0000, v1;
	v8 =	vadd.f32 v8, v9  }
0x29f: {  	v50 =	vld [tilespmem:s13+$0xEF30];
	v59 =	vunpack.i.u.bf16.f32 v2;
	v9 =	vsub.bf16 v3, v7;
	v3 =	vadd.bf16 v7, v3  }
0x2a0: {  	v52 =	vld [tilespmem:s13+$0x10330];
	v46 =	vmul.f32 v45, v14;
	v5 =	vsub.bf16 v4, v5;
	v44 =	vsub.bf16 v4, v6  }
0x2a1: {  	v1 =	vmul.f32 v57, v59;
	v39 =	vshll.u32 v9, $0x10;
	v11 =	vsub.bf16 v10, v11  }
0x2a2: {  	v62 =	vld [tilespmem:s13+$0x11740];
	v40 =	vunpack.i.l.bf16.f32 v3;
	v16 =	vsub.bf16 v5, v44;
	v4 =	vadd.bf16 v44, v5  }
0x2a3: {  	v3 =	vunpack.i.u.bf16.f32 v3;
	v10 =	vsub.bf16 v10, v12;
	v53 =	vsub.bf16 v13, v15  }
0x2a4: {  	v6 =	vsub.bf16 v13, v47;
	v48 =	vshll.u32 v16, $0x10;
	v49 =	vunpack.i.l.bf16.f32 v4  }
0x2a5: {  	v54 =	vld [tilespmem:s13+$0x11730];
	v14 =	vsub.bf16 v50, v52;
	v51 =	vsub.bf16 v11, v10;
	v7 =	vmul.f32 v48, v49  }
0x2a6: {  	v19 =	vld [tilespmem:s13+$0xEF50];
	v10 =	vadd.bf16 v10, v11;
	v16 =	vand.u32 $0xFFFF0000, v16;
	v4 =	vunpack.i.u.bf16.f32 v4  }
0x2a7: {  	v21 =	vld [tilespmem:s13+$0x10350];
	v24 =	vsub.bf16 v0, v62;
	v4 =	vmul.f32 v16, v4;
	v7 =	vadd.f32 $0.0e+00, v7  }
0x2a8: {  	v5 =	vadd.f32 v46, v8;
	v55 =	vshll.u32 v51, $0x10;
	v56 =	vunpack.i.l.bf16.f32 v10  }
0x2a9: {  	v60 =	vsub.bf16 v53, v6;
	v58 =	vmul.f32 v55, v56;
	v4 =	vadd.f32 v7, v4  }
0x2aa: {  	v61 =	vld [tilespmem:s13+$0x10340];
	v6 =	vadd.bf16 v6, v53;
	v12 =	vand.u32 $0xFFFF0000, v51;
	v10 =	vunpack.i.u.bf16.f32 v10  }
0x2ab: {  	v22 =	vld [tilespmem:s13+$0x11750];
	v8 =	vsub.bf16 v50, v54;
	v10 =	vmul.f32 v12, v10;
	v4 =	vadd.f32 v58, v4  }
0x2ac: {  	v33 =	vsub.bf16 v19, v21;
	v63 =	vshll.u32 v60, $0x10;
	v18 =	vunpack.i.l.bf16.f32 v6  }
0x2ad: {  	v20 =	vsub.bf16 v14, v8;
	v2 =	vmul.f32 v63, v18;
	v4 =	vadd.f32 v4, v10  }
0x2ae: {  	v8 =	vadd.bf16 v8, v14;
	v13 =	vand.u32 $0xFFFF0000, v60;
	v6 =	vunpack.i.u.bf16.f32 v6  }
0x2af: {  	v27 =	vld [tilespmem:s13+$0xEF60];
	v11 =	vsub.bf16 v0, v61;
	v23 =	vmul.f32 v13, v6;
	v2 =	vadd.f32 v2, v4  }
0x2b0: {  	v34 =	vld [tilespmem:s13+$0x11760];
	v35 =	vsub.bf16 v19, v22;
	v25 =	vshll.u32 v20, $0x10;
	v26 =	vunpack.i.l.bf16.f32 v8  }
0x2b1: {  	v30 =	vsub.bf16 v11, v24;
	v28 =	vmul.f32 v25, v26;
	v2 =	vadd.f32 v2, v23  }
0x2b2: {  	v29 =	vld [tilespmem:s13+$0x10360];
	v0 =	vadd.bf16 v24, v11;
	v8 =	vunpack.i.u.bf16.f32 v8;
	v10 =	vand.u32 $0xFFFF0000, v20  }
0x2b3: {  	v31 =	vld [tilespmem:s13+$0xEF70];
	v41 =	vsub.bf16 v33, v35;
	v32 =	vmul.f32 v10, v8;
	v2 =	vadd.f32 v28, v2  }
0x2b4: {  	v42 =	vld [tilespmem:s13+$0x11770];
	v1 =	vadd.f32 v5, v1;
	v37 =	vshll.u32 v30, $0x10;
	v38 =	vunpack.i.l.bf16.f32 v0  }
0x2b5: {  	v5 =	vsub.bf16 v27, v34;
	v14 =	vmul.f32 v37, v38;
	v2 =	vadd.f32 v2, v32  }
0x2b6: {  	v36 =	vld [tilespmem:s13+$0x10370];
	v0 =	vunpack.i.u.bf16.f32 v0;
	v7 =	vand.u32 $0xFFFF0000, v30;
	v8 =	vadd.bf16 v35, v33  }
0x2b7: {  	v43 =	vshll.u32 v41, $0x10;
	v0 =	vmul.f32 v7, v0;
	v2 =	vadd.f32 v14, v2  }
0x2b8: {  	v47 =	vand.u32 $0xFFFF0000, v41;
	v6 =	vsub.bf16 v27, v29;
	v44 =	vunpack.i.l.bf16.f32 v8  }
0x2b9: {  	v49 =	vsub.bf16 v31, v42;
	v45 =	vmul.f32 v43, v44;
	v0 =	vadd.f32 v2, v0  }
0x2ba: {  	v46 =	vsub.bf16 v6, v5;
	v5 =	vadd.bf16 v5, v6;
	v8 =	vunpack.i.u.bf16.f32 v8  }
0x2bb: {  	v12 =	vsub.bf16 v31, v36;
	v48 =	vmul.f32 v47, v8;
	v0 =	vadd.f32 v45, v0  }
0x2bc: {  	v50 =	vand.u32 $0xFFFF0000, v9;
	v51 =	vshll.u32 v46, $0x10;
	v52 =	vunpack.i.l.bf16.f32 v5  }
0x2bd: {  	v54 =	vsub.bf16 v12, v49;
	v53 =	vmul.f32 v51, v52;
	v0 =	vadd.f32 v0, v48  }
0x2be: {  	v6 =	vadd.bf16 v49, v12;
	v7 =	vand.u32 $0xFFFF0000, v46;
	v5 =	vunpack.i.u.bf16.f32 v5  }
0x2bf: {  	v55 =	vmul.f32 v7, v5;
	v4 =	vmul.f32 v39, v40;
	v0 =	vadd.f32 v53, v0  }
0x2c0: {  	v3 =	vmul.f32 v50, v3;
	v56 =	vshll.u32 v54, $0x10;
	v57 =	vunpack.i.l.bf16.f32 v6  }
0x2c1: {  	v58 =	vmul.f32 v56, v57;
	v1 =	vadd.f32 v4, v1;
	v0 =	vadd.f32 v0, v55  }
0x2c2: {  	v59 =	vand.u32 $0xFFFF0000, v54;
	v60 =	vunpack.i.u.bf16.f32 v6  }
0x2c3: {  	v61 =	vmul.f32 v59, v60;
	v1 =	vadd.f32 v1, v3;
	v0 =	vadd.f32 v58, v0;
	_ =	sdelay $0x1  }
0x2c4: {  	(xrf2) =	vadd.scan.msk.f32 $0xffff, v1;
	v0 =	vadd.f32 v0, v61;
	_ =	sdelay $0x1  }
0x2c5: {  	(xrf2) =	vadd.scan.msk.f32 $0xffff, v0;
	_ =	sdelay $0x7  }
0x2c6: {  	v62, _, _ =	vpop (xrf2)  }
0x2c7: {  	(v2sf) =	vpush v62, $0xF  }
0x2c8: {  	v63, _, _ =	vpop (xrf2)  }
0x2c9: {  	(v2sf) =	vpush v63, $0xF;
	_ =	sdelay $0x8  }
0x2ca: {  	s6 =	spop (v2sf)  }
0x2cb: {  	s6 =	sadd.f32 $1.000000000e+00, s6;
	_ =	sdelay $0x1  }
0x2cc: {  	s6 =	smax.f32 s6, $0.0e+00  }
0x2cd: {  	s25 =	sadd.s32 $0x1, s25;
	s6 =	sadd.f32 s6, s12;
	s7 =	spop (v2sf)  }
0x2ce: {  	p0 =	sne.s32 s25, $0x1E;
	s7 =	sadd.f32 $1.000000000e+00, s7  }
.Ltmp4:
0x2cf: {  	s8 =	spop (v2sf);
	(pc) =	sbr.rel @p0 .LBB2_2-.Ltmp4, $4  }
0x2d0: {  	s7 =	smax.f32 s7, $0.0e+00;
	s8 =	sadd.f32 $1.000000000e+00, s8  }
0x2d1: {  	s6 =	sadd.f32 s7, s6  }
0x2d2: {  	s13 =	smax.f32 s8, $0.0e+00  }
0x2d3: {  	s13 =	sadd.f32 s13, s6  }
0x2d4: {  	_ =	swait.ge [sflag:s30], $0x1400  }
0x2d5: {  	[sflag:s30] =	ssyncset.done $0x0  }
0x2d6: {  	[sflag:s30] =	ssyncadd.s32 $0xFFFFEC00  }
0x2d7: {  	_ =	swait.ge [sflag:s30], $0x1400  }
0x2d8: {  	[sflag:s30] =	ssyncset.done $0x0  }
0x2d9: {  	[sflag:s30] =	ssyncadd.s32 $0xFFFFEC00  }
0x2da: {  	_ =	swait.ge [sflag:s30], $0x1400  }
0x2db: {  	[sflag:s30] =	ssyncset.done $0x0  }
0x2dc: {  	s6 =	simm.s32 $0x1338;
	[sflag:s30] =	ssyncadd.s32 $0xFFFFEC00  }
0x2dd: {  	[tilespmem:s31], [sflag:$0x4] =	stream.indirect.gather [hbm4b:s3+s14], $0x80, s6, s14, $0xb8;
	[tilespmem:$0x12B80] =	vst v63  }
0x2de: {  	s8 =	simm.s32 $0x26C0  }
0x2df: {  	[tilespmem:s0], [sflag:$0x4] =	stream.indirect.gather [hbm4b:s4+s14], $0x80, s8, s14, $0xb8;
	[tilespmem:$0x12B80] =	vst v63  }
0x2e0: {  	s9 =	simm.s32 $0x3A48;
	s12 =	simm.s32 $0x0  }
0x2e1: {  	[tilespmem:s1], [sflag:$0x4] =	stream.indirect.gather [hbm4b:s5+s14], $0x80, s9, s14, $0xb8;
	[tilespmem:$0x12B80] =	vst v63  }
0x2e2: {  	v0 =	vld [tilespmem:s12+$0x3B00]  }
0x2e3: {  	v1 =	vld [tilespmem:s12+$0x4F00]  }
0x2e4: {  	v2 =	vld [tilespmem:s12+$0x6300]  }
0x2e5: {  	v3 =	vld [tilespmem:s12+$0x3B10]  }
0x2e6: {  	v4 =	vld [tilespmem:s12+$0x4F10]  }
0x2e7: {  	v5 =	vld [tilespmem:s12+$0x6310];
	_ =	sdelay $0x2  }
0x2e8: {  	v6 =	vld [tilespmem:s12+$0x3B20]  }
0x2e9: {  	v7 =	vld [tilespmem:s12+$0x3B30];
	v1 =	vsub.bf16 v0, v1;
	v0 =	vsub.bf16 v0, v2  }
0x2ea: {  	v2 =	vld [tilespmem:s12+$0x4F20];
	v4 =	vsub.bf16 v3, v4;
	v3 =	vsub.bf16 v3, v5  }
0x2eb: {  	v5 =	vld [tilespmem:s12+$0x4F30];
	v8 =	vsub.bf16 v1, v0;
	v0 =	vadd.bf16 v0, v1  }
0x2ec: {  	v1 =	vld [tilespmem:s12+$0x6320]  }
0x2ed: {  	v9 =	vshll.u32 v8, $0x10;
	v10 =	vunpack.i.l.bf16.f32 v0  }
0x2ee: {  	v11 =	vld [tilespmem:s12+$0x3B40];
	v8 =	vand.u32 $0xFFFF0000, v8;
	v9 =	vmul.f32 v9, v10;
	v10 =	vsub.bf16 v4, v3  }
0x2ef: {  	v0 =	vunpack.i.u.bf16.f32 v0;
	v2 =	vsub.bf16 v6, v2;
	v3 =	vadd.bf16 v3, v4;
	v4 =	vld [tilespmem:s12+$0x6330]  }
0x2f0: {  	v12 =	vld [tilespmem:s12+$0x4F40];
	v0 =	vmul.f32 v8, v0;
	v5 =	vsub.bf16 v7, v5;
	v9 =	vadd.f32 $0.0e+00, v9  }
0x2f1: {  	v1 =	vsub.bf16 v6, v1;
	v6 =	vshll.u32 v10, $0x10;
	v8 =	vunpack.i.l.bf16.f32 v3  }
0x2f2: {  	v10 =	vand.u32 $0xFFFF0000, v10;
	v6 =	vmul.f32 v6, v8;
	v0 =	vadd.f32 v9, v0  }
0x2f3: {  	v13 =	vld [tilespmem:s12+$0x6340];
	v3 =	vunpack.i.u.bf16.f32 v3;
	v8 =	vsub.bf16 v2, v1;
	v1 =	vadd.bf16 v1, v2  }
0x2f4: {  	v3 =	vmul.f32 v10, v3;
	v4 =	vsub.bf16 v7, v4;
	v0 =	vadd.f32 v6, v0  }
0x2f5: {  	v6 =	vsub.bf16 v11, v12;
	v7 =	vshll.u32 v8, $0x10;
	v10 =	vunpack.i.l.bf16.f32 v1  }
0x2f6: {  	v9 =	vld [tilespmem:s12+$0x3B50];
	v8 =	vand.u32 $0xFFFF0000, v8;
	v0 =	vadd.f32 v0, v3;
	v3 =	vmul.f32 v7, v10  }
0x2f7: {  	v2 =	vld [tilespmem:s12+$0x4F50];
	v1 =	vunpack.i.u.bf16.f32 v1;
	v7 =	vsub.bf16 v5, v4;
	v4 =	vadd.bf16 v4, v5  }
0x2f8: {  	v11 =	vsub.bf16 v11, v13;
	v1 =	vmul.f32 v8, v1;
	v5 =	vld [tilespmem:s12+$0x6350];
	v0 =	vadd.f32 v3, v0  }
0x2f9: {  	v8 =	vshll.u32 v7, $0x10;
	v49 =	vunpack.i.l.bf16.f32 v4  }
0x2fa: {  	v10 =	vld [tilespmem:s12+$0x3B60];
	v13 =	vsub.bf16 v6, v11;
	v0 =	vadd.f32 v0, v1;
	v1 =	vmul.f32 v8, v49  }
0x2fb: {  	v6 =	vadd.bf16 v11, v6;
	v3 =	vld [tilespmem:s12+$0x4F60];
	v7 =	vand.u32 $0xFFFF0000, v7;
	v4 =	vunpack.i.u.bf16.f32 v4  }
0x2fc: {  	v11 =	vld [tilespmem:s12+$0x6360];
	v2 =	vsub.bf16 v9, v2;
	v0 =	vadd.f32 v1, v0;
	v1 =	vmul.f32 v7, v4  }
0x2fd: {  	v4 =	vsub.bf16 v9, v5;
	v7 =	vshll.u32 v13, $0x10;
	v9 =	vunpack.i.l.bf16.f32 v6  }
0x2fe: {  	v8 =	vld [tilespmem:s12+$0x3B70];
	v6 =	vunpack.i.u.bf16.f32 v6;
	v0 =	vadd.f32 v0, v1;
	v1 =	vmul.f32 v7, v9  }
0x2ff: {  	v5 =	vld [tilespmem:s12+$0x4F70];
	v7 =	vsub.bf16 v2, v4;
	v9 =	vand.u32 $0xFFFF0000, v13;
	v2 =	vadd.bf16 v4, v2  }
0x300: {  	s25 =	simm.s32 $0x80;
	v3 =	vsub.bf16 v10, v3;
	v4 =	vld [tilespmem:s12+$0x6370];
	v0 =	vadd.f32 v1, v0;
	v1 =	vmul.f32 v9, v6  }
0x301: {  	v50 =	vld [tilespmem:s25+$0x3B00];
	v6 =	vsub.bf16 v10, v11;
	v10 =	vshll.u32 v7, $0x10;
	v11 =	vunpack.i.l.bf16.f32 v2  }
0x302: {  	v51 =	vld [tilespmem:s25+$0x3B10];
	v7 =	vand.u32 $0xFFFF0000, v7;
	v0 =	vadd.f32 v0, v1;
	v1 =	vmul.f32 v10, v11  }
0x303: {  	v2 =	vunpack.i.u.bf16.f32 v2;
	v10 =	vsub.bf16 v3, v6;
	v11 =	vld [tilespmem:s25+$0x4F00];
	v3 =	vadd.bf16 v6, v3  }
0x304: {  	v5 =	vsub.bf16 v8, v5;
	v6 =	vld [tilespmem:s25+$0x6300];
	v0 =	vadd.f32 v1, v0;
	v1 =	vmul.f32 v7, v2  }
0x305: {  	v9 =	vld [tilespmem:s25+$0x3B40];
	v2 =	vsub.bf16 v8, v4;
	v7 =	vshll.u32 v10, $0x10;
	v8 =	vunpack.i.l.bf16.f32 v3  }
0x306: {  	v4 =	vld [tilespmem:s25+$0x4F40];
	v10 =	vand.u32 $0xFFFF0000, v10;
	v0 =	vadd.f32 v0, v1;
	v1 =	vmul.f32 v7, v8  }
0x307: {  	v3 =	vunpack.i.u.bf16.f32 v3;
	v7 =	vsub.bf16 v5, v2;
	v8 =	vld [tilespmem:s25+$0x4F10];
	v2 =	vadd.bf16 v2, v5  }
0x308: {  	v5 =	vsub.bf16 v50, v11;
	v11 =	vld [tilespmem:s25+$0x6310];
	v0 =	vadd.f32 v1, v0;
	v1 =	vmul.f32 v10, v3  }
0x309: {  	v14 =	vld [tilespmem:s25+$0x4F20];
	v3 =	vsub.bf16 v50, v6;
	v10 =	vshll.u32 v7, $0x10;
	v52 =	vunpack.i.l.bf16.f32 v2  }
0x30a: {  	v6 =	vld [tilespmem:s25+$0x3B20];
	v7 =	vand.u32 $0xFFFF0000, v7;
	v0 =	vadd.f32 v0, v1;
	v1 =	vmul.f32 v10, v52  }
0x30b: {  	v2 =	vunpack.i.u.bf16.f32 v2;
	v4 =	vsub.bf16 v9, v4;
	v10 =	vsub.bf16 v5, v3  }
0x30c: {  	v3 =	vadd.bf16 v3, v5;
	v5 =	vld [tilespmem:s25+$0x6320];
	v0 =	vadd.f32 v1, v0;
	v1 =	vmul.f32 v7, v2  }
0x30d: {  	v53 =	vld [tilespmem:s25+$0x3B30];
	v2 =	vsub.bf16 v51, v8;
	v7 =	vsub.bf16 v51, v11  }
0x30e: {  	v8 =	vld [tilespmem:s25+$0x4F30];
	v11 =	vshll.u32 v10, $0x10;
	v54 =	vunpack.i.l.bf16.f32 v3;
	v0 =	vadd.f32 v0, v1  }
0x30f: {  	v10 =	vand.u32 $0xFFFF0000, v10;
	v55 =	vsub.bf16 v6, v14;
	v1 =	vmul.f32 v11, v54  }
0x310: {  	v3 =	vunpack.i.u.bf16.f32 v3;
	v11 =	vsub.bf16 v2, v7;
	v2 =	vadd.bf16 v7, v2;
	v7 =	vld [tilespmem:s25+$0x6330];
	(xrf2) =	vadd.scan.msk.f32 $0xffff, v0  }
0x311: {  	v0 =	vadd.f32 $0.0e+00, v1;
	v1 =	vmul.f32 v10, v3;
	v3 =	vsub.bf16 v6, v5  }
0x312: {  	v5 =	vld [tilespmem:s25+$0x6340];
	v6 =	vshll.u32 v11, $0x10;
	v10 =	vunpack.i.l.bf16.f32 v2;
	v11 =	vand.u32 $0xFFFF0000, v11  }
0x313: {  	v8 =	vsub.bf16 v53, v8;
	v0 =	vadd.f32 v0, v1;
	v1 =	vmul.f32 v6, v10  }
0x314: {  	v2 =	vunpack.i.u.bf16.f32 v2;
	v6 =	vsub.bf16 v55, v3;
	v3 =	vadd.bf16 v3, v55  }
0x315: {  	v0 =	vadd.f32 v1, v0;
	v1 =	vmul.f32 v11, v2;
	v2 =	vsub.bf16 v53, v7  }
0x316: {  	v56 =	vld [tilespmem:s25+$0x4F50];
	v7 =	vshll.u32 v6, $0x10;
	v11 =	vunpack.i.l.bf16.f32 v3;
	v6 =	vand.u32 $0xFFFF0000, v6  }
0x317: {  	v10 =	vld [tilespmem:s25+$0x3B50];
	v5 =	vsub.bf16 v9, v5;
	v0 =	vadd.f32 v0, v1;
	v1 =	vmul.f32 v7, v11  }
0x318: {  	v3 =	vunpack.i.u.bf16.f32 v3;
	v7 =	vsub.bf16 v8, v2;
	v2 =	vadd.bf16 v2, v8;
	v8 =	vld [tilespmem:s25+$0x6350]  }
0x319: {  	v9 =	vld [tilespmem:s25+$0x3B60];
	v58 =	vsub.bf16 v4, v5;
	v0 =	vadd.f32 v1, v0;
	v1 =	vmul.f32 v6, v3  }
0x31a: {  	v4 =	vadd.bf16 v5, v4;
	v6 =	vld [tilespmem:s25+$0x4F60];
	v11 =	vshll.u32 v7, $0x10;
	v57 =	vunpack.i.l.bf16.f32 v2;
	v59, _, _ =	vpop (xrf2)  }
0x31b: {  	v0 =	vadd.f32 v0, v1;
	v1 =	vmul.f32 v11, v57;
	(v2sf) =	vpush v59, $0xF  }
0x31c: {  	v5 =	vld [tilespmem:s25+$0x6360];
	v3 =	vsub.bf16 v10, v56;
	v7 =	vand.u32 $0xFFFF0000, v7;
	v2 =	vunpack.i.u.bf16.f32 v2  }
0x31d: {  	v0 =	vadd.f32 v1, v0;
	v1 =	vmul.f32 v7, v2;
	v2 =	vsub.bf16 v10, v8  }
0x31e: {  	v11 =	vld [tilespmem:s25+$0x3B70];
	v8 =	vshll.u32 v58, $0x10;
	v10 =	vunpack.i.l.bf16.f32 v4;
	v4 =	vunpack.i.u.bf16.f32 v4  }
0x31f: {  	v7 =	vld [tilespmem:s25+$0x4F70];
	v60 =	vsub.bf16 v9, v6;
	v0 =	vadd.f32 v0, v1;
	v1 =	vmul.f32 v8, v10  }
0x320: {  	v6 =	vand.u32 $0xFFFF0000, v58;
	v8 =	vsub.bf16 v3, v2;
	v2 =	vadd.bf16 v2, v3;
	v10 =	vld [tilespmem:s25+$0x6370]  }
0x321: {  	s6 =	simm.s32 $0x100;
	v5 =	vsub.bf16 v9, v5;
	v6 =	vmul.f32 v6, v4;
	v1 =	vadd.f32 v1, v0  }
0x322: {  	v4 =	vld [tilespmem:s6+$0x3B00];
	v9 =	vshll.u32 v8, $0x10;
	v61 =	vunpack.i.l.bf16.f32 v2;
	v15 =	vunpack.i.u.bf16.f32 v2  }
0x323: {  	v0 =	vld [tilespmem:s6+$0x3B40];
	v2 =	vadd.bf16 v5, v60;
	v9 =	vmul.f32 v9, v61;
	v62 =	vadd.f32 v1, v6  }
0x324: {  	v63 =	vand.u32 $0xFFFF0000, v8;
	v3 =	vsub.bf16 v11, v7;
	v1 =	vsub.bf16 v60, v5;
	v6 =	vld [tilespmem:s6+$0x4F00]  }
0x325: {  	s7 =	simm.s32 $0x600;
	v7 =	vld [tilespmem:s6+$0x6300];
	v5 =	vsub.bf16 v11, v10;
	v8 =	vadd.f32 v9, v62;
	v9 =	vmul.f32 v63, v15  }
.LBB2_12:
0x326: {  	p0 =	sne.s32 s7, $0x4E00;
	v10 =	vld [tilespmem:s6+$0x4F40];
	v11 =	vshll.u32 v1, $0x10;
	v12 =	vunpack.i.l.bf16.f32 v2  }
0x327: {  	v13 =	vld [tilespmem:s6+$0x3B10];
	v8 =	vadd.f32 v8, v9;
	v9 =	vmul.f32 v11, v12;
	v11 =	vsub.bf16 v3, v5  }
0x328: {  	v1 =	vand.u32 $0xFFFF0000, v1;
	v2 =	vunpack.i.u.bf16.f32 v2;
	v3 =	vadd.bf16 v5, v3;
	v12 =	vld [tilespmem:s6+$0x4F10]  }
0x329: {  	v1 =	vmul.f32 v1, v2;
	v5 =	vsub.bf16 v4, v6;
	v6 =	vld [tilespmem:s6+$0x6310];
	v8 =	vadd.f32 v9, v8  }
0x32a: {  	v9 =	vunpack.i.l.bf16.f32 v3;
	v2 =	vsub.bf16 v4, v7;
	v4 =	vld [tilespmem:s6+$0x3B20];
	v7 =	vshll.u32 v11, $0x10;
	s8 =	spop (v2sf)  }
0x32b: {  	v14 =	vld [tilespmem:s6+$0x4F20];
	v10 =	vsub.bf16 v0, v10;
	v1 =	vadd.f32 v8, v1;
	v7 =	vmul.f32 v7, v9;
	s8 =	sadd.f32 $1.000000000e+00, s8  }
0x32c: {  	v3 =	vunpack.i.u.bf16.f32 v3;
	v11 =	vand.u32 $0xFFFF0000, v11;
	v8 =	vsub.bf16 v5, v2;
	v9 =	vld [tilespmem:s6+$0x3B30]  }
0x32d: {  	v3 =	vmul.f32 v11, v3;
	v2 =	vadd.bf16 v2, v5;
	v5 =	vld [tilespmem:s6+$0x6320];
	v1 =	vadd.f32 v7, v1;
	s8 =	smax.f32 s8, $0.0e+00  }
0x32e: {  	v7 =	vsub.bf16 v13, v12;
	v6 =	vsub.bf16 v13, v6;
	v11 =	vld [tilespmem:s6+$0x4F30];
	s13 =	sadd.f32 s8, s13  }
0x32f: {  	v12 =	vshll.u32 v8, $0x10;
	v13 =	vunpack.i.l.bf16.f32 v2;
	v1 =	vadd.f32 v1, v3  }
0x330: {  	v3 =	vmul.f32 v12, v13;
	v12 =	vsub.bf16 v7, v6;
	v13 =	vsub.bf16 v4, v14  }
0x331: {  	v8 =	vand.u32 $0xFFFF0000, v8;
	v2 =	vunpack.i.u.bf16.f32 v2;
	v6 =	vadd.bf16 v6, v7;
	v7 =	vld [tilespmem:s6+$0x6330];
	(xrf2) =	vadd.scan.msk.f32 $0xffff, v1  }
0x332: {  	v2 =	vmul.f32 v8, v2;
	v1 =	vadd.f32 $0.0e+00, v3;
	v3 =	vsub.bf16 v4, v5;
	v4 =	vld [tilespmem:s6+$0x6340]  }
0x333: {  	v5 =	vshll.u32 v12, $0x10;
	v8 =	vunpack.i.l.bf16.f32 v6;
	v11 =	vsub.bf16 v9, v11  }
0x334: {  	v1 =	vadd.f32 v1, v2;
	v2 =	vmul.f32 v5, v8;
	v5 =	vsub.bf16 v13, v3;
	v8 =	vld [tilespmem:s6+$0x3B50]  }
0x335: {  	v12 =	vand.u32 $0xFFFF0000, v12;
	v6 =	vunpack.i.u.bf16.f32 v6;
	v3 =	vadd.bf16 v3, v13;
	v13 =	vld [tilespmem:s6+$0x4F50]  }
0x336: {  	v1 =	vadd.f32 v2, v1;
	v2 =	vmul.f32 v12, v6;
	v6 =	vsub.bf16 v9, v7  }
0x337: {  	v7 =	vshll.u32 v5, $0x10;
	v9 =	vunpack.i.l.bf16.f32 v3;
	v0 =	vsub.bf16 v0, v4  }
0x338: {  	v1 =	vadd.f32 v1, v2;
	v2 =	vmul.f32 v7, v9;
	v4 =	vsub.bf16 v11, v6;
	v7 =	vld [tilespmem:s6+$0x3B60]  }
0x339: {  	v5 =	vand.u32 $0xFFFF0000, v5;
	v3 =	vunpack.i.u.bf16.f32 v3;
	v6 =	vadd.bf16 v6, v11;
	v9 =	vld [tilespmem:s6+$0x6350]  }
0x33a: {  	v1 =	vadd.f32 v2, v1;
	v2 =	vmul.f32 v5, v3;
	v3 =	vsub.bf16 v8, v13;
	v5 =	vld [tilespmem:s6+$0x4F60]  }
0x33b: {  	v11 =	vshll.u32 v4, $0x10;
	v12 =	vunpack.i.l.bf16.f32 v6;
	v13 =	vsub.bf16 v10, v0;
	v14, _, _ =	vpop (xrf2)  }
0x33c: {  	v1 =	vadd.f32 v1, v2;
	v2 =	vmul.f32 v11, v12;
	v11 =	vld [tilespmem:s6+$0x3B70];
	(v2sf) =	vpush v14, $0xF  }
0x33d: {  	v4 =	vand.u32 $0xFFFF0000, v4;
	v6 =	vunpack.i.u.bf16.f32 v6;
	v0 =	vadd.bf16 v0, v10;
	v10 =	vld [tilespmem:s6+$0x6360]  }
0x33e: {  	v1 =	vadd.f32 v2, v1;
	v2 =	vmul.f32 v4, v6;
	v4 =	vsub.bf16 v8, v9;
	v6 =	vld [tilespmem:s6+$0x4F70]  }
0x33f: {  	v8 =	vshll.u32 v13, $0x10;
	v9 =	vunpack.i.l.bf16.f32 v0;
	v5 =	vsub.bf16 v7, v5  }
0x340: {  	v1 =	vadd.f32 v1, v2;
	v2 =	vmul.f32 v8, v9;
	v8 =	vsub.bf16 v3, v4  }
0x341: {  	v0 =	vunpack.i.u.bf16.f32 v0;
	v9 =	vand.u32 $0xFFFF0000, v13;
	v12 =	vadd.bf16 v4, v3;
	v13 =	vld [tilespmem:s6+$0x6370]  }
.Ltmp5:
0x342: {  	s6 =	sshra.s32 s7, $0x2;
	v1 =	vadd.f32 v2, v1;
	v2 =	vmul.f32 v9, v0;
	v7 =	vsub.bf16 v7, v10;
	(pc) =	sbr.rel @p0 .LBB2_12-.Ltmp5, $4  }
0x343: {  	v9 =	vshll.u32 v8, $0x10;
	v10 =	vunpack.i.l.bf16.f32 v12;
	v0 =	vld [tilespmem:s6+$0x3B40];
	v3 =	vsub.bf16 v11, v6  }
0x344: {  	v14 =	vadd.f32 v1, v2;
	v9 =	vmul.f32 v9, v10;
	v4 =	vld [tilespmem:s6+$0x3B00];
	v1 =	vsub.bf16 v5, v7  }
0x345: {  	v12 =	vunpack.i.u.bf16.f32 v12;
	v10 =	vand.u32 $0xFFFF0000, v8;
	v2 =	vadd.bf16 v7, v5;
	v6 =	vld [tilespmem:s6+$0x4F00]  }
0x346: {  	s7 =	sadd.s32 $0x200, s7;
	v8 =	vadd.f32 v9, v14;
	v9 =	vmul.f32 v10, v12;
	v7 =	vld [tilespmem:s6+$0x6300];
	v5 =	vsub.bf16 v11, v13  }
0x347: {  	v10 =	vld [tilespmem:s6+$0x3B10]  }
0x348: {  	v11 =	vld [tilespmem:s6+$0x4F10]  }
0x349: {  	v12 =	vld [tilespmem:s6+$0x6310]  }
0x34a: {  	v13 =	vshll.u32 v1, $0x10;
	v14 =	vunpack.i.l.bf16.f32 v2;
	v17 =	vld [tilespmem:s6+$0x3B30];
	v8 =	vadd.f32 v8, v9  }
0x34b: {  	v32 =	vld [tilespmem:s6+$0x6330];
	v1 =	vand.u32 $0xFFFF0000, v1;
	v6 =	vsub.bf16 v4, v6;
	v4 =	vsub.bf16 v4, v7  }
0x34c: {  	v2 =	vunpack.i.u.bf16.f32 v2;
	v9 =	vld [tilespmem:s6+$0x4F20];
	v29 =	vsub.bf16 v3, v5;
	v3 =	vadd.bf16 v5, v3  }
0x34d: {  	v13 =	vmul.f32 v13, v14;
	v7 =	vld [tilespmem:s6+$0x3B20];
	v15 =	vsub.bf16 v6, v4;
	v4 =	vadd.bf16 v4, v6  }
0x34e: {  	v1 =	vmul.f32 v1, v2;
	v11 =	vsub.bf16 v10, v11;
	v10 =	vsub.bf16 v10, v12;
	v6 =	vld [tilespmem:s6+$0x6320]  }
0x34f: {  	v8 =	vadd.f32 v13, v8;
	v30 =	vshll.u32 v15, $0x10;
	v16 =	vunpack.i.l.bf16.f32 v4  }
0x350: {  	v34 =	vsub.bf16 v17, v32;
	v31 =	vsub.bf16 v11, v10;
	v14 =	vmul.f32 v30, v16  }
0x351: {  	v10 =	vadd.bf16 v10, v11;
	v11 =	vld [tilespmem:s6+$0x4F30];
	v15 =	vand.u32 $0xFFFF0000, v15;
	v4 =	vunpack.i.u.bf16.f32 v4  }
0x352: {  	v9 =	vsub.bf16 v7, v9;
	v4 =	vmul.f32 v15, v4;
	v14 =	vadd.f32 $0.0e+00, v14  }
0x353: {  	v5 =	vshll.u32 v31, $0x10;
	v6 =	vsub.bf16 v7, v6;
	v7 =	vunpack.i.l.bf16.f32 v10  }
0x354: {  	v33 =	vand.u32 $0xFFFF0000, v31;
	v5 =	vmul.f32 v5, v7;
	v4 =	vadd.f32 v14, v4  }
0x355: {  	v10 =	vunpack.i.u.bf16.f32 v10;
	v7 =	vsub.bf16 v9, v6;
	v6 =	vadd.bf16 v6, v9;
	v9 =	vld [tilespmem:s6+$0x4F40]  }
0x356: {  	v11 =	vsub.bf16 v17, v11;
	v4 =	vadd.f32 v5, v4;
	v5 =	vmul.f32 v33, v10;
	v10 =	vld [tilespmem:s6+$0x6340]  }
0x357: {  	v1 =	vadd.f32 v8, v1;
	v35 =	vshll.u32 v7, $0x10;
	v36 =	vunpack.i.l.bf16.f32 v6  }
0x358: {  	v39 =	vld [tilespmem:s6+$0x4F50];
	v38 =	vsub.bf16 v11, v34;
	v37 =	vmul.f32 v35, v36;
	v4 =	vadd.f32 v4, v5  }
0x359: {  	v11 =	vadd.bf16 v34, v11;
	v7 =	vand.u32 $0xFFFF0000, v7;
	v6 =	vunpack.i.u.bf16.f32 v6;
	v5 =	vld [tilespmem:s6+$0x3B50]  }
0x35a: {  	v6 =	vmul.f32 v7, v6;
	v7 =	vld [tilespmem:s6+$0x6350];
	v2 =	vsub.bf16 v0, v9;
	v4 =	vadd.f32 v37, v4  }
0x35b: {  	v9 =	vshll.u32 v38, $0x10;
	v0 =	vsub.bf16 v0, v10;
	v10 =	vunpack.i.l.bf16.f32 v11  }
0x35c: {  	v41 =	vand.u32 $0xFFFF0000, v38;
	v4 =	vadd.f32 v4, v6;
	v6 =	vld [tilespmem:s6+$0x3B60];
	v9 =	vmul.f32 v9, v10  }
0x35d: {  	v11 =	vunpack.i.u.bf16.f32 v11;
	v10 =	vsub.bf16 v2, v0;
	v0 =	vadd.bf16 v0, v2;
	v2 =	vld [tilespmem:s6+$0x4F60]  }
0x35e: {  	v11 =	vmul.f32 v41, v11;
	v40 =	vsub.bf16 v5, v39;
	v4 =	vadd.f32 v9, v4;
	v9 =	vld [tilespmem:s6+$0x6360]  }
0x35f: {  	v5 =	vsub.bf16 v5, v7;
	v7 =	vld [tilespmem:s6+$0x3B70];
	v8 =	vshll.u32 v10, $0x10;
	v42 =	vunpack.i.l.bf16.f32 v0  }
0x360: {  	v44 =	vshll.u32 v29, $0x10;
	v4 =	vadd.f32 v4, v11;
	v11 =	vld [tilespmem:s6+$0x4F70];
	v8 =	vmul.f32 v8, v42  }
0x361: {  	v43 =	vsub.bf16 v40, v5;
	v10 =	vand.u32 $0xFFFF0000, v10;
	v0 =	vunpack.i.u.bf16.f32 v0  }
0x362: {  	v5 =	vadd.bf16 v5, v40;
	v0 =	vmul.f32 v10, v0;
	v4 =	vadd.f32 v8, v4  }
0x363: {  	v10 =	vunpack.i.l.bf16.f32 v3;
	v8 =	vld [tilespmem:s6+$0x6370];
	v2 =	vsub.bf16 v6, v2;
	v6 =	vsub.bf16 v6, v9  }
0x364: {  	v9 =	vshll.u32 v43, $0x10;
	v0 =	vadd.f32 v4, v0;
	v4 =	vunpack.i.l.bf16.f32 v5  }
0x365: {  	v14 =	vand.u32 $0xFFFF0000, v43;
	v11 =	vsub.bf16 v7, v11;
	v4 =	vmul.f32 v9, v4  }
0x366: {  	v5 =	vunpack.i.u.bf16.f32 v5;
	v9 =	vsub.bf16 v2, v6;
	v2 =	vadd.bf16 v6, v2  }
0x367: {  	v6 =	vmul.f32 v44, v10;
	v0 =	vadd.f32 v4, v0;
	v4 =	vmul.f32 v14, v5  }
0x368: {  	v5 =	vsub.bf16 v7, v8;
	v7 =	vshll.u32 v9, $0x10;
	v8 =	vunpack.i.l.bf16.f32 v2  }
0x369: {  	v2 =	vunpack.i.u.bf16.f32 v2;
	v0 =	vadd.f32 v0, v4;
	v4 =	vmul.f32 v7, v8  }
0x36a: {  	v7 =	vsub.bf16 v11, v5;
	v8 =	vand.u32 $0xFFFF0000, v9;
	v5 =	vadd.bf16 v5, v11  }
0x36b: {  	v3 =	vunpack.i.u.bf16.f32 v3;
	v2 =	vmul.f32 v8, v2;
	v0 =	vadd.f32 v4, v0  }
0x36c: {  	v1 =	vadd.f32 v6, v1;
	v4 =	vshll.u32 v7, $0x10;
	v8 =	vunpack.i.l.bf16.f32 v5  }
0x36d: {  	v9 =	vand.u32 $0xFFFF0000, v29;
	v0 =	vadd.f32 v0, v2;
	v2 =	vmul.f32 v4, v8  }
0x36e: {  	v3 =	vmul.f32 v9, v3;
	v5 =	vunpack.i.u.bf16.f32 v5;
	v4 =	vand.u32 $0xFFFF0000, v7  }
0x36f: {  	v0 =	vadd.f32 v2, v0;
	v2 =	vmul.f32 v4, v5  }
0x370: {  	v1 =	vadd.f32 v1, v3  }
0x371: {  	v0 =	vadd.f32 v0, v2  }
0x372: {  	(xrf2) =	vadd.scan.msk.f32 $0xffff, v1  }
0x373: {  	(xrf2) =	vadd.scan.msk.f32 $0xffff, v0;
	_ =	sdelay $0x8  }
0x374: {  	v0, _, _ =	vpop (xrf2)  }
0x375: {  	(v2sf) =	vpush v0, $0xF;
	v0, _, _ =	vpop (xrf2)  }
0x376: {  	(v2sf) =	vpush v0, $0xF;
	_ =	sdelay $0xc  }
0x377: {  	s8 =	spop (v2sf)  }
0x378: {  	s6 =	spop (v2sf)  }
0x379: {  	s7 =	spop (v2sf)  }
0x37a: {  	_ =	swait.ge [sflag:s19], $0x1400  }
0x37b: {  	[sflag:s19] =	ssyncset.done $0x0  }
0x37c: {  	[sflag:s19] =	ssyncadd.s32 $0xFFFFEC00  }
0x37d: {  	_ =	swait.ge [sflag:s19], $0x1400  }
0x37e: {  	[sflag:s19] =	ssyncset.done $0x0  }
0x37f: {  	[sflag:s19] =	ssyncadd.s32 $0xFFFFEC00  }
0x380: {  	_ =	swait.ge [sflag:s19], $0x1400  }
0x381: {  	[sflag:s19] =	ssyncset.done $0x0  }
0x382: {  	s9 =	simm.s32 $0x1360;
	[sflag:s19] =	ssyncadd.s32 $0xFFFFEC00  }
0x383: {  	[tilespmem:s15], [sflag:$0x1] =	stream.indirect.gather [hbm4b:s3+s14], $0x80, s9, s14, $0xb8;
	[tilespmem:$0x12B80] =	vst v63  }
0x384: {  	s25 =	simm.s32 $0x26E8  }
0x385: {  	[tilespmem:s16], [sflag:$0x1] =	stream.indirect.gather [hbm4b:s4+s14], $0x80, s25, s14, $0xb8;
	[tilespmem:$0x12B80] =	vst v63  }
0x386: {  	s12 =	simm.s32 $0x3A70;
	s25 =	simm.s32 $0x0  }
0x387: {  	[tilespmem:s17], [sflag:$0x1] =	stream.indirect.gather [hbm4b:s5+s14], $0x80, s12, s14, $0xb8;
	[tilespmem:$0x12B80] =	vst v63  }
0x388: {  	v0 =	vld [tilespmem:s25+$0x7700]  }
0x389: {  	v1 =	vld [tilespmem:s25+$0x8B00]  }
0x38a: {  	v2 =	vld [tilespmem:s25+$0x9F00]  }
0x38b: {  	v3 =	vld [tilespmem:s25+$0x7710]  }
0x38c: {  	v4 =	vld [tilespmem:s25+$0x8B10]  }
0x38d: {  	v5 =	vld [tilespmem:s25+$0x9F10];
	_ =	sdelay $0x2  }
0x38e: {  	v6 =	vld [tilespmem:s25+$0x7720]  }
0x38f: {  	v7 =	vld [tilespmem:s25+$0x7730];
	v1 =	vsub.bf16 v0, v1;
	v0 =	vsub.bf16 v0, v2  }
0x390: {  	v2 =	vld [tilespmem:s25+$0x8B20];
	v4 =	vsub.bf16 v3, v4;
	v3 =	vsub.bf16 v3, v5  }
0x391: {  	v5 =	vld [tilespmem:s25+$0x8B30];
	v8 =	vsub.bf16 v1, v0;
	v0 =	vadd.bf16 v0, v1  }
0x392: {  	v1 =	vld [tilespmem:s25+$0x9F20]  }
0x393: {  	v9 =	vshll.u32 v8, $0x10;
	v10 =	vunpack.i.l.bf16.f32 v0  }
0x394: {  	v11 =	vld [tilespmem:s25+$0x7740];
	v8 =	vand.u32 $0xFFFF0000, v8;
	v9 =	vmul.f32 v9, v10;
	v10 =	vsub.bf16 v4, v3  }
0x395: {  	v0 =	vunpack.i.u.bf16.f32 v0;
	v2 =	vsub.bf16 v6, v2;
	v3 =	vadd.bf16 v3, v4;
	v4 =	vld [tilespmem:s25+$0x9F30]  }
0x396: {  	v45 =	vld [tilespmem:s25+$0x8B40];
	v0 =	vmul.f32 v8, v0;
	v5 =	vsub.bf16 v7, v5;
	v9 =	vadd.f32 $0.0e+00, v9  }
0x397: {  	v1 =	vsub.bf16 v6, v1;
	v6 =	vshll.u32 v10, $0x10;
	v8 =	vunpack.i.l.bf16.f32 v3  }
0x398: {  	v10 =	vand.u32 $0xFFFF0000, v10;
	v6 =	vmul.f32 v6, v8;
	v0 =	vadd.f32 v9, v0  }
0x399: {  	v46 =	vld [tilespmem:s25+$0x9F40];
	v3 =	vunpack.i.u.bf16.f32 v3;
	v8 =	vsub.bf16 v2, v1;
	v1 =	vadd.bf16 v1, v2  }
0x39a: {  	v3 =	vmul.f32 v10, v3;
	v4 =	vsub.bf16 v7, v4;
	v0 =	vadd.f32 v6, v0  }
0x39b: {  	v6 =	vsub.bf16 v11, v45;
	v7 =	vshll.u32 v8, $0x10;
	v10 =	vunpack.i.l.bf16.f32 v1  }
0x39c: {  	v9 =	vld [tilespmem:s25+$0x7750];
	v8 =	vand.u32 $0xFFFF0000, v8;
	v0 =	vadd.f32 v0, v3;
	v3 =	vmul.f32 v7, v10  }
0x39d: {  	v2 =	vld [tilespmem:s25+$0x8B50];
	v1 =	vunpack.i.u.bf16.f32 v1;
	v7 =	vsub.bf16 v5, v4;
	v4 =	vadd.bf16 v4, v5  }
0x39e: {  	v11 =	vsub.bf16 v11, v46;
	v1 =	vmul.f32 v8, v1;
	v5 =	vld [tilespmem:s25+$0x9F50];
	v0 =	vadd.f32 v3, v0  }
0x39f: {  	v8 =	vshll.u32 v7, $0x10;
	v47 =	vunpack.i.l.bf16.f32 v4  }
0x3a0: {  	v10 =	vld [tilespmem:s25+$0x7760];
	v13 =	vsub.bf16 v6, v11;
	v0 =	vadd.f32 v0, v1;
	v1 =	vmul.f32 v8, v47  }
0x3a1: {  	v6 =	vadd.bf16 v11, v6;
	v3 =	vld [tilespmem:s25+$0x8B60];
	v7 =	vand.u32 $0xFFFF0000, v7;
	v4 =	vunpack.i.u.bf16.f32 v4  }
0x3a2: {  	v11 =	vld [tilespmem:s25+$0x9F60];
	v2 =	vsub.bf16 v9, v2;
	v0 =	vadd.f32 v1, v0;
	v1 =	vmul.f32 v7, v4  }
0x3a3: {  	v4 =	vsub.bf16 v9, v5;
	v7 =	vshll.u32 v13, $0x10;
	v9 =	vunpack.i.l.bf16.f32 v6  }
0x3a4: {  	v8 =	vld [tilespmem:s25+$0x7770];
	v6 =	vunpack.i.u.bf16.f32 v6;
	v0 =	vadd.f32 v0, v1;
	v1 =	vmul.f32 v7, v9  }
0x3a5: {  	v5 =	vld [tilespmem:s25+$0x8B70];
	v7 =	vsub.bf16 v2, v4;
	v9 =	vand.u32 $0xFFFF0000, v13;
	v2 =	vadd.bf16 v4, v2  }
0x3a6: {  	s12 =	simm.s32 $0x80;
	v3 =	vsub.bf16 v10, v3;
	v4 =	vld [tilespmem:s25+$0x9F70];
	v0 =	vadd.f32 v1, v0;
	v1 =	vmul.f32 v9, v6  }
0x3a7: {  	v48 =	vld [tilespmem:s12+$0x7700];
	v6 =	vsub.bf16 v10, v11;
	v10 =	vshll.u32 v7, $0x10;
	v11 =	vunpack.i.l.bf16.f32 v2  }
0x3a8: {  	v49 =	vld [tilespmem:s12+$0x7710];
	v7 =	vand.u32 $0xFFFF0000, v7;
	v0 =	vadd.f32 v0, v1;
	v1 =	vmul.f32 v10, v11  }
0x3a9: {  	v2 =	vunpack.i.u.bf16.f32 v2;
	v10 =	vsub.bf16 v3, v6;
	v11 =	vld [tilespmem:s12+$0x8B00];
	v3 =	vadd.bf16 v6, v3  }
0x3aa: {  	v5 =	vsub.bf16 v8, v5;
	v6 =	vld [tilespmem:s12+$0x9F00];
	v0 =	vadd.f32 v1, v0;
	v1 =	vmul.f32 v7, v2  }
0x3ab: {  	v9 =	vld [tilespmem:s12+$0x7740];
	v2 =	vsub.bf16 v8, v4;
	v7 =	vshll.u32 v10, $0x10;
	v8 =	vunpack.i.l.bf16.f32 v3  }
0x3ac: {  	v4 =	vld [tilespmem:s12+$0x8B40];
	v10 =	vand.u32 $0xFFFF0000, v10;
	v0 =	vadd.f32 v0, v1;
	v1 =	vmul.f32 v7, v8  }
0x3ad: {  	v3 =	vunpack.i.u.bf16.f32 v3;
	v7 =	vsub.bf16 v5, v2;
	v8 =	vld [tilespmem:s12+$0x8B10];
	v2 =	vadd.bf16 v2, v5  }
0x3ae: {  	v5 =	vsub.bf16 v48, v11;
	v11 =	vld [tilespmem:s12+$0x9F10];
	v0 =	vadd.f32 v1, v0;
	v1 =	vmul.f32 v10, v3  }
0x3af: {  	v51 =	vld [tilespmem:s12+$0x8B20];
	v3 =	vsub.bf16 v48, v6;
	v10 =	vshll.u32 v7, $0x10;
	v50 =	vunpack.i.l.bf16.f32 v2  }
0x3b0: {  	v6 =	vld [tilespmem:s12+$0x7720];
	v7 =	vand.u32 $0xFFFF0000, v7;
	v0 =	vadd.f32 v0, v1;
	v1 =	vmul.f32 v10, v50  }
0x3b1: {  	v2 =	vunpack.i.u.bf16.f32 v2;
	v4 =	vsub.bf16 v9, v4;
	v10 =	vsub.bf16 v5, v3  }
0x3b2: {  	v3 =	vadd.bf16 v3, v5;
	v5 =	vld [tilespmem:s12+$0x9F20];
	v0 =	vadd.f32 v1, v0;
	v1 =	vmul.f32 v7, v2  }
0x3b3: {  	v52 =	vld [tilespmem:s12+$0x7730];
	v2 =	vsub.bf16 v49, v8;
	v7 =	vsub.bf16 v49, v11  }
0x3b4: {  	v8 =	vld [tilespmem:s12+$0x8B30];
	v11 =	vshll.u32 v10, $0x10;
	v53 =	vunpack.i.l.bf16.f32 v3;
	v0 =	vadd.f32 v0, v1  }
0x3b5: {  	v10 =	vand.u32 $0xFFFF0000, v10;
	v54 =	vsub.bf16 v6, v51;
	v1 =	vmul.f32 v11, v53  }
0x3b6: {  	v3 =	vunpack.i.u.bf16.f32 v3;
	v11 =	vsub.bf16 v2, v7;
	v2 =	vadd.bf16 v7, v2;
	v7 =	vld [tilespmem:s12+$0x9F30];
	(xrf2) =	vadd.scan.msk.f32 $0xffff, v0  }
0x3b7: {  	v0 =	vadd.f32 $0.0e+00, v1;
	v1 =	vmul.f32 v10, v3;
	v3 =	vsub.bf16 v6, v5  }
0x3b8: {  	v5 =	vld [tilespmem:s12+$0x9F40];
	v6 =	vshll.u32 v11, $0x10;
	v10 =	vunpack.i.l.bf16.f32 v2;
	v11 =	vand.u32 $0xFFFF0000, v11  }
0x3b9: {  	v8 =	vsub.bf16 v52, v8;
	v0 =	vadd.f32 v0, v1;
	v1 =	vmul.f32 v6, v10  }
0x3ba: {  	v2 =	vunpack.i.u.bf16.f32 v2;
	v6 =	vsub.bf16 v54, v3;
	v3 =	vadd.bf16 v3, v54  }
0x3bb: {  	v0 =	vadd.f32 v1, v0;
	v1 =	vmul.f32 v11, v2;
	v2 =	vsub.bf16 v52, v7  }
0x3bc: {  	v55 =	vld [tilespmem:s12+$0x8B50];
	v7 =	vshll.u32 v6, $0x10;
	v11 =	vunpack.i.l.bf16.f32 v3;
	v6 =	vand.u32 $0xFFFF0000, v6  }
0x3bd: {  	v10 =	vld [tilespmem:s12+$0x7750];
	v5 =	vsub.bf16 v9, v5;
	v0 =	vadd.f32 v0, v1;
	v1 =	vmul.f32 v7, v11  }
0x3be: {  	v3 =	vunpack.i.u.bf16.f32 v3;
	v7 =	vsub.bf16 v8, v2;
	v2 =	vadd.bf16 v2, v8;
	v8 =	vld [tilespmem:s12+$0x9F50]  }
0x3bf: {  	v9 =	vld [tilespmem:s12+$0x7760];
	v57 =	vsub.bf16 v4, v5;
	v0 =	vadd.f32 v1, v0;
	v1 =	vmul.f32 v6, v3  }
0x3c0: {  	v4 =	vadd.bf16 v5, v4;
	v6 =	vld [tilespmem:s12+$0x8B60];
	v11 =	vshll.u32 v7, $0x10;
	v56 =	vunpack.i.l.bf16.f32 v2;
	v58, _, _ =	vpop (xrf2)  }
0x3c1: {  	v0 =	vadd.f32 v0, v1;
	v1 =	vmul.f32 v11, v56;
	(v2sf) =	vpush v58, $0xF  }
0x3c2: {  	v5 =	vld [tilespmem:s12+$0x9F60];
	v3 =	vsub.bf16 v10, v55;
	v7 =	vand.u32 $0xFFFF0000, v7;
	v2 =	vunpack.i.u.bf16.f32 v2  }
0x3c3: {  	v0 =	vadd.f32 v1, v0;
	v1 =	vmul.f32 v7, v2;
	v2 =	vsub.bf16 v10, v8  }
0x3c4: {  	s8 =	sadd.f32 $1.000000000e+00, s8;
	v11 =	vld [tilespmem:s12+$0x7770];
	v8 =	vshll.u32 v57, $0x10;
	v10 =	vunpack.i.l.bf16.f32 v4;
	v4 =	vunpack.i.u.bf16.f32 v4  }
0x3c5: {  	v7 =	vld [tilespmem:s12+$0x8B70];
	v59 =	vsub.bf16 v9, v6;
	v0 =	vadd.f32 v0, v1;
	v1 =	vmul.f32 v8, v10  }
0x3c6: {  	s8 =	smax.f32 s8, $0.0e+00;
	s25 =	sadd.f32 $1.000000000e+00, s6;
	v6 =	vand.u32 $0xFFFF0000, v57;
	v8 =	vsub.bf16 v3, v2;
	v10 =	vld [tilespmem:s12+$0x9F70];
	v2 =	vadd.bf16 v2, v3  }
0x3c7: {  	s8 =	sadd.f32 s8, s13;
	s6 =	simm.s32 $0x100;
	v5 =	vsub.bf16 v9, v5;
	v6 =	vmul.f32 v6, v4;
	v1 =	vadd.f32 v1, v0  }
0x3c8: {  	s7 =	sadd.f32 $1.000000000e+00, s7;
	s9 =	smax.f32 s25, $0.0e+00;
	v4 =	vld [tilespmem:s6+$0x7700];
	v9 =	vshll.u32 v8, $0x10;
	v60 =	vunpack.i.l.bf16.f32 v2;
	v63 =	vunpack.i.u.bf16.f32 v2  }
0x3c9: {  	s8 =	sadd.f32 s9, s8;
	v0 =	vld [tilespmem:s6+$0x7740];
	v2 =	vadd.bf16 v5, v59;
	v9 =	vmul.f32 v9, v60;
	v61 =	vadd.f32 v1, v6  }
0x3ca: {  	s7 =	smax.f32 s7, $0.0e+00;
	v62 =	vand.u32 $0xFFFF0000, v8;
	v3 =	vsub.bf16 v11, v7;
	v1 =	vsub.bf16 v59, v5;
	v6 =	vld [tilespmem:s6+$0x8B00]  }
0x3cb: {  	s12 =	sadd.f32 s7, s8;
	s7 =	simm.s32 $0x600;
	v7 =	vld [tilespmem:s6+$0x9F00];
	v5 =	vsub.bf16 v11, v10;
	v8 =	vadd.f32 v9, v61;
	v9 =	vmul.f32 v62, v63  }
.LBB2_14:
0x3cc: {  	p0 =	sne.s32 s7, $0x4E00;
	v10 =	vld [tilespmem:s6+$0x8B40];
	v11 =	vshll.u32 v1, $0x10;
	v12 =	vunpack.i.l.bf16.f32 v2  }
0x3cd: {  	v13 =	vld [tilespmem:s6+$0x7710];
	v8 =	vadd.f32 v8, v9;
	v9 =	vmul.f32 v11, v12;
	v11 =	vsub.bf16 v3, v5  }
0x3ce: {  	v1 =	vand.u32 $0xFFFF0000, v1;
	v2 =	vunpack.i.u.bf16.f32 v2;
	v3 =	vadd.bf16 v5, v3;
	v12 =	vld [tilespmem:s6+$0x8B10]  }
0x3cf: {  	v1 =	vmul.f32 v1, v2;
	v5 =	vsub.bf16 v4, v6;
	v6 =	vld [tilespmem:s6+$0x9F10];
	v8 =	vadd.f32 v9, v8  }
0x3d0: {  	v9 =	vunpack.i.l.bf16.f32 v3;
	v2 =	vsub.bf16 v4, v7;
	v4 =	vld [tilespmem:s6+$0x7720];
	v7 =	vshll.u32 v11, $0x10;
	s8 =	spop (v2sf)  }
0x3d1: {  	v14 =	vld [tilespmem:s6+$0x8B20];
	v10 =	vsub.bf16 v0, v10;
	v1 =	vadd.f32 v8, v1;
	v7 =	vmul.f32 v7, v9;
	s8 =	sadd.f32 $1.000000000e+00, s8  }
0x3d2: {  	v3 =	vunpack.i.u.bf16.f32 v3;
	v11 =	vand.u32 $0xFFFF0000, v11;
	v8 =	vsub.bf16 v5, v2;
	v9 =	vld [tilespmem:s6+$0x7730]  }
0x3d3: {  	v3 =	vmul.f32 v11, v3;
	v2 =	vadd.bf16 v2, v5;
	v5 =	vld [tilespmem:s6+$0x9F20];
	v1 =	vadd.f32 v7, v1;
	s8 =	smax.f32 s8, $0.0e+00  }
0x3d4: {  	v7 =	vsub.bf16 v13, v12;
	v6 =	vsub.bf16 v13, v6;
	v11 =	vld [tilespmem:s6+$0x8B30];
	s12 =	sadd.f32 s8, s12  }
0x3d5: {  	v12 =	vshll.u32 v8, $0x10;
	v13 =	vunpack.i.l.bf16.f32 v2;
	v1 =	vadd.f32 v1, v3  }
0x3d6: {  	v3 =	vmul.f32 v12, v13;
	v12 =	vsub.bf16 v7, v6;
	v13 =	vsub.bf16 v4, v14  }
0x3d7: {  	v8 =	vand.u32 $0xFFFF0000, v8;
	v2 =	vunpack.i.u.bf16.f32 v2;
	v6 =	vadd.bf16 v6, v7;
	v7 =	vld [tilespmem:s6+$0x9F30];
	(xrf2) =	vadd.scan.msk.f32 $0xffff, v1  }
0x3d8: {  	v2 =	vmul.f32 v8, v2;
	v1 =	vadd.f32 $0.0e+00, v3;
	v3 =	vsub.bf16 v4, v5;
	v4 =	vld [tilespmem:s6+$0x9F40]  }
0x3d9: {  	v5 =	vshll.u32 v12, $0x10;
	v8 =	vunpack.i.l.bf16.f32 v6;
	v11 =	vsub.bf16 v9, v11  }
0x3da: {  	v1 =	vadd.f32 v1, v2;
	v2 =	vmul.f32 v5, v8;
	v5 =	vsub.bf16 v13, v3;
	v8 =	vld [tilespmem:s6+$0x7750]  }
0x3db: {  	v12 =	vand.u32 $0xFFFF0000, v12;
	v6 =	vunpack.i.u.bf16.f32 v6;
	v3 =	vadd.bf16 v3, v13;
	v13 =	vld [tilespmem:s6+$0x8B50]  }
0x3dc: {  	v1 =	vadd.f32 v2, v1;
	v2 =	vmul.f32 v12, v6;
	v6 =	vsub.bf16 v9, v7  }
0x3dd: {  	v7 =	vshll.u32 v5, $0x10;
	v9 =	vunpack.i.l.bf16.f32 v3;
	v0 =	vsub.bf16 v0, v4  }
0x3de: {  	v1 =	vadd.f32 v1, v2;
	v2 =	vmul.f32 v7, v9;
	v4 =	vsub.bf16 v11, v6;
	v7 =	vld [tilespmem:s6+$0x7760]  }
0x3df: {  	v5 =	vand.u32 $0xFFFF0000, v5;
	v3 =	vunpack.i.u.bf16.f32 v3;
	v6 =	vadd.bf16 v6, v11;
	v9 =	vld [tilespmem:s6+$0x9F50]  }
0x3e0: {  	v1 =	vadd.f32 v2, v1;
	v2 =	vmul.f32 v5, v3;
	v3 =	vsub.bf16 v8, v13;
	v5 =	vld [tilespmem:s6+$0x8B60]  }
0x3e1: {  	v11 =	vshll.u32 v4, $0x10;
	v12 =	vunpack.i.l.bf16.f32 v6;
	v13 =	vsub.bf16 v10, v0;
	v14, _, _ =	vpop (xrf2)  }
0x3e2: {  	v1 =	vadd.f32 v1, v2;
	v2 =	vmul.f32 v11, v12;
	v11 =	vld [tilespmem:s6+$0x7770];
	(v2sf) =	vpush v14, $0xF  }
0x3e3: {  	v4 =	vand.u32 $0xFFFF0000, v4;
	v6 =	vunpack.i.u.bf16.f32 v6;
	v0 =	vadd.bf16 v0, v10;
	v10 =	vld [tilespmem:s6+$0x9F60]  }
0x3e4: {  	v1 =	vadd.f32 v2, v1;
	v2 =	vmul.f32 v4, v6;
	v4 =	vsub.bf16 v8, v9;
	v6 =	vld [tilespmem:s6+$0x8B70]  }
0x3e5: {  	v8 =	vshll.u32 v13, $0x10;
	v9 =	vunpack.i.l.bf16.f32 v0;
	v5 =	vsub.bf16 v7, v5  }
0x3e6: {  	v1 =	vadd.f32 v1, v2;
	v2 =	vmul.f32 v8, v9;
	v8 =	vsub.bf16 v3, v4  }
0x3e7: {  	v0 =	vunpack.i.u.bf16.f32 v0;
	v9 =	vand.u32 $0xFFFF0000, v13;
	v12 =	vadd.bf16 v4, v3;
	v13 =	vld [tilespmem:s6+$0x9F70]  }
.Ltmp6:
0x3e8: {  	s6 =	sshra.s32 s7, $0x2;
	v1 =	vadd.f32 v2, v1;
	v2 =	vmul.f32 v9, v0;
	v7 =	vsub.bf16 v7, v10;
	(pc) =	sbr.rel @p0 .LBB2_14-.Ltmp6, $4  }
0x3e9: {  	v9 =	vshll.u32 v8, $0x10;
	v10 =	vunpack.i.l.bf16.f32 v12;
	v0 =	vld [tilespmem:s6+$0x7740];
	v3 =	vsub.bf16 v11, v6  }
0x3ea: {  	v14 =	vadd.f32 v1, v2;
	v9 =	vmul.f32 v9, v10;
	v4 =	vld [tilespmem:s6+$0x7700];
	v1 =	vsub.bf16 v5, v7  }
0x3eb: {  	v12 =	vunpack.i.u.bf16.f32 v12;
	v10 =	vand.u32 $0xFFFF0000, v8;
	v2 =	vadd.bf16 v7, v5;
	v6 =	vld [tilespmem:s6+$0x8B00]  }
0x3ec: {  	s7 =	sadd.s32 $0x200, s7;
	v8 =	vadd.f32 v9, v14;
	v9 =	vmul.f32 v10, v12;
	v7 =	vld [tilespmem:s6+$0x9F00];
	v5 =	vsub.bf16 v11, v13  }
0x3ed: {  	v10 =	vld [tilespmem:s6+$0x7710]  }
0x3ee: {  	v11 =	vld [tilespmem:s6+$0x8B10]  }
0x3ef: {  	v12 =	vld [tilespmem:s6+$0x9F10]  }
0x3f0: {  	v13 =	vshll.u32 v1, $0x10;
	v14 =	vunpack.i.l.bf16.f32 v2;
	v17 =	vld [tilespmem:s6+$0x7730];
	v8 =	vadd.f32 v8, v9  }
0x3f1: {  	v32 =	vld [tilespmem:s6+$0x9F30];
	v1 =	vand.u32 $0xFFFF0000, v1;
	v6 =	vsub.bf16 v4, v6;
	v4 =	vsub.bf16 v4, v7  }
0x3f2: {  	v2 =	vunpack.i.u.bf16.f32 v2;
	v9 =	vld [tilespmem:s6+$0x8B20];
	v29 =	vsub.bf16 v3, v5;
	v3 =	vadd.bf16 v5, v3  }
0x3f3: {  	v13 =	vmul.f32 v13, v14;
	v7 =	vld [tilespmem:s6+$0x7720];
	v15 =	vsub.bf16 v6, v4;
	v4 =	vadd.bf16 v4, v6  }
0x3f4: {  	v1 =	vmul.f32 v1, v2;
	v11 =	vsub.bf16 v10, v11;
	v10 =	vsub.bf16 v10, v12;
	v6 =	vld [tilespmem:s6+$0x9F20]  }
0x3f5: {  	v8 =	vadd.f32 v13, v8;
	v30 =	vshll.u32 v15, $0x10;
	v16 =	vunpack.i.l.bf16.f32 v4  }
0x3f6: {  	v34 =	vsub.bf16 v17, v32;
	v31 =	vsub.bf16 v11, v10;
	v14 =	vmul.f32 v30, v16  }
0x3f7: {  	v10 =	vadd.bf16 v10, v11;
	v11 =	vld [tilespmem:s6+$0x8B30];
	v15 =	vand.u32 $0xFFFF0000, v15;
	v4 =	vunpack.i.u.bf16.f32 v4  }
0x3f8: {  	v9 =	vsub.bf16 v7, v9;
	v4 =	vmul.f32 v15, v4;
	v14 =	vadd.f32 $0.0e+00, v14  }
0x3f9: {  	v5 =	vshll.u32 v31, $0x10;
	v6 =	vsub.bf16 v7, v6;
	v7 =	vunpack.i.l.bf16.f32 v10  }
0x3fa: {  	v33 =	vand.u32 $0xFFFF0000, v31;
	v5 =	vmul.f32 v5, v7;
	v4 =	vadd.f32 v14, v4  }
0x3fb: {  	v10 =	vunpack.i.u.bf16.f32 v10;
	v7 =	vsub.bf16 v9, v6;
	v6 =	vadd.bf16 v6, v9;
	v9 =	vld [tilespmem:s6+$0x8B40]  }
0x3fc: {  	v11 =	vsub.bf16 v17, v11;
	v4 =	vadd.f32 v5, v4;
	v5 =	vmul.f32 v33, v10;
	v10 =	vld [tilespmem:s6+$0x9F40]  }
0x3fd: {  	v1 =	vadd.f32 v8, v1;
	v35 =	vshll.u32 v7, $0x10;
	v36 =	vunpack.i.l.bf16.f32 v6  }
0x3fe: {  	v39 =	vld [tilespmem:s6+$0x8B50];
	v38 =	vsub.bf16 v11, v34;
	v37 =	vmul.f32 v35, v36;
	v4 =	vadd.f32 v4, v5  }
0x3ff: {  	v11 =	vadd.bf16 v34, v11;
	v7 =	vand.u32 $0xFFFF0000, v7;
	v6 =	vunpack.i.u.bf16.f32 v6;
	v5 =	vld [tilespmem:s6+$0x7750]  }
0x400: {  	v6 =	vmul.f32 v7, v6;
	v7 =	vld [tilespmem:s6+$0x9F50];
	v2 =	vsub.bf16 v0, v9;
	v4 =	vadd.f32 v37, v4  }
0x401: {  	v9 =	vshll.u32 v38, $0x10;
	v0 =	vsub.bf16 v0, v10;
	v10 =	vunpack.i.l.bf16.f32 v11  }
0x402: {  	v41 =	vand.u32 $0xFFFF0000, v38;
	v4 =	vadd.f32 v4, v6;
	v6 =	vld [tilespmem:s6+$0x7760];
	v9 =	vmul.f32 v9, v10  }
0x403: {  	v11 =	vunpack.i.u.bf16.f32 v11;
	v10 =	vsub.bf16 v2, v0;
	v0 =	vadd.bf16 v0, v2;
	v2 =	vld [tilespmem:s6+$0x8B60]  }
0x404: {  	v11 =	vmul.f32 v41, v11;
	v40 =	vsub.bf16 v5, v39;
	v4 =	vadd.f32 v9, v4;
	v9 =	vld [tilespmem:s6+$0x9F60]  }
0x405: {  	v5 =	vsub.bf16 v5, v7;
	v7 =	vld [tilespmem:s6+$0x7770];
	v8 =	vshll.u32 v10, $0x10;
	v42 =	vunpack.i.l.bf16.f32 v0  }
0x406: {  	v44 =	vshll.u32 v29, $0x10;
	v4 =	vadd.f32 v4, v11;
	v11 =	vld [tilespmem:s6+$0x8B70];
	v8 =	vmul.f32 v8, v42  }
0x407: {  	v43 =	vsub.bf16 v40, v5;
	v10 =	vand.u32 $0xFFFF0000, v10;
	v0 =	vunpack.i.u.bf16.f32 v0  }
0x408: {  	v5 =	vadd.bf16 v5, v40;
	v0 =	vmul.f32 v10, v0;
	v4 =	vadd.f32 v8, v4  }
0x409: {  	v10 =	vunpack.i.l.bf16.f32 v3;
	v8 =	vld [tilespmem:s6+$0x9F70];
	v2 =	vsub.bf16 v6, v2;
	v6 =	vsub.bf16 v6, v9  }
0x40a: {  	v9 =	vshll.u32 v43, $0x10;
	v0 =	vadd.f32 v4, v0;
	v4 =	vunpack.i.l.bf16.f32 v5  }
0x40b: {  	v14 =	vand.u32 $0xFFFF0000, v43;
	v11 =	vsub.bf16 v7, v11;
	v4 =	vmul.f32 v9, v4  }
0x40c: {  	v5 =	vunpack.i.u.bf16.f32 v5;
	v9 =	vsub.bf16 v2, v6;
	v2 =	vadd.bf16 v6, v2  }
0x40d: {  	v6 =	vmul.f32 v44, v10;
	v0 =	vadd.f32 v4, v0;
	v4 =	vmul.f32 v14, v5  }
0x40e: {  	v5 =	vsub.bf16 v7, v8;
	v7 =	vshll.u32 v9, $0x10;
	v8 =	vunpack.i.l.bf16.f32 v2  }
0x40f: {  	v2 =	vunpack.i.u.bf16.f32 v2;
	v0 =	vadd.f32 v0, v4;
	v4 =	vmul.f32 v7, v8  }
0x410: {  	v7 =	vsub.bf16 v11, v5;
	v8 =	vand.u32 $0xFFFF0000, v9;
	v5 =	vadd.bf16 v5, v11  }
0x411: {  	v3 =	vunpack.i.u.bf16.f32 v3;
	v2 =	vmul.f32 v8, v2;
	v0 =	vadd.f32 v4, v0  }
0x412: {  	v1 =	vadd.f32 v6, v1;
	v4 =	vshll.u32 v7, $0x10;
	v8 =	vunpack.i.l.bf16.f32 v5  }
0x413: {  	v9 =	vand.u32 $0xFFFF0000, v29;
	v0 =	vadd.f32 v0, v2;
	v2 =	vmul.f32 v4, v8  }
0x414: {  	v3 =	vmul.f32 v9, v3;
	v5 =	vunpack.i.u.bf16.f32 v5;
	v4 =	vand.u32 $0xFFFF0000, v7  }
0x415: {  	v0 =	vadd.f32 v2, v0;
	v2 =	vmul.f32 v4, v5  }
0x416: {  	v1 =	vadd.f32 v1, v3  }
0x417: {  	v0 =	vadd.f32 v0, v2  }
0x418: {  	(xrf2) =	vadd.scan.msk.f32 $0xffff, v1  }
0x419: {  	(xrf2) =	vadd.scan.msk.f32 $0xffff, v0;
	_ =	sdelay $0x8  }
0x41a: {  	v0, _, _ =	vpop (xrf2)  }
0x41b: {  	(v2sf) =	vpush v0, $0xF;
	v0, _, _ =	vpop (xrf2)  }
0x41c: {  	(v2sf) =	vpush v0, $0xF;
	_ =	sdelay $0xc  }
0x41d: {  	s8 =	spop (v2sf)  }
0x41e: {  	s25 =	spop (v2sf)  }
0x41f: {  	s7 =	spop (v2sf)  }
0x420: {  	_ =	swait.ge [sflag:s21], $0x1400  }
0x421: {  	[sflag:s21] =	ssyncset.done $0x0  }
0x422: {  	[sflag:s21] =	ssyncadd.s32 $0xFFFFEC00  }
0x423: {  	_ =	swait.ge [sflag:s21], $0x1400  }
0x424: {  	[sflag:s21] =	ssyncset.done $0x0  }
0x425: {  	[sflag:s21] =	ssyncadd.s32 $0xFFFFEC00  }
0x426: {  	_ =	swait.ge [sflag:s21], $0x1400  }
0x427: {  	[sflag:s21] =	ssyncset.done $0x0  }
0x428: {  	s9 =	simm.s32 $0x0;
	[sflag:s21] =	ssyncadd.s32 $0xFFFFEC00  }
0x429: {  	v0 =	vld [tilespmem:s9+$0xB300]  }
0x42a: {  	v1 =	vld [tilespmem:s9+$0xC700]  }
0x42b: {  	v2 =	vld [tilespmem:s9+$0xDB00]  }
0x42c: {  	v3 =	vld [tilespmem:s9+$0xB310]  }
0x42d: {  	v4 =	vld [tilespmem:s9+$0xC710]  }
0x42e: {  	v5 =	vld [tilespmem:s9+$0xDB10];
	_ =	sdelay $0x2  }
0x42f: {  	v6 =	vld [tilespmem:s9+$0xB320]  }
0x430: {  	v7 =	vld [tilespmem:s9+$0xB330];
	v1 =	vsub.bf16 v0, v1;
	v0 =	vsub.bf16 v0, v2  }
0x431: {  	v2 =	vld [tilespmem:s9+$0xC720];
	v4 =	vsub.bf16 v3, v4;
	v3 =	vsub.bf16 v3, v5  }
0x432: {  	v5 =	vld [tilespmem:s9+$0xC730];
	v8 =	vsub.bf16 v1, v0;
	v0 =	vadd.bf16 v0, v1  }
0x433: {  	v1 =	vld [tilespmem:s9+$0xDB20]  }
0x434: {  	v9 =	vshll.u32 v8, $0x10;
	v10 =	vunpack.i.l.bf16.f32 v0  }
0x435: {  	v11 =	vld [tilespmem:s9+$0xB340];
	v8 =	vand.u32 $0xFFFF0000, v8;
	v9 =	vmul.f32 v9, v10;
	v10 =	vsub.bf16 v4, v3  }
0x436: {  	v0 =	vunpack.i.u.bf16.f32 v0;
	v2 =	vsub.bf16 v6, v2;
	v3 =	vadd.bf16 v3, v4;
	v4 =	vld [tilespmem:s9+$0xDB30]  }
0x437: {  	v45 =	vld [tilespmem:s9+$0xC740];
	v0 =	vmul.f32 v8, v0;
	v5 =	vsub.bf16 v7, v5;
	v9 =	vadd.f32 $0.0e+00, v9  }
0x438: {  	v1 =	vsub.bf16 v6, v1;
	v6 =	vshll.u32 v10, $0x10;
	v8 =	vunpack.i.l.bf16.f32 v3  }
0x439: {  	v10 =	vand.u32 $0xFFFF0000, v10;
	v6 =	vmul.f32 v6, v8;
	v0 =	vadd.f32 v9, v0  }
0x43a: {  	v46 =	vld [tilespmem:s9+$0xDB40];
	v3 =	vunpack.i.u.bf16.f32 v3;
	v8 =	vsub.bf16 v2, v1;
	v1 =	vadd.bf16 v1, v2  }
0x43b: {  	v3 =	vmul.f32 v10, v3;
	v4 =	vsub.bf16 v7, v4;
	v0 =	vadd.f32 v6, v0  }
0x43c: {  	v6 =	vsub.bf16 v11, v45;
	v7 =	vshll.u32 v8, $0x10;
	v10 =	vunpack.i.l.bf16.f32 v1  }
0x43d: {  	v9 =	vld [tilespmem:s9+$0xB350];
	v8 =	vand.u32 $0xFFFF0000, v8;
	v0 =	vadd.f32 v0, v3;
	v3 =	vmul.f32 v7, v10  }
0x43e: {  	v2 =	vld [tilespmem:s9+$0xC750];
	v1 =	vunpack.i.u.bf16.f32 v1;
	v7 =	vsub.bf16 v5, v4;
	v4 =	vadd.bf16 v4, v5  }
0x43f: {  	v11 =	vsub.bf16 v11, v46;
	v1 =	vmul.f32 v8, v1;
	v5 =	vld [tilespmem:s9+$0xDB50];
	v0 =	vadd.f32 v3, v0  }
0x440: {  	v8 =	vshll.u32 v7, $0x10;
	v47 =	vunpack.i.l.bf16.f32 v4  }
0x441: {  	v10 =	vld [tilespmem:s9+$0xB360];
	v13 =	vsub.bf16 v6, v11;
	v0 =	vadd.f32 v0, v1;
	v1 =	vmul.f32 v8, v47  }
0x442: {  	v6 =	vadd.bf16 v11, v6;
	v3 =	vld [tilespmem:s9+$0xC760];
	v7 =	vand.u32 $0xFFFF0000, v7;
	v4 =	vunpack.i.u.bf16.f32 v4  }
0x443: {  	v11 =	vld [tilespmem:s9+$0xDB60];
	v2 =	vsub.bf16 v9, v2;
	v0 =	vadd.f32 v1, v0;
	v1 =	vmul.f32 v7, v4  }
0x444: {  	v4 =	vsub.bf16 v9, v5;
	v7 =	vshll.u32 v13, $0x10;
	v9 =	vunpack.i.l.bf16.f32 v6  }
0x445: {  	v8 =	vld [tilespmem:s9+$0xB370];
	v6 =	vunpack.i.u.bf16.f32 v6;
	v0 =	vadd.f32 v0, v1;
	v1 =	vmul.f32 v7, v9  }
0x446: {  	v5 =	vld [tilespmem:s9+$0xC770];
	v7 =	vsub.bf16 v2, v4;
	v9 =	vand.u32 $0xFFFF0000, v13;
	v2 =	vadd.bf16 v4, v2  }
0x447: {  	s13 =	simm.s32 $0x80;
	v3 =	vsub.bf16 v10, v3;
	v4 =	vld [tilespmem:s9+$0xDB70];
	v0 =	vadd.f32 v1, v0;
	v1 =	vmul.f32 v9, v6  }
0x448: {  	v48 =	vld [tilespmem:s13+$0xB300];
	v6 =	vsub.bf16 v10, v11;
	v10 =	vshll.u32 v7, $0x10;
	v11 =	vunpack.i.l.bf16.f32 v2  }
0x449: {  	v49 =	vld [tilespmem:s13+$0xB310];
	v7 =	vand.u32 $0xFFFF0000, v7;
	v0 =	vadd.f32 v0, v1;
	v1 =	vmul.f32 v10, v11  }
0x44a: {  	v2 =	vunpack.i.u.bf16.f32 v2;
	v10 =	vsub.bf16 v3, v6;
	v11 =	vld [tilespmem:s13+$0xC700];
	v3 =	vadd.bf16 v6, v3  }
0x44b: {  	v5 =	vsub.bf16 v8, v5;
	v6 =	vld [tilespmem:s13+$0xDB00];
	v0 =	vadd.f32 v1, v0;
	v1 =	vmul.f32 v7, v2  }
0x44c: {  	v9 =	vld [tilespmem:s13+$0xB340];
	v2 =	vsub.bf16 v8, v4;
	v7 =	vshll.u32 v10, $0x10;
	v8 =	vunpack.i.l.bf16.f32 v3  }
0x44d: {  	v4 =	vld [tilespmem:s13+$0xC740];
	v10 =	vand.u32 $0xFFFF0000, v10;
	v0 =	vadd.f32 v0, v1;
	v1 =	vmul.f32 v7, v8  }
0x44e: {  	v3 =	vunpack.i.u.bf16.f32 v3;
	v7 =	vsub.bf16 v5, v2;
	v8 =	vld [tilespmem:s13+$0xC710];
	v2 =	vadd.bf16 v2, v5  }
0x44f: {  	v5 =	vsub.bf16 v48, v11;
	v11 =	vld [tilespmem:s13+$0xDB10];
	v0 =	vadd.f32 v1, v0;
	v1 =	vmul.f32 v10, v3  }
0x450: {  	v51 =	vld [tilespmem:s13+$0xC720];
	v3 =	vsub.bf16 v48, v6;
	v10 =	vshll.u32 v7, $0x10;
	v50 =	vunpack.i.l.bf16.f32 v2  }
0x451: {  	v6 =	vld [tilespmem:s13+$0xB320];
	v7 =	vand.u32 $0xFFFF0000, v7;
	v0 =	vadd.f32 v0, v1;
	v1 =	vmul.f32 v10, v50  }
0x452: {  	v2 =	vunpack.i.u.bf16.f32 v2;
	v4 =	vsub.bf16 v9, v4;
	v10 =	vsub.bf16 v5, v3  }
0x453: {  	v3 =	vadd.bf16 v3, v5;
	v5 =	vld [tilespmem:s13+$0xDB20];
	v0 =	vadd.f32 v1, v0;
	v1 =	vmul.f32 v7, v2  }
0x454: {  	v52 =	vld [tilespmem:s13+$0xB330];
	v2 =	vsub.bf16 v49, v8;
	v7 =	vsub.bf16 v49, v11  }
0x455: {  	v8 =	vld [tilespmem:s13+$0xC730];
	v11 =	vshll.u32 v10, $0x10;
	v53 =	vunpack.i.l.bf16.f32 v3;
	v0 =	vadd.f32 v0, v1  }
0x456: {  	v10 =	vand.u32 $0xFFFF0000, v10;
	v54 =	vsub.bf16 v6, v51;
	v1 =	vmul.f32 v11, v53  }
0x457: {  	v3 =	vunpack.i.u.bf16.f32 v3;
	v11 =	vsub.bf16 v2, v7;
	v2 =	vadd.bf16 v7, v2;
	v7 =	vld [tilespmem:s13+$0xDB30];
	(xrf2) =	vadd.scan.msk.f32 $0xffff, v0  }
0x458: {  	v0 =	vadd.f32 $0.0e+00, v1;
	v1 =	vmul.f32 v10, v3;
	v3 =	vsub.bf16 v6, v5  }
0x459: {  	v5 =	vld [tilespmem:s13+$0xDB40];
	v6 =	vshll.u32 v11, $0x10;
	v10 =	vunpack.i.l.bf16.f32 v2;
	v11 =	vand.u32 $0xFFFF0000, v11  }
0x45a: {  	v8 =	vsub.bf16 v52, v8;
	v0 =	vadd.f32 v0, v1;
	v1 =	vmul.f32 v6, v10  }
0x45b: {  	v2 =	vunpack.i.u.bf16.f32 v2;
	v6 =	vsub.bf16 v54, v3;
	v3 =	vadd.bf16 v3, v54  }
0x45c: {  	v0 =	vadd.f32 v1, v0;
	v1 =	vmul.f32 v11, v2;
	v2 =	vsub.bf16 v52, v7  }
0x45d: {  	v55 =	vld [tilespmem:s13+$0xC750];
	v7 =	vshll.u32 v6, $0x10;
	v11 =	vunpack.i.l.bf16.f32 v3;
	v6 =	vand.u32 $0xFFFF0000, v6  }
0x45e: {  	v10 =	vld [tilespmem:s13+$0xB350];
	v5 =	vsub.bf16 v9, v5;
	v0 =	vadd.f32 v0, v1;
	v1 =	vmul.f32 v7, v11  }
0x45f: {  	v3 =	vunpack.i.u.bf16.f32 v3;
	v7 =	vsub.bf16 v8, v2;
	v2 =	vadd.bf16 v2, v8;
	v8 =	vld [tilespmem:s13+$0xDB50]  }
0x460: {  	v9 =	vld [tilespmem:s13+$0xB360];
	v57 =	vsub.bf16 v4, v5;
	v0 =	vadd.f32 v1, v0;
	v1 =	vmul.f32 v6, v3  }
0x461: {  	v4 =	vadd.bf16 v5, v4;
	v6 =	vld [tilespmem:s13+$0xC760];
	v11 =	vshll.u32 v7, $0x10;
	v56 =	vunpack.i.l.bf16.f32 v2;
	v58, _, _ =	vpop (xrf2)  }
0x462: {  	v0 =	vadd.f32 v0, v1;
	v1 =	vmul.f32 v11, v56;
	(v2sf) =	vpush v58, $0xF  }
0x463: {  	v5 =	vld [tilespmem:s13+$0xDB60];
	v3 =	vsub.bf16 v10, v55;
	v7 =	vand.u32 $0xFFFF0000, v7;
	v2 =	vunpack.i.u.bf16.f32 v2  }
0x464: {  	v0 =	vadd.f32 v1, v0;
	v1 =	vmul.f32 v7, v2;
	v2 =	vsub.bf16 v10, v8  }
0x465: {  	s8 =	sadd.f32 $1.000000000e+00, s8;
	v11 =	vld [tilespmem:s13+$0xB370];
	v8 =	vshll.u32 v57, $0x10;
	v10 =	vunpack.i.l.bf16.f32 v4;
	v4 =	vunpack.i.u.bf16.f32 v4  }
0x466: {  	v7 =	vld [tilespmem:s13+$0xC770];
	v59 =	vsub.bf16 v9, v6;
	v0 =	vadd.f32 v0, v1;
	v1 =	vmul.f32 v8, v10  }
0x467: {  	s8 =	smax.f32 s8, $0.0e+00;
	s25 =	sadd.f32 $1.000000000e+00, s25;
	v6 =	vand.u32 $0xFFFF0000, v57;
	v8 =	vsub.bf16 v3, v2;
	v10 =	vld [tilespmem:s13+$0xDB70];
	v2 =	vadd.bf16 v2, v3  }
0x468: {  	s8 =	sadd.f32 s8, s12;
	s6 =	simm.s32 $0x100;
	v5 =	vsub.bf16 v9, v5;
	v6 =	vmul.f32 v6, v4;
	v1 =	vadd.f32 v1, v0  }
0x469: {  	s7 =	sadd.f32 $1.000000000e+00, s7;
	s9 =	smax.f32 s25, $0.0e+00;
	v4 =	vld [tilespmem:s6+$0xB300];
	v9 =	vshll.u32 v8, $0x10;
	v60 =	vunpack.i.l.bf16.f32 v2;
	v63 =	vunpack.i.u.bf16.f32 v2  }
0x46a: {  	s8 =	sadd.f32 s9, s8;
	v0 =	vld [tilespmem:s6+$0xB340];
	v2 =	vadd.bf16 v5, v59;
	v9 =	vmul.f32 v9, v60;
	v61 =	vadd.f32 v1, v6  }
0x46b: {  	s7 =	smax.f32 s7, $0.0e+00;
	v62 =	vand.u32 $0xFFFF0000, v8;
	v3 =	vsub.bf16 v11, v7;
	v1 =	vsub.bf16 v59, v5;
	v6 =	vld [tilespmem:s6+$0xC700]  }
0x46c: {  	s12 =	sadd.f32 s7, s8;
	s7 =	simm.s32 $0x600;
	v7 =	vld [tilespmem:s6+$0xDB00];
	v5 =	vsub.bf16 v11, v10;
	v8 =	vadd.f32 v9, v61;
	v9 =	vmul.f32 v62, v63  }
.LBB2_16:
0x46d: {  	p0 =	sne.s32 s7, $0x4E00;
	v10 =	vld [tilespmem:s6+$0xC740];
	v11 =	vshll.u32 v1, $0x10;
	v12 =	vunpack.i.l.bf16.f32 v2  }
0x46e: {  	v13 =	vld [tilespmem:s6+$0xB310];
	v8 =	vadd.f32 v8, v9;
	v9 =	vmul.f32 v11, v12;
	v11 =	vsub.bf16 v3, v5  }
0x46f: {  	v1 =	vand.u32 $0xFFFF0000, v1;
	v2 =	vunpack.i.u.bf16.f32 v2;
	v3 =	vadd.bf16 v5, v3;
	v12 =	vld [tilespmem:s6+$0xC710]  }
0x470: {  	v1 =	vmul.f32 v1, v2;
	v5 =	vsub.bf16 v4, v6;
	v6 =	vld [tilespmem:s6+$0xDB10];
	v8 =	vadd.f32 v9, v8  }
0x471: {  	v9 =	vunpack.i.l.bf16.f32 v3;
	v2 =	vsub.bf16 v4, v7;
	v4 =	vld [tilespmem:s6+$0xB320];
	v7 =	vshll.u32 v11, $0x10;
	s8 =	spop (v2sf)  }
0x472: {  	v14 =	vld [tilespmem:s6+$0xC720];
	v10 =	vsub.bf16 v0, v10;
	v1 =	vadd.f32 v8, v1;
	v7 =	vmul.f32 v7, v9;
	s8 =	sadd.f32 $1.000000000e+00, s8  }
0x473: {  	v3 =	vunpack.i.u.bf16.f32 v3;
	v11 =	vand.u32 $0xFFFF0000, v11;
	v8 =	vsub.bf16 v5, v2;
	v9 =	vld [tilespmem:s6+$0xB330]  }
0x474: {  	v3 =	vmul.f32 v11, v3;
	v2 =	vadd.bf16 v2, v5;
	v5 =	vld [tilespmem:s6+$0xDB20];
	v1 =	vadd.f32 v7, v1;
	s8 =	smax.f32 s8, $0.0e+00  }
0x475: {  	v7 =	vsub.bf16 v13, v12;
	v6 =	vsub.bf16 v13, v6;
	v11 =	vld [tilespmem:s6+$0xC730];
	s12 =	sadd.f32 s8, s12  }
0x476: {  	v12 =	vshll.u32 v8, $0x10;
	v13 =	vunpack.i.l.bf16.f32 v2;
	v1 =	vadd.f32 v1, v3  }
0x477: {  	v3 =	vmul.f32 v12, v13;
	v12 =	vsub.bf16 v7, v6;
	v13 =	vsub.bf16 v4, v14  }
0x478: {  	v8 =	vand.u32 $0xFFFF0000, v8;
	v2 =	vunpack.i.u.bf16.f32 v2;
	v6 =	vadd.bf16 v6, v7;
	v7 =	vld [tilespmem:s6+$0xDB30];
	(xrf2) =	vadd.scan.msk.f32 $0xffff, v1  }
0x479: {  	v2 =	vmul.f32 v8, v2;
	v1 =	vadd.f32 $0.0e+00, v3;
	v3 =	vsub.bf16 v4, v5;
	v4 =	vld [tilespmem:s6+$0xDB40]  }
0x47a: {  	v5 =	vshll.u32 v12, $0x10;
	v8 =	vunpack.i.l.bf16.f32 v6;
	v11 =	vsub.bf16 v9, v11  }
0x47b: {  	v1 =	vadd.f32 v1, v2;
	v2 =	vmul.f32 v5, v8;
	v5 =	vsub.bf16 v13, v3;
	v8 =	vld [tilespmem:s6+$0xB350]  }
0x47c: {  	v12 =	vand.u32 $0xFFFF0000, v12;
	v6 =	vunpack.i.u.bf16.f32 v6;
	v3 =	vadd.bf16 v3, v13;
	v13 =	vld [tilespmem:s6+$0xC750]  }
0x47d: {  	v1 =	vadd.f32 v2, v1;
	v2 =	vmul.f32 v12, v6;
	v6 =	vsub.bf16 v9, v7  }
0x47e: {  	v7 =	vshll.u32 v5, $0x10;
	v9 =	vunpack.i.l.bf16.f32 v3;
	v0 =	vsub.bf16 v0, v4  }
0x47f: {  	v1 =	vadd.f32 v1, v2;
	v2 =	vmul.f32 v7, v9;
	v4 =	vsub.bf16 v11, v6;
	v7 =	vld [tilespmem:s6+$0xB360]  }
0x480: {  	v5 =	vand.u32 $0xFFFF0000, v5;
	v3 =	vunpack.i.u.bf16.f32 v3;
	v6 =	vadd.bf16 v6, v11;
	v9 =	vld [tilespmem:s6+$0xDB50]  }
0x481: {  	v1 =	vadd.f32 v2, v1;
	v2 =	vmul.f32 v5, v3;
	v3 =	vsub.bf16 v8, v13;
	v5 =	vld [tilespmem:s6+$0xC760]  }
0x482: {  	v11 =	vshll.u32 v4, $0x10;
	v12 =	vunpack.i.l.bf16.f32 v6;
	v13 =	vsub.bf16 v10, v0;
	v14, _, _ =	vpop (xrf2)  }
0x483: {  	v1 =	vadd.f32 v1, v2;
	v2 =	vmul.f32 v11, v12;
	v11 =	vld [tilespmem:s6+$0xB370];
	(v2sf) =	vpush v14, $0xF  }
0x484: {  	v4 =	vand.u32 $0xFFFF0000, v4;
	v6 =	vunpack.i.u.bf16.f32 v6;
	v0 =	vadd.bf16 v0, v10;
	v10 =	vld [tilespmem:s6+$0xDB60]  }
0x485: {  	v1 =	vadd.f32 v2, v1;
	v2 =	vmul.f32 v4, v6;
	v4 =	vsub.bf16 v8, v9;
	v6 =	vld [tilespmem:s6+$0xC770]  }
0x486: {  	v8 =	vshll.u32 v13, $0x10;
	v9 =	vunpack.i.l.bf16.f32 v0;
	v5 =	vsub.bf16 v7, v5  }
0x487: {  	v1 =	vadd.f32 v1, v2;
	v2 =	vmul.f32 v8, v9;
	v8 =	vsub.bf16 v3, v4  }
0x488: {  	v0 =	vunpack.i.u.bf16.f32 v0;
	v9 =	vand.u32 $0xFFFF0000, v13;
	v12 =	vadd.bf16 v4, v3;
	v13 =	vld [tilespmem:s6+$0xDB70]  }
.Ltmp7:
0x489: {  	s6 =	sshra.s32 s7, $0x2;
	v1 =	vadd.f32 v2, v1;
	v2 =	vmul.f32 v9, v0;
	v7 =	vsub.bf16 v7, v10;
	(pc) =	sbr.rel @p0 .LBB2_16-.Ltmp7, $4  }
0x48a: {  	v9 =	vshll.u32 v8, $0x10;
	v10 =	vunpack.i.l.bf16.f32 v12;
	v0 =	vld [tilespmem:s6+$0xB340];
	v3 =	vsub.bf16 v11, v6  }
0x48b: {  	v14 =	vadd.f32 v1, v2;
	v9 =	vmul.f32 v9, v10;
	v4 =	vld [tilespmem:s6+$0xB300];
	v1 =	vsub.bf16 v5, v7  }
0x48c: {  	v12 =	vunpack.i.u.bf16.f32 v12;
	v10 =	vand.u32 $0xFFFF0000, v8;
	v2 =	vadd.bf16 v7, v5;
	v6 =	vld [tilespmem:s6+$0xC700]  }
0x48d: {  	s7 =	sadd.s32 $0x200, s7;
	v8 =	vadd.f32 v9, v14;
	v9 =	vmul.f32 v10, v12;
	v7 =	vld [tilespmem:s6+$0xDB00];
	v5 =	vsub.bf16 v11, v13  }
0x48e: {  	v10 =	vld [tilespmem:s6+$0xB310]  }
0x48f: {  	v11 =	vld [tilespmem:s6+$0xC710]  }
0x490: {  	v12 =	vld [tilespmem:s6+$0xDB10]  }
0x491: {  	v13 =	vshll.u32 v1, $0x10;
	v14 =	vunpack.i.l.bf16.f32 v2;
	v17 =	vld [tilespmem:s6+$0xB330];
	v8 =	vadd.f32 v8, v9  }
0x492: {  	v32 =	vld [tilespmem:s6+$0xDB30];
	v1 =	vand.u32 $0xFFFF0000, v1;
	v6 =	vsub.bf16 v4, v6;
	v4 =	vsub.bf16 v4, v7  }
0x493: {  	v2 =	vunpack.i.u.bf16.f32 v2;
	v9 =	vld [tilespmem:s6+$0xC720];
	v29 =	vsub.bf16 v3, v5;
	v3 =	vadd.bf16 v5, v3  }
0x494: {  	v13 =	vmul.f32 v13, v14;
	v7 =	vld [tilespmem:s6+$0xB320];
	v15 =	vsub.bf16 v6, v4;
	v4 =	vadd.bf16 v4, v6  }
0x495: {  	v1 =	vmul.f32 v1, v2;
	v11 =	vsub.bf16 v10, v11;
	v10 =	vsub.bf16 v10, v12;
	v6 =	vld [tilespmem:s6+$0xDB20]  }
0x496: {  	v8 =	vadd.f32 v13, v8;
	v30 =	vshll.u32 v15, $0x10;
	v16 =	vunpack.i.l.bf16.f32 v4  }
0x497: {  	v34 =	vsub.bf16 v17, v32;
	v31 =	vsub.bf16 v11, v10;
	v14 =	vmul.f32 v30, v16  }
0x498: {  	v10 =	vadd.bf16 v10, v11;
	v11 =	vld [tilespmem:s6+$0xC730];
	v15 =	vand.u32 $0xFFFF0000, v15;
	v4 =	vunpack.i.u.bf16.f32 v4  }
0x499: {  	v9 =	vsub.bf16 v7, v9;
	v4 =	vmul.f32 v15, v4;
	v14 =	vadd.f32 $0.0e+00, v14  }
0x49a: {  	v5 =	vshll.u32 v31, $0x10;
	v6 =	vsub.bf16 v7, v6;
	v7 =	vunpack.i.l.bf16.f32 v10  }
0x49b: {  	v33 =	vand.u32 $0xFFFF0000, v31;
	v5 =	vmul.f32 v5, v7;
	v4 =	vadd.f32 v14, v4  }
0x49c: {  	v10 =	vunpack.i.u.bf16.f32 v10;
	v7 =	vsub.bf16 v9, v6;
	v6 =	vadd.bf16 v6, v9;
	v9 =	vld [tilespmem:s6+$0xC740]  }
0x49d: {  	v11 =	vsub.bf16 v17, v11;
	v4 =	vadd.f32 v5, v4;
	v5 =	vmul.f32 v33, v10;
	v10 =	vld [tilespmem:s6+$0xDB40]  }
0x49e: {  	v1 =	vadd.f32 v8, v1;
	v35 =	vshll.u32 v7, $0x10;
	v36 =	vunpack.i.l.bf16.f32 v6  }
0x49f: {  	v39 =	vld [tilespmem:s6+$0xC750];
	v38 =	vsub.bf16 v11, v34;
	v37 =	vmul.f32 v35, v36;
	v4 =	vadd.f32 v4, v5  }
0x4a0: {  	v11 =	vadd.bf16 v34, v11;
	v7 =	vand.u32 $0xFFFF0000, v7;
	v6 =	vunpack.i.u.bf16.f32 v6;
	v5 =	vld [tilespmem:s6+$0xB350]  }
0x4a1: {  	v6 =	vmul.f32 v7, v6;
	v7 =	vld [tilespmem:s6+$0xDB50];
	v2 =	vsub.bf16 v0, v9;
	v4 =	vadd.f32 v37, v4  }
0x4a2: {  	v9 =	vshll.u32 v38, $0x10;
	v0 =	vsub.bf16 v0, v10;
	v10 =	vunpack.i.l.bf16.f32 v11  }
0x4a3: {  	v41 =	vand.u32 $0xFFFF0000, v38;
	v4 =	vadd.f32 v4, v6;
	v6 =	vld [tilespmem:s6+$0xB360];
	v9 =	vmul.f32 v9, v10  }
0x4a4: {  	v11 =	vunpack.i.u.bf16.f32 v11;
	v10 =	vsub.bf16 v2, v0;
	v0 =	vadd.bf16 v0, v2;
	v2 =	vld [tilespmem:s6+$0xC760]  }
0x4a5: {  	v11 =	vmul.f32 v41, v11;
	v40 =	vsub.bf16 v5, v39;
	v4 =	vadd.f32 v9, v4;
	v9 =	vld [tilespmem:s6+$0xDB60]  }
0x4a6: {  	v5 =	vsub.bf16 v5, v7;
	v7 =	vld [tilespmem:s6+$0xB370];
	v8 =	vshll.u32 v10, $0x10;
	v42 =	vunpack.i.l.bf16.f32 v0  }
0x4a7: {  	v44 =	vshll.u32 v29, $0x10;
	v4 =	vadd.f32 v4, v11;
	v11 =	vld [tilespmem:s6+$0xC770];
	v8 =	vmul.f32 v8, v42  }
0x4a8: {  	v43 =	vsub.bf16 v40, v5;
	v10 =	vand.u32 $0xFFFF0000, v10;
	v0 =	vunpack.i.u.bf16.f32 v0  }
0x4a9: {  	v5 =	vadd.bf16 v5, v40;
	v0 =	vmul.f32 v10, v0;
	v4 =	vadd.f32 v8, v4  }
0x4aa: {  	v10 =	vunpack.i.l.bf16.f32 v3;
	v8 =	vld [tilespmem:s6+$0xDB70];
	v2 =	vsub.bf16 v6, v2;
	v6 =	vsub.bf16 v6, v9  }
0x4ab: {  	v9 =	vshll.u32 v43, $0x10;
	v0 =	vadd.f32 v4, v0;
	v4 =	vunpack.i.l.bf16.f32 v5  }
0x4ac: {  	v14 =	vand.u32 $0xFFFF0000, v43;
	v11 =	vsub.bf16 v7, v11;
	v4 =	vmul.f32 v9, v4  }
0x4ad: {  	v5 =	vunpack.i.u.bf16.f32 v5;
	v9 =	vsub.bf16 v2, v6;
	v2 =	vadd.bf16 v6, v2  }
0x4ae: {  	v6 =	vmul.f32 v44, v10;
	v0 =	vadd.f32 v4, v0;
	v4 =	vmul.f32 v14, v5  }
0x4af: {  	v5 =	vsub.bf16 v7, v8;
	v7 =	vshll.u32 v9, $0x10;
	v8 =	vunpack.i.l.bf16.f32 v2  }
0x4b0: {  	v2 =	vunpack.i.u.bf16.f32 v2;
	v0 =	vadd.f32 v0, v4;
	v4 =	vmul.f32 v7, v8  }
0x4b1: {  	v7 =	vsub.bf16 v11, v5;
	v8 =	vand.u32 $0xFFFF0000, v9;
	v5 =	vadd.bf16 v5, v11  }
0x4b2: {  	v3 =	vunpack.i.u.bf16.f32 v3;
	v2 =	vmul.f32 v8, v2;
	v0 =	vadd.f32 v4, v0  }
0x4b3: {  	v1 =	vadd.f32 v6, v1;
	v4 =	vshll.u32 v7, $0x10;
	v8 =	vunpack.i.l.bf16.f32 v5  }
0x4b4: {  	v9 =	vand.u32 $0xFFFF0000, v29;
	v0 =	vadd.f32 v0, v2;
	v2 =	vmul.f32 v4, v8  }
0x4b5: {  	v3 =	vmul.f32 v9, v3;
	v5 =	vunpack.i.u.bf16.f32 v5;
	v4 =	vand.u32 $0xFFFF0000, v7  }
0x4b6: {  	v0 =	vadd.f32 v2, v0;
	v2 =	vmul.f32 v4, v5  }
0x4b7: {  	v1 =	vadd.f32 v1, v3  }
0x4b8: {  	v0 =	vadd.f32 v0, v2  }
0x4b9: {  	(xrf2) =	vadd.scan.msk.f32 $0xffff, v1  }
0x4ba: {  	(xrf2) =	vadd.scan.msk.f32 $0xffff, v0;
	_ =	sdelay $0x8  }
0x4bb: {  	v0, _, _ =	vpop (xrf2)  }
0x4bc: {  	(v2sf) =	vpush v0, $0xF;
	v0, _, _ =	vpop (xrf2)  }
0x4bd: {  	(v2sf) =	vpush v0, $0xF;
	_ =	sdelay $0xc  }
0x4be: {  	s8 =	spop (v2sf)  }
0x4bf: {  	s25 =	spop (v2sf)  }
0x4c0: {  	s7 =	spop (v2sf)  }
0x4c1: {  	_ =	swait.ge [sflag:s23], $0x1400  }
0x4c2: {  	[sflag:s23] =	ssyncset.done $0x0  }
0x4c3: {  	[sflag:s23] =	ssyncadd.s32 $0xFFFFEC00  }
0x4c4: {  	_ =	swait.ge [sflag:s23], $0x1400  }
0x4c5: {  	[sflag:s23] =	ssyncset.done $0x0  }
0x4c6: {  	[sflag:s23] =	ssyncadd.s32 $0xFFFFEC00  }
0x4c7: {  	_ =	swait.ge [sflag:s23], $0x1400  }
0x4c8: {  	[sflag:s23] =	ssyncset.done $0x0  }
0x4c9: {  	s9 =	simm.s32 $0x0;
	[sflag:s23] =	ssyncadd.s32 $0xFFFFEC00  }
0x4ca: {  	v0 =	vld [tilespmem:s9+$0xEF00]  }
0x4cb: {  	v1 =	vld [tilespmem:s9+$0x10300]  }
0x4cc: {  	v2 =	vld [tilespmem:s9+$0x11700]  }
0x4cd: {  	v3 =	vld [tilespmem:s9+$0xEF10]  }
0x4ce: {  	v4 =	vld [tilespmem:s9+$0x10310]  }
0x4cf: {  	v5 =	vld [tilespmem:s9+$0x11710];
	_ =	sdelay $0x2  }
0x4d0: {  	v6 =	vld [tilespmem:s9+$0xEF20]  }
0x4d1: {  	v7 =	vld [tilespmem:s9+$0xEF30];
	v1 =	vsub.bf16 v0, v1;
	v0 =	vsub.bf16 v0, v2  }
0x4d2: {  	v2 =	vld [tilespmem:s9+$0x10320];
	v4 =	vsub.bf16 v3, v4;
	v3 =	vsub.bf16 v3, v5  }
0x4d3: {  	v5 =	vld [tilespmem:s9+$0x10330];
	v8 =	vsub.bf16 v1, v0;
	v0 =	vadd.bf16 v0, v1  }
0x4d4: {  	v1 =	vld [tilespmem:s9+$0x11720]  }
0x4d5: {  	v9 =	vshll.u32 v8, $0x10;
	v10 =	vunpack.i.l.bf16.f32 v0  }
0x4d6: {  	v11 =	vld [tilespmem:s9+$0xEF40];
	v8 =	vand.u32 $0xFFFF0000, v8;
	v9 =	vmul.f32 v9, v10;
	v10 =	vsub.bf16 v4, v3  }
0x4d7: {  	v0 =	vunpack.i.u.bf16.f32 v0;
	v2 =	vsub.bf16 v6, v2;
	v3 =	vadd.bf16 v3, v4;
	v4 =	vld [tilespmem:s9+$0x11730]  }
0x4d8: {  	v45 =	vld [tilespmem:s9+$0x10340];
	v0 =	vmul.f32 v8, v0;
	v5 =	vsub.bf16 v7, v5;
	v9 =	vadd.f32 $0.0e+00, v9  }
0x4d9: {  	v1 =	vsub.bf16 v6, v1;
	v6 =	vshll.u32 v10, $0x10;
	v8 =	vunpack.i.l.bf16.f32 v3  }
0x4da: {  	v10 =	vand.u32 $0xFFFF0000, v10;
	v6 =	vmul.f32 v6, v8;
	v0 =	vadd.f32 v9, v0  }
0x4db: {  	v46 =	vld [tilespmem:s9+$0x11740];
	v3 =	vunpack.i.u.bf16.f32 v3;
	v8 =	vsub.bf16 v2, v1;
	v1 =	vadd.bf16 v1, v2  }
0x4dc: {  	v3 =	vmul.f32 v10, v3;
	v4 =	vsub.bf16 v7, v4;
	v0 =	vadd.f32 v6, v0  }
0x4dd: {  	v6 =	vsub.bf16 v11, v45;
	v7 =	vshll.u32 v8, $0x10;
	v10 =	vunpack.i.l.bf16.f32 v1  }
0x4de: {  	v9 =	vld [tilespmem:s9+$0xEF50];
	v8 =	vand.u32 $0xFFFF0000, v8;
	v0 =	vadd.f32 v0, v3;
	v3 =	vmul.f32 v7, v10  }
0x4df: {  	v2 =	vld [tilespmem:s9+$0x10350];
	v1 =	vunpack.i.u.bf16.f32 v1;
	v7 =	vsub.bf16 v5, v4;
	v4 =	vadd.bf16 v4, v5  }
0x4e0: {  	v11 =	vsub.bf16 v11, v46;
	v1 =	vmul.f32 v8, v1;
	v5 =	vld [tilespmem:s9+$0x11750];
	v0 =	vadd.f32 v3, v0  }
0x4e1: {  	v8 =	vshll.u32 v7, $0x10;
	v47 =	vunpack.i.l.bf16.f32 v4  }
0x4e2: {  	v10 =	vld [tilespmem:s9+$0xEF60];
	v13 =	vsub.bf16 v6, v11;
	v0 =	vadd.f32 v0, v1;
	v1 =	vmul.f32 v8, v47  }
0x4e3: {  	v6 =	vadd.bf16 v11, v6;
	v3 =	vld [tilespmem:s9+$0x10360];
	v7 =	vand.u32 $0xFFFF0000, v7;
	v4 =	vunpack.i.u.bf16.f32 v4  }
0x4e4: {  	v11 =	vld [tilespmem:s9+$0x11760];
	v2 =	vsub.bf16 v9, v2;
	v0 =	vadd.f32 v1, v0;
	v1 =	vmul.f32 v7, v4  }
0x4e5: {  	v4 =	vsub.bf16 v9, v5;
	v7 =	vshll.u32 v13, $0x10;
	v9 =	vunpack.i.l.bf16.f32 v6  }
0x4e6: {  	v8 =	vld [tilespmem:s9+$0xEF70];
	v6 =	vunpack.i.u.bf16.f32 v6;
	v0 =	vadd.f32 v0, v1;
	v1 =	vmul.f32 v7, v9  }
0x4e7: {  	v5 =	vld [tilespmem:s9+$0x10370];
	v7 =	vsub.bf16 v2, v4;
	v9 =	vand.u32 $0xFFFF0000, v13;
	v2 =	vadd.bf16 v4, v2  }
0x4e8: {  	s13 =	simm.s32 $0x80;
	v3 =	vsub.bf16 v10, v3;
	v4 =	vld [tilespmem:s9+$0x11770];
	v0 =	vadd.f32 v1, v0;
	v1 =	vmul.f32 v9, v6  }
0x4e9: {  	v48 =	vld [tilespmem:s13+$0xEF00];
	v6 =	vsub.bf16 v10, v11;
	v10 =	vshll.u32 v7, $0x10;
	v11 =	vunpack.i.l.bf16.f32 v2  }
0x4ea: {  	v49 =	vld [tilespmem:s13+$0xEF10];
	v7 =	vand.u32 $0xFFFF0000, v7;
	v0 =	vadd.f32 v0, v1;
	v1 =	vmul.f32 v10, v11  }
0x4eb: {  	v2 =	vunpack.i.u.bf16.f32 v2;
	v10 =	vsub.bf16 v3, v6;
	v11 =	vld [tilespmem:s13+$0x10300];
	v3 =	vadd.bf16 v6, v3  }
0x4ec: {  	v5 =	vsub.bf16 v8, v5;
	v6 =	vld [tilespmem:s13+$0x11700];
	v0 =	vadd.f32 v1, v0;
	v1 =	vmul.f32 v7, v2  }
0x4ed: {  	v9 =	vld [tilespmem:s13+$0xEF40];
	v2 =	vsub.bf16 v8, v4;
	v7 =	vshll.u32 v10, $0x10;
	v8 =	vunpack.i.l.bf16.f32 v3  }
0x4ee: {  	v4 =	vld [tilespmem:s13+$0x10340];
	v10 =	vand.u32 $0xFFFF0000, v10;
	v0 =	vadd.f32 v0, v1;
	v1 =	vmul.f32 v7, v8  }
0x4ef: {  	v3 =	vunpack.i.u.bf16.f32 v3;
	v7 =	vsub.bf16 v5, v2;
	v8 =	vld [tilespmem:s13+$0x10310];
	v2 =	vadd.bf16 v2, v5  }
0x4f0: {  	v5 =	vsub.bf16 v48, v11;
	v11 =	vld [tilespmem:s13+$0x11710];
	v0 =	vadd.f32 v1, v0;
	v1 =	vmul.f32 v10, v3  }
0x4f1: {  	v51 =	vld [tilespmem:s13+$0x10320];
	v3 =	vsub.bf16 v48, v6;
	v10 =	vshll.u32 v7, $0x10;
	v50 =	vunpack.i.l.bf16.f32 v2  }
0x4f2: {  	v6 =	vld [tilespmem:s13+$0xEF20];
	v7 =	vand.u32 $0xFFFF0000, v7;
	v0 =	vadd.f32 v0, v1;
	v1 =	vmul.f32 v10, v50  }
0x4f3: {  	v2 =	vunpack.i.u.bf16.f32 v2;
	v4 =	vsub.bf16 v9, v4;
	v10 =	vsub.bf16 v5, v3  }
0x4f4: {  	v3 =	vadd.bf16 v3, v5;
	v5 =	vld [tilespmem:s13+$0x11720];
	v0 =	vadd.f32 v1, v0;
	v1 =	vmul.f32 v7, v2  }
0x4f5: {  	v52 =	vld [tilespmem:s13+$0xEF30];
	v2 =	vsub.bf16 v49, v8;
	v7 =	vsub.bf16 v49, v11  }
0x4f6: {  	v8 =	vld [tilespmem:s13+$0x10330];
	v11 =	vshll.u32 v10, $0x10;
	v53 =	vunpack.i.l.bf16.f32 v3;
	v0 =	vadd.f32 v0, v1  }
0x4f7: {  	v10 =	vand.u32 $0xFFFF0000, v10;
	v54 =	vsub.bf16 v6, v51;
	v1 =	vmul.f32 v11, v53  }
0x4f8: {  	v3 =	vunpack.i.u.bf16.f32 v3;
	v11 =	vsub.bf16 v2, v7;
	v2 =	vadd.bf16 v7, v2;
	v7 =	vld [tilespmem:s13+$0x11730];
	(xrf2) =	vadd.scan.msk.f32 $0xffff, v0  }
0x4f9: {  	v0 =	vadd.f32 $0.0e+00, v1;
	v1 =	vmul.f32 v10, v3;
	v3 =	vsub.bf16 v6, v5  }
0x4fa: {  	v5 =	vld [tilespmem:s13+$0x11740];
	v6 =	vshll.u32 v11, $0x10;
	v10 =	vunpack.i.l.bf16.f32 v2;
	v11 =	vand.u32 $0xFFFF0000, v11  }
0x4fb: {  	v8 =	vsub.bf16 v52, v8;
	v0 =	vadd.f32 v0, v1;
	v1 =	vmul.f32 v6, v10  }
0x4fc: {  	v2 =	vunpack.i.u.bf16.f32 v2;
	v6 =	vsub.bf16 v54, v3;
	v3 =	vadd.bf16 v3, v54  }
0x4fd: {  	v0 =	vadd.f32 v1, v0;
	v1 =	vmul.f32 v11, v2;
	v2 =	vsub.bf16 v52, v7  }
0x4fe: {  	v55 =	vld [tilespmem:s13+$0x10350];
	v7 =	vshll.u32 v6, $0x10;
	v11 =	vunpack.i.l.bf16.f32 v3;
	v6 =	vand.u32 $0xFFFF0000, v6  }
0x4ff: {  	v10 =	vld [tilespmem:s13+$0xEF50];
	v5 =	vsub.bf16 v9, v5;
	v0 =	vadd.f32 v0, v1;
	v1 =	vmul.f32 v7, v11  }
0x500: {  	v3 =	vunpack.i.u.bf16.f32 v3;
	v7 =	vsub.bf16 v8, v2;
	v2 =	vadd.bf16 v2, v8;
	v8 =	vld [tilespmem:s13+$0x11750]  }
0x501: {  	v9 =	vld [tilespmem:s13+$0xEF60];
	v57 =	vsub.bf16 v4, v5;
	v0 =	vadd.f32 v1, v0;
	v1 =	vmul.f32 v6, v3  }
0x502: {  	v4 =	vadd.bf16 v5, v4;
	v6 =	vld [tilespmem:s13+$0x10360];
	v11 =	vshll.u32 v7, $0x10;
	v56 =	vunpack.i.l.bf16.f32 v2;
	v58, _, _ =	vpop (xrf2)  }
0x503: {  	v0 =	vadd.f32 v0, v1;
	v1 =	vmul.f32 v11, v56;
	(v2sf) =	vpush v58, $0xF  }
0x504: {  	v5 =	vld [tilespmem:s13+$0x11760];
	v3 =	vsub.bf16 v10, v55;
	v7 =	vand.u32 $0xFFFF0000, v7;
	v2 =	vunpack.i.u.bf16.f32 v2  }
0x505: {  	v0 =	vadd.f32 v1, v0;
	v1 =	vmul.f32 v7, v2;
	v2 =	vsub.bf16 v10, v8  }
0x506: {  	s8 =	sadd.f32 $1.000000000e+00, s8;
	v11 =	vld [tilespmem:s13+$0xEF70];
	v8 =	vshll.u32 v57, $0x10;
	v10 =	vunpack.i.l.bf16.f32 v4;
	v4 =	vunpack.i.u.bf16.f32 v4  }
0x507: {  	v7 =	vld [tilespmem:s13+$0x10370];
	v59 =	vsub.bf16 v9, v6;
	v0 =	vadd.f32 v0, v1;
	v1 =	vmul.f32 v8, v10  }
0x508: {  	s8 =	smax.f32 s8, $0.0e+00;
	s25 =	sadd.f32 $1.000000000e+00, s25;
	v6 =	vand.u32 $0xFFFF0000, v57;
	v8 =	vsub.bf16 v3, v2;
	v10 =	vld [tilespmem:s13+$0x11770];
	v2 =	vadd.bf16 v2, v3  }
0x509: {  	s8 =	sadd.f32 s8, s12;
	s6 =	simm.s32 $0x100;
	v5 =	vsub.bf16 v9, v5;
	v6 =	vmul.f32 v6, v4;
	v1 =	vadd.f32 v1, v0  }
0x50a: {  	s7 =	sadd.f32 $1.000000000e+00, s7;
	s9 =	smax.f32 s25, $0.0e+00;
	v4 =	vld [tilespmem:s6+$0xEF00];
	v9 =	vshll.u32 v8, $0x10;
	v60 =	vunpack.i.l.bf16.f32 v2;
	v63 =	vunpack.i.u.bf16.f32 v2  }
0x50b: {  	s8 =	sadd.f32 s9, s8;
	v0 =	vld [tilespmem:s6+$0xEF40];
	v2 =	vadd.bf16 v5, v59;
	v9 =	vmul.f32 v9, v60;
	v61 =	vadd.f32 v1, v6  }
0x50c: {  	s7 =	smax.f32 s7, $0.0e+00;
	v62 =	vand.u32 $0xFFFF0000, v8;
	v3 =	vsub.bf16 v11, v7;
	v1 =	vsub.bf16 v59, v5;
	v6 =	vld [tilespmem:s6+$0x10300]  }
0x50d: {  	s12 =	sadd.f32 s7, s8;
	s7 =	simm.s32 $0x600;
	v7 =	vld [tilespmem:s6+$0x11700];
	v5 =	vsub.bf16 v11, v10;
	v8 =	vadd.f32 v9, v61;
	v9 =	vmul.f32 v62, v63  }
.LBB2_18:
0x50e: {  	p0 =	sne.s32 s7, $0x4E00;
	v10 =	vld [tilespmem:s6+$0x10340];
	v11 =	vshll.u32 v1, $0x10;
	v12 =	vunpack.i.l.bf16.f32 v2  }
0x50f: {  	v13 =	vld [tilespmem:s6+$0xEF10];
	v8 =	vadd.f32 v8, v9;
	v9 =	vmul.f32 v11, v12;
	v11 =	vsub.bf16 v3, v5  }
0x510: {  	v1 =	vand.u32 $0xFFFF0000, v1;
	v2 =	vunpack.i.u.bf16.f32 v2;
	v3 =	vadd.bf16 v5, v3;
	v12 =	vld [tilespmem:s6+$0x10310]  }
0x511: {  	v1 =	vmul.f32 v1, v2;
	v5 =	vsub.bf16 v4, v6;
	v6 =	vld [tilespmem:s6+$0x11710];
	v8 =	vadd.f32 v9, v8  }
0x512: {  	v9 =	vunpack.i.l.bf16.f32 v3;
	v2 =	vsub.bf16 v4, v7;
	v4 =	vld [tilespmem:s6+$0xEF20];
	v7 =	vshll.u32 v11, $0x10;
	s8 =	spop (v2sf)  }
0x513: {  	v14 =	vld [tilespmem:s6+$0x10320];
	v10 =	vsub.bf16 v0, v10;
	v1 =	vadd.f32 v8, v1;
	v7 =	vmul.f32 v7, v9;
	s8 =	sadd.f32 $1.000000000e+00, s8  }
0x514: {  	v3 =	vunpack.i.u.bf16.f32 v3;
	v11 =	vand.u32 $0xFFFF0000, v11;
	v8 =	vsub.bf16 v5, v2;
	v9 =	vld [tilespmem:s6+$0xEF30]  }
0x515: {  	v3 =	vmul.f32 v11, v3;
	v2 =	vadd.bf16 v2, v5;
	v5 =	vld [tilespmem:s6+$0x11720];
	v1 =	vadd.f32 v7, v1;
	s8 =	smax.f32 s8, $0.0e+00  }
0x516: {  	v7 =	vsub.bf16 v13, v12;
	v6 =	vsub.bf16 v13, v6;
	v11 =	vld [tilespmem:s6+$0x10330];
	s12 =	sadd.f32 s8, s12  }
0x517: {  	v12 =	vshll.u32 v8, $0x10;
	v13 =	vunpack.i.l.bf16.f32 v2;
	v1 =	vadd.f32 v1, v3  }
0x518: {  	v3 =	vmul.f32 v12, v13;
	v12 =	vsub.bf16 v7, v6;
	v13 =	vsub.bf16 v4, v14  }
0x519: {  	v8 =	vand.u32 $0xFFFF0000, v8;
	v2 =	vunpack.i.u.bf16.f32 v2;
	v6 =	vadd.bf16 v6, v7;
	v7 =	vld [tilespmem:s6+$0x11730];
	(xrf2) =	vadd.scan.msk.f32 $0xffff, v1  }
0x51a: {  	v2 =	vmul.f32 v8, v2;
	v1 =	vadd.f32 $0.0e+00, v3;
	v3 =	vsub.bf16 v4, v5;
	v4 =	vld [tilespmem:s6+$0x11740]  }
0x51b: {  	v5 =	vshll.u32 v12, $0x10;
	v8 =	vunpack.i.l.bf16.f32 v6;
	v11 =	vsub.bf16 v9, v11  }
0x51c: {  	v1 =	vadd.f32 v1, v2;
	v2 =	vmul.f32 v5, v8;
	v5 =	vsub.bf16 v13, v3;
	v8 =	vld [tilespmem:s6+$0xEF50]  }
0x51d: {  	v12 =	vand.u32 $0xFFFF0000, v12;
	v6 =	vunpack.i.u.bf16.f32 v6;
	v3 =	vadd.bf16 v3, v13;
	v13 =	vld [tilespmem:s6+$0x10350]  }
0x51e: {  	v1 =	vadd.f32 v2, v1;
	v2 =	vmul.f32 v12, v6;
	v6 =	vsub.bf16 v9, v7  }
0x51f: {  	v7 =	vshll.u32 v5, $0x10;
	v9 =	vunpack.i.l.bf16.f32 v3;
	v0 =	vsub.bf16 v0, v4  }
0x520: {  	v1 =	vadd.f32 v1, v2;
	v2 =	vmul.f32 v7, v9;
	v4 =	vsub.bf16 v11, v6;
	v7 =	vld [tilespmem:s6+$0xEF60]  }
0x521: {  	v5 =	vand.u32 $0xFFFF0000, v5;
	v3 =	vunpack.i.u.bf16.f32 v3;
	v6 =	vadd.bf16 v6, v11;
	v9 =	vld [tilespmem:s6+$0x11750]  }
0x522: {  	v1 =	vadd.f32 v2, v1;
	v2 =	vmul.f32 v5, v3;
	v3 =	vsub.bf16 v8, v13;
	v5 =	vld [tilespmem:s6+$0x10360]  }
0x523: {  	v11 =	vshll.u32 v4, $0x10;
	v12 =	vunpack.i.l.bf16.f32 v6;
	v13 =	vsub.bf16 v10, v0;
	v14, _, _ =	vpop (xrf2)  }
0x524: {  	v1 =	vadd.f32 v1, v2;
	v2 =	vmul.f32 v11, v12;
	v11 =	vld [tilespmem:s6+$0xEF70];
	(v2sf) =	vpush v14, $0xF  }
0x525: {  	v4 =	vand.u32 $0xFFFF0000, v4;
	v6 =	vunpack.i.u.bf16.f32 v6;
	v0 =	vadd.bf16 v0, v10;
	v10 =	vld [tilespmem:s6+$0x11760]  }
0x526: {  	v1 =	vadd.f32 v2, v1;
	v2 =	vmul.f32 v4, v6;
	v4 =	vsub.bf16 v8, v9;
	v6 =	vld [tilespmem:s6+$0x10370]  }
0x527: {  	v8 =	vshll.u32 v13, $0x10;
	v9 =	vunpack.i.l.bf16.f32 v0;
	v5 =	vsub.bf16 v7, v5  }
0x528: {  	v1 =	vadd.f32 v1, v2;
	v2 =	vmul.f32 v8, v9;
	v8 =	vsub.bf16 v3, v4  }
0x529: {  	v0 =	vunpack.i.u.bf16.f32 v0;
	v9 =	vand.u32 $0xFFFF0000, v13;
	v12 =	vadd.bf16 v4, v3;
	v13 =	vld [tilespmem:s6+$0x11770]  }
.Ltmp8:
0x52a: {  	s6 =	sshra.s32 s7, $0x2;
	v1 =	vadd.f32 v2, v1;
	v2 =	vmul.f32 v9, v0;
	v7 =	vsub.bf16 v7, v10;
	(pc) =	sbr.rel @p0 .LBB2_18-.Ltmp8, $4  }
0x52b: {  	v9 =	vshll.u32 v8, $0x10;
	v10 =	vunpack.i.l.bf16.f32 v12;
	v0 =	vld [tilespmem:s6+$0xEF40];
	v3 =	vsub.bf16 v11, v6  }
0x52c: {  	v14 =	vadd.f32 v1, v2;
	v9 =	vmul.f32 v9, v10;
	v4 =	vld [tilespmem:s6+$0xEF00];
	v1 =	vsub.bf16 v5, v7  }
0x52d: {  	v12 =	vunpack.i.u.bf16.f32 v12;
	v10 =	vand.u32 $0xFFFF0000, v8;
	v2 =	vadd.bf16 v7, v5;
	v6 =	vld [tilespmem:s6+$0x10300]  }
0x52e: {  	s7 =	sadd.s32 $0x200, s7;
	v8 =	vadd.f32 v9, v14;
	v9 =	vmul.f32 v10, v12;
	v7 =	vld [tilespmem:s6+$0x11700];
	v5 =	vsub.bf16 v11, v13  }
0x52f: {  	v10 =	vld [tilespmem:s6+$0xEF10]  }
0x530: {  	v11 =	vld [tilespmem:s6+$0x10310]  }
0x531: {  	v12 =	vld [tilespmem:s6+$0x11710]  }
0x532: {  	v13 =	vshll.u32 v1, $0x10;
	v14 =	vunpack.i.l.bf16.f32 v2;
	v17 =	vld [tilespmem:s6+$0xEF30];
	v8 =	vadd.f32 v8, v9  }
0x533: {  	v32 =	vld [tilespmem:s6+$0x11730];
	v1 =	vand.u32 $0xFFFF0000, v1;
	v6 =	vsub.bf16 v4, v6;
	v4 =	vsub.bf16 v4, v7  }
0x534: {  	v2 =	vunpack.i.u.bf16.f32 v2;
	v9 =	vld [tilespmem:s6+$0x10320];
	v29 =	vsub.bf16 v3, v5;
	v3 =	vadd.bf16 v5, v3  }
0x535: {  	v13 =	vmul.f32 v13, v14;
	v7 =	vld [tilespmem:s6+$0xEF20];
	v15 =	vsub.bf16 v6, v4;
	v4 =	vadd.bf16 v4, v6  }
0x536: {  	v1 =	vmul.f32 v1, v2;
	v11 =	vsub.bf16 v10, v11;
	v10 =	vsub.bf16 v10, v12;
	v6 =	vld [tilespmem:s6+$0x11720]  }
0x537: {  	v8 =	vadd.f32 v13, v8;
	v30 =	vshll.u32 v15, $0x10;
	v16 =	vunpack.i.l.bf16.f32 v4  }
0x538: {  	v34 =	vsub.bf16 v17, v32;
	v31 =	vsub.bf16 v11, v10;
	v14 =	vmul.f32 v30, v16  }
0x539: {  	v10 =	vadd.bf16 v10, v11;
	v11 =	vld [tilespmem:s6+$0x10330];
	v15 =	vand.u32 $0xFFFF0000, v15;
	v4 =	vunpack.i.u.bf16.f32 v4  }
0x53a: {  	v9 =	vsub.bf16 v7, v9;
	v4 =	vmul.f32 v15, v4;
	v14 =	vadd.f32 $0.0e+00, v14  }
0x53b: {  	v5 =	vshll.u32 v31, $0x10;
	v6 =	vsub.bf16 v7, v6;
	v7 =	vunpack.i.l.bf16.f32 v10  }
0x53c: {  	v33 =	vand.u32 $0xFFFF0000, v31;
	v5 =	vmul.f32 v5, v7;
	v4 =	vadd.f32 v14, v4  }
0x53d: {  	v10 =	vunpack.i.u.bf16.f32 v10;
	v7 =	vsub.bf16 v9, v6;
	v6 =	vadd.bf16 v6, v9;
	v9 =	vld [tilespmem:s6+$0x10340]  }
0x53e: {  	v11 =	vsub.bf16 v17, v11;
	v4 =	vadd.f32 v5, v4;
	v5 =	vmul.f32 v33, v10;
	v10 =	vld [tilespmem:s6+$0x11740]  }
0x53f: {  	v1 =	vadd.f32 v8, v1;
	v35 =	vshll.u32 v7, $0x10;
	v36 =	vunpack.i.l.bf16.f32 v6  }
0x540: {  	v39 =	vld [tilespmem:s6+$0x10350];
	v38 =	vsub.bf16 v11, v34;
	v37 =	vmul.f32 v35, v36;
	v4 =	vadd.f32 v4, v5  }
0x541: {  	v11 =	vadd.bf16 v34, v11;
	v7 =	vand.u32 $0xFFFF0000, v7;
	v6 =	vunpack.i.u.bf16.f32 v6;
	v5 =	vld [tilespmem:s6+$0xEF50]  }
0x542: {  	v6 =	vmul.f32 v7, v6;
	v7 =	vld [tilespmem:s6+$0x11750];
	v2 =	vsub.bf16 v0, v9;
	v4 =	vadd.f32 v37, v4  }
0x543: {  	v9 =	vshll.u32 v38, $0x10;
	v0 =	vsub.bf16 v0, v10;
	v10 =	vunpack.i.l.bf16.f32 v11  }
0x544: {  	v41 =	vand.u32 $0xFFFF0000, v38;
	v4 =	vadd.f32 v4, v6;
	v6 =	vld [tilespmem:s6+$0xEF60];
	v9 =	vmul.f32 v9, v10  }
0x545: {  	v11 =	vunpack.i.u.bf16.f32 v11;
	v10 =	vsub.bf16 v2, v0;
	v0 =	vadd.bf16 v0, v2;
	v2 =	vld [tilespmem:s6+$0x10360]  }
0x546: {  	v11 =	vmul.f32 v41, v11;
	v40 =	vsub.bf16 v5, v39;
	v4 =	vadd.f32 v9, v4;
	v9 =	vld [tilespmem:s6+$0x11760]  }
0x547: {  	v5 =	vsub.bf16 v5, v7;
	v7 =	vld [tilespmem:s6+$0xEF70];
	v8 =	vshll.u32 v10, $0x10;
	v42 =	vunpack.i.l.bf16.f32 v0  }
0x548: {  	v44 =	vshll.u32 v29, $0x10;
	v4 =	vadd.f32 v4, v11;
	v11 =	vld [tilespmem:s6+$0x10370];
	v8 =	vmul.f32 v8, v42  }
0x549: {  	v43 =	vsub.bf16 v40, v5;
	v10 =	vand.u32 $0xFFFF0000, v10;
	v0 =	vunpack.i.u.bf16.f32 v0  }
0x54a: {  	v5 =	vadd.bf16 v5, v40;
	v0 =	vmul.f32 v10, v0;
	v4 =	vadd.f32 v8, v4  }
0x54b: {  	v10 =	vunpack.i.l.bf16.f32 v3;
	v8 =	vld [tilespmem:s6+$0x11770];
	v2 =	vsub.bf16 v6, v2;
	v6 =	vsub.bf16 v6, v9  }
0x54c: {  	v9 =	vshll.u32 v43, $0x10;
	v0 =	vadd.f32 v4, v0;
	v4 =	vunpack.i.l.bf16.f32 v5  }
0x54d: {  	v14 =	vand.u32 $0xFFFF0000, v43;
	v11 =	vsub.bf16 v7, v11;
	v4 =	vmul.f32 v9, v4  }
0x54e: {  	v5 =	vunpack.i.u.bf16.f32 v5;
	v9 =	vsub.bf16 v2, v6;
	v2 =	vadd.bf16 v6, v2  }
0x54f: {  	v6 =	vmul.f32 v44, v10;
	v0 =	vadd.f32 v4, v0;
	v4 =	vmul.f32 v14, v5  }
0x550: {  	v5 =	vsub.bf16 v7, v8;
	v7 =	vshll.u32 v9, $0x10;
	v8 =	vunpack.i.l.bf16.f32 v2  }
0x551: {  	v2 =	vunpack.i.u.bf16.f32 v2;
	v0 =	vadd.f32 v0, v4;
	v4 =	vmul.f32 v7, v8  }
0x552: {  	v7 =	vsub.bf16 v11, v5;
	v8 =	vand.u32 $0xFFFF0000, v9;
	v5 =	vadd.bf16 v5, v11  }
0x553: {  	v3 =	vunpack.i.u.bf16.f32 v3;
	v2 =	vmul.f32 v8, v2;
	v0 =	vadd.f32 v4, v0  }
0x554: {  	v1 =	vadd.f32 v6, v1;
	v4 =	vshll.u32 v7, $0x10;
	v8 =	vunpack.i.l.bf16.f32 v5  }
0x555: {  	v9 =	vand.u32 $0xFFFF0000, v29;
	v0 =	vadd.f32 v0, v2;
	v2 =	vmul.f32 v4, v8  }
0x556: {  	v3 =	vmul.f32 v9, v3;
	v5 =	vunpack.i.u.bf16.f32 v5;
	v4 =	vand.u32 $0xFFFF0000, v7  }
0x557: {  	v0 =	vadd.f32 v2, v0;
	v2 =	vmul.f32 v4, v5  }
0x558: {  	v1 =	vadd.f32 v1, v3  }
0x559: {  	v0 =	vadd.f32 v0, v2  }
0x55a: {  	(xrf2) =	vadd.scan.msk.f32 $0xffff, v1  }
0x55b: {  	(xrf2) =	vadd.scan.msk.f32 $0xffff, v0;
	_ =	sdelay $0x8  }
0x55c: {  	v0, _, _ =	vpop (xrf2)  }
0x55d: {  	(v2sf) =	vpush v0, $0xF;
	v0, _, _ =	vpop (xrf2)  }
0x55e: {  	(v2sf) =	vpush v0, $0xF;
	_ =	sdelay $0xc  }
0x55f: {  	s8 =	spop (v2sf)  }
0x560: {  	s7 =	spop (v2sf)  }
0x561: {  	s6 =	spop (v2sf)  }
0x562: {  	_ =	swait.ge [sflag:s30], $0x1400  }
0x563: {  	[sflag:s30] =	ssyncset.done $0x0  }
0x564: {  	[sflag:s30] =	ssyncadd.s32 $0xFFFFEC00  }
0x565: {  	_ =	swait.ge [sflag:s30], $0x1400  }
0x566: {  	[sflag:s30] =	ssyncset.done $0x0  }
0x567: {  	[sflag:s30] =	ssyncadd.s32 $0xFFFFEC00  }
0x568: {  	_ =	swait.ge [sflag:s30], $0x1400  }
0x569: {  	[sflag:s30] =	ssyncset.done $0x0  }
0x56a: {  	s9 =	simm.s32 $0x0;
	[sflag:s30] =	ssyncadd.s32 $0xFFFFEC00  }
0x56b: {  	v0 =	vld [tilespmem:s9+$0x3B00]  }
0x56c: {  	v1 =	vld [tilespmem:s9+$0x4F00]  }
0x56d: {  	v2 =	vld [tilespmem:s9+$0x6300]  }
0x56e: {  	v3 =	vld [tilespmem:s9+$0x3B10]  }
0x56f: {  	v4 =	vld [tilespmem:s9+$0x4F10]  }
0x570: {  	v5 =	vld [tilespmem:s9+$0x6310];
	_ =	sdelay $0x2  }
0x571: {  	v6 =	vld [tilespmem:s9+$0x3B20]  }
0x572: {  	v7 =	vld [tilespmem:s9+$0x3B30];
	v1 =	vsub.bf16 v0, v1;
	v0 =	vsub.bf16 v0, v2  }
0x573: {  	v2 =	vld [tilespmem:s9+$0x4F20];
	v4 =	vsub.bf16 v3, v4;
	v3 =	vsub.bf16 v3, v5  }
0x574: {  	v5 =	vld [tilespmem:s9+$0x4F30];
	v8 =	vsub.bf16 v1, v0;
	v0 =	vadd.bf16 v0, v1  }
0x575: {  	v1 =	vld [tilespmem:s9+$0x6320]  }
0x576: {  	v9 =	vshll.u32 v8, $0x10;
	v10 =	vunpack.i.l.bf16.f32 v0  }
0x577: {  	v11 =	vld [tilespmem:s9+$0x3B40];
	v8 =	vand.u32 $0xFFFF0000, v8;
	v9 =	vmul.f32 v9, v10;
	v10 =	vsub.bf16 v4, v3  }
0x578: {  	v0 =	vunpack.i.u.bf16.f32 v0;
	v2 =	vsub.bf16 v6, v2;
	v3 =	vadd.bf16 v3, v4;
	v4 =	vld [tilespmem:s9+$0x6330]  }
0x579: {  	v45 =	vld [tilespmem:s9+$0x4F40];
	v0 =	vmul.f32 v8, v0;
	v5 =	vsub.bf16 v7, v5;
	v9 =	vadd.f32 $0.0e+00, v9  }
0x57a: {  	v1 =	vsub.bf16 v6, v1;
	v6 =	vshll.u32 v10, $0x10;
	v8 =	vunpack.i.l.bf16.f32 v3  }
0x57b: {  	v10 =	vand.u32 $0xFFFF0000, v10;
	v6 =	vmul.f32 v6, v8;
	v0 =	vadd.f32 v9, v0  }
0x57c: {  	v46 =	vld [tilespmem:s9+$0x6340];
	v3 =	vunpack.i.u.bf16.f32 v3;
	v8 =	vsub.bf16 v2, v1;
	v1 =	vadd.bf16 v1, v2  }
0x57d: {  	v3 =	vmul.f32 v10, v3;
	v4 =	vsub.bf16 v7, v4;
	v0 =	vadd.f32 v6, v0  }
0x57e: {  	v6 =	vsub.bf16 v11, v45;
	v7 =	vshll.u32 v8, $0x10;
	v10 =	vunpack.i.l.bf16.f32 v1  }
0x57f: {  	v9 =	vld [tilespmem:s9+$0x3B50];
	v8 =	vand.u32 $0xFFFF0000, v8;
	v0 =	vadd.f32 v0, v3;
	v3 =	vmul.f32 v7, v10  }
0x580: {  	v2 =	vld [tilespmem:s9+$0x4F50];
	v1 =	vunpack.i.u.bf16.f32 v1;
	v7 =	vsub.bf16 v5, v4;
	v4 =	vadd.bf16 v4, v5  }
0x581: {  	v11 =	vsub.bf16 v11, v46;
	v1 =	vmul.f32 v8, v1;
	v5 =	vld [tilespmem:s9+$0x6350];
	v0 =	vadd.f32 v3, v0  }
0x582: {  	v8 =	vshll.u32 v7, $0x10;
	v47 =	vunpack.i.l.bf16.f32 v4  }
0x583: {  	v10 =	vld [tilespmem:s9+$0x3B60];
	v13 =	vsub.bf16 v6, v11;
	v0 =	vadd.f32 v0, v1;
	v1 =	vmul.f32 v8, v47  }
0x584: {  	v6 =	vadd.bf16 v11, v6;
	v3 =	vld [tilespmem:s9+$0x4F60];
	v7 =	vand.u32 $0xFFFF0000, v7;
	v4 =	vunpack.i.u.bf16.f32 v4  }
0x585: {  	v11 =	vld [tilespmem:s9+$0x6360];
	v2 =	vsub.bf16 v9, v2;
	v0 =	vadd.f32 v1, v0;
	v1 =	vmul.f32 v7, v4  }
0x586: {  	v4 =	vsub.bf16 v9, v5;
	v7 =	vshll.u32 v13, $0x10;
	v9 =	vunpack.i.l.bf16.f32 v6  }
0x587: {  	v8 =	vld [tilespmem:s9+$0x3B70];
	v6 =	vunpack.i.u.bf16.f32 v6;
	v0 =	vadd.f32 v0, v1;
	v1 =	vmul.f32 v7, v9  }
0x588: {  	v5 =	vld [tilespmem:s9+$0x4F70];
	v7 =	vsub.bf16 v2, v4;
	v9 =	vand.u32 $0xFFFF0000, v13;
	v2 =	vadd.bf16 v4, v2  }
0x589: {  	s25 =	simm.s32 $0x80;
	v3 =	vsub.bf16 v10, v3;
	v4 =	vld [tilespmem:s9+$0x6370];
	v0 =	vadd.f32 v1, v0;
	v1 =	vmul.f32 v9, v6  }
0x58a: {  	v48 =	vld [tilespmem:s25+$0x3B00];
	v6 =	vsub.bf16 v10, v11;
	v10 =	vshll.u32 v7, $0x10;
	v11 =	vunpack.i.l.bf16.f32 v2  }
0x58b: {  	v49 =	vld [tilespmem:s25+$0x3B10];
	v7 =	vand.u32 $0xFFFF0000, v7;
	v0 =	vadd.f32 v0, v1;
	v1 =	vmul.f32 v10, v11  }
0x58c: {  	v2 =	vunpack.i.u.bf16.f32 v2;
	v10 =	vsub.bf16 v3, v6;
	v11 =	vld [tilespmem:s25+$0x4F00];
	v3 =	vadd.bf16 v6, v3  }
0x58d: {  	v5 =	vsub.bf16 v8, v5;
	v6 =	vld [tilespmem:s25+$0x6300];
	v0 =	vadd.f32 v1, v0;
	v1 =	vmul.f32 v7, v2  }
0x58e: {  	v9 =	vld [tilespmem:s25+$0x3B40];
	v2 =	vsub.bf16 v8, v4;
	v7 =	vshll.u32 v10, $0x10;
	v8 =	vunpack.i.l.bf16.f32 v3  }
0x58f: {  	v4 =	vld [tilespmem:s25+$0x4F40];
	v10 =	vand.u32 $0xFFFF0000, v10;
	v0 =	vadd.f32 v0, v1;
	v1 =	vmul.f32 v7, v8  }
0x590: {  	v3 =	vunpack.i.u.bf16.f32 v3;
	v7 =	vsub.bf16 v5, v2;
	v8 =	vld [tilespmem:s25+$0x4F10];
	v2 =	vadd.bf16 v2, v5  }
0x591: {  	v5 =	vsub.bf16 v48, v11;
	v11 =	vld [tilespmem:s25+$0x6310];
	v0 =	vadd.f32 v1, v0;
	v1 =	vmul.f32 v10, v3  }
0x592: {  	v51 =	vld [tilespmem:s25+$0x4F20];
	v3 =	vsub.bf16 v48, v6;
	v10 =	vshll.u32 v7, $0x10;
	v50 =	vunpack.i.l.bf16.f32 v2  }
0x593: {  	v6 =	vld [tilespmem:s25+$0x3B20];
	v7 =	vand.u32 $0xFFFF0000, v7;
	v0 =	vadd.f32 v0, v1;
	v1 =	vmul.f32 v10, v50  }
0x594: {  	v2 =	vunpack.i.u.bf16.f32 v2;
	v4 =	vsub.bf16 v9, v4;
	v10 =	vsub.bf16 v5, v3  }
0x595: {  	v3 =	vadd.bf16 v3, v5;
	v5 =	vld [tilespmem:s25+$0x6320];
	v0 =	vadd.f32 v1, v0;
	v1 =	vmul.f32 v7, v2  }
0x596: {  	v52 =	vld [tilespmem:s25+$0x3B30];
	v2 =	vsub.bf16 v49, v8;
	v7 =	vsub.bf16 v49, v11  }
0x597: {  	v8 =	vld [tilespmem:s25+$0x4F30];
	v11 =	vshll.u32 v10, $0x10;
	v53 =	vunpack.i.l.bf16.f32 v3;
	v0 =	vadd.f32 v0, v1  }
0x598: {  	v10 =	vand.u32 $0xFFFF0000, v10;
	v54 =	vsub.bf16 v6, v51;
	v1 =	vmul.f32 v11, v53  }
0x599: {  	v3 =	vunpack.i.u.bf16.f32 v3;
	v11 =	vsub.bf16 v2, v7;
	v2 =	vadd.bf16 v7, v2;
	v7 =	vld [tilespmem:s25+$0x6330];
	(xrf2) =	vadd.scan.msk.f32 $0xffff, v0  }
0x59a: {  	v0 =	vadd.f32 $0.0e+00, v1;
	v1 =	vmul.f32 v10, v3;
	v3 =	vsub.bf16 v6, v5  }
0x59b: {  	v5 =	vld [tilespmem:s25+$0x6340];
	v6 =	vshll.u32 v11, $0x10;
	v10 =	vunpack.i.l.bf16.f32 v2;
	v11 =	vand.u32 $0xFFFF0000, v11  }
0x59c: {  	v8 =	vsub.bf16 v52, v8;
	v0 =	vadd.f32 v0, v1;
	v1 =	vmul.f32 v6, v10  }
0x59d: {  	v2 =	vunpack.i.u.bf16.f32 v2;
	v6 =	vsub.bf16 v54, v3;
	v3 =	vadd.bf16 v3, v54  }
0x59e: {  	v0 =	vadd.f32 v1, v0;
	v1 =	vmul.f32 v11, v2;
	v2 =	vsub.bf16 v52, v7  }
0x59f: {  	v55 =	vld [tilespmem:s25+$0x4F50];
	v7 =	vshll.u32 v6, $0x10;
	v11 =	vunpack.i.l.bf16.f32 v3;
	v6 =	vand.u32 $0xFFFF0000, v6  }
0x5a0: {  	v10 =	vld [tilespmem:s25+$0x3B50];
	v5 =	vsub.bf16 v9, v5;
	v0 =	vadd.f32 v0, v1;
	v1 =	vmul.f32 v7, v11  }
0x5a1: {  	v3 =	vunpack.i.u.bf16.f32 v3;
	v9 =	vld [tilespmem:s25+$0x3B60];
	v7 =	vsub.bf16 v8, v2;
	v2 =	vadd.bf16 v2, v8  }
0x5a2: {  	v8 =	vld [tilespmem:s25+$0x6350];
	v57 =	vsub.bf16 v4, v5;
	v0 =	vadd.f32 v1, v0;
	v1 =	vmul.f32 v6, v3  }
0x5a3: {  	v4 =	vadd.bf16 v5, v4;
	v6 =	vld [tilespmem:s25+$0x4F60];
	v11 =	vshll.u32 v7, $0x10;
	v56 =	vunpack.i.l.bf16.f32 v2;
	v58, _, _ =	vpop (xrf2)  }
0x5a4: {  	v0 =	vadd.f32 v0, v1;
	v1 =	vmul.f32 v11, v56;
	(v2sf) =	vpush v58, $0xF  }
0x5a5: {  	v5 =	vld [tilespmem:s25+$0x6360];
	v3 =	vsub.bf16 v10, v55;
	v7 =	vand.u32 $0xFFFF0000, v7;
	v2 =	vunpack.i.u.bf16.f32 v2  }
0x5a6: {  	v59 =	vand.u32 $0xFFFF0000, v57;
	v11 =	vld [tilespmem:s25+$0x3B70];
	v0 =	vadd.f32 v1, v0;
	v1 =	vmul.f32 v7, v2  }
0x5a7: {  	s8 =	sadd.f32 $1.000000000e+00, s8;
	v2 =	vsub.bf16 v10, v8;
	v7 =	vld [tilespmem:s25+$0x4F70];
	v8 =	vshll.u32 v57, $0x10;
	v10 =	vunpack.i.l.bf16.f32 v4  }
0x5a8: {  	v6 =	vsub.bf16 v9, v6;
	v0 =	vadd.f32 v0, v1;
	v1 =	vmul.f32 v8, v10  }
0x5a9: {  	s8 =	smax.f32 s8, $0.0e+00;
	s7 =	sadd.f32 $1.000000000e+00, s7;
	v4 =	vunpack.i.u.bf16.f32 v4;
	v8 =	vsub.bf16 v3, v2;
	v10 =	vld [tilespmem:s25+$0x6370];
	v2 =	vadd.bf16 v2, v3  }
0x5aa: {  	s13 =	simm.s32 $0x100;
	s8 =	sadd.f32 s8, s12;
	v12 =	vmul.f32 v59, v4;
	v9 =	vsub.bf16 v9, v5;
	v1 =	vadd.f32 v1, v0  }
0x5ab: {  	s7 =	smax.f32 s7, $0.0e+00;
	s6 =	sadd.f32 $1.000000000e+00, s6;
	v4 =	vld [tilespmem:s13+$0x3B00];
	v5 =	vshll.u32 v8, $0x10;
	v60 =	vunpack.i.l.bf16.f32 v2;
	v62 =	vand.u32 $0xFFFF0000, v8  }
0x5ac: {  	s7 =	sadd.f32 s7, s8;
	v0 =	vld [tilespmem:s13+$0x3B40];
	v3 =	vsub.bf16 v11, v7;
	v61 =	vmul.f32 v5, v60;
	v7 =	vadd.f32 v1, v12  }
0x5ad: {  	s6 =	smax.f32 s6, $0.0e+00;
	v63 =	vunpack.i.u.bf16.f32 v2;
	v2 =	vadd.bf16 v9, v6;
	v5 =	vld [tilespmem:s13+$0x4F00];
	v1 =	vsub.bf16 v6, v9  }
0x5ae: {  	s12 =	sadd.f32 s6, s7;
	s6 =	simm.s32 $0x600;
	v6 =	vld [tilespmem:s13+$0x6300];
	v9 =	vmul.f32 v62, v63;
	v8 =	vadd.f32 v61, v7;
	v7 =	vsub.bf16 v11, v10  }
.LBB2_20:
0x5af: {  	p0 =	sne.s32 s6, $0x4E00;
	v10 =	vld [tilespmem:s13+$0x4F40];
	v11 =	vshll.u32 v1, $0x10;
	v12 =	vunpack.i.l.bf16.f32 v2  }
0x5b0: {  	v13 =	vld [tilespmem:s13+$0x3B10];
	v8 =	vadd.f32 v8, v9;
	v9 =	vmul.f32 v11, v12;
	v11 =	vsub.bf16 v3, v7  }
0x5b1: {  	v1 =	vand.u32 $0xFFFF0000, v1;
	v2 =	vunpack.i.u.bf16.f32 v2;
	v3 =	vadd.bf16 v7, v3;
	v12 =	vld [tilespmem:s13+$0x4F10]  }
0x5b2: {  	v1 =	vmul.f32 v1, v2;
	v5 =	vsub.bf16 v4, v5;
	v7 =	vld [tilespmem:s13+$0x6310];
	v8 =	vadd.f32 v9, v8  }
0x5b3: {  	v9 =	vunpack.i.l.bf16.f32 v3;
	v2 =	vsub.bf16 v4, v6;
	v4 =	vld [tilespmem:s13+$0x3B20];
	v6 =	vshll.u32 v11, $0x10;
	s7 =	spop (v2sf)  }
0x5b4: {  	v14 =	vld [tilespmem:s13+$0x4F20];
	v10 =	vsub.bf16 v0, v10;
	v1 =	vadd.f32 v8, v1;
	v6 =	vmul.f32 v6, v9;
	s7 =	sadd.f32 $1.000000000e+00, s7  }
0x5b5: {  	v3 =	vunpack.i.u.bf16.f32 v3;
	v11 =	vand.u32 $0xFFFF0000, v11;
	v8 =	vsub.bf16 v5, v2;
	v9 =	vld [tilespmem:s13+$0x3B30]  }
0x5b6: {  	v3 =	vmul.f32 v11, v3;
	v2 =	vadd.bf16 v2, v5;
	v5 =	vld [tilespmem:s13+$0x6320];
	v1 =	vadd.f32 v6, v1;
	s7 =	smax.f32 s7, $0.0e+00  }
0x5b7: {  	v6 =	vsub.bf16 v13, v12;
	v7 =	vsub.bf16 v13, v7;
	v11 =	vld [tilespmem:s13+$0x4F30];
	s12 =	sadd.f32 s7, s12  }
0x5b8: {  	v12 =	vshll.u32 v8, $0x10;
	v13 =	vunpack.i.l.bf16.f32 v2;
	v1 =	vadd.f32 v1, v3  }
0x5b9: {  	v3 =	vmul.f32 v12, v13;
	v12 =	vsub.bf16 v6, v7;
	v13 =	vsub.bf16 v4, v14  }
0x5ba: {  	v8 =	vand.u32 $0xFFFF0000, v8;
	v2 =	vunpack.i.u.bf16.f32 v2;
	v6 =	vadd.bf16 v7, v6;
	v7 =	vld [tilespmem:s13+$0x6330];
	(xrf2) =	vadd.scan.msk.f32 $0xffff, v1  }
0x5bb: {  	v2 =	vmul.f32 v8, v2;
	v1 =	vadd.f32 $0.0e+00, v3;
	v3 =	vsub.bf16 v4, v5;
	v4 =	vld [tilespmem:s13+$0x6340]  }
0x5bc: {  	v5 =	vshll.u32 v12, $0x10;
	v8 =	vunpack.i.l.bf16.f32 v6;
	v11 =	vsub.bf16 v9, v11  }
0x5bd: {  	v1 =	vadd.f32 v1, v2;
	v2 =	vmul.f32 v5, v8;
	v5 =	vsub.bf16 v13, v3;
	v8 =	vld [tilespmem:s13+$0x3B50]  }
0x5be: {  	v12 =	vand.u32 $0xFFFF0000, v12;
	v6 =	vunpack.i.u.bf16.f32 v6;
	v3 =	vadd.bf16 v3, v13;
	v13 =	vld [tilespmem:s13+$0x4F50]  }
0x5bf: {  	v1 =	vadd.f32 v2, v1;
	v2 =	vmul.f32 v12, v6;
	v6 =	vsub.bf16 v9, v7  }
0x5c0: {  	v7 =	vshll.u32 v5, $0x10;
	v9 =	vunpack.i.l.bf16.f32 v3;
	v0 =	vsub.bf16 v0, v4  }
0x5c1: {  	v1 =	vadd.f32 v1, v2;
	v2 =	vmul.f32 v7, v9;
	v4 =	vsub.bf16 v11, v6;
	v7 =	vld [tilespmem:s13+$0x3B60]  }
0x5c2: {  	v5 =	vand.u32 $0xFFFF0000, v5;
	v3 =	vunpack.i.u.bf16.f32 v3;
	v6 =	vadd.bf16 v6, v11;
	v9 =	vld [tilespmem:s13+$0x6350]  }
0x5c3: {  	v1 =	vadd.f32 v2, v1;
	v2 =	vmul.f32 v5, v3;
	v3 =	vsub.bf16 v8, v13;
	v5 =	vld [tilespmem:s13+$0x4F60]  }
0x5c4: {  	v11 =	vshll.u32 v4, $0x10;
	v12 =	vunpack.i.l.bf16.f32 v6;
	v13 =	vsub.bf16 v10, v0;
	v14, _, _ =	vpop (xrf2)  }
0x5c5: {  	v1 =	vadd.f32 v1, v2;
	v2 =	vmul.f32 v11, v12;
	v11 =	vld [tilespmem:s13+$0x3B70];
	(v2sf) =	vpush v14, $0xF  }
0x5c6: {  	v4 =	vand.u32 $0xFFFF0000, v4;
	v6 =	vunpack.i.u.bf16.f32 v6;
	v0 =	vadd.bf16 v0, v10;
	v10 =	vld [tilespmem:s13+$0x6360]  }
0x5c7: {  	v1 =	vadd.f32 v2, v1;
	v2 =	vmul.f32 v4, v6;
	v4 =	vsub.bf16 v8, v9;
	v6 =	vld [tilespmem:s13+$0x4F70]  }
0x5c8: {  	v8 =	vshll.u32 v13, $0x10;
	v9 =	vunpack.i.l.bf16.f32 v0;
	v12 =	vsub.bf16 v7, v5  }
0x5c9: {  	v1 =	vadd.f32 v1, v2;
	v2 =	vmul.f32 v8, v9;
	v8 =	vsub.bf16 v3, v4  }
0x5ca: {  	v0 =	vunpack.i.u.bf16.f32 v0;
	v5 =	vand.u32 $0xFFFF0000, v13;
	v9 =	vadd.bf16 v4, v3;
	v13 =	vld [tilespmem:s13+$0x6370]  }
.Ltmp9:
0x5cb: {  	s13 =	sshra.s32 s6, $0x2;
	v1 =	vadd.f32 v2, v1;
	v2 =	vmul.f32 v5, v0;
	v7 =	vsub.bf16 v7, v10;
	(pc) =	sbr.rel @p0 .LBB2_20-.Ltmp9, $4  }
0x5cc: {  	v5 =	vshll.u32 v8, $0x10;
	v10 =	vunpack.i.l.bf16.f32 v9;
	v0 =	vld [tilespmem:s13+$0x3B40];
	v3 =	vsub.bf16 v11, v6  }
0x5cd: {  	v14 =	vadd.f32 v1, v2;
	v10 =	vmul.f32 v5, v10;
	v4 =	vld [tilespmem:s13+$0x3B00];
	v1 =	vsub.bf16 v12, v7  }
0x5ce: {  	v15 =	vand.u32 $0xFFFF0000, v8;
	v9 =	vunpack.i.u.bf16.f32 v9;
	v2 =	vadd.bf16 v7, v12;
	v5 =	vld [tilespmem:s13+$0x4F00]  }
0x5cf: {  	s6 =	sadd.s32 $0x200, s6;
	v9 =	vmul.f32 v15, v9;
	v8 =	vadd.f32 v10, v14;
	v6 =	vld [tilespmem:s13+$0x6300];
	v7 =	vsub.bf16 v11, v13  }
0x5d0: {  	v10 =	vld [tilespmem:s13+$0x3B10]  }
0x5d1: {  	v11 =	vld [tilespmem:s13+$0x4F10]  }
0x5d2: {  	v12 =	vld [tilespmem:s13+$0x6310]  }
0x5d3: {  	v13 =	vld [tilespmem:s13+$0x3B20]  }
0x5d4: {  	v44 =	vshll.u32 v1, $0x10;
	v15 =	vld [tilespmem:s13+$0x4F20]  }
0x5d5: {  	v14 =	vunpack.i.l.bf16.f32 v2;
	v46 =	vld [tilespmem:s13+$0x6320];
	v56 =	vand.u32 $0xFFFF0000, v1;
	v8 =	vadd.f32 v8, v9  }
0x5d6: {  	v49 =	vld [tilespmem:s13+$0x3B30];
	v58 =	vunpack.i.u.bf16.f32 v2;
	v9 =	vsub.bf16 v3, v7;
	v3 =	vadd.bf16 v7, v3  }
0x5d7: {  	v51 =	vld [tilespmem:s13+$0x4F30];
	v45 =	vmul.f32 v44, v14;
	v5 =	vsub.bf16 v4, v5;
	v43 =	vsub.bf16 v4, v6  }
0x5d8: {  	v1 =	vmul.f32 v56, v58;
	v38 =	vshll.u32 v9, $0x10;
	v11 =	vsub.bf16 v10, v11  }
0x5d9: {  	v61 =	vld [tilespmem:s13+$0x6340];
	v39 =	vunpack.i.l.bf16.f32 v3;
	v16 =	vsub.bf16 v5, v43;
	v4 =	vadd.bf16 v43, v5  }
0x5da: {  	v3 =	vunpack.i.u.bf16.f32 v3;
	v10 =	vsub.bf16 v10, v12;
	v52 =	vsub.bf16 v13, v15  }
0x5db: {  	v6 =	vsub.bf16 v13, v46;
	v47 =	vshll.u32 v16, $0x10;
	v48 =	vunpack.i.l.bf16.f32 v4  }
0x5dc: {  	v53 =	vld [tilespmem:s13+$0x6330];
	v14 =	vsub.bf16 v49, v51;
	v50 =	vsub.bf16 v11, v10;
	v7 =	vmul.f32 v47, v48  }
0x5dd: {  	v18 =	vld [tilespmem:s13+$0x3B50];
	v10 =	vadd.bf16 v10, v11;
	v16 =	vand.u32 $0xFFFF0000, v16;
	v4 =	vunpack.i.u.bf16.f32 v4  }
0x5de: {  	v20 =	vld [tilespmem:s13+$0x4F50];
	v23 =	vsub.bf16 v0, v61;
	v4 =	vmul.f32 v16, v4;
	v7 =	vadd.f32 $0.0e+00, v7  }
0x5df: {  	v5 =	vadd.f32 v45, v8;
	v54 =	vshll.u32 v50, $0x10;
	v55 =	vunpack.i.l.bf16.f32 v10  }
0x5e0: {  	v59 =	vsub.bf16 v52, v6;
	v57 =	vmul.f32 v54, v55;
	v4 =	vadd.f32 v7, v4  }
0x5e1: {  	v60 =	vld [tilespmem:s13+$0x4F40];
	v6 =	vadd.bf16 v6, v52;
	v12 =	vand.u32 $0xFFFF0000, v50;
	v10 =	vunpack.i.u.bf16.f32 v10  }
0x5e2: {  	v21 =	vld [tilespmem:s13+$0x6350];
	v8 =	vsub.bf16 v49, v53;
	v10 =	vmul.f32 v12, v10;
	v4 =	vadd.f32 v57, v4  }
0x5e3: {  	v32 =	vsub.bf16 v18, v20;
	v62 =	vshll.u32 v59, $0x10;
	v63 =	vunpack.i.l.bf16.f32 v6  }
0x5e4: {  	v19 =	vsub.bf16 v14, v8;
	v2 =	vmul.f32 v62, v63;
	v4 =	vadd.f32 v4, v10  }
0x5e5: {  	v8 =	vadd.bf16 v8, v14;
	v13 =	vand.u32 $0xFFFF0000, v59;
	v6 =	vunpack.i.u.bf16.f32 v6  }
0x5e6: {  	v26 =	vld [tilespmem:s13+$0x3B60];
	v11 =	vsub.bf16 v0, v60;
	v22 =	vmul.f32 v13, v6;
	v2 =	vadd.f32 v2, v4  }
0x5e7: {  	v33 =	vld [tilespmem:s13+$0x6360];
	v34 =	vsub.bf16 v18, v21;
	v24 =	vshll.u32 v19, $0x10;
	v25 =	vunpack.i.l.bf16.f32 v8  }
0x5e8: {  	v29 =	vsub.bf16 v11, v23;
	v27 =	vmul.f32 v24, v25;
	v2 =	vadd.f32 v2, v22  }
0x5e9: {  	v28 =	vld [tilespmem:s13+$0x4F60];
	v0 =	vadd.bf16 v23, v11;
	v8 =	vunpack.i.u.bf16.f32 v8;
	v10 =	vand.u32 $0xFFFF0000, v19  }
0x5ea: {  	v30 =	vld [tilespmem:s13+$0x3B70];
	v40 =	vsub.bf16 v32, v34;
	v31 =	vmul.f32 v10, v8;
	v2 =	vadd.f32 v27, v2  }
0x5eb: {  	v41 =	vld [tilespmem:s13+$0x6370];
	v1 =	vadd.f32 v5, v1;
	v36 =	vshll.u32 v29, $0x10;
	v37 =	vunpack.i.l.bf16.f32 v0  }
0x5ec: {  	v5 =	vsub.bf16 v26, v33;
	v14 =	vmul.f32 v36, v37;
	v2 =	vadd.f32 v2, v31  }
0x5ed: {  	v35 =	vld [tilespmem:s13+$0x4F70];
	v0 =	vunpack.i.u.bf16.f32 v0;
	v7 =	vand.u32 $0xFFFF0000, v29;
	v8 =	vadd.bf16 v34, v32  }
0x5ee: {  	v42 =	vshll.u32 v40, $0x10;
	v0 =	vmul.f32 v7, v0;
	v2 =	vadd.f32 v14, v2  }
0x5ef: {  	v46 =	vand.u32 $0xFFFF0000, v40;
	v6 =	vsub.bf16 v26, v28;
	v43 =	vunpack.i.l.bf16.f32 v8  }
0x5f0: {  	v48 =	vsub.bf16 v30, v41;
	v44 =	vmul.f32 v42, v43;
	v0 =	vadd.f32 v2, v0  }
0x5f1: {  	v45 =	vsub.bf16 v6, v5;
	v5 =	vadd.bf16 v5, v6;
	v8 =	vunpack.i.u.bf16.f32 v8  }
0x5f2: {  	v12 =	vsub.bf16 v30, v35;
	v47 =	vmul.f32 v46, v8;
	v0 =	vadd.f32 v44, v0  }
0x5f3: {  	v49 =	vand.u32 $0xFFFF0000, v9;
	v50 =	vshll.u32 v45, $0x10;
	v51 =	vunpack.i.l.bf16.f32 v5  }
0x5f4: {  	v53 =	vsub.bf16 v12, v48;
	v52 =	vmul.f32 v50, v51;
	v0 =	vadd.f32 v0, v47  }
0x5f5: {  	v6 =	vadd.bf16 v48, v12;
	v7 =	vand.u32 $0xFFFF0000, v45;
	v5 =	vunpack.i.u.bf16.f32 v5  }
0x5f6: {  	v54 =	vmul.f32 v7, v5;
	v4 =	vmul.f32 v38, v39;
	v0 =	vadd.f32 v52, v0  }
0x5f7: {  	v3 =	vmul.f32 v49, v3;
	v55 =	vshll.u32 v53, $0x10;
	v56 =	vunpack.i.l.bf16.f32 v6  }
0x5f8: {  	v57 =	vmul.f32 v55, v56;
	v1 =	vadd.f32 v4, v1;
	v0 =	vadd.f32 v0, v54  }
0x5f9: {  	v58 =	vand.u32 $0xFFFF0000, v53;
	v59 =	vunpack.i.u.bf16.f32 v6  }
0x5fa: {  	v60 =	vmul.f32 v58, v59;
	v1 =	vadd.f32 v1, v3;
	v0 =	vadd.f32 v57, v0;
	_ =	sdelay $0x1  }
0x5fb: {  	(xrf2) =	vadd.scan.msk.f32 $0xffff, v1;
	v0 =	vadd.f32 v0, v60;
	_ =	sdelay $0x1  }
0x5fc: {  	(xrf2) =	vadd.scan.msk.f32 $0xffff, v0;
	_ =	sdelay $0x7  }
0x5fd: {  	v61, _, _ =	vpop (xrf2)  }
0x5fe: {  	(v2sf) =	vpush v61, $0xF  }
0x5ff: {  	v62, _, _ =	vpop (xrf2)  }
0x600: {  	(v2sf) =	vpush v62, $0xF;
	_ =	sdelay $0xa  }
0x601: {  	s6 =	spop (v2sf)  }
0x602: {  	s6 =	sadd.f32 $1.000000000e+00, s6  }
0x603: {  	s7 =	spop (v2sf)  }
0x604: {  	s6 =	smax.f32 s6, $0.0e+00;
	s7 =	sadd.f32 $1.000000000e+00, s7  }
0x605: {  	s6 =	sadd.f32 s6, s12;
	s8 =	spop (v2sf)  }
0x606: {  	s7 =	smax.f32 s7, $0.0e+00;
	s8 =	sadd.f32 $1.000000000e+00, s8  }
0x607: {  	s6 =	sadd.f32 s7, s6  }
0x608: {  	s12 =	smax.f32 s8, $0.0e+00  }
0x609: {  	s6 =	sadd.f32 s12, s6  }
0x60a: {  	s28 =	sadd.s32 $0x1, s28  }
0x60b: {  	p0 =	sne.s32 s28, s10;
	v63 =	vmov s6  }
.Ltmp10:
0x60c: {  	s13 =	rddreg [dreg:$0x5];
	s25 =	simm.s32 $0x12B00;
	[tilespmem:$0x12B00] =	vst v63;
	(pc) =	sbr.rel @p0 .LBB2_1-.Ltmp10, $4  }
0x60d: {  	[hbm4b:s13+s2] =	stream.linear.scatter [tilespmem:s25], [sflag:$0x5], $0x80, $0x38;
	[tilespmem:$0x12B80] =	vst v63  }
0x60e: {  	_ =	swait.ge [sflag:s11], $0x80  }
0x60f: {  	[sflag:s11] =	ssyncset.done $0x0  }
0x610: {  	[sflag:s11] =	ssyncadd.s32 $0xFFFFFF80  }
0x611: {  	_ =	sfence.sel $0x180000  }
0x612: {  	[bflag:$0x0] =	sbarrier.arrive $0xFFFF  }
0x613: {  	_ =	strace $0x90000047  }
0x614: {  	s0 =	stileid.u32;
	[bflag:$0x2] =	sbarrier.arrive $0xFFFF  }
0x615: {  	p0 =	sne.s32 s0, $0x0;
	s0 =	rddreg [dreg:$0x1]  }
0x616: {  	s0 =	sadd.s32 @!p0 $0x100000, s0  }
0x617: {  	[sflag:s0] =	ssyncadd.tile.s32 @!p0 $0x1;
	_ =	shalt  }
.Lfunc_end2:
_tile_overlayer_lowered:
.L_overlay_start_2:
0x618: {  	(tag) =	ssettag $0x2  }
0x619: {  	s0 =	rddreg [dreg:$0x0];
	s2 =	stileid.u32  }
0x61a: {  	s1 =	rddreg [dreg:$0x1];
	p0 =	sne.s32 s2, $0x0  }
0x61b: {  	s3 =	rddreg [dreg:$0x2];
	[bflag:$0x3] =	sbarrier.arrive $0xFFFF;
	s2 =	simm.s32 @!p0 $0x1C05  }
0x61c: {  	[timem:s3], [sflag:s2] =	dma.local @!p0 [hbm:s0], s1  }
0x61d: {  	s0 =	simm.s32 @!p0 $0x5  }
0x61e: {  	_ =	swait.ge @!p0 [sflag:s0], s1  }
0x61f: {  	s1 =	ssub.s32 @!p0 $0x0, s1;
	[sflag:s0] =	ssyncset.done @!p0 $0x0  }
0x620: {  	[sflag:s0] =	ssyncadd.s32 @!p0 s1  }
0x621: {  	[bflag:$0x3] =	sbarrier.arrive $0xFFFF  }
0x622: {  	_ =	shalt  }

</sc_bundles>
